<compile_context>
chip_gen: v7x
topology: tpu7x:2x2x1
jax: 0.10.2.dev20260603
libtpu: 0.0.44.dev20260713+nightly
codegen_flags: <defaults>
</compile_context>

<pallas_src>
import functools

import jax
import jax.numpy as jnp
from jax import lax
from jax.experimental import pallas as pl
from jax.experimental.pallas import tpu as pltpu
from jax.experimental.pallas import tpu_sc as plsc

N = 10000
NP = 10240
DF = 128
NG = 32
KTOP = 100
M = 4000
MP = 4096
SLOTSP = NG * 104
EB = 128
NSUB = 16
NCORE = 2
NTILE = NSUB * NCORE
PSUB = NP // NSUB
SENT = N
BM = 1024

_mesh = functools.partial(
    plsc.VectorSubcoreMesh, core_axis_name="c", subcore_axis_name="s",
    num_cores=NCORE, num_subcores=NSUB)



def _sc_scatter_accum(nchunks, et, gather, interpret=False):

  @functools.partial(
      pl.kernel,
      out_type=jax.ShapeDtypeStruct((NCORE, NP, DF), jnp.float32),
      mesh=_mesh(),
      interpret=interpret,
      compiler_params=pltpu.CompilerParams(needs_layout_passes=False),
      scratch_types=[
          pltpu.VMEM_SHARED((NP, DF), jnp.float32),
          pltpu.VMEM((EB,), jnp.int32),
          pltpu.VMEM((EB,), jnp.int32),
          pltpu.VMEM((EB, DF), jnp.float32),
          pltpu.VMEM((16, DF), jnp.float32),
          pltpu.SemaphoreType.DMA,
      ],
  )
  def body(tbl_hbm, src_hbm, dst_hbm, out_hbm, acc, sidx, didx, rows, zb, sem):
    c = lax.axis_index("c")
    s = lax.axis_index("s")
    wid = c * NSUB + s

    def zrow(k, _):
      def zcol(j, _):
        zb[k, pl.ds(j * 16, 16)] = jnp.zeros((16,), jnp.float32)
        return 0
      return lax.fori_loop(0, DF // 16, zcol, 0)
    lax.fori_loop(0, 16, zrow, 0)

    if not gather:
      def orow(k, _):
        def ocol(j, _):
          rows[k, pl.ds(j * 16, 16)] = jnp.ones((16,), jnp.float32)
          return 0
        return lax.fori_loop(0, DF // 16, ocol, 0)
      lax.fori_loop(0, EB, orow, 0)

    def zslab(k, _):
      pltpu.sync_copy(zb, acc.at[pl.ds(s * PSUB + k * 16, 16)])
      return 0
    lax.fori_loop(0, PSUB // 16, zslab, 0)
    plsc.subcore_barrier()

    def chunk(i, _):
      base = wid * et + i * EB
      pltpu.sync_copy(dst_hbm.at[pl.ds(base, EB)], didx)
      if gather:
        pltpu.sync_copy(src_hbm.at[pl.ds(base, EB)], sidx)
        pltpu.async_copy(tbl_hbm.at[sidx], rows, sem).wait()
      pltpu.sync_copy(rows, acc.at[didx], add=True)
      return 0
    lax.fori_loop(0, nchunks, chunk, 0)
    plsc.subcore_barrier()

    pltpu.sync_copy(acc.at[pl.ds(s * PSUB, PSUB)],
                    out_hbm.at[c, pl.ds(s * PSUB, PSUB)])

  return body


def _sc_gather_rows(n_idx, interpret=False):
  per = n_idx // NTILE

  @functools.partial(
      pl.kernel,
      out_type=jax.ShapeDtypeStruct((n_idx, DF), jnp.float32),
      mesh=_mesh(),
      interpret=interpret,
      compiler_params=pltpu.CompilerParams(needs_layout_passes=False),
      scratch_types=[
          pltpu.VMEM((per,), jnp.int32),
          pltpu.VMEM((per, DF), jnp.float32),
          pltpu.SemaphoreType.DMA,
      ],
  )
  def body(tbl_hbm, idx_hbm, out_hbm, idxv, rows, sem):
    c = lax.axis_index("c")
    s = lax.axis_index("s")
    base = (c * NSUB + s) * per
    pltpu.sync_copy(idx_hbm.at[pl.ds(base, per)], idxv)
    pltpu.async_copy(tbl_hbm.at[idxv], rows, sem).wait()
    pltpu.sync_copy(rows, out_hbm.at[pl.ds(base, per)])

  return body


def _sc_slots(interpret=False):

  @functools.partial(
      pl.kernel,
      out_type=jax.ShapeDtypeStruct((SLOTSP,), jnp.int32),
      mesh=_mesh(),
      interpret=interpret,
      compiler_params=pltpu.CompilerParams(needs_layout_passes=False),
      scratch_types=[
          pltpu.VMEM((MP,), jnp.int32),
          pltpu.VMEM((MP,), jnp.int32),
          pltpu.VMEM((MP,), jnp.int32),
          pltpu.VMEM((SLOTSP,), jnp.int32),
      ],
  )
  def body(rank_hbm, sb_hbm, ip_hbm, out_hbm, rnk, sbv, ipv, slots):
    c = lax.axis_index("c")
    s = lax.axis_index("s")

    @pl.when(jnp.logical_and(c == 0, s == 0))
    def _():
      pltpu.sync_copy(rank_hbm, rnk)
      pltpu.sync_copy(sb_hbm, sbv)
      pltpu.sync_copy(ip_hbm, ipv)

      def init(k, _):
        slots[pl.ds(k * 16, 16)] = jnp.full((16,), SENT, jnp.int32)
        return 0
      lax.fori_loop(0, SLOTSP // 16, init, 0)

      def step(i, _):
        r = rnk[pl.ds(i * 16, 16)]
        g = sbv[pl.ds(i * 16, 16)]
        node = ipv[pl.ds(i * 16, 16)]
        ok = jnp.logical_and(g < NG, r < KTOP)
        slot = jnp.where(ok, g * KTOP + r, SLOTSP - 1)
        val = jnp.where(ok, node, SENT)
        plsc.store_scatter(slots, [slot], val)
        return 0
      lax.fori_loop(0, MP // 16, step, 0)
      pltpu.sync_copy(slots, out_hbm)

  return body



def _tc_g1(interpret=False):
  def body(x_ref, w_ref, degp_ref, g_ref):
    deg = degp_ref[0] + degp_ref[1] + 1.0
    dinv = lax.rsqrt(deg)
    g_ref[...] = dinv * jnp.dot(x_ref[...], w_ref[...],
                                preferred_element_type=jnp.float32,
                 precision=lax.Precision.HIGHEST)

  return pl.pallas_call(
      body,
      grid=(NP // BM,),
      in_specs=[
          pl.BlockSpec((BM, DF), lambda i: (i, 0)),
          pl.BlockSpec((DF, DF), lambda i: (0, 0)),
          pl.BlockSpec((2, BM, 1), lambda i: (0, i, 0)),
      ],
      out_specs=pl.BlockSpec((BM, DF), lambda i: (i, 0)),
      out_shape=jax.ShapeDtypeStruct((NP, DF), jnp.float32),
      interpret=interpret,
  )


def _tc_comb(bcast, interpret=False):
  def body(sp_ref, g_ref, degp_ref, b_ref, w_ref, h_ref, gn_ref):
    i = pl.program_id(0)
    deg = degp_ref[0] + degp_ref[1] + 1.0
    dinv = lax.rsqrt(deg)
    t = jnp.tanh(dinv * (sp_ref[0] + sp_ref[1] + g_ref[...]) + b_ref[...])
    rows = i * BM + lax.broadcasted_iota(jnp.int32, (BM, 1), 0)
    h = jnp.where(rows < N, t, 0.0)
    h_ref[...] = h
    p = jnp.dot(h, w_ref[...], preferred_element_type=jnp.float32,
                 precision=lax.Precision.HIGHEST)
    if bcast:
      p = jnp.broadcast_to(p, (BM, DF))
    gn_ref[...] = dinv * p

  wcols = 1 if bcast else DF
  return pl.pallas_call(
      body,
      grid=(NP // BM,),
      in_specs=[
          pl.BlockSpec((2, BM, DF), lambda i: (0, i, 0)),
          pl.BlockSpec((BM, DF), lambda i: (i, 0)),
          pl.BlockSpec((2, BM, 1), lambda i: (0, i, 0)),
          pl.BlockSpec((1, DF), lambda i: (0, 0)),
          pl.BlockSpec((DF, wcols), lambda i: (0, 0)),
      ],
      out_specs=[
          pl.BlockSpec((BM, DF), lambda i: (i, 0)),
          pl.BlockSpec((BM, DF), lambda i: (i, 0)),
      ],
      out_shape=[
          jax.ShapeDtypeStruct((NP, DF), jnp.float32),
          jax.ShapeDtypeStruct((NP, DF), jnp.float32),
      ],
      interpret=interpret,
  )


def _tc_final(interpret=False):
  def body(sp_ref, g4_ref, degp_ref, bn_ref, batch_ref, h1_ref, h2_ref,
           h3_ref, ka_ref, kb_ref, kc_ref, kd_ref, t_ref):
    i = pl.program_id(0)
    deg = degp_ref[0] + degp_ref[1] + 1.0
    dinv = lax.rsqrt(deg)
    t = jnp.tanh(dinv * (sp_ref[0] + sp_ref[1] + g4_ref[...]) + bn_ref[...])
    rows = i * BM + lax.broadcasted_iota(jnp.int32, (BM, 1), 0)
    h4 = jnp.where(rows < N, t, 0.0)
    q = (jnp.dot(h1_ref[...], ka_ref[...], preferred_element_type=jnp.float32,
                 precision=lax.Precision.HIGHEST)
         + jnp.dot(h2_ref[...], kb_ref[...], preferred_element_type=jnp.float32,
                 precision=lax.Precision.HIGHEST)
         + jnp.dot(h3_ref[...], kc_ref[...], preferred_element_type=jnp.float32,
                 precision=lax.Precision.HIGHEST)
         + h4 * kd_ref[...])
    bb = lax.bitcast_convert_type(batch_ref[...], jnp.float32)
    t_ref[...] = jnp.concatenate(
        [q, h4, bb, jnp.zeros((BM, DF - 20), jnp.float32)], axis=1)

  return pl.pallas_call(
      body,
      grid=(NP // BM,),
      in_specs=[
          pl.BlockSpec((2, BM, 1), lambda i: (0, i, 0)),
          pl.BlockSpec((BM, 1), lambda i: (i, 0)),
          pl.BlockSpec((2, BM, 1), lambda i: (0, i, 0)),
          pl.BlockSpec((1, 1), lambda i: (0, 0)),
          pl.BlockSpec((BM, 1), lambda i: (i, 0)),
          pl.BlockSpec((BM, DF), lambda i: (i, 0)),
          pl.BlockSpec((BM, DF), lambda i: (i, 0)),
          pl.BlockSpec((BM, DF), lambda i: (i, 0)),
          pl.BlockSpec((DF, 18), lambda i: (0, 0)),
          pl.BlockSpec((DF, 18), lambda i: (0, 0)),
          pl.BlockSpec((DF, 18), lambda i: (0, 0)),
          pl.BlockSpec((1, 18), lambda i: (0, 0)),
      ],
      out_specs=pl.BlockSpec((BM, DF), lambda i: (i, 0)),
      out_shape=jax.ShapeDtypeStruct((NP, DF), jnp.float32),
      interpret=interpret,
  )


def _tc_rank(interpret=False):
  BI = 128

  def body(vt_ref, vc_ref, rank_ref, sb_ref):
    i0 = pl.program_id(0) * BI
    vi = vc_ref[:, 0:1]
    sbi = lax.bitcast_convert_type(vc_ref[:, 1:2], jnp.int32)
    vj = vt_ref[0:1, :]
    sbj = lax.bitcast_convert_type(vt_ref[1:2, :], jnp.int32)
    iidx = i0 + lax.broadcasted_iota(jnp.int32, (BI, 1), 0)
    jidx = lax.broadcasted_iota(jnp.int32, (1, MP), 1)
    same = sbj == sbi
    gt = vj > vi
    tie = jnp.logical_and(vj == vi, jidx < iidx)
    cnt = jnp.sum(
        jnp.where(jnp.logical_and(same, jnp.logical_or(gt, tie)), 1, 0),
        axis=1)
    rank_ref[...] = cnt.reshape(BI, 1)
    sb_ref[...] = sbi

  return pl.pallas_call(
      body,
      grid=(MP // BI,),
      in_specs=[
          pl.BlockSpec((2, MP), lambda i: (0, 0)),
          pl.BlockSpec((BI, 2), lambda i: (i, 0)),
      ],
      out_specs=[
          pl.BlockSpec((BI, 1), lambda i: (i, 0)),
          pl.BlockSpec((BI, 1), lambda i: (i, 0)),
      ],
      out_shape=[
          jax.ShapeDtypeStruct((MP, 1), jnp.int32),
          jax.ShapeDtypeStruct((MP, 1), jnp.int32),
      ],
      interpret=interpret,
  )


def _tc_head(interpret=False):
  def body(rsel_ref, bk1_ref, k2m_ref, bk2_ref, l0w_ref, l0b_ref,
           l1w_ref, l1b_ref, l2w_ref, l2b_ref, out_ref):
    z1 = jax.nn.relu(rsel_ref[0:NG * KTOP, :] + bk1_ref[...])
    z1 = z1.reshape(NG, KTOP // 2, 2, DF)
    pool = jnp.max(z1, axis=2)
    u = jnp.concatenate([pool[:, t:t + 46, :] for t in range(5)], axis=2)
    u = u.reshape(NG * 46, 5 * DF)
    z2 = jax.nn.relu(jnp.dot(u, k2m_ref[...],
                             preferred_element_type=jnp.float32,
                 precision=lax.Precision.HIGHEST)
                     + bk2_ref[...])
    z2r = z2.reshape(NG, 46, 36)
    acc = jnp.zeros((NG, 512), jnp.float32)
    for p in range(46):
      acc = acc + jnp.dot(z2r[:, p, :], l0w_ref[p],
                          preferred_element_type=jnp.float32,
                 precision=lax.Precision.HIGHEST)
    z = jax.nn.relu(acc + l0b_ref[...])
    z = jax.nn.relu(jnp.dot(z, l1w_ref[...],
                            preferred_element_type=jnp.float32,
                 precision=lax.Precision.HIGHEST) + l1b_ref[...])
    out_ref[...] = jnp.dot(z, l2w_ref[...],
                           preferred_element_type=jnp.float32,
                 precision=lax.Precision.HIGHEST) + l2b_ref[...]

  return pl.pallas_call(
      body,
      out_shape=jax.ShapeDtypeStruct((NG, 1), jnp.float32),
      interpret=interpret,
  )



def kernel(x, edge_index, batch, interface_pos, graph_num, W1, b1, W2, b2,
           W3, b3, Wn, bn, K1, bk1, K2, bk2, L0w, L0b, L1w, L1b, L2w, L2b):
  E = edge_index.shape[1]
  et = -(-E // NTILE // EB) * EB
  EP = et * NTILE
  nchunks = et // EB

  src_p = jnp.concatenate(
      [edge_index[0], jnp.full((EP - E,), SENT, jnp.int32)])
  dst_p = jnp.concatenate(
      [edge_index[1], jnp.full((EP - E,), SENT, jnp.int32)])
  x_p = jnp.pad(x, ((0, NP - N), (0, 0)))
  batch_p = jnp.pad(batch, (0, NP - N), constant_values=127).reshape(NP, 1)
  ip_p = jnp.pad(interface_pos, (0, MP - M), constant_values=SENT)

  deg_k = _sc_scatter_accum(nchunks, et, gather=False)
  scat = _sc_scatter_accum(nchunks, et, gather=True)

  degp = deg_k(jnp.zeros((NP, DF), jnp.float32), src_p, dst_p)
  degc = degp[:, :, 0:1]

  g1 = _tc_g1()(x_p, W1, degc)
  s1 = scat(g1, src_p, dst_p)
  h1, g2 = _tc_comb(False)(s1, g1, degc, b1.reshape(1, DF), W2)
  s2 = scat(g2, src_p, dst_p)
  h2, g3 = _tc_comb(False)(s2, g2, degc, b2.reshape(1, DF), W3)
  s3 = scat(g3, src_p, dst_p)
  h3, g4 = _tc_comb(True)(s3, g3, degc, b3.reshape(1, DF), Wn)
  s4 = scat(g4, src_p, dst_p)

  K1m = K1[:, 0, :]
  ka = K1m[:, 0:128].T
  kb = K1m[:, 128:256].T
  kc = K1m[:, 256:384].T
  kd = K1m[:, 384].reshape(1, 18)

  tbl = _tc_final()(s4[:, :, 0:1], g4[:, 0:1], degc, bn.reshape(1, 1),
                    batch_p, h1, h2, h3, ka, kb, kc, kd)

  vbsel = _sc_gather_rows(MP)(tbl, ip_p)
  vbc = vbsel[:, 18:20]
  rank, sbsel = _tc_rank()(vbc.T, vbc)
  slots = _sc_slots()(rank.reshape(MP), sbsel.reshape(MP), ip_p)
  rsel = _sc_gather_rows(SLOTSP)(tbl, slots)

  k2m = jnp.pad(jnp.transpose(K2, (2, 1, 0)),
                ((0, 0), (0, DF - 18), (0, 0))).reshape(5 * DF, 36)
  l0wp = L0w.reshape(36, 46, -1).transpose(1, 0, 2)
  bk1p = jnp.pad(bk1.reshape(1, 18), ((0, 0), (0, DF - 18)),
                 constant_values=-1e30)

  return _tc_head()(rsel, bk1p, k2m, bk2.reshape(1, 36), l0wp,
                    L0b.reshape(1, -1), L1w, L1b.reshape(1, -1),
                    L2w, L2b.reshape(1, -1))

# --- scband reference (transcript-rebuilt; emitter-appended) ---
"""Pipeline reference for scband-gatsort-pool-19121194402165 (READ-ONLY COPY).

The authoritative reference and input builder live on the scoring server;
editing this copy changes nothing except your own understanding.
"""

import jax, jax.numpy as jnp
import numpy as np

N_NODES = 10000
N_EDGES = 320000
D_FEAT = 128
HIDDEN = 128
K = 100
GRAPHS = 32
LATENT = HIDDEN * 3 + 1
DENSE_HIDDEN = 512
N_IFACE = 4000


def setup_inputs(seed: int = 0):
    key = jax.random.key(seed)
    ks = jax.random.split(key, 16)
    s = 0.05
    inp = {}
    inp["x"] = jax.random.normal(ks[0], (N_NODES, D_FEAT), dtype=jnp.float32)
    inp["edge_index"] = jax.random.randint(ks[1], (2, N_EDGES), 0, N_NODES, dtype=jnp.int32)
    inp["batch"] = jnp.sort(jax.random.randint(ks[2], (N_NODES,), 0, GRAPHS, dtype=jnp.int32))
    inp["interface_pos"] = jnp.sort(jax.random.randint(ks[3], (N_IFACE,), 0, N_NODES, dtype=jnp.int32))
    inp["graph_num"] = GRAPHS
    inp["W1"] = jax.random.normal(ks[4], (D_FEAT, HIDDEN), dtype=jnp.float32) * s
    inp["b1"] = jnp.zeros((HIDDEN,), jnp.float32)
    inp["W2"] = jax.random.normal(ks[5], (HIDDEN, HIDDEN), dtype=jnp.float32) * s
    inp["b2"] = jnp.zeros((HIDDEN,), jnp.float32)
    inp["W3"] = jax.random.normal(ks[6], (HIDDEN, HIDDEN), dtype=jnp.float32) * s
    inp["b3"] = jnp.zeros((HIDDEN,), jnp.float32)
    inp["Wn"] = jax.random.normal(ks[7], (HIDDEN, 1), dtype=jnp.float32) * s
    inp["bn"] = jnp.zeros((1,), jnp.float32)
    inp["K1"] = jax.random.normal(ks[8], (18, 1, LATENT), dtype=jnp.float32) * s
    inp["bk1"] = jnp.zeros((18,), jnp.float32)
    inp["K2"] = jax.random.normal(ks[9], (36, 18, 5), dtype=jnp.float32) * s
    inp["bk2"] = jnp.zeros((36,), jnp.float32)
    dense_dim = (int((K - 2) / 2 + 1) - 5 + 1) * 36
    inp["L0w"] = jax.random.normal(ks[10], (dense_dim, DENSE_HIDDEN), dtype=jnp.float32) * s
    inp["L0b"] = jnp.zeros((DENSE_HIDDEN,), jnp.float32)
    inp["L1w"] = jax.random.normal(ks[11], (DENSE_HIDDEN, DENSE_HIDDEN // 2), dtype=jnp.float32) * s
    inp["L1b"] = jnp.zeros((DENSE_HIDDEN // 2,), jnp.float32)
    inp["L2w"] = jax.random.normal(ks[12], (DENSE_HIDDEN // 2, 1), dtype=jnp.float32) * s
    inp["L2b"] = jnp.zeros((1,), jnp.float32)
    return inp


def _gcn(x, ei, W, b):
    n = x.shape[0]
    loops = jnp.arange(n, dtype=ei.dtype)
    src = jnp.concatenate([ei[0], loops])
    dst = jnp.concatenate([ei[1], loops])
    h = x @ W
    deg = jnp.zeros((n,), jnp.float32).at[dst].add(1.0)
    dinv = jnp.where(deg > 0, 1.0 / jnp.sqrt(deg), 0.0)
    norm = dinv[src] * dinv[dst]
    out = jnp.zeros((n, W.shape[1]), jnp.float32).at[dst].add(h[src] * norm[:, None])
    return out + b


def _conv1d(x, w, b, stride):
    out = jax.lax.conv_general_dilated(x, w, (stride,), "VALID", dimension_numbers=("NCH", "OIH", "NCH"))
    return out + b[None, :, None]


def _maxpool1d(x):
    return jax.lax.reduce_window(x, -jnp.inf, jax.lax.max, (1, 1, 2), (1, 1, 2), "VALID")


def _sort_pool(xsel, sb, k, B, Nmax):
    M, D = xsel.shape
    fill = xsel.min() - 1.0
    counts = jnp.bincount(sb, length=B)
    starts = jnp.concatenate([jnp.zeros((1,), counts.dtype), jnp.cumsum(counts)[:-1]])
    pos = jnp.arange(M) - starts[sb]
    dense = jnp.full((B, Nmax, D), 0.0, dtype=xsel.dtype) + fill
    dense = dense.at[sb, pos].set(xsel)
    order = jnp.argsort(-dense[:, :, -1], axis=1)
    dense = jnp.take_along_axis(dense, order[:, :, None], axis=1)
    if Nmax >= k:
        dense = dense[:, :k]
    else:
        pad = jnp.zeros((B, k - Nmax, D), dtype=xsel.dtype) + fill
        dense = jnp.concatenate([dense, pad], axis=1)
    dense = jnp.where(dense == fill, 0.0, dense)
    return dense.reshape(B, k * D)


def reference(x, edge_index, batch, interface_pos, graph_num, W1, b1, W2, b2, W3, b3, Wn, bn, K1, bk1, K2, bk2, L0w, L0b, L1w, L1b, L2w, L2b):
    sb = batch[interface_pos]
    sb = jnp.minimum(sb, graph_num - 1)
    Nmax = interface_pos.shape[0]
    h = jnp.tanh(_gcn(x, edge_index, W1, b1))
    xs = [h]
    h = jnp.tanh(_gcn(h, edge_index, W2, b2))
    xs.append(h)
    h = jnp.tanh(_gcn(h, edge_index, W3, b3))
    xs.append(h)
    h = jnp.tanh(_gcn(h, edge_index, Wn, bn))
    xs.append(h)
    hcat = jnp.concatenate(xs, axis=1)
    pooled = _sort_pool(hcat[interface_pos], sb, K, GRAPHS, Nmax)
    z = pooled.reshape(GRAPHS, 1, K * LATENT)
    z = jax.nn.relu(_conv1d(z, K1, bk1, LATENT))
    z = _maxpool1d(z)
    z = jax.nn.relu(_conv1d(z, K2, bk2, 1))
    z = z.reshape(GRAPHS, -1)
    z = jax.nn.relu(z @ L0w + L0b)
    z = jax.nn.relu(z @ L1w + L1b)
    return z @ L2w + L2b

if __name__ == "__main__":
    import jax
    _d = setup_inputs()
    print(jax.jit(kernel)(*tuple(_d.values())))

</pallas_src>

<mosaic_0001>
#map = affine_map<(d0, d1) -> (0, 0)>
#map1 = affine_map<(d0, d1) -> (0)>
#map2 = affine_map<(d0, d1) -> (0, 0, 0)>
module attributes {stable_mosaic.version = 14 : i64} {
  func.func @body(%arg0: i32, %arg1: i32, %arg2: memref<10240x128xf32, #tpu.memory_space<hbm>>, %arg3: memref<323584xi32, #tpu.memory_space<hbm>>, %arg4: memref<323584xi32, #tpu.memory_space<hbm>>, %arg5: memref<2x10240x128xf32, #tpu.memory_space<hbm>>, %arg6: memref<10240x128xf32, #tpu.memory_space<vmem_shared>>, %arg7: memref<128xi32, #tpu.memory_space<vmem>>, %arg8: memref<128xi32, #tpu.memory_space<vmem>>, %arg9: memref<128x128xf32, #tpu.memory_space<vmem>>, %arg10: memref<16x128xf32, #tpu.memory_space<vmem>>, %arg11: memref<!tpu.dma_semaphore, #tpu.memory_space<semaphore_mem>>) attributes {dimension_semantics = [#tpu.dimension_semantics<core_parallel>, #tpu.dimension_semantics<subcore_parallel>], iteration_bounds = array<i64: 2, 16>, scalar_prefetch = 0 : i64, scratch_operands = 6 : i64, tpu.core_type = #tpu.core_type<sc_vector_subcore>, window_params = [{transform_indices = #map}, {transform_indices = #map1}, {transform_indices = #map1}, {transform_indices = #map2}]} {
    %mul3A = arith.constant 16 : i32
    %mul3A_0 = arith.muli %arg0, %mul3A : i32
    %add3A = arith.addi %mul3A_0, %arg1 : i32
    %scan3A = arith.constant 0 : i32
    %scan3A_1 = arith.constant 0 : i32
    %scan3A_2 = arith.constant 16 : i32
    %scan3A_3 = arith.addi %scan3A_1, %scan3A_2 : i32
    %scan3A_4 = arith.constant 1 : i32
    %scan3A_5 = scf.for %scan3A_33 = %scan3A_1 to %scan3A_3 step %scan3A_4 iter_args(%scan3A_34 = %scan3A) -> (i32)  : i32 {
      %scan3A_35 = arith.constant 0 : i32
      %scan3A_36 = arith.constant 0 : i32
      %scan3A_37 = arith.constant 8 : i32
      %scan3A_38 = arith.addi %scan3A_36, %scan3A_37 : i32
      %scan3A_39 = arith.constant 1 : i32
      %scan3A_40 = scf.for %scan3A_42 = %scan3A_36 to %scan3A_38 step %scan3A_39 iter_args(%scan3A_43 = %scan3A_35) -> (i32)  : i32 {
        %broadcast_in_dim3A = arith.constant 0.000000e+00 : f32
        %broadcast_in_dim3A_44 = vector.broadcast %broadcast_in_dim3A : f32 to vector<16xf32>
        %mul3A_45 = arith.constant 16 : i32
        %mul3A_46 = arith.muli %scan3A_42, %mul3A_45 : i32
        %swap3A = arith.index_cast %scan3A_33 : i32 to index
        %swap3A_47 = arith.index_cast %mul3A_46 : i32 to index
        %swap3A_48 = tpu.vector_load %arg10[%swap3A, %swap3A_47] {strides = array<i32>} : memref<16x128xf32, #tpu.memory_space<vmem>>, vector<16xf32>,
        tpu.vector_store %arg10[%swap3A, %swap3A_47], %broadcast_in_dim3A_44 {strides = array<i32>} : memref<16x128xf32, #tpu.memory_space<vmem>>, vector<16xf32>,
        %scan3A_49 = arith.constant 0 : i32
        scf.yield %scan3A_49 : i32
      }
      %scan3A_41 = arith.constant 8 : i32
      scf.yield %scan3A_40 : i32
    }
    %scan3A_6 = arith.constant 16 : i32
    %scan3A_7 = arith.constant 0 : i32
    %scan3A_8 = arith.constant 0 : i32
    %scan3A_9 = arith.constant 128 : i32
    %scan3A_10 = arith.addi %scan3A_8, %scan3A_9 : i32
    %scan3A_11 = arith.constant 1 : i32
    %scan3A_12 = scf.for %scan3A_33 = %scan3A_8 to %scan3A_10 step %scan3A_11 iter_args(%scan3A_34 = %scan3A_7) -> (i32)  : i32 {
      %scan3A_35 = arith.constant 0 : i32
      %scan3A_36 = arith.constant 0 : i32
      %scan3A_37 = arith.constant 8 : i32
      %scan3A_38 = arith.addi %scan3A_36, %scan3A_37 : i32
      %scan3A_39 = arith.constant 1 : i32
      %scan3A_40 = scf.for %scan3A_42 = %scan3A_36 to %scan3A_38 step %scan3A_39 iter_args(%scan3A_43 = %scan3A_35) -> (i32)  : i32 {
        %broadcast_in_dim3A = arith.constant 1.000000e+00 : f32
        %broadcast_in_dim3A_44 = vector.broadcast %broadcast_in_dim3A : f32 to vector<16xf32>
        %mul3A_45 = arith.constant 16 : i32
        %mul3A_46 = arith.muli %scan3A_42, %mul3A_45 : i32
        %swap3A = arith.index_cast %scan3A_33 : i32 to index
        %swap3A_47 = arith.index_cast %mul3A_46 : i32 to index
        %swap3A_48 = tpu.vector_load %arg9[%swap3A, %swap3A_47] {strides = array<i32>} : memref<128x128xf32, #tpu.memory_space<vmem>>, vector<16xf32>,
        tpu.vector_store %arg9[%swap3A, %swap3A_47], %broadcast_in_dim3A_44 {strides = array<i32>} : memref<128x128xf32, #tpu.memory_space<vmem>>, vector<16xf32>,
        %scan3A_49 = arith.constant 0 : i32
        scf.yield %scan3A_49 : i32
      }
      %scan3A_41 = arith.constant 8 : i32
      scf.yield %scan3A_40 : i32
    }
    %scan3A_13 = arith.constant 128 : i32
    %scan3A_14 = arith.constant 0 : i32
    %scan3A_15 = arith.constant 0 : i32
    %scan3A_16 = arith.constant 40 : i32
    %scan3A_17 = arith.addi %scan3A_15, %scan3A_16 : i32
    %scan3A_18 = arith.constant 1 : i32
    %scan3A_19 = scf.for %scan3A_33 = %scan3A_15 to %scan3A_17 step %scan3A_18 iter_args(%scan3A_34 = %scan3A_14) -> (i32)  : i32 {
      %mul3A_35 = arith.constant 640 : i32
      %mul3A_36 = arith.muli %arg1, %mul3A_35 : i32
      %mul3A_37 = arith.constant 16 : i32
      %mul3A_38 = arith.muli %scan3A_33, %mul3A_37 : i32
      %add3A_39 = arith.addi %mul3A_36, %mul3A_38 : i32
      "tpu.region"() ({
        %run_scoped3A = tpu.sem_alloc : memref<!tpu.dma_semaphore, #tpu.memory_space<semaphore_mem>>
        %dma_start3A = arith.constant 0 : i32
        %dma_start3A_41 = tpu.memref_slice %arg6[%add3A_39, %dma_start3A] : memref<10240x128xf32, #tpu.memory_space<vmem_shared>> -> memref<16x128xf32, #tpu.memory_space<vmem_shared>>
        %dma_start3A_42 = arith.constant 0 : i32
        %dma_start3A_43 = tpu.memref_slice %arg6[%add3A_39, %dma_start3A_42] : memref<10240x128xf32, #tpu.memory_space<vmem_shared>> -> memref<16x128xf32, #tpu.memory_space<vmem_shared>>
        tpu.enqueue_dma source(%arg10 : memref<16x128xf32, #tpu.memory_space<vmem>>) target(%dma_start3A_43 : memref<16x128xf32, #tpu.memory_space<vmem_shared>>) target_semaphore(%run_scoped3A : memref<!tpu.dma_semaphore, #tpu.memory_space<semaphore_mem>>)
        %dma_wait3A = arith.constant 0 : i32
        %dma_wait3A_44 = tpu.memref_slice %arg6[%add3A_39, %dma_wait3A] : memref<10240x128xf32, #tpu.memory_space<vmem_shared>> -> memref<16x128xf32, #tpu.memory_space<vmem_shared>>
        %dma_wait3A_45 = arith.constant 0 : i32
        %dma_wait3A_46 = tpu.memref_slice %arg6[%add3A_39, %dma_wait3A_45] : memref<10240x128xf32, #tpu.memory_space<vmem_shared>> -> memref<16x128xf32, #tpu.memory_space<vmem_shared>>
        tpu.wait_dma2 semaphore(%run_scoped3A : memref<!tpu.dma_semaphore, #tpu.memory_space<semaphore_mem>>) src(%arg10 : memref<16x128xf32, #tpu.memory_space<vmem>>) dst(%dma_wait3A_46 : memref<16x128xf32, #tpu.memory_space<vmem_shared>>)
        tpu.yield
      }) : () -> ()
      %scan3A_40 = arith.constant 0 : i32
      scf.yield %scan3A_40 : i32
    }
    %scan3A_20 = arith.constant 40 : i32
    %barrier3A = arith.constant 0 : index
    tpu.barrier barrier_id(%barrier3A)
    %scan3A_21 = arith.constant 0 : i32
    %scan3A_22 = arith.constant 0 : i32
    %scan3A_23 = arith.constant 79 : i32
    %scan3A_24 = arith.addi %scan3A_22, %scan3A_23 : i32
    %scan3A_25 = arith.constant 1 : i32
    %scan3A_26 = scf.for %scan3A_33 = %scan3A_22 to %scan3A_24 step %scan3A_25 iter_args(%scan3A_34 = %scan3A_21) -> (i32)  : i32 {
      %mul3A_35 = arith.constant 10112 : i32
      %mul3A_36 = arith.muli %add3A, %mul3A_35 : i32
      %mul3A_37 = arith.constant 128 : i32
      %mul3A_38 = arith.muli %scan3A_33, %mul3A_37 : i32
      %add3A_39 = arith.addi %mul3A_36, %mul3A_38 : i32
      "tpu.region"() ({
        %run_scoped3A = tpu.sem_alloc : memref<!tpu.dma_semaphore, #tpu.memory_space<semaphore_mem>>
        %dma_start3A = tpu.memref_slice %arg4[%add3A_39] : memref<323584xi32, #tpu.memory_space<hbm>> -> memref<128xi32, #tpu.memory_space<hbm>>
        %dma_start3A_41 = tpu.memref_slice %arg4[%add3A_39] : memref<323584xi32, #tpu.memory_space<hbm>> -> memref<128xi32, #tpu.memory_space<hbm>>
        tpu.enqueue_dma source(%dma_start3A_41 : memref<128xi32, #tpu.memory_space<hbm>>) target(%arg8 : memref<128xi32, #tpu.memory_space<vmem>>) target_semaphore(%run_scoped3A : memref<!tpu.dma_semaphore, #tpu.memory_space<semaphore_mem>>)
        %dma_wait3A = tpu.memref_slice %arg4[%add3A_39] : memref<323584xi32, #tpu.memory_space<hbm>> -> memref<128xi32, #tpu.memory_space<hbm>>
        %dma_wait3A_42 = tpu.memref_slice %arg4[%add3A_39] : memref<323584xi32, #tpu.memory_space<hbm>> -> memref<128xi32, #tpu.memory_space<hbm>>
        tpu.wait_dma2 semaphore(%run_scoped3A : memref<!tpu.dma_semaphore, #tpu.memory_space<semaphore_mem>>) src(%dma_wait3A_42 : memref<128xi32, #tpu.memory_space<hbm>>) dst(%arg8 : memref<128xi32, #tpu.memory_space<vmem>>)
        tpu.yield
      }) : () -> ()
      "tpu.region"() ({
        %run_scoped3A = tpu.sem_alloc : memref<!tpu.dma_semaphore, #tpu.memory_space<semaphore_mem>>
        %dma_start3A = arith.constant 0 : i32
        %dma_start3A_41 = arith.constant 0 : i32
        %dma_start3A_42 = tpu.memref_slice %arg6[%dma_start3A, %dma_start3A_41] : memref<10240x128xf32, #tpu.memory_space<vmem_shared>> -> memref<10240x128xf32, #tpu.memory_space<vmem_shared>>
        tpu.enqueue_indirect_dma source(%arg9 : memref<128x128xf32, #tpu.memory_space<vmem>>) target(%dma_start3A_42 : memref<10240x128xf32, #tpu.memory_space<vmem_shared>>) offsets(%arg8 : memref<128xi32, #tpu.memory_space<vmem>>) semaphore(%run_scoped3A : memref<!tpu.dma_semaphore, #tpu.memory_space<semaphore_mem>>) {add = true}
        %dma_wait3A = arith.constant 0 : i32
        %dma_wait3A_43 = arith.constant 0 : i32
        %dma_wait3A_44 = tpu.memref_slice %arg6[%dma_wait3A, %dma_wait3A_43] : memref<10240x128xf32, #tpu.memory_space<vmem_shared>> -> memref<10240x128xf32, #tpu.memory_space<vmem_shared>>
        tpu.wait_indirect_dma semaphore(%run_scoped3A : memref<!tpu.dma_semaphore, #tpu.memory_space<semaphore_mem>>) src(%arg9 : memref<128x128xf32, #tpu.memory_space<vmem>>) dst(%dma_wait3A_44 : memref<10240x128xf32, #tpu.memory_space<vmem_shared>>)
        tpu.yield
      }) : () -> ()
      %scan3A_40 = arith.constant 0 : i32
      scf.yield %scan3A_40 : i32
    }
    %scan3A_27 = arith.constant 79 : i32
    %barrier3A_28 = arith.constant 0 : index
    tpu.barrier barrier_id(%barrier3A_28)
    %mul3A_29 = arith.constant 640 : i32
    %mul3A_30 = arith.muli %arg1, %mul3A_29 : i32
    %mul3A_31 = arith.constant 640 : i32
    %mul3A_32 = arith.muli %arg1, %mul3A_31 : i32
    "tpu.region"() ({
      %run_scoped3A = tpu.sem_alloc : memref<!tpu.dma_semaphore, #tpu.memory_space<semaphore_mem>>
      %dma_start3A = arith.constant 0 : i32
      %dma_start3A_33 = tpu.memref_slice %arg5[%arg0, %mul3A_32, %dma_start3A] : memref<2x10240x128xf32, #tpu.memory_space<hbm>> -> memref<1x640x128xf32, #tpu.memory_space<hbm>>
      %dma_start3A_34 = tpu.memref_squeeze %dma_start3A_33 : memref<1x640x128xf32, #tpu.memory_space<hbm>> -> memref<640x128xf32, #tpu.memory_space<hbm>>
      %dma_start3A_35 = arith.constant 0 : i32
      %dma_start3A_36 = tpu.memref_slice %arg6[%mul3A_30, %dma_start3A_35] : memref<10240x128xf32, #tpu.memory_space<vmem_shared>> -> memref<640x128xf32, #tpu.memory_space<vmem_shared>>
      tpu.enqueue_dma source(%dma_start3A_36 : memref<640x128xf32, #tpu.memory_space<vmem_shared>>) target(%dma_start3A_34 : memref<640x128xf32, #tpu.memory_space<hbm>>) target_semaphore(%run_scoped3A : memref<!tpu.dma_semaphore, #tpu.memory_space<semaphore_mem>>)
      %dma_wait3A = arith.constant 0 : i32
      %dma_wait3A_37 = tpu.memref_slice %arg5[%arg0, %mul3A_32, %dma_wait3A] : memref<2x10240x128xf32, #tpu.memory_space<hbm>> -> memref<1x640x128xf32, #tpu.memory_space<hbm>>
      %dma_wait3A_38 = tpu.memref_squeeze %dma_wait3A_37 : memref<1x640x128xf32, #tpu.memory_space<hbm>> -> memref<640x128xf32, #tpu.memory_space<hbm>>
      %dma_wait3A_39 = arith.constant 0 : i32
      %dma_wait3A_40 = tpu.memref_slice %arg6[%mul3A_30, %dma_wait3A_39] : memref<10240x128xf32, #tpu.memory_space<vmem_shared>> -> memref<640x128xf32, #tpu.memory_space<vmem_shared>>
      tpu.wait_dma2 semaphore(%run_scoped3A : memref<!tpu.dma_semaphore, #tpu.memory_space<semaphore_mem>>) src(%dma_wait3A_40 : memref<640x128xf32, #tpu.memory_space<vmem_shared>>) dst(%dma_wait3A_38 : memref<640x128xf32, #tpu.memory_space<hbm>>)
      tpu.yield
    }) : () -> ()
    return
  }
}

#map = affine_map<(d0, d1) -> (0, 0)>
#map1 = affine_map<(d0, d1) -> (0)>
#map2 = affine_map<(d0, d1) -> (0, 0, 0)>
module attributes {stable_mosaic.version = 14 : i64} {
  func.func @body(%arg0: i32, %arg1: i32, %arg2: memref<10240x128xf32, #tpu.memory_space<hbm>>, %arg3: memref<323584xi32, #tpu.memory_space<hbm>>, %arg4: memref<323584xi32, #tpu.memory_space<hbm>>, %arg5: memref<2x10240x128xf32, #tpu.memory_space<hbm>>, %arg6: memref<10240x128xf32, #tpu.memory_space<vmem_shared>>, %arg7: memref<128xi32, #tpu.memory_space<vmem>>, %arg8: memref<128xi32, #tpu.memory_space<vmem>>, %arg9: memref<128x128xf32, #tpu.memory_space<vmem>>, %arg10: memref<16x128xf32, #tpu.memory_space<vmem>>, %arg11: memref<!tpu.dma_semaphore, #tpu.memory_space<semaphore_mem>>) attributes {dimension_semantics = [#tpu.dimension_semantics<core_parallel>, #tpu.dimension_semantics<subcore_parallel>], iteration_bounds = array<i64: 2, 16>, scalar_prefetch = 0 : i64, scratch_operands = 6 : i64, tpu.core_type = #tpu.core_type<sc_vector_subcore>, window_params = [{transform_indices = #map}, {transform_indices = #map1}, {transform_indices = #map1}, {transform_indices = #map2}]} {
    %mul3A = arith.constant 16 : i32
    %mul3A_0 = arith.muli %arg0, %mul3A : i32
    %add3A = arith.addi %mul3A_0, %arg1 : i32
    %scan3A = arith.constant 0 : i32
    %scan3A_1 = arith.constant 0 : i32
    %scan3A_2 = arith.constant 16 : i32
    %scan3A_3 = arith.addi %scan3A_1, %scan3A_2 : i32
    %scan3A_4 = arith.constant 1 : i32
    %scan3A_5 = scf.for %scan3A_26 = %scan3A_1 to %scan3A_3 step %scan3A_4 iter_args(%scan3A_27 = %scan3A) -> (i32)  : i32 {
      %scan3A_28 = arith.constant 0 : i32
      %scan3A_29 = arith.constant 0 : i32
      %scan3A_30 = arith.constant 8 : i32
      %scan3A_31 = arith.addi %scan3A_29, %scan3A_30 : i32
      %scan3A_32 = arith.constant 1 : i32
      %scan3A_33 = scf.for %scan3A_35 = %scan3A_29 to %scan3A_31 step %scan3A_32 iter_args(%scan3A_36 = %scan3A_28) -> (i32)  : i32 {
        %broadcast_in_dim3A = arith.constant 0.000000e+00 : f32
        %broadcast_in_dim3A_37 = vector.broadcast %broadcast_in_dim3A : f32 to vector<16xf32>
        %mul3A_38 = arith.constant 16 : i32
        %mul3A_39 = arith.muli %scan3A_35, %mul3A_38 : i32
        %swap3A = arith.index_cast %scan3A_26 : i32 to index
        %swap3A_40 = arith.index_cast %mul3A_39 : i32 to index
        %swap3A_41 = tpu.vector_load %arg10[%swap3A, %swap3A_40] {strides = array<i32>} : memref<16x128xf32, #tpu.memory_space<vmem>>, vector<16xf32>,
        tpu.vector_store %arg10[%swap3A, %swap3A_40], %broadcast_in_dim3A_37 {strides = array<i32>} : memref<16x128xf32, #tpu.memory_space<vmem>>, vector<16xf32>,
        %scan3A_42 = arith.constant 0 : i32
        scf.yield %scan3A_42 : i32
      }
      %scan3A_34 = arith.constant 8 : i32
      scf.yield %scan3A_33 : i32
    }
    %scan3A_6 = arith.constant 16 : i32
    %scan3A_7 = arith.constant 0 : i32
    %scan3A_8 = arith.constant 0 : i32
    %scan3A_9 = arith.constant 40 : i32
    %scan3A_10 = arith.addi %scan3A_8, %scan3A_9 : i32
    %scan3A_11 = arith.constant 1 : i32
    %scan3A_12 = scf.for %scan3A_26 = %scan3A_8 to %scan3A_10 step %scan3A_11 iter_args(%scan3A_27 = %scan3A_7) -> (i32)  : i32 {
      %mul3A_28 = arith.constant 640 : i32
      %mul3A_29 = arith.muli %arg1, %mul3A_28 : i32
      %mul3A_30 = arith.constant 16 : i32
      %mul3A_31 = arith.muli %scan3A_26, %mul3A_30 : i32
      %add3A_32 = arith.addi %mul3A_29, %mul3A_31 : i32
      "tpu.region"() ({
        %run_scoped3A = tpu.sem_alloc : memref<!tpu.dma_semaphore, #tpu.memory_space<semaphore_mem>>
        %dma_start3A = arith.constant 0 : i32
        %dma_start3A_34 = tpu.memref_slice %arg6[%add3A_32, %dma_start3A] : memref<10240x128xf32, #tpu.memory_space<vmem_shared>> -> memref<16x128xf32, #tpu.memory_space<vmem_shared>>
        %dma_start3A_35 = arith.constant 0 : i32
        %dma_start3A_36 = tpu.memref_slice %arg6[%add3A_32, %dma_start3A_35] : memref<10240x128xf32, #tpu.memory_space<vmem_shared>> -> memref<16x128xf32, #tpu.memory_space<vmem_shared>>
        tpu.enqueue_dma source(%arg10 : memref<16x128xf32, #tpu.memory_space<vmem>>) target(%dma_start3A_36 : memref<16x128xf32, #tpu.memory_space<vmem_shared>>) target_semaphore(%run_scoped3A : memref<!tpu.dma_semaphore, #tpu.memory_space<semaphore_mem>>)
        %dma_wait3A = arith.constant 0 : i32
        %dma_wait3A_37 = tpu.memref_slice %arg6[%add3A_32, %dma_wait3A] : memref<10240x128xf32, #tpu.memory_space<vmem_shared>> -> memref<16x128xf32, #tpu.memory_space<vmem_shared>>
        %dma_wait3A_38 = arith.constant 0 : i32
        %dma_wait3A_39 = tpu.memref_slice %arg6[%add3A_32, %dma_wait3A_38] : memref<10240x128xf32, #tpu.memory_space<vmem_shared>> -> memref<16x128xf32, #tpu.memory_space<vmem_shared>>
        tpu.wait_dma2 semaphore(%run_scoped3A : memref<!tpu.dma_semaphore, #tpu.memory_space<semaphore_mem>>) src(%arg10 : memref<16x128xf32, #tpu.memory_space<vmem>>) dst(%dma_wait3A_39 : memref<16x128xf32, #tpu.memory_space<vmem_shared>>)
        tpu.yield
      }) : () -> ()
      %scan3A_33 = arith.constant 0 : i32
      scf.yield %scan3A_33 : i32
    }
    %scan3A_13 = arith.constant 40 : i32
    %barrier3A = arith.constant 0 : index
    tpu.barrier barrier_id(%barrier3A)
    %scan3A_14 = arith.constant 0 : i32
    %scan3A_15 = arith.constant 0 : i32
    %scan3A_16 = arith.constant 79 : i32
    %scan3A_17 = arith.addi %scan3A_15, %scan3A_16 : i32
    %scan3A_18 = arith.constant 1 : i32
    %scan3A_19 = scf.for %scan3A_26 = %scan3A_15 to %scan3A_17 step %scan3A_18 iter_args(%scan3A_27 = %scan3A_14) -> (i32)  : i32 {
      %mul3A_28 = arith.constant 10112 : i32
      %mul3A_29 = arith.muli %add3A, %mul3A_28 : i32
      %mul3A_30 = arith.constant 128 : i32
      %mul3A_31 = arith.muli %scan3A_26, %mul3A_30 : i32
      %add3A_32 = arith.addi %mul3A_29, %mul3A_31 : i32
      "tpu.region"() ({
        %run_scoped3A = tpu.sem_alloc : memref<!tpu.dma_semaphore, #tpu.memory_space<semaphore_mem>>
        %dma_start3A_38 = tpu.memref_slice %arg4[%add3A_32] : memref<323584xi32, #tpu.memory_space<hbm>> -> memref<128xi32, #tpu.memory_space<hbm>>
        %dma_start3A_39 = tpu.memref_slice %arg4[%add3A_32] : memref<323584xi32, #tpu.memory_space<hbm>> -> memref<128xi32, #tpu.memory_space<hbm>>
        tpu.enqueue_dma source(%dma_start3A_39 : memref<128xi32, #tpu.memory_space<hbm>>) target(%arg8 : memref<128xi32, #tpu.memory_space<vmem>>) target_semaphore(%run_scoped3A : memref<!tpu.dma_semaphore, #tpu.memory_space<semaphore_mem>>)
        %dma_wait3A_40 = tpu.memref_slice %arg4[%add3A_32] : memref<323584xi32, #tpu.memory_space<hbm>> -> memref<128xi32, #tpu.memory_space<hbm>>
        %dma_wait3A_41 = tpu.memref_slice %arg4[%add3A_32] : memref<323584xi32, #tpu.memory_space<hbm>> -> memref<128xi32, #tpu.memory_space<hbm>>
        tpu.wait_dma2 semaphore(%run_scoped3A : memref<!tpu.dma_semaphore, #tpu.memory_space<semaphore_mem>>) src(%dma_wait3A_41 : memref<128xi32, #tpu.memory_space<hbm>>) dst(%arg8 : memref<128xi32, #tpu.memory_space<vmem>>)
        tpu.yield
      }) : () -> ()
      "tpu.region"() ({
        %run_scoped3A = tpu.sem_alloc : memref<!tpu.dma_semaphore, #tpu.memory_space<semaphore_mem>>
        %dma_start3A_38 = tpu.memref_slice %arg3[%add3A_32] : memref<323584xi32, #tpu.memory_space<hbm>> -> memref<128xi32, #tpu.memory_space<hbm>>
        %dma_start3A_39 = tpu.memref_slice %arg3[%add3A_32] : memref<323584xi32, #tpu.memory_space<hbm>> -> memref<128xi32, #tpu.memory_space<hbm>>
        tpu.enqueue_dma source(%dma_start3A_39 : memref<128xi32, #tpu.memory_space<hbm>>) target(%arg7 : memref<128xi32, #tpu.memory_space<vmem>>) target_semaphore(%run_scoped3A : memref<!tpu.dma_semaphore, #tpu.memory_space<semaphore_mem>>)
        %dma_wait3A_40 = tpu.memref_slice %arg3[%add3A_32] : memref<323584xi32, #tpu.memory_space<hbm>> -> memref<128xi32, #tpu.memory_space<hbm>>
        %dma_wait3A_41 = tpu.memref_slice %arg3[%add3A_32] : memref<323584xi32, #tpu.memory_space<hbm>> -> memref<128xi32, #tpu.memory_space<hbm>>
        tpu.wait_dma2 semaphore(%run_scoped3A : memref<!tpu.dma_semaphore, #tpu.memory_space<semaphore_mem>>) src(%dma_wait3A_41 : memref<128xi32, #tpu.memory_space<hbm>>) dst(%arg7 : memref<128xi32, #tpu.memory_space<vmem>>)
        tpu.yield
      }) : () -> ()
      %dma_start3A = arith.constant 0 : i32
      %dma_start3A_33 = arith.constant 0 : i32
      %dma_start3A_34 = tpu.memref_slice %arg2[%dma_start3A, %dma_start3A_33] : memref<10240x128xf32, #tpu.memory_space<hbm>> -> memref<10240x128xf32, #tpu.memory_space<hbm>>
      tpu.enqueue_indirect_dma source(%dma_start3A_34 : memref<10240x128xf32, #tpu.memory_space<hbm>>) target(%arg9 : memref<128x128xf32, #tpu.memory_space<vmem>>) offsets(%arg7 : memref<128xi32, #tpu.memory_space<vmem>>) semaphore(%arg11 : memref<!tpu.dma_semaphore, #tpu.memory_space<semaphore_mem>>)
      %dma_wait3A = arith.constant 0 : i32
      %dma_wait3A_35 = arith.constant 0 : i32
      %dma_wait3A_36 = tpu.memref_slice %arg2[%dma_wait3A, %dma_wait3A_35] : memref<10240x128xf32, #tpu.memory_space<hbm>> -> memref<10240x128xf32, #tpu.memory_space<hbm>>
      tpu.wait_indirect_dma semaphore(%arg11 : memref<!tpu.dma_semaphore, #tpu.memory_space<semaphore_mem>>) src(%dma_wait3A_36 : memref<10240x128xf32, #tpu.memory_space<hbm>>) dst(%arg9 : memref<128x128xf32, #tpu.memory_space<vmem>>)
      "tpu.region"() ({
        %run_scoped3A = tpu.sem_alloc : memref<!tpu.dma_semaphore, #tpu.memory_space<semaphore_mem>>
        %dma_start3A_38 = arith.constant 0 : i32
        %dma_start3A_39 = arith.constant 0 : i32
        %dma_start3A_40 = tpu.memref_slice %arg6[%dma_start3A_38, %dma_start3A_39] : memref<10240x128xf32, #tpu.memory_space<vmem_shared>> -> memref<10240x128xf32, #tpu.memory_space<vmem_shared>>
        tpu.enqueue_indirect_dma source(%arg9 : memref<128x128xf32, #tpu.memory_space<vmem>>) target(%dma_start3A_40 : memref<10240x128xf32, #tpu.memory_space<vmem_shared>>) offsets(%arg8 : memref<128xi32, #tpu.memory_space<vmem>>) semaphore(%run_scoped3A : memref<!tpu.dma_semaphore, #tpu.memory_space<semaphore_mem>>) {add = true}
        %dma_wait3A_41 = arith.constant 0 : i32
        %dma_wait3A_42 = arith.constant 0 : i32
        %dma_wait3A_43 = tpu.memref_slice %arg6[%dma_wait3A_41, %dma_wait3A_42] : memref<10240x128xf32, #tpu.memory_space<vmem_shared>> -> memref<10240x128xf32, #tpu.memory_space<vmem_shared>>
        tpu.wait_indirect_dma semaphore(%run_scoped3A : memref<!tpu.dma_semaphore, #tpu.memory_space<semaphore_mem>>) src(%arg9 : memref<128x128xf32, #tpu.memory_space<vmem>>) dst(%dma_wait3A_43 : memref<10240x128xf32, #tpu.memory_space<vmem_shared>>)
        tpu.yield
      }) : () -> ()
      %scan3A_37 = arith.constant 0 : i32
      scf.yield %scan3A_37 : i32
    }
    %scan3A_20 = arith.constant 79 : i32
    %barrier3A_21 = arith.constant 0 : index
    tpu.barrier barrier_id(%barrier3A_21)
    %mul3A_22 = arith.constant 640 : i32
    %mul3A_23 = arith.muli %arg1, %mul3A_22 : i32
    %mul3A_24 = arith.constant 640 : i32
    %mul3A_25 = arith.muli %arg1, %mul3A_24 : i32
    "tpu.region"() ({
      %run_scoped3A = tpu.sem_alloc : memref<!tpu.dma_semaphore, #tpu.memory_space<semaphore_mem>>
      %dma_start3A = arith.constant 0 : i32
      %dma_start3A_26 = tpu.memref_slice %arg5[%arg0, %mul3A_25, %dma_start3A] : memref<2x10240x128xf32, #tpu.memory_space<hbm>> -> memref<1x640x128xf32, #tpu.memory_space<hbm>>
      %dma_start3A_27 = tpu.memref_squeeze %dma_start3A_26 : memref<1x640x128xf32, #tpu.memory_space<hbm>> -> memref<640x128xf32, #tpu.memory_space<hbm>>
      %dma_start3A_28 = arith.constant 0 : i32
      %dma_start3A_29 = tpu.memref_slice %arg6[%mul3A_23, %dma_start3A_28] : memref<10240x128xf32, #tpu.memory_space<vmem_shared>> -> memref<640x128xf32, #tpu.memory_space<vmem_shared>>
      tpu.enqueue_dma source(%dma_start3A_29 : memref<640x128xf32, #tpu.memory_space<vmem_shared>>) target(%dma_start3A_27 : memref<640x128xf32, #tpu.memory_space<hbm>>) target_semaphore(%run_scoped3A : memref<!tpu.dma_semaphore, #tpu.memory_space<semaphore_mem>>)
      %dma_wait3A = arith.constant 0 : i32
      %dma_wait3A_30 = tpu.memref_slice %arg5[%arg0, %mul3A_25, %dma_wait3A] : memref<2x10240x128xf32, #tpu.memory_space<hbm>> -> memref<1x640x128xf32, #tpu.memory_space<hbm>>
      %dma_wait3A_31 = tpu.memref_squeeze %dma_wait3A_30 : memref<1x640x128xf32, #tpu.memory_space<hbm>> -> memref<640x128xf32, #tpu.memory_space<hbm>>
      %dma_wait3A_32 = arith.constant 0 : i32
      %dma_wait3A_33 = tpu.memref_slice %arg6[%mul3A_23, %dma_wait3A_32] : memref<10240x128xf32, #tpu.memory_space<vmem_shared>> -> memref<640x128xf32, #tpu.memory_space<vmem_shared>>
      tpu.wait_dma2 semaphore(%run_scoped3A : memref<!tpu.dma_semaphore, #tpu.memory_space<semaphore_mem>>) src(%dma_wait3A_33 : memref<640x128xf32, #tpu.memory_space<vmem_shared>>) dst(%dma_wait3A_31 : memref<640x128xf32, #tpu.memory_space<hbm>>)
      tpu.yield
    }) : () -> ()
    return
  }
}

#map = affine_map<(d0, d1) -> (0, 0)>
#map1 = affine_map<(d0, d1) -> (0)>
#map2 = affine_map<(d0, d1) -> (0, 0, 0)>
module attributes {stable_mosaic.version = 14 : i64} {
  func.func @body(%arg0: i32, %arg1: i32, %arg2: memref<10240x128xf32, #tpu.memory_space<hbm>>, %arg3: memref<323584xi32, #tpu.memory_space<hbm>>, %arg4: memref<323584xi32, #tpu.memory_space<hbm>>, %arg5: memref<2x10240x128xf32, #tpu.memory_space<hbm>>, %arg6: memref<10240x128xf32, #tpu.memory_space<vmem_shared>>, %arg7: memref<128xi32, #tpu.memory_space<vmem>>, %arg8: memref<128xi32, #tpu.memory_space<vmem>>, %arg9: memref<128x128xf32, #tpu.memory_space<vmem>>, %arg10: memref<16x128xf32, #tpu.memory_space<vmem>>, %arg11: memref<!tpu.dma_semaphore, #tpu.memory_space<semaphore_mem>>) attributes {dimension_semantics = [#tpu.dimension_semantics<core_parallel>, #tpu.dimension_semantics<subcore_parallel>], iteration_bounds = array<i64: 2, 16>, scalar_prefetch = 0 : i64, scratch_operands = 6 : i64, tpu.core_type = #tpu.core_type<sc_vector_subcore>, window_params = [{transform_indices = #map}, {transform_indices = #map1}, {transform_indices = #map1}, {transform_indices = #map2}]} {
    %mul3A = arith.constant 16 : i32
    %mul3A_0 = arith.muli %arg0, %mul3A : i32
    %add3A = arith.addi %mul3A_0, %arg1 : i32
    %scan3A = arith.constant 0 : i32
    %scan3A_1 = arith.constant 0 : i32
    %scan3A_2 = arith.constant 16 : i32
    %scan3A_3 = arith.addi %scan3A_1, %scan3A_2 : i32
    %scan3A_4 = arith.constant 1 : i32
    %scan3A_5 = scf.for %scan3A_26 = %scan3A_1 to %scan3A_3 step %scan3A_4 iter_args(%scan3A_27 = %scan3A) -> (i32)  : i32 {
      %scan3A_28 = arith.constant 0 : i32
      %scan3A_29 = arith.constant 0 : i32
      %scan3A_30 = arith.constant 8 : i32
      %scan3A_31 = arith.addi %scan3A_29, %scan3A_30 : i32
      %scan3A_32 = arith.constant 1 : i32
      %scan3A_33 = scf.for %scan3A_35 = %scan3A_29 to %scan3A_31 step %scan3A_32 iter_args(%scan3A_36 = %scan3A_28) -> (i32)  : i32 {
        %broadcast_in_dim3A = arith.constant 0.000000e+00 : f32
        %broadcast_in_dim3A_37 = vector.broadcast %broadcast_in_dim3A : f32 to vector<16xf32>
        %mul3A_38 = arith.constant 16 : i32
        %mul3A_39 = arith.muli %scan3A_35, %mul3A_38 : i32
        %swap3A = arith.index_cast %scan3A_26 : i32 to index
        %swap3A_40 = arith.index_cast %mul3A_39 : i32 to index
        %swap3A_41 = tpu.vector_load %arg10[%swap3A, %swap3A_40] {strides = array<i32>} : memref<16x128xf32, #tpu.memory_space<vmem>>, vector<16xf32>,
        tpu.vector_store %arg10[%swap3A, %swap3A_40], %broadcast_in_dim3A_37 {strides = array<i32>} : memref<16x128xf32, #tpu.memory_space<vmem>>, vector<16xf32>,
        %scan3A_42 = arith.constant 0 : i32
        scf.yield %scan3A_42 : i32
      }
      %scan3A_34 = arith.constant 8 : i32
      scf.yield %scan3A_33 : i32
    }
    %scan3A_6 = arith.constant 16 : i32
    %scan3A_7 = arith.constant 0 : i32
    %scan3A_8 = arith.constant 0 : i32
    %scan3A_9 = arith.constant 40 : i32
    %scan3A_10 = arith.addi %scan3A_8, %scan3A_9 : i32
    %scan3A_11 = arith.constant 1 : i32
    %scan3A_12 = scf.for %scan3A_26 = %scan3A_8 to %scan3A_10 step %scan3A_11 iter_args(%scan3A_27 = %scan3A_7) -> (i32)  : i32 {
      %mul3A_28 = arith.constant 640 : i32
      %mul3A_29 = arith.muli %arg1, %mul3A_28 : i32
      %mul3A_30 = arith.constant 16 : i32
      %mul3A_31 = arith.muli %scan3A_26, %mul3A_30 : i32
      %add3A_32 = arith.addi %mul3A_29, %mul3A_31 : i32
      "tpu.region"() ({
        %run_scoped3A = tpu.sem_alloc : memref<!tpu.dma_semaphore, #tpu.memory_space<semaphore_mem>>
        %dma_start3A = arith.constant 0 : i32
        %dma_start3A_34 = tpu.memref_slice %arg6[%add3A_32, %dma_start3A] : memref<10240x128xf32, #tpu.memory_space<vmem_shared>> -> memref<16x128xf32, #tpu.memory_space<vmem_shared>>
        %dma_start3A_35 = arith.constant 0 : i32
        %dma_start3A_36 = tpu.memref_slice %arg6[%add3A_32, %dma_start3A_35] : memref<10240x128xf32, #tpu.memory_space<vmem_shared>> -> memref<16x128xf32, #tpu.memory_space<vmem_shared>>
        tpu.enqueue_dma source(%arg10 : memref<16x128xf32, #tpu.memory_space<vmem>>) target(%dma_start3A_36 : memref<16x128xf32, #tpu.memory_space<vmem_shared>>) target_semaphore(%run_scoped3A : memref<!tpu.dma_semaphore, #tpu.memory_space<semaphore_mem>>)
        %dma_wait3A = arith.constant 0 : i32
        %dma_wait3A_37 = tpu.memref_slice %arg6[%add3A_32, %dma_wait3A] : memref<10240x128xf32, #tpu.memory_space<vmem_shared>> -> memref<16x128xf32, #tpu.memory_space<vmem_shared>>
        %dma_wait3A_38 = arith.constant 0 : i32
        %dma_wait3A_39 = tpu.memref_slice %arg6[%add3A_32, %dma_wait3A_38] : memref<10240x128xf32, #tpu.memory_space<vmem_shared>> -> memref<16x128xf32, #tpu.memory_space<vmem_shared>>
        tpu.wait_dma2 semaphore(%run_scoped3A : memref<!tpu.dma_semaphore, #tpu.memory_space<semaphore_mem>>) src(%arg10 : memref<16x128xf32, #tpu.memory_space<vmem>>) dst(%dma_wait3A_39 : memref<16x128xf32, #tpu.memory_space<vmem_shared>>)
        tpu.yield
      }) : () -> ()
      %scan3A_33 = arith.constant 0 : i32
      scf.yield %scan3A_33 : i32
    }
    %scan3A_13 = arith.constant 40 : i32
    %barrier3A = arith.constant 0 : index
    tpu.barrier barrier_id(%barrier3A)
    %scan3A_14 = arith.constant 0 : i32
    %scan3A_15 = arith.constant 0 : i32
    %scan3A_16 = arith.constant 79 : i32
    %scan3A_17 = arith.addi %scan3A_15, %scan3A_16 : i32
    %scan3A_18 = arith.constant 1 : i32
    %scan3A_19 = scf.for %scan3A_26 = %scan3A_15 to %scan3A_17 step %scan3A_18 iter_args(%scan3A_27 = %scan3A_14) -> (i32)  : i32 {
      %mul3A_28 = arith.constant 10112 : i32
      %mul3A_29 = arith.muli %add3A, %mul3A_28 : i32
      %mul3A_30 = arith.constant 128 : i32
      %mul3A_31 = arith.muli %scan3A_26, %mul3A_30 : i32
      %add3A_32 = arith.addi %mul3A_29, %mul3A_31 : i32
      "tpu.region"() ({
        %run_scoped3A = tpu.sem_alloc : memref<!tpu.dma_semaphore, #tpu.memory_space<semaphore_mem>>
        %dma_start3A_38 = tpu.memref_slice %arg4[%add3A_32] : memref<323584xi32, #tpu.memory_space<hbm>> -> memref<128xi32, #tpu.memory_space<hbm>>
        %dma_start3A_39 = tpu.memref_slice %arg4[%add3A_32] : memref<323584xi32, #tpu.memory_space<hbm>> -> memref<128xi32, #tpu.memory_space<hbm>>
        tpu.enqueue_dma source(%dma_start3A_39 : memref<128xi32, #tpu.memory_space<hbm>>) target(%arg8 : memref<128xi32, #tpu.memory_space<vmem>>) target_semaphore(%run_scoped3A : memref<!tpu.dma_semaphore, #tpu.memory_space<semaphore_mem>>)
        %dma_wait3A_40 = tpu.memref_slice %arg4[%add3A_32] : memref<323584xi32, #tpu.memory_space<hbm>> -> memref<128xi32, #tpu.memory_space<hbm>>
        %dma_wait3A_41 = tpu.memref_slice %arg4[%add3A_32] : memref<323584xi32, #tpu.memory_space<hbm>> -> memref<128xi32, #tpu.memory_space<hbm>>
        tpu.wait_dma2 semaphore(%run_scoped3A : memref<!tpu.dma_semaphore, #tpu.memory_space<semaphore_mem>>) src(%dma_wait3A_41 : memref<128xi32, #tpu.memory_space<hbm>>) dst(%arg8 : memref<128xi32, #tpu.memory_space<vmem>>)
        tpu.yield
      }) : () -> ()
      "tpu.region"() ({
        %run_scoped3A = tpu.sem_alloc : memref<!tpu.dma_semaphore, #tpu.memory_space<semaphore_mem>>
        %dma_start3A_38 = tpu.memref_slice %arg3[%add3A_32] : memref<323584xi32, #tpu.memory_space<hbm>> -> memref<128xi32, #tpu.memory_space<hbm>>
        %dma_start3A_39 = tpu.memref_slice %arg3[%add3A_32] : memref<323584xi32, #tpu.memory_space<hbm>> -> memref<128xi32, #tpu.memory_space<hbm>>
        tpu.enqueue_dma source(%dma_start3A_39 : memref<128xi32, #tpu.memory_space<hbm>>) target(%arg7 : memref<128xi32, #tpu.memory_space<vmem>>) target_semaphore(%run_scoped3A : memref<!tpu.dma_semaphore, #tpu.memory_space<semaphore_mem>>)
        %dma_wait3A_40 = tpu.memref_slice %arg3[%add3A_32] : memref<323584xi32, #tpu.memory_space<hbm>> -> memref<128xi32, #tpu.memory_space<hbm>>
        %dma_wait3A_41 = tpu.memref_slice %arg3[%add3A_32] : memref<323584xi32, #tpu.memory_space<hbm>> -> memref<128xi32, #tpu.memory_space<hbm>>
        tpu.wait_dma2 semaphore(%run_scoped3A : memref<!tpu.dma_semaphore, #tpu.memory_space<semaphore_mem>>) src(%dma_wait3A_41 : memref<128xi32, #tpu.memory_space<hbm>>) dst(%arg7 : memref<128xi32, #tpu.memory_space<vmem>>)
        tpu.yield
      }) : () -> ()
      %dma_start3A = arith.constant 0 : i32
      %dma_start3A_33 = arith.constant 0 : i32
      %dma_start3A_34 = tpu.memref_slice %arg2[%dma_start3A, %dma_start3A_33] : memref<10240x128xf32, #tpu.memory_space<hbm>> -> memref<10240x128xf32, #tpu.memory_space<hbm>>
      tpu.enqueue_indirect_dma source(%dma_start3A_34 : memref<10240x128xf32, #tpu.memory_space<hbm>>) target(%arg9 : memref<128x128xf32, #tpu.memory_space<vmem>>) offsets(%arg7 : memref<128xi32, #tpu.memory_space<vmem>>) semaphore(%arg11 : memref<!tpu.dma_semaphore, #tpu.memory_space<semaphore_mem>>)
      %dma_wait3A = arith.constant 0 : i32
      %dma_wait3A_35 = arith.constant 0 : i32
      %dma_wait3A_36 = tpu.memref_slice %arg2[%dma_wait3A, %dma_wait3A_35] : memref<10240x128xf32, #tpu.memory_space<hbm>> -> memref<10240x128xf32, #tpu.memory_space<hbm>>
      tpu.wait_indirect_dma semaphore(%arg11 : memref<!tpu.dma_semaphore, #tpu.memory_space<semaphore_mem>>) src(%dma_wait3A_36 : memref<10240x128xf32, #tpu.memory_space<hbm>>) dst(%arg9 : memref<128x128xf32, #tpu.memory_space<vmem>>)
      "tpu.region"() ({
        %run_scoped3A = tpu.sem_alloc : memref<!tpu.dma_semaphore, #tpu.memory_space<semaphore_mem>>
        %dma_start3A_38 = arith.constant 0 : i32
        %dma_start3A_39 = arith.constant 0 : i32
        %dma_start3A_40 = tpu.memref_slice %arg6[%dma_start3A_38, %dma_start3A_39] : memref<10240x128xf32, #tpu.memory_space<vmem_shared>> -> memref<10240x128xf32, #tpu.memory_space<vmem_shared>>
        tpu.enqueue_indirect_dma source(%arg9 : memref<128x128xf32, #tpu.memory_space<vmem>>) target(%dma_start3A_40 : memref<10240x128xf32, #tpu.memory_space<vmem_shared>>) offsets(%arg8 : memref<128xi32, #tpu.memory_space<vmem>>) semaphore(%run_scoped3A : memref<!tpu.dma_semaphore, #tpu.memory_space<semaphore_mem>>) {add = true}
        %dma_wait3A_41 = arith.constant 0 : i32
        %dma_wait3A_42 = arith.constant 0 : i32
        %dma_wait3A_43 = tpu.memref_slice %arg6[%dma_wait3A_41, %dma_wait3A_42] : memref<10240x128xf32, #tpu.memory_space<vmem_shared>> -> memref<10240x128xf32, #tpu.memory_space<vmem_shared>>
        tpu.wait_indirect_dma semaphore(%run_scoped3A : memref<!tpu.dma_semaphore, #tpu.memory_space<semaphore_mem>>) src(%arg9 : memref<128x128xf32, #tpu.memory_space<vmem>>) dst(%dma_wait3A_43 : memref<10240x128xf32, #tpu.memory_space<vmem_shared>>)
        tpu.yield
      }) : () -> ()
      %scan3A_37 = arith.constant 0 : i32
      scf.yield %scan3A_37 : i32
    }
    %scan3A_20 = arith.constant 79 : i32
    %barrier3A_21 = arith.constant 0 : index
    tpu.barrier barrier_id(%barrier3A_21)
    %mul3A_22 = arith.constant 640 : i32
    %mul3A_23 = arith.muli %arg1, %mul3A_22 : i32
    %mul3A_24 = arith.constant 640 : i32
    %mul3A_25 = arith.muli %arg1, %mul3A_24 : i32
    "tpu.region"() ({
      %run_scoped3A = tpu.sem_alloc : memref<!tpu.dma_semaphore, #tpu.memory_space<semaphore_mem>>
      %dma_start3A = arith.constant 0 : i32
      %dma_start3A_26 = tpu.memref_slice %arg5[%arg0, %mul3A_25, %dma_start3A] : memref<2x10240x128xf32, #tpu.memory_space<hbm>> -> memref<1x640x128xf32, #tpu.memory_space<hbm>>
      %dma_start3A_27 = tpu.memref_squeeze %dma_start3A_26 : memref<1x640x128xf32, #tpu.memory_space<hbm>> -> memref<640x128xf32, #tpu.memory_space<hbm>>
      %dma_start3A_28 = arith.constant 0 : i32
      %dma_start3A_29 = tpu.memref_slice %arg6[%mul3A_23, %dma_start3A_28] : memref<10240x128xf32, #tpu.memory_space<vmem_shared>> -> memref<640x128xf32, #tpu.memory_space<vmem_shared>>
      tpu.enqueue_dma source(%dma_start3A_29 : memref<640x128xf32, #tpu.memory_space<vmem_shared>>) target(%dma_start3A_27 : memref<640x128xf32, #tpu.memory_space<hbm>>) target_semaphore(%run_scoped3A : memref<!tpu.dma_semaphore, #tpu.memory_space<semaphore_mem>>)
      %dma_wait3A = arith.constant 0 : i32
      %dma_wait3A_30 = tpu.memref_slice %arg5[%arg0, %mul3A_25, %dma_wait3A] : memref<2x10240x128xf32, #tpu.memory_space<hbm>> -> memref<1x640x128xf32, #tpu.memory_space<hbm>>
      %dma_wait3A_31 = tpu.memref_squeeze %dma_wait3A_30 : memref<1x640x128xf32, #tpu.memory_space<hbm>> -> memref<640x128xf32, #tpu.memory_space<hbm>>
      %dma_wait3A_32 = arith.constant 0 : i32
      %dma_wait3A_33 = tpu.memref_slice %arg6[%mul3A_23, %dma_wait3A_32] : memref<10240x128xf32, #tpu.memory_space<vmem_shared>> -> memref<640x128xf32, #tpu.memory_space<vmem_shared>>
      tpu.wait_dma2 semaphore(%run_scoped3A : memref<!tpu.dma_semaphore, #tpu.memory_space<semaphore_mem>>) src(%dma_wait3A_33 : memref<640x128xf32, #tpu.memory_space<vmem_shared>>) dst(%dma_wait3A_31 : memref<640x128xf32, #tpu.memory_space<hbm>>)
      tpu.yield
    }) : () -> ()
    return
  }
}

#map = affine_map<(d0, d1) -> (0, 0)>
#map1 = affine_map<(d0, d1) -> (0)>
#map2 = affine_map<(d0, d1) -> (0, 0, 0)>
module attributes {stable_mosaic.version = 14 : i64} {
  func.func @body(%arg0: i32, %arg1: i32, %arg2: memref<10240x128xf32, #tpu.memory_space<hbm>>, %arg3: memref<323584xi32, #tpu.memory_space<hbm>>, %arg4: memref<323584xi32, #tpu.memory_space<hbm>>, %arg5: memref<2x10240x128xf32, #tpu.memory_space<hbm>>, %arg6: memref<10240x128xf32, #tpu.memory_space<vmem_shared>>, %arg7: memref<128xi32, #tpu.memory_space<vmem>>, %arg8: memref<128xi32, #tpu.memory_space<vmem>>, %arg9: memref<128x128xf32, #tpu.memory_space<vmem>>, %arg10: memref<16x128xf32, #tpu.memory_space<vmem>>, %arg11: memref<!tpu.dma_semaphore, #tpu.memory_space<semaphore_mem>>) attributes {dimension_semantics = [#tpu.dimension_semantics<core_parallel>, #tpu.dimension_semantics<subcore_parallel>], iteration_bounds = array<i64: 2, 16>, scalar_prefetch = 0 : i64, scratch_operands = 6 : i64, tpu.core_type = #tpu.core_type<sc_vector_subcore>, window_params = [{transform_indices = #map}, {transform_indices = #map1}, {transform_indices = #map1}, {transform_indices = #map2}]} {
    %mul3A = arith.constant 16 : i32
    %mul3A_0 = arith.muli %arg0, %mul3A : i32
    %add3A = arith.addi %mul3A_0, %arg1 : i32
    %scan3A = arith.constant 0 : i32
    %scan3A_1 = arith.constant 0 : i32
    %scan3A_2 = arith.constant 16 : i32
    %scan3A_3 = arith.addi %scan3A_1, %scan3A_2 : i32
    %scan3A_4 = arith.constant 1 : i32
    %scan3A_5 = scf.for %scan3A_26 = %scan3A_1 to %scan3A_3 step %scan3A_4 iter_args(%scan3A_27 = %scan3A) -> (i32)  : i32 {
      %scan3A_28 = arith.constant 0 : i32
      %scan3A_29 = arith.constant 0 : i32
      %scan3A_30 = arith.constant 8 : i32
      %scan3A_31 = arith.addi %scan3A_29, %scan3A_30 : i32
      %scan3A_32 = arith.constant 1 : i32
      %scan3A_33 = scf.for %scan3A_35 = %scan3A_29 to %scan3A_31 step %scan3A_32 iter_args(%scan3A_36 = %scan3A_28) -> (i32)  : i32 {
        %broadcast_in_dim3A = arith.constant 0.000000e+00 : f32
        %broadcast_in_dim3A_37 = vector.broadcast %broadcast_in_dim3A : f32 to vector<16xf32>
        %mul3A_38 = arith.constant 16 : i32
        %mul3A_39 = arith.muli %scan3A_35, %mul3A_38 : i32
        %swap3A = arith.index_cast %scan3A_26 : i32 to index
        %swap3A_40 = arith.index_cast %mul3A_39 : i32 to index
        %swap3A_41 = tpu.vector_load %arg10[%swap3A, %swap3A_40] {strides = array<i32>} : memref<16x128xf32, #tpu.memory_space<vmem>>, vector<16xf32>,
        tpu.vector_store %arg10[%swap3A, %swap3A_40], %broadcast_in_dim3A_37 {strides = array<i32>} : memref<16x128xf32, #tpu.memory_space<vmem>>, vector<16xf32>,
        %scan3A_42 = arith.constant 0 : i32
        scf.yield %scan3A_42 : i32
      }
      %scan3A_34 = arith.constant 8 : i32
      scf.yield %scan3A_33 : i32
    }
    %scan3A_6 = arith.constant 16 : i32
    %scan3A_7 = arith.constant 0 : i32
    %scan3A_8 = arith.constant 0 : i32
    %scan3A_9 = arith.constant 40 : i32
    %scan3A_10 = arith.addi %scan3A_8, %scan3A_9 : i32
    %scan3A_11 = arith.constant 1 : i32
    %scan3A_12 = scf.for %scan3A_26 = %scan3A_8 to %scan3A_10 step %scan3A_11 iter_args(%scan3A_27 = %scan3A_7) -> (i32)  : i32 {
      %mul3A_28 = arith.constant 640 : i32
      %mul3A_29 = arith.muli %arg1, %mul3A_28 : i32
      %mul3A_30 = arith.constant 16 : i32
      %mul3A_31 = arith.muli %scan3A_26, %mul3A_30 : i32
      %add3A_32 = arith.addi %mul3A_29, %mul3A_31 : i32
      "tpu.region"() ({
        %run_scoped3A = tpu.sem_alloc : memref<!tpu.dma_semaphore, #tpu.memory_space<semaphore_mem>>
        %dma_start3A = arith.constant 0 : i32
        %dma_start3A_34 = tpu.memref_slice %arg6[%add3A_32, %dma_start3A] : memref<10240x128xf32, #tpu.memory_space<vmem_shared>> -> memref<16x128xf32, #tpu.memory_space<vmem_shared>>
        %dma_start3A_35 = arith.constant 0 : i32
        %dma_start3A_36 = tpu.memref_slice %arg6[%add3A_32, %dma_start3A_35] : memref<10240x128xf32, #tpu.memory_space<vmem_shared>> -> memref<16x128xf32, #tpu.memory_space<vmem_shared>>
        tpu.enqueue_dma source(%arg10 : memref<16x128xf32, #tpu.memory_space<vmem>>) target(%dma_start3A_36 : memref<16x128xf32, #tpu.memory_space<vmem_shared>>) target_semaphore(%run_scoped3A : memref<!tpu.dma_semaphore, #tpu.memory_space<semaphore_mem>>)
        %dma_wait3A = arith.constant 0 : i32
        %dma_wait3A_37 = tpu.memref_slice %arg6[%add3A_32, %dma_wait3A] : memref<10240x128xf32, #tpu.memory_space<vmem_shared>> -> memref<16x128xf32, #tpu.memory_space<vmem_shared>>
        %dma_wait3A_38 = arith.constant 0 : i32
        %dma_wait3A_39 = tpu.memref_slice %arg6[%add3A_32, %dma_wait3A_38] : memref<10240x128xf32, #tpu.memory_space<vmem_shared>> -> memref<16x128xf32, #tpu.memory_space<vmem_shared>>
        tpu.wait_dma2 semaphore(%run_scoped3A : memref<!tpu.dma_semaphore, #tpu.memory_space<semaphore_mem>>) src(%arg10 : memref<16x128xf32, #tpu.memory_space<vmem>>) dst(%dma_wait3A_39 : memref<16x128xf32, #tpu.memory_space<vmem_shared>>)
        tpu.yield
      }) : () -> ()
      %scan3A_33 = arith.constant 0 : i32
      scf.yield %scan3A_33 : i32
    }
    %scan3A_13 = arith.constant 40 : i32
    %barrier3A = arith.constant 0 : index
    tpu.barrier barrier_id(%barrier3A)
    %scan3A_14 = arith.constant 0 : i32
    %scan3A_15 = arith.constant 0 : i32
    %scan3A_16 = arith.constant 79 : i32
    %scan3A_17 = arith.addi %scan3A_15, %scan3A_16 : i32
    %scan3A_18 = arith.constant 1 : i32
    %scan3A_19 = scf.for %scan3A_26 = %scan3A_15 to %scan3A_17 step %scan3A_18 iter_args(%scan3A_27 = %scan3A_14) -> (i32)  : i32 {
      %mul3A_28 = arith.constant 10112 : i32
      %mul3A_29 = arith.muli %add3A, %mul3A_28 : i32
      %mul3A_30 = arith.constant 128 : i32
      %mul3A_31 = arith.muli %scan3A_26, %mul3A_30 : i32
      %add3A_32 = arith.addi %mul3A_29, %mul3A_31 : i32
      "tpu.region"() ({
        %run_scoped3A = tpu.sem_alloc : memref<!tpu.dma_semaphore, #tpu.memory_space<semaphore_mem>>
        %dma_start3A_38 = tpu.memref_slice %arg4[%add3A_32] : memref<323584xi32, #tpu.memory_space<hbm>> -> memref<128xi32, #tpu.memory_space<hbm>>
        %dma_start3A_39 = tpu.memref_slice %arg4[%add3A_32] : memref<323584xi32, #tpu.memory_space<hbm>> -> memref<128xi32, #tpu.memory_space<hbm>>
        tpu.enqueue_dma source(%dma_start3A_39 : memref<128xi32, #tpu.memory_space<hbm>>) target(%arg8 : memref<128xi32, #tpu.memory_space<vmem>>) target_semaphore(%run_scoped3A : memref<!tpu.dma_semaphore, #tpu.memory_space<semaphore_mem>>)
        %dma_wait3A_40 = tpu.memref_slice %arg4[%add3A_32] : memref<323584xi32, #tpu.memory_space<hbm>> -> memref<128xi32, #tpu.memory_space<hbm>>
        %dma_wait3A_41 = tpu.memref_slice %arg4[%add3A_32] : memref<323584xi32, #tpu.memory_space<hbm>> -> memref<128xi32, #tpu.memory_space<hbm>>
        tpu.wait_dma2 semaphore(%run_scoped3A : memref<!tpu.dma_semaphore, #tpu.memory_space<semaphore_mem>>) src(%dma_wait3A_41 : memref<128xi32, #tpu.memory_space<hbm>>) dst(%arg8 : memref<128xi32, #tpu.memory_space<vmem>>)
        tpu.yield
      }) : () -> ()
      "tpu.region"() ({
        %run_scoped3A = tpu.sem_alloc : memref<!tpu.dma_semaphore, #tpu.memory_space<semaphore_mem>>
        %dma_start3A_38 = tpu.memref_slice %arg3[%add3A_32] : memref<323584xi32, #tpu.memory_space<hbm>> -> memref<128xi32, #tpu.memory_space<hbm>>
        %dma_start3A_39 = tpu.memref_slice %arg3[%add3A_32] : memref<323584xi32, #tpu.memory_space<hbm>> -> memref<128xi32, #tpu.memory_space<hbm>>
        tpu.enqueue_dma source(%dma_start3A_39 : memref<128xi32, #tpu.memory_space<hbm>>) target(%arg7 : memref<128xi32, #tpu.memory_space<vmem>>) target_semaphore(%run_scoped3A : memref<!tpu.dma_semaphore, #tpu.memory_space<semaphore_mem>>)
        %dma_wait3A_40 = tpu.memref_slice %arg3[%add3A_32] : memref<323584xi32, #tpu.memory_space<hbm>> -> memref<128xi32, #tpu.memory_space<hbm>>
        %dma_wait3A_41 = tpu.memref_slice %arg3[%add3A_32] : memref<323584xi32, #tpu.memory_space<hbm>> -> memref<128xi32, #tpu.memory_space<hbm>>
        tpu.wait_dma2 semaphore(%run_scoped3A : memref<!tpu.dma_semaphore, #tpu.memory_space<semaphore_mem>>) src(%dma_wait3A_41 : memref<128xi32, #tpu.memory_space<hbm>>) dst(%arg7 : memref<128xi32, #tpu.memory_space<vmem>>)
        tpu.yield
      }) : () -> ()
      %dma_start3A = arith.constant 0 : i32
      %dma_start3A_33 = arith.constant 0 : i32
      %dma_start3A_34 = tpu.memref_slice %arg2[%dma_start3A, %dma_start3A_33] : memref<10240x128xf32, #tpu.memory_space<hbm>> -> memref<10240x128xf32, #tpu.memory_space<hbm>>
      tpu.enqueue_indirect_dma source(%dma_start3A_34 : memref<10240x128xf32, #tpu.memory_space<hbm>>) target(%arg9 : memref<128x128xf32, #tpu.memory_space<vmem>>) offsets(%arg7 : memref<128xi32, #tpu.memory_space<vmem>>) semaphore(%arg11 : memref<!tpu.dma_semaphore, #tpu.memory_space<semaphore_mem>>)
      %dma_wait3A = arith.constant 0 : i32
      %dma_wait3A_35 = arith.constant 0 : i32
      %dma_wait3A_36 = tpu.memref_slice %arg2[%dma_wait3A, %dma_wait3A_35] : memref<10240x128xf32, #tpu.memory_space<hbm>> -> memref<10240x128xf32, #tpu.memory_space<hbm>>
      tpu.wait_indirect_dma semaphore(%arg11 : memref<!tpu.dma_semaphore, #tpu.memory_space<semaphore_mem>>) src(%dma_wait3A_36 : memref<10240x128xf32, #tpu.memory_space<hbm>>) dst(%arg9 : memref<128x128xf32, #tpu.memory_space<vmem>>)
      "tpu.region"() ({
        %run_scoped3A = tpu.sem_alloc : memref<!tpu.dma_semaphore, #tpu.memory_space<semaphore_mem>>
        %dma_start3A_38 = arith.constant 0 : i32
        %dma_start3A_39 = arith.constant 0 : i32
        %dma_start3A_40 = tpu.memref_slice %arg6[%dma_start3A_38, %dma_start3A_39] : memref<10240x128xf32, #tpu.memory_space<vmem_shared>> -> memref<10240x128xf32, #tpu.memory_space<vmem_shared>>
        tpu.enqueue_indirect_dma source(%arg9 : memref<128x128xf32, #tpu.memory_space<vmem>>) target(%dma_start3A_40 : memref<10240x128xf32, #tpu.memory_space<vmem_shared>>) offsets(%arg8 : memref<128xi32, #tpu.memory_space<vmem>>) semaphore(%run_scoped3A : memref<!tpu.dma_semaphore, #tpu.memory_space<semaphore_mem>>) {add = true}
        %dma_wait3A_41 = arith.constant 0 : i32
        %dma_wait3A_42 = arith.constant 0 : i32
        %dma_wait3A_43 = tpu.memref_slice %arg6[%dma_wait3A_41, %dma_wait3A_42] : memref<10240x128xf32, #tpu.memory_space<vmem_shared>> -> memref<10240x128xf32, #tpu.memory_space<vmem_shared>>
        tpu.wait_indirect_dma semaphore(%run_scoped3A : memref<!tpu.dma_semaphore, #tpu.memory_space<semaphore_mem>>) src(%arg9 : memref<128x128xf32, #tpu.memory_space<vmem>>) dst(%dma_wait3A_43 : memref<10240x128xf32, #tpu.memory_space<vmem_shared>>)
        tpu.yield
      }) : () -> ()
      %scan3A_37 = arith.constant 0 : i32
      scf.yield %scan3A_37 : i32
    }
    %scan3A_20 = arith.constant 79 : i32
    %barrier3A_21 = arith.constant 0 : index
    tpu.barrier barrier_id(%barrier3A_21)
    %mul3A_22 = arith.constant 640 : i32
    %mul3A_23 = arith.muli %arg1, %mul3A_22 : i32
    %mul3A_24 = arith.constant 640 : i32
    %mul3A_25 = arith.muli %arg1, %mul3A_24 : i32
    "tpu.region"() ({
      %run_scoped3A = tpu.sem_alloc : memref<!tpu.dma_semaphore, #tpu.memory_space<semaphore_mem>>
      %dma_start3A = arith.constant 0 : i32
      %dma_start3A_26 = tpu.memref_slice %arg5[%arg0, %mul3A_25, %dma_start3A] : memref<2x10240x128xf32, #tpu.memory_space<hbm>> -> memref<1x640x128xf32, #tpu.memory_space<hbm>>
      %dma_start3A_27 = tpu.memref_squeeze %dma_start3A_26 : memref<1x640x128xf32, #tpu.memory_space<hbm>> -> memref<640x128xf32, #tpu.memory_space<hbm>>
      %dma_start3A_28 = arith.constant 0 : i32
      %dma_start3A_29 = tpu.memref_slice %arg6[%mul3A_23, %dma_start3A_28] : memref<10240x128xf32, #tpu.memory_space<vmem_shared>> -> memref<640x128xf32, #tpu.memory_space<vmem_shared>>
      tpu.enqueue_dma source(%dma_start3A_29 : memref<640x128xf32, #tpu.memory_space<vmem_shared>>) target(%dma_start3A_27 : memref<640x128xf32, #tpu.memory_space<hbm>>) target_semaphore(%run_scoped3A : memref<!tpu.dma_semaphore, #tpu.memory_space<semaphore_mem>>)
      %dma_wait3A = arith.constant 0 : i32
      %dma_wait3A_30 = tpu.memref_slice %arg5[%arg0, %mul3A_25, %dma_wait3A] : memref<2x10240x128xf32, #tpu.memory_space<hbm>> -> memref<1x640x128xf32, #tpu.memory_space<hbm>>
      %dma_wait3A_31 = tpu.memref_squeeze %dma_wait3A_30 : memref<1x640x128xf32, #tpu.memory_space<hbm>> -> memref<640x128xf32, #tpu.memory_space<hbm>>
      %dma_wait3A_32 = arith.constant 0 : i32
      %dma_wait3A_33 = tpu.memref_slice %arg6[%mul3A_23, %dma_wait3A_32] : memref<10240x128xf32, #tpu.memory_space<vmem_shared>> -> memref<640x128xf32, #tpu.memory_space<vmem_shared>>
      tpu.wait_dma2 semaphore(%run_scoped3A : memref<!tpu.dma_semaphore, #tpu.memory_space<semaphore_mem>>) src(%dma_wait3A_33 : memref<640x128xf32, #tpu.memory_space<vmem_shared>>) dst(%dma_wait3A_31 : memref<640x128xf32, #tpu.memory_space<hbm>>)
      tpu.yield
    }) : () -> ()
    return
  }
}

#map = affine_map<(d0, d1) -> (0, 0)>
#map1 = affine_map<(d0, d1) -> (0)>
#map2 = affine_map<(d0, d1) -> (0, 0, 0)>
module attributes {stable_mosaic.version = 14 : i64} {
  func.func @body(%arg0: i32, %arg1: i32, %arg2: memref<10240x128xf32, #tpu.memory_space<hbm>>, %arg3: memref<323584xi32, #tpu.memory_space<hbm>>, %arg4: memref<323584xi32, #tpu.memory_space<hbm>>, %arg5: memref<2x10240x128xf32, #tpu.memory_space<hbm>>, %arg6: memref<10240x128xf32, #tpu.memory_space<vmem_shared>>, %arg7: memref<128xi32, #tpu.memory_space<vmem>>, %arg8: memref<128xi32, #tpu.memory_space<vmem>>, %arg9: memref<128x128xf32, #tpu.memory_space<vmem>>, %arg10: memref<16x128xf32, #tpu.memory_space<vmem>>, %arg11: memref<!tpu.dma_semaphore, #tpu.memory_space<semaphore_mem>>) attributes {dimension_semantics = [#tpu.dimension_semantics<core_parallel>, #tpu.dimension_semantics<subcore_parallel>], iteration_bounds = array<i64: 2, 16>, scalar_prefetch = 0 : i64, scratch_operands = 6 : i64, tpu.core_type = #tpu.core_type<sc_vector_subcore>, window_params = [{transform_indices = #map}, {transform_indices = #map1}, {transform_indices = #map1}, {transform_indices = #map2}]} {
    %mul3A = arith.constant 16 : i32
    %mul3A_0 = arith.muli %arg0, %mul3A : i32
    %add3A = arith.addi %mul3A_0, %arg1 : i32
    %scan3A = arith.constant 0 : i32
    %scan3A_1 = arith.constant 0 : i32
    %scan3A_2 = arith.constant 16 : i32
    %scan3A_3 = arith.addi %scan3A_1, %scan3A_2 : i32
    %scan3A_4 = arith.constant 1 : i32
    %scan3A_5 = scf.for %scan3A_26 = %scan3A_1 to %scan3A_3 step %scan3A_4 iter_args(%scan3A_27 = %scan3A) -> (i32)  : i32 {
      %scan3A_28 = arith.constant 0 : i32
      %scan3A_29 = arith.constant 0 : i32
      %scan3A_30 = arith.constant 8 : i32
      %scan3A_31 = arith.addi %scan3A_29, %scan3A_30 : i32
      %scan3A_32 = arith.constant 1 : i32
      %scan3A_33 = scf.for %scan3A_35 = %scan3A_29 to %scan3A_31 step %scan3A_32 iter_args(%scan3A_36 = %scan3A_28) -> (i32)  : i32 {
        %broadcast_in_dim3A = arith.constant 0.000000e+00 : f32
        %broadcast_in_dim3A_37 = vector.broadcast %broadcast_in_dim3A : f32 to vector<16xf32>
        %mul3A_38 = arith.constant 16 : i32
        %mul3A_39 = arith.muli %scan3A_35, %mul3A_38 : i32
        %swap3A = arith.index_cast %scan3A_26 : i32 to index
        %swap3A_40 = arith.index_cast %mul3A_39 : i32 to index
        %swap3A_41 = tpu.vector_load %arg10[%swap3A, %swap3A_40] {strides = array<i32>} : memref<16x128xf32, #tpu.memory_space<vmem>>, vector<16xf32>,
        tpu.vector_store %arg10[%swap3A, %swap3A_40], %broadcast_in_dim3A_37 {strides = array<i32>} : memref<16x128xf32, #tpu.memory_space<vmem>>, vector<16xf32>,
        %scan3A_42 = arith.constant 0 : i32
        scf.yield %scan3A_42 : i32
      }
      %scan3A_34 = arith.constant 8 : i32
      scf.yield %scan3A_33 : i32
    }
    %scan3A_6 = arith.constant 16 : i32
    %scan3A_7 = arith.constant 0 : i32
    %scan3A_8 = arith.constant 0 : i32
    %scan3A_9 = arith.constant 40 : i32
    %scan3A_10 = arith.addi %scan3A_8, %scan3A_9 : i32
    %scan3A_11 = arith.constant 1 : i32
    %scan3A_12 = scf.for %scan3A_26 = %scan3A_8 to %scan3A_10 step %scan3A_11 iter_args(%scan3A_27 = %scan3A_7) -> (i32)  : i32 {
      %mul3A_28 = arith.constant 640 : i32
      %mul3A_29 = arith.muli %arg1, %mul3A_28 : i32
      %mul3A_30 = arith.constant 16 : i32
      %mul3A_31 = arith.muli %scan3A_26, %mul3A_30 : i32
      %add3A_32 = arith.addi %mul3A_29, %mul3A_31 : i32
      "tpu.region"() ({
        %run_scoped3A = tpu.sem_alloc : memref<!tpu.dma_semaphore, #tpu.memory_space<semaphore_mem>>
        %dma_start3A = arith.constant 0 : i32
        %dma_start3A_34 = tpu.memref_slice %arg6[%add3A_32, %dma_start3A] : memref<10240x128xf32, #tpu.memory_space<vmem_shared>> -> memref<16x128xf32, #tpu.memory_space<vmem_shared>>
        %dma_start3A_35 = arith.constant 0 : i32
        %dma_start3A_36 = tpu.memref_slice %arg6[%add3A_32, %dma_start3A_35] : memref<10240x128xf32, #tpu.memory_space<vmem_shared>> -> memref<16x128xf32, #tpu.memory_space<vmem_shared>>
        tpu.enqueue_dma source(%arg10 : memref<16x128xf32, #tpu.memory_space<vmem>>) target(%dma_start3A_36 : memref<16x128xf32, #tpu.memory_space<vmem_shared>>) target_semaphore(%run_scoped3A : memref<!tpu.dma_semaphore, #tpu.memory_space<semaphore_mem>>)
        %dma_wait3A = arith.constant 0 : i32
        %dma_wait3A_37 = tpu.memref_slice %arg6[%add3A_32, %dma_wait3A] : memref<10240x128xf32, #tpu.memory_space<vmem_shared>> -> memref<16x128xf32, #tpu.memory_space<vmem_shared>>
        %dma_wait3A_38 = arith.constant 0 : i32
        %dma_wait3A_39 = tpu.memref_slice %arg6[%add3A_32, %dma_wait3A_38] : memref<10240x128xf32, #tpu.memory_space<vmem_shared>> -> memref<16x128xf32, #tpu.memory_space<vmem_shared>>
        tpu.wait_dma2 semaphore(%run_scoped3A : memref<!tpu.dma_semaphore, #tpu.memory_space<semaphore_mem>>) src(%arg10 : memref<16x128xf32, #tpu.memory_space<vmem>>) dst(%dma_wait3A_39 : memref<16x128xf32, #tpu.memory_space<vmem_shared>>)
        tpu.yield
      }) : () -> ()
      %scan3A_33 = arith.constant 0 : i32
      scf.yield %scan3A_33 : i32
    }
    %scan3A_13 = arith.constant 40 : i32
    %barrier3A = arith.constant 0 : index
    tpu.barrier barrier_id(%barrier3A)
    %scan3A_14 = arith.constant 0 : i32
    %scan3A_15 = arith.constant 0 : i32
    %scan3A_16 = arith.constant 79 : i32
    %scan3A_17 = arith.addi %scan3A_15, %scan3A_16 : i32
    %scan3A_18 = arith.constant 1 : i32
    %scan3A_19 = scf.for %scan3A_26 = %scan3A_15 to %scan3A_17 step %scan3A_18 iter_args(%scan3A_27 = %scan3A_14) -> (i32)  : i32 {
      %mul3A_28 = arith.constant 10112 : i32
      %mul3A_29 = arith.muli %add3A, %mul3A_28 : i32
      %mul3A_30 = arith.constant 128 : i32
      %mul3A_31 = arith.muli %scan3A_26, %mul3A_30 : i32
      %add3A_32 = arith.addi %mul3A_29, %mul3A_31 : i32
      "tpu.region"() ({
        %run_scoped3A = tpu.sem_alloc : memref<!tpu.dma_semaphore, #tpu.memory_space<semaphore_mem>>
        %dma_start3A_38 = tpu.memref_slice %arg4[%add3A_32] : memref<323584xi32, #tpu.memory_space<hbm>> -> memref<128xi32, #tpu.memory_space<hbm>>
        %dma_start3A_39 = tpu.memref_slice %arg4[%add3A_32] : memref<323584xi32, #tpu.memory_space<hbm>> -> memref<128xi32, #tpu.memory_space<hbm>>
        tpu.enqueue_dma source(%dma_start3A_39 : memref<128xi32, #tpu.memory_space<hbm>>) target(%arg8 : memref<128xi32, #tpu.memory_space<vmem>>) target_semaphore(%run_scoped3A : memref<!tpu.dma_semaphore, #tpu.memory_space<semaphore_mem>>)
        %dma_wait3A_40 = tpu.memref_slice %arg4[%add3A_32] : memref<323584xi32, #tpu.memory_space<hbm>> -> memref<128xi32, #tpu.memory_space<hbm>>
        %dma_wait3A_41 = tpu.memref_slice %arg4[%add3A_32] : memref<323584xi32, #tpu.memory_space<hbm>> -> memref<128xi32, #tpu.memory_space<hbm>>
        tpu.wait_dma2 semaphore(%run_scoped3A : memref<!tpu.dma_semaphore, #tpu.memory_space<semaphore_mem>>) src(%dma_wait3A_41 : memref<128xi32, #tpu.memory_space<hbm>>) dst(%arg8 : memref<128xi32, #tpu.memory_space<vmem>>)
        tpu.yield
      }) : () -> ()
      "tpu.region"() ({
        %run_scoped3A = tpu.sem_alloc : memref<!tpu.dma_semaphore, #tpu.memory_space<semaphore_mem>>
        %dma_start3A_38 = tpu.memref_slice %arg3[%add3A_32] : memref<323584xi32, #tpu.memory_space<hbm>> -> memref<128xi32, #tpu.memory_space<hbm>>
        %dma_start3A_39 = tpu.memref_slice %arg3[%add3A_32] : memref<323584xi32, #tpu.memory_space<hbm>> -> memref<128xi32, #tpu.memory_space<hbm>>
        tpu.enqueue_dma source(%dma_start3A_39 : memref<128xi32, #tpu.memory_space<hbm>>) target(%arg7 : memref<128xi32, #tpu.memory_space<vmem>>) target_semaphore(%run_scoped3A : memref<!tpu.dma_semaphore, #tpu.memory_space<semaphore_mem>>)
        %dma_wait3A_40 = tpu.memref_slice %arg3[%add3A_32] : memref<323584xi32, #tpu.memory_space<hbm>> -> memref<128xi32, #tpu.memory_space<hbm>>
        %dma_wait3A_41 = tpu.memref_slice %arg3[%add3A_32] : memref<323584xi32, #tpu.memory_space<hbm>> -> memref<128xi32, #tpu.memory_space<hbm>>
        tpu.wait_dma2 semaphore(%run_scoped3A : memref<!tpu.dma_semaphore, #tpu.memory_space<semaphore_mem>>) src(%dma_wait3A_41 : memref<128xi32, #tpu.memory_space<hbm>>) dst(%arg7 : memref<128xi32, #tpu.memory_space<vmem>>)
        tpu.yield
      }) : () -> ()
      %dma_start3A = arith.constant 0 : i32
      %dma_start3A_33 = arith.constant 0 : i32
      %dma_start3A_34 = tpu.memref_slice %arg2[%dma_start3A, %dma_start3A_33] : memref<10240x128xf32, #tpu.memory_space<hbm>> -> memref<10240x128xf32, #tpu.memory_space<hbm>>
      tpu.enqueue_indirect_dma source(%dma_start3A_34 : memref<10240x128xf32, #tpu.memory_space<hbm>>) target(%arg9 : memref<128x128xf32, #tpu.memory_space<vmem>>) offsets(%arg7 : memref<128xi32, #tpu.memory_space<vmem>>) semaphore(%arg11 : memref<!tpu.dma_semaphore, #tpu.memory_space<semaphore_mem>>)
      %dma_wait3A = arith.constant 0 : i32
      %dma_wait3A_35 = arith.constant 0 : i32
      %dma_wait3A_36 = tpu.memref_slice %arg2[%dma_wait3A, %dma_wait3A_35] : memref<10240x128xf32, #tpu.memory_space<hbm>> -> memref<10240x128xf32, #tpu.memory_space<hbm>>
      tpu.wait_indirect_dma semaphore(%arg11 : memref<!tpu.dma_semaphore, #tpu.memory_space<semaphore_mem>>) src(%dma_wait3A_36 : memref<10240x128xf32, #tpu.memory_space<hbm>>) dst(%arg9 : memref<128x128xf32, #tpu.memory_space<vmem>>)
      "tpu.region"() ({
        %run_scoped3A = tpu.sem_alloc : memref<!tpu.dma_semaphore, #tpu.memory_space<semaphore_mem>>
        %dma_start3A_38 = arith.constant 0 : i32
        %dma_start3A_39 = arith.constant 0 : i32
        %dma_start3A_40 = tpu.memref_slice %arg6[%dma_start3A_38, %dma_start3A_39] : memref<10240x128xf32, #tpu.memory_space<vmem_shared>> -> memref<10240x128xf32, #tpu.memory_space<vmem_shared>>
        tpu.enqueue_indirect_dma source(%arg9 : memref<128x128xf32, #tpu.memory_space<vmem>>) target(%dma_start3A_40 : memref<10240x128xf32, #tpu.memory_space<vmem_shared>>) offsets(%arg8 : memref<128xi32, #tpu.memory_space<vmem>>) semaphore(%run_scoped3A : memref<!tpu.dma_semaphore, #tpu.memory_space<semaphore_mem>>) {add = true}
        %dma_wait3A_41 = arith.constant 0 : i32
        %dma_wait3A_42 = arith.constant 0 : i32
        %dma_wait3A_43 = tpu.memref_slice %arg6[%dma_wait3A_41, %dma_wait3A_42] : memref<10240x128xf32, #tpu.memory_space<vmem_shared>> -> memref<10240x128xf32, #tpu.memory_space<vmem_shared>>
        tpu.wait_indirect_dma semaphore(%run_scoped3A : memref<!tpu.dma_semaphore, #tpu.memory_space<semaphore_mem>>) src(%arg9 : memref<128x128xf32, #tpu.memory_space<vmem>>) dst(%dma_wait3A_43 : memref<10240x128xf32, #tpu.memory_space<vmem_shared>>)
        tpu.yield
      }) : () -> ()
      %scan3A_37 = arith.constant 0 : i32
      scf.yield %scan3A_37 : i32
    }
    %scan3A_20 = arith.constant 79 : i32
    %barrier3A_21 = arith.constant 0 : index
    tpu.barrier barrier_id(%barrier3A_21)
    %mul3A_22 = arith.constant 640 : i32
    %mul3A_23 = arith.muli %arg1, %mul3A_22 : i32
    %mul3A_24 = arith.constant 640 : i32
    %mul3A_25 = arith.muli %arg1, %mul3A_24 : i32
    "tpu.region"() ({
      %run_scoped3A = tpu.sem_alloc : memref<!tpu.dma_semaphore, #tpu.memory_space<semaphore_mem>>
      %dma_start3A = arith.constant 0 : i32
      %dma_start3A_26 = tpu.memref_slice %arg5[%arg0, %mul3A_25, %dma_start3A] : memref<2x10240x128xf32, #tpu.memory_space<hbm>> -> memref<1x640x128xf32, #tpu.memory_space<hbm>>
      %dma_start3A_27 = tpu.memref_squeeze %dma_start3A_26 : memref<1x640x128xf32, #tpu.memory_space<hbm>> -> memref<640x128xf32, #tpu.memory_space<hbm>>
      %dma_start3A_28 = arith.constant 0 : i32
      %dma_start3A_29 = tpu.memref_slice %arg6[%mul3A_23, %dma_start3A_28] : memref<10240x128xf32, #tpu.memory_space<vmem_shared>> -> memref<640x128xf32, #tpu.memory_space<vmem_shared>>
      tpu.enqueue_dma source(%dma_start3A_29 : memref<640x128xf32, #tpu.memory_space<vmem_shared>>) target(%dma_start3A_27 : memref<640x128xf32, #tpu.memory_space<hbm>>) target_semaphore(%run_scoped3A : memref<!tpu.dma_semaphore, #tpu.memory_space<semaphore_mem>>)
      %dma_wait3A = arith.constant 0 : i32
      %dma_wait3A_30 = tpu.memref_slice %arg5[%arg0, %mul3A_25, %dma_wait3A] : memref<2x10240x128xf32, #tpu.memory_space<hbm>> -> memref<1x640x128xf32, #tpu.memory_space<hbm>>
      %dma_wait3A_31 = tpu.memref_squeeze %dma_wait3A_30 : memref<1x640x128xf32, #tpu.memory_space<hbm>> -> memref<640x128xf32, #tpu.memory_space<hbm>>
      %dma_wait3A_32 = arith.constant 0 : i32
      %dma_wait3A_33 = tpu.memref_slice %arg6[%mul3A_23, %dma_wait3A_32] : memref<10240x128xf32, #tpu.memory_space<vmem_shared>> -> memref<640x128xf32, #tpu.memory_space<vmem_shared>>
      tpu.wait_dma2 semaphore(%run_scoped3A : memref<!tpu.dma_semaphore, #tpu.memory_space<semaphore_mem>>) src(%dma_wait3A_33 : memref<640x128xf32, #tpu.memory_space<vmem_shared>>) dst(%dma_wait3A_31 : memref<640x128xf32, #tpu.memory_space<hbm>>)
      tpu.yield
    }) : () -> ()
    return
  }
}

#map = affine_map<(d0, d1) -> (0, 0)>
#map1 = affine_map<(d0, d1) -> (0)>
module attributes {stable_mosaic.version = 14 : i64} {
  func.func @body(%arg0: i32, %arg1: i32, %arg2: memref<10240x128xf32, #tpu.memory_space<hbm>>, %arg3: memref<4096xi32, #tpu.memory_space<hbm>>, %arg4: memref<4096x128xf32, #tpu.memory_space<hbm>>, %arg5: memref<128xi32, #tpu.memory_space<vmem>>, %arg6: memref<128x128xf32, #tpu.memory_space<vmem>>, %arg7: memref<!tpu.dma_semaphore, #tpu.memory_space<semaphore_mem>>) attributes {dimension_semantics = [#tpu.dimension_semantics<core_parallel>, #tpu.dimension_semantics<subcore_parallel>], iteration_bounds = array<i64: 2, 16>, scalar_prefetch = 0 : i64, scratch_operands = 3 : i64, tpu.core_type = #tpu.core_type<sc_vector_subcore>, window_params = [{transform_indices = #map}, {transform_indices = #map1}, {transform_indices = #map}]} {
    %mul3A = arith.constant 16 : i32
    %mul3A_0 = arith.muli %arg0, %mul3A : i32
    %add3A = arith.addi %mul3A_0, %arg1 : i32
    %mul3A_1 = arith.constant 128 : i32
    %mul3A_2 = arith.muli %add3A, %mul3A_1 : i32
    "tpu.region"() ({
      %run_scoped3A = tpu.sem_alloc : memref<!tpu.dma_semaphore, #tpu.memory_space<semaphore_mem>>
      %dma_start3A_7 = tpu.memref_slice %arg3[%mul3A_2] : memref<4096xi32, #tpu.memory_space<hbm>> -> memref<128xi32, #tpu.memory_space<hbm>>
      %dma_start3A_8 = tpu.memref_slice %arg3[%mul3A_2] : memref<4096xi32, #tpu.memory_space<hbm>> -> memref<128xi32, #tpu.memory_space<hbm>>
      tpu.enqueue_dma source(%dma_start3A_8 : memref<128xi32, #tpu.memory_space<hbm>>) target(%arg5 : memref<128xi32, #tpu.memory_space<vmem>>) target_semaphore(%run_scoped3A : memref<!tpu.dma_semaphore, #tpu.memory_space<semaphore_mem>>)
      %dma_wait3A_9 = tpu.memref_slice %arg3[%mul3A_2] : memref<4096xi32, #tpu.memory_space<hbm>> -> memref<128xi32, #tpu.memory_space<hbm>>
      %dma_wait3A_10 = tpu.memref_slice %arg3[%mul3A_2] : memref<4096xi32, #tpu.memory_space<hbm>> -> memref<128xi32, #tpu.memory_space<hbm>>
      tpu.wait_dma2 semaphore(%run_scoped3A : memref<!tpu.dma_semaphore, #tpu.memory_space<semaphore_mem>>) src(%dma_wait3A_10 : memref<128xi32, #tpu.memory_space<hbm>>) dst(%arg5 : memref<128xi32, #tpu.memory_space<vmem>>)
      tpu.yield
    }) : () -> ()
    %dma_start3A = arith.constant 0 : i32
    %dma_start3A_3 = arith.constant 0 : i32
    %dma_start3A_4 = tpu.memref_slice %arg2[%dma_start3A, %dma_start3A_3] : memref<10240x128xf32, #tpu.memory_space<hbm>> -> memref<10240x128xf32, #tpu.memory_space<hbm>>
    tpu.enqueue_indirect_dma source(%dma_start3A_4 : memref<10240x128xf32, #tpu.memory_space<hbm>>) target(%arg6 : memref<128x128xf32, #tpu.memory_space<vmem>>) offsets(%arg5 : memref<128xi32, #tpu.memory_space<vmem>>) semaphore(%arg7 : memref<!tpu.dma_semaphore, #tpu.memory_space<semaphore_mem>>)
    %dma_wait3A = arith.constant 0 : i32
    %dma_wait3A_5 = arith.constant 0 : i32
    %dma_wait3A_6 = tpu.memref_slice %arg2[%dma_wait3A, %dma_wait3A_5] : memref<10240x128xf32, #tpu.memory_space<hbm>> -> memref<10240x128xf32, #tpu.memory_space<hbm>>
    tpu.wait_indirect_dma semaphore(%arg7 : memref<!tpu.dma_semaphore, #tpu.memory_space<semaphore_mem>>) src(%dma_wait3A_6 : memref<10240x128xf32, #tpu.memory_space<hbm>>) dst(%arg6 : memref<128x128xf32, #tpu.memory_space<vmem>>)
    "tpu.region"() ({
      %run_scoped3A = tpu.sem_alloc : memref<!tpu.dma_semaphore, #tpu.memory_space<semaphore_mem>>
      %dma_start3A_7 = arith.constant 0 : i32
      %dma_start3A_8 = tpu.memref_slice %arg4[%mul3A_2, %dma_start3A_7] : memref<4096x128xf32, #tpu.memory_space<hbm>> -> memref<128x128xf32, #tpu.memory_space<hbm>>
      %dma_start3A_9 = arith.constant 0 : i32
      %dma_start3A_10 = tpu.memref_slice %arg4[%mul3A_2, %dma_start3A_9] : memref<4096x128xf32, #tpu.memory_space<hbm>> -> memref<128x128xf32, #tpu.memory_space<hbm>>
      tpu.enqueue_dma source(%arg6 : memref<128x128xf32, #tpu.memory_space<vmem>>) target(%dma_start3A_10 : memref<128x128xf32, #tpu.memory_space<hbm>>) target_semaphore(%run_scoped3A : memref<!tpu.dma_semaphore, #tpu.memory_space<semaphore_mem>>)
      %dma_wait3A_11 = arith.constant 0 : i32
      %dma_wait3A_12 = tpu.memref_slice %arg4[%mul3A_2, %dma_wait3A_11] : memref<4096x128xf32, #tpu.memory_space<hbm>> -> memref<128x128xf32, #tpu.memory_space<hbm>>
      %dma_wait3A_13 = arith.constant 0 : i32
      %dma_wait3A_14 = tpu.memref_slice %arg4[%mul3A_2, %dma_wait3A_13] : memref<4096x128xf32, #tpu.memory_space<hbm>> -> memref<128x128xf32, #tpu.memory_space<hbm>>
      tpu.wait_dma2 semaphore(%run_scoped3A : memref<!tpu.dma_semaphore, #tpu.memory_space<semaphore_mem>>) src(%arg6 : memref<128x128xf32, #tpu.memory_space<vmem>>) dst(%dma_wait3A_14 : memref<128x128xf32, #tpu.memory_space<hbm>>)
      tpu.yield
    }) : () -> ()
    return
  }
}

#map = affine_map<(d0, d1) -> (0)>
module attributes {stable_mosaic.version = 14 : i64} {
  func.func @body(%arg0: i32, %arg1: i32, %arg2: memref<4096xi32, #tpu.memory_space<hbm>>, %arg3: memref<4096xi32, #tpu.memory_space<hbm>>, %arg4: memref<4096xi32, #tpu.memory_space<hbm>>, %arg5: memref<3328xi32, #tpu.memory_space<hbm>>, %arg6: memref<4096xi32, #tpu.memory_space<vmem>>, %arg7: memref<4096xi32, #tpu.memory_space<vmem>>, %arg8: memref<4096xi32, #tpu.memory_space<vmem>>, %arg9: memref<3328xi32, #tpu.memory_space<vmem>>) attributes {dimension_semantics = [#tpu.dimension_semantics<core_parallel>, #tpu.dimension_semantics<subcore_parallel>], iteration_bounds = array<i64: 2, 16>, scalar_prefetch = 0 : i64, scratch_operands = 4 : i64, tpu.core_type = #tpu.core_type<sc_vector_subcore>, window_params = [{transform_indices = #map}, {transform_indices = #map}, {transform_indices = #map}, {transform_indices = #map}]} {
    %eq3A = arith.constant 0 : i32
    %eq3A_0 = arith.cmpi eq, %arg0, %eq3A : i32
    %eq3A_1 = arith.constant 0 : i32
    %eq3A_2 = arith.cmpi eq, %arg1, %eq3A_1 : i32
    %and3A = arith.andi %eq3A_0, %eq3A_2 : i1
    %convert_element_type3A = arith.extui %and3A : i1 to i32
    %cond3A = arith.constant 0 : i32
    %cond3A_3 = arith.cmpi ne, %convert_element_type3A, %cond3A : i32
    scf.if %cond3A_3 {
      "tpu.region"() ({
        %run_scoped3A = tpu.sem_alloc : memref<!tpu.dma_semaphore, #tpu.memory_space<semaphore_mem>>
        tpu.enqueue_dma source(%arg2 : memref<4096xi32, #tpu.memory_space<hbm>>) target(%arg6 : memref<4096xi32, #tpu.memory_space<vmem>>) target_semaphore(%run_scoped3A : memref<!tpu.dma_semaphore, #tpu.memory_space<semaphore_mem>>)
        tpu.wait_dma2 semaphore(%run_scoped3A : memref<!tpu.dma_semaphore, #tpu.memory_space<semaphore_mem>>) src(%arg2 : memref<4096xi32, #tpu.memory_space<hbm>>) dst(%arg6 : memref<4096xi32, #tpu.memory_space<vmem>>)
        tpu.yield
      }) : () -> ()
      "tpu.region"() ({
        %run_scoped3A = tpu.sem_alloc : memref<!tpu.dma_semaphore, #tpu.memory_space<semaphore_mem>>
        tpu.enqueue_dma source(%arg3 : memref<4096xi32, #tpu.memory_space<hbm>>) target(%arg7 : memref<4096xi32, #tpu.memory_space<vmem>>) target_semaphore(%run_scoped3A : memref<!tpu.dma_semaphore, #tpu.memory_space<semaphore_mem>>)
        tpu.wait_dma2 semaphore(%run_scoped3A : memref<!tpu.dma_semaphore, #tpu.memory_space<semaphore_mem>>) src(%arg3 : memref<4096xi32, #tpu.memory_space<hbm>>) dst(%arg7 : memref<4096xi32, #tpu.memory_space<vmem>>)
        tpu.yield
      }) : () -> ()
      "tpu.region"() ({
        %run_scoped3A = tpu.sem_alloc : memref<!tpu.dma_semaphore, #tpu.memory_space<semaphore_mem>>
        tpu.enqueue_dma source(%arg4 : memref<4096xi32, #tpu.memory_space<hbm>>) target(%arg8 : memref<4096xi32, #tpu.memory_space<vmem>>) target_semaphore(%run_scoped3A : memref<!tpu.dma_semaphore, #tpu.memory_space<semaphore_mem>>)
        tpu.wait_dma2 semaphore(%run_scoped3A : memref<!tpu.dma_semaphore, #tpu.memory_space<semaphore_mem>>) src(%arg4 : memref<4096xi32, #tpu.memory_space<hbm>>) dst(%arg8 : memref<4096xi32, #tpu.memory_space<vmem>>)
        tpu.yield
      }) : () -> ()
      %scan3A = arith.constant 0 : i32
      %scan3A_4 = arith.constant 0 : i32
      %scan3A_5 = arith.constant 208 : i32
      %scan3A_6 = arith.addi %scan3A_4, %scan3A_5 : i32
      %scan3A_7 = arith.constant 1 : i32
      %scan3A_8 = scf.for %scan3A_17 = %scan3A_4 to %scan3A_6 step %scan3A_7 iter_args(%scan3A_18 = %scan3A) -> (i32)  : i32 {
        %broadcast_in_dim3A = arith.constant 10000 : i32
        %broadcast_in_dim3A_19 = vector.broadcast %broadcast_in_dim3A : i32 to vector<16xi32>
        %mul3A = arith.constant 16 : i32
        %mul3A_20 = arith.muli %scan3A_17, %mul3A : i32
        %swap3A = arith.index_cast %mul3A_20 : i32 to index
        %swap3A_21 = tpu.vector_load %arg9[%swap3A] {strides = array<i32>} : memref<3328xi32, #tpu.memory_space<vmem>>, vector<16xi32>,
        tpu.vector_store %arg9[%swap3A], %broadcast_in_dim3A_19 {strides = array<i32>} : memref<3328xi32, #tpu.memory_space<vmem>>, vector<16xi32>,
        %scan3A_22 = arith.constant 0 : i32
        scf.yield %scan3A_22 : i32
      }
      %scan3A_9 = arith.constant 208 : i32
      %scan3A_10 = arith.constant 0 : i32
      %scan3A_11 = arith.constant 0 : i32
      %scan3A_12 = arith.constant 256 : i32
      %scan3A_13 = arith.addi %scan3A_11, %scan3A_12 : i32
      %scan3A_14 = arith.constant 1 : i32
      %scan3A_15 = scf.for %scan3A_17 = %scan3A_11 to %scan3A_13 step %scan3A_14 iter_args(%scan3A_18 = %scan3A_10) -> (i32)  : i32 {
        %mul3A = arith.constant 16 : i32
        %mul3A_19 = arith.muli %scan3A_17, %mul3A : i32
        %get3A = arith.index_cast %mul3A_19 : i32 to index
        %get3A_20 = tpu.vector_load %arg6[%get3A] {strides = array<i32>} : memref<4096xi32, #tpu.memory_space<vmem>>, vector<16xi32>,
        %mul3A_21 = arith.constant 16 : i32
        %mul3A_22 = arith.muli %scan3A_17, %mul3A_21 : i32
        %get3A_23 = arith.index_cast %mul3A_22 : i32 to index
        %get3A_24 = tpu.vector_load %arg7[%get3A_23] {strides = array<i32>} : memref<4096xi32, #tpu.memory_space<vmem>>, vector<16xi32>,
        %mul3A_25 = arith.constant 16 : i32
        %mul3A_26 = arith.muli %scan3A_17, %mul3A_25 : i32
        %get3A_27 = arith.index_cast %mul3A_26 : i32 to index
        %get3A_28 = tpu.vector_load %arg8[%get3A_27] {strides = array<i32>} : memref<4096xi32, #tpu.memory_space<vmem>>, vector<16xi32>,
        %lt3A = arith.constant 32 : i32
        %lt3A_29 = vector.broadcast %lt3A : i32 to vector<16xi32>
        %lt3A_30 = arith.cmpi slt, %get3A_24, %lt3A_29 : vector<16xi32>
        %lt3A_31 = arith.constant 100 : i32
        %lt3A_32 = vector.broadcast %lt3A_31 : i32 to vector<16xi32>
        %lt3A_33 = arith.cmpi slt, %get3A_20, %lt3A_32 : vector<16xi32>
        %and3A_34 = arith.andi %lt3A_30, %lt3A_33 : vector<16xi1>
        %mul3A_35 = arith.constant 100 : i32
        %mul3A_36 = vector.broadcast %mul3A_35 : i32 to vector<16xi32>
        %mul3A_37 = arith.muli %get3A_24, %mul3A_36 : vector<16xi32>
        %add3A = arith.addi %mul3A_37, %get3A_20 : vector<16xi32>
        %jit3A = arith.constant 3327 : i32
        %broadcast_in_dim3A = vector.broadcast %jit3A : i32 to vector<16xi32>
        %select_n3A = arith.select %and3A_34, %add3A, %broadcast_in_dim3A : vector<16xi1>, vector<16xi32>
        %jit3A_38 = arith.constant 10000 : i32
        %broadcast_in_dim3A_39 = vector.broadcast %jit3A_38 : i32 to vector<16xi32>
        %select_n3A_40 = arith.select %and3A_34, %get3A_28, %broadcast_in_dim3A_39 : vector<16xi1>, vector<16xi32>
        tpu.vector_store_idx %arg9[%select_n3A], %select_n3A_40 : memref<3328xi32, #tpu.memory_space<vmem>>[vector<16xi32>], vector<16xi32>,
        %scan3A_41 = arith.constant 0 : i32
        scf.yield %scan3A_41 : i32
      }
      %scan3A_16 = arith.constant 256 : i32
      "tpu.region"() ({
        %run_scoped3A = tpu.sem_alloc : memref<!tpu.dma_semaphore, #tpu.memory_space<semaphore_mem>>
        tpu.enqueue_dma source(%arg9 : memref<3328xi32, #tpu.memory_space<vmem>>) target(%arg5 : memref<3328xi32, #tpu.memory_space<hbm>>) target_semaphore(%run_scoped3A : memref<!tpu.dma_semaphore, #tpu.memory_space<semaphore_mem>>)
        tpu.wait_dma2 semaphore(%run_scoped3A : memref<!tpu.dma_semaphore, #tpu.memory_space<semaphore_mem>>) src(%arg9 : memref<3328xi32, #tpu.memory_space<vmem>>) dst(%arg5 : memref<3328xi32, #tpu.memory_space<hbm>>)
        tpu.yield
      }) : () -> ()
    } else {
    }
    return
  }
}

#map = affine_map<(d0, d1) -> (0, 0)>
#map1 = affine_map<(d0, d1) -> (0)>
module attributes {stable_mosaic.version = 14 : i64} {
  func.func @body(%arg0: i32, %arg1: i32, %arg2: memref<10240x128xf32, #tpu.memory_space<hbm>>, %arg3: memref<3328xi32, #tpu.memory_space<hbm>>, %arg4: memref<3328x128xf32, #tpu.memory_space<hbm>>, %arg5: memref<104xi32, #tpu.memory_space<vmem>>, %arg6: memref<104x128xf32, #tpu.memory_space<vmem>>, %arg7: memref<!tpu.dma_semaphore, #tpu.memory_space<semaphore_mem>>) attributes {dimension_semantics = [#tpu.dimension_semantics<core_parallel>, #tpu.dimension_semantics<subcore_parallel>], iteration_bounds = array<i64: 2, 16>, scalar_prefetch = 0 : i64, scratch_operands = 3 : i64, tpu.core_type = #tpu.core_type<sc_vector_subcore>, window_params = [{transform_indices = #map}, {transform_indices = #map1}, {transform_indices = #map}]} {
    %mul3A = arith.constant 16 : i32
    %mul3A_0 = arith.muli %arg0, %mul3A : i32
    %add3A = arith.addi %mul3A_0, %arg1 : i32
    %mul3A_1 = arith.constant 104 : i32
    %mul3A_2 = arith.muli %add3A, %mul3A_1 : i32
    "tpu.region"() ({
      %run_scoped3A = tpu.sem_alloc : memref<!tpu.dma_semaphore, #tpu.memory_space<semaphore_mem>>
      %dma_start3A_7 = tpu.memref_slice %arg3[%mul3A_2] : memref<3328xi32, #tpu.memory_space<hbm>> -> memref<104xi32, #tpu.memory_space<hbm>>
      %dma_start3A_8 = tpu.memref_slice %arg3[%mul3A_2] : memref<3328xi32, #tpu.memory_space<hbm>> -> memref<104xi32, #tpu.memory_space<hbm>>
      tpu.enqueue_dma source(%dma_start3A_8 : memref<104xi32, #tpu.memory_space<hbm>>) target(%arg5 : memref<104xi32, #tpu.memory_space<vmem>>) target_semaphore(%run_scoped3A : memref<!tpu.dma_semaphore, #tpu.memory_space<semaphore_mem>>)
      %dma_wait3A_9 = tpu.memref_slice %arg3[%mul3A_2] : memref<3328xi32, #tpu.memory_space<hbm>> -> memref<104xi32, #tpu.memory_space<hbm>>
      %dma_wait3A_10 = tpu.memref_slice %arg3[%mul3A_2] : memref<3328xi32, #tpu.memory_space<hbm>> -> memref<104xi32, #tpu.memory_space<hbm>>
      tpu.wait_dma2 semaphore(%run_scoped3A : memref<!tpu.dma_semaphore, #tpu.memory_space<semaphore_mem>>) src(%dma_wait3A_10 : memref<104xi32, #tpu.memory_space<hbm>>) dst(%arg5 : memref<104xi32, #tpu.memory_space<vmem>>)
      tpu.yield
    }) : () -> ()
    %dma_start3A = arith.constant 0 : i32
    %dma_start3A_3 = arith.constant 0 : i32
    %dma_start3A_4 = tpu.memref_slice %arg2[%dma_start3A, %dma_start3A_3] : memref<10240x128xf32, #tpu.memory_space<hbm>> -> memref<10240x128xf32, #tpu.memory_space<hbm>>
    tpu.enqueue_indirect_dma source(%dma_start3A_4 : memref<10240x128xf32, #tpu.memory_space<hbm>>) target(%arg6 : memref<104x128xf32, #tpu.memory_space<vmem>>) offsets(%arg5 : memref<104xi32, #tpu.memory_space<vmem>>) semaphore(%arg7 : memref<!tpu.dma_semaphore, #tpu.memory_space<semaphore_mem>>)
    %dma_wait3A = arith.constant 0 : i32
    %dma_wait3A_5 = arith.constant 0 : i32
    %dma_wait3A_6 = tpu.memref_slice %arg2[%dma_wait3A, %dma_wait3A_5] : memref<10240x128xf32, #tpu.memory_space<hbm>> -> memref<10240x128xf32, #tpu.memory_space<hbm>>
    tpu.wait_indirect_dma semaphore(%arg7 : memref<!tpu.dma_semaphore, #tpu.memory_space<semaphore_mem>>) src(%dma_wait3A_6 : memref<10240x128xf32, #tpu.memory_space<hbm>>) dst(%arg6 : memref<104x128xf32, #tpu.memory_space<vmem>>)
    "tpu.region"() ({
      %run_scoped3A = tpu.sem_alloc : memref<!tpu.dma_semaphore, #tpu.memory_space<semaphore_mem>>
      %dma_start3A_7 = arith.constant 0 : i32
      %dma_start3A_8 = tpu.memref_slice %arg4[%mul3A_2, %dma_start3A_7] : memref<3328x128xf32, #tpu.memory_space<hbm>> -> memref<104x128xf32, #tpu.memory_space<hbm>>
      %dma_start3A_9 = arith.constant 0 : i32
      %dma_start3A_10 = tpu.memref_slice %arg4[%mul3A_2, %dma_start3A_9] : memref<3328x128xf32, #tpu.memory_space<hbm>> -> memref<104x128xf32, #tpu.memory_space<hbm>>
      tpu.enqueue_dma source(%arg6 : memref<104x128xf32, #tpu.memory_space<vmem>>) target(%dma_start3A_10 : memref<104x128xf32, #tpu.memory_space<hbm>>) target_semaphore(%run_scoped3A : memref<!tpu.dma_semaphore, #tpu.memory_space<semaphore_mem>>)
      %dma_wait3A_11 = arith.constant 0 : i32
      %dma_wait3A_12 = tpu.memref_slice %arg4[%mul3A_2, %dma_wait3A_11] : memref<3328x128xf32, #tpu.memory_space<hbm>> -> memref<104x128xf32, #tpu.memory_space<hbm>>
      %dma_wait3A_13 = arith.constant 0 : i32
      %dma_wait3A_14 = tpu.memref_slice %arg4[%mul3A_2, %dma_wait3A_13] : memref<3328x128xf32, #tpu.memory_space<hbm>> -> memref<104x128xf32, #tpu.memory_space<hbm>>
      tpu.wait_dma2 semaphore(%run_scoped3A : memref<!tpu.dma_semaphore, #tpu.memory_space<semaphore_mem>>) src(%arg6 : memref<104x128xf32, #tpu.memory_space<vmem>>) dst(%dma_wait3A_14 : memref<104x128xf32, #tpu.memory_space<hbm>>)
      tpu.yield
    }) : () -> ()
    return
  }
}

module attributes {stable_mosaic.version = 14 : i64} {
  func.func @body(%arg0: i32, %arg1: memref<1024x128xf32, #tpu.memory_space<vmem>>, %arg2: memref<128x128xf32, #tpu.memory_space<vmem>>, %arg3: memref<2x1024x1xf32, #tpu.memory_space<vmem>>, %arg4: memref<1024x128xf32, #tpu.memory_space<vmem>>) attributes {dimension_semantics = [#tpu.dimension_semantics<arbitrary>], iteration_bounds = array<i64: 10>, scalar_prefetch = 0 : i64, scratch_operands = 0 : i64, tpu.core_type = #tpu.core_type<tc>, window_params = [{transform_indices = @transform_0, window_bounds = array<i64: 1024, 128>}, {pipeline_mode = #tpu.pipeline_mode<synchronous>, transform_indices = @transform_1, window_bounds = array<i64: 128, 128>}, {transform_indices = @transform_2, window_bounds = array<i64: 2, 1024, 1>}, {transform_indices = @transform_3, window_bounds = array<i64: 1024, 128>}]} {
    %get3A = arith.constant 0 : index
    %get3A_0 = arith.constant 0 : index
    %get3A_1 = arith.constant 0 : index
    %get3A_2 = vector.load %arg3[%get3A, %get3A_0, %get3A_1] : memref<2x1024x1xf32, #tpu.memory_space<vmem>>, vector<1x1024x1xf32>
    %get3A_3 = vector.shape_cast %get3A_2 : vector<1x1024x1xf32> to vector<1024x1xf32>
    %get3A_4 = arith.constant 1 : index
    %get3A_5 = arith.constant 0 : index
    %get3A_6 = arith.constant 0 : index
    %get3A_7 = vector.load %arg3[%get3A_4, %get3A_5, %get3A_6] : memref<2x1024x1xf32, #tpu.memory_space<vmem>>, vector<1x1024x1xf32>
    %get3A_8 = vector.shape_cast %get3A_7 : vector<1x1024x1xf32> to vector<1024x1xf32>
    %add3A = arith.addf %get3A_3, %get3A_8 : vector<1024x1xf32>
    %add3A_9 = arith.constant 1.000000e+00 : f32
    %add3A_10 = vector.broadcast %add3A_9 : f32 to vector<1024x1xf32>
    %add3A_11 = arith.addf %add3A, %add3A_10 : vector<1024x1xf32>
    %rsqrt3A = math.rsqrt %add3A_11 : vector<1024x1xf32>
    %get3A_12 = arith.constant 0 : index
    %get3A_13 = arith.constant 0 : index
    %get3A_14 = vector.load %arg1[%get3A_12, %get3A_13] : memref<1024x128xf32, #tpu.memory_space<vmem>>, vector<1024x128xf32>
    %get3A_15 = arith.constant 0 : index
    %get3A_16 = arith.constant 0 : index
    %get3A_17 = vector.load %arg2[%get3A_15, %get3A_16] : memref<128x128xf32, #tpu.memory_space<vmem>>, vector<128x128xf32>
    %dot_general3A = arith.constant dense<0.000000e+00> : vector<1024x128xf32>
    %dot_general3A_18 = tpu.matmul %get3A_14, %get3A_17, %dot_general3A {dimension_numbers = #tpu.dot_dimension_numbers<[1], [0], [0], [1], [0, 0, 1, 1], [], []>, precision = #tpu.contract_precision<fp32>, transpose_lhs_hint = false} : vector<1024x128xf32>, vector<128x128xf32>, vector<1024x128xf32> -> vector<1024x128xf32>
    %mul3A = vector.broadcast %rsqrt3A : vector<1024x1xf32> to vector<1024x128xf32>
    %mul3A_19 = arith.mulf %mul3A, %dot_general3A_18 : vector<1024x128xf32>
    %swap3A = arith.constant 0 : index
    %swap3A_20 = arith.constant 0 : index
    %swap3A_21 = vector.load %arg4[%swap3A, %swap3A_20] : memref<1024x128xf32, #tpu.memory_space<vmem>>, vector<1024x128xf32>
    tpu.vector_store %arg4[%swap3A, %swap3A_20], %mul3A_19 {strides = array<i32>} : memref<1024x128xf32, #tpu.memory_space<vmem>>, vector<1024x128xf32>,
    return
  }
  func.func @transform_0(%arg0: i32) -> (i32, i32) {
    %c0_i32 = arith.constant 0 : i32
    %c0_i32_0 = arith.constant 0 : i32
    return %arg0, %c0_i32 : i32, i32
  }
  func.func @transform_1(%arg0: i32) -> (i32, i32) {
    %c0_i32 = arith.constant 0 : i32
    %c0_i32_0 = arith.constant 0 : i32
    %c0_i32_1 = arith.constant 0 : i32
    return %c0_i32, %c0_i32_0 : i32, i32
  }
  func.func @transform_2(%arg0: i32) -> (i32, i32, i32) {
    %c0_i32 = arith.constant 0 : i32
    %c0_i32_0 = arith.constant 0 : i32
    %c0_i32_1 = arith.constant 0 : i32
    return %c0_i32, %arg0, %c0_i32_0 : i32, i32, i32
  }
  func.func @transform_3(%arg0: i32) -> (i32, i32) {
    %c0_i32 = arith.constant 0 : i32
    %c0_i32_0 = arith.constant 0 : i32
    return %arg0, %c0_i32 : i32, i32
  }
}

module attributes {stable_mosaic.version = 14 : i64} {
  func.func @body(%arg0: i32, %arg1: memref<2x1024x128xf32, #tpu.memory_space<vmem>>, %arg2: memref<1024x128xf32, #tpu.memory_space<vmem>>, %arg3: memref<2x1024x1xf32, #tpu.memory_space<vmem>>, %arg4: memref<1x128xf32, #tpu.memory_space<vmem>>, %arg5: memref<128x128xf32, #tpu.memory_space<vmem>>, %arg6: memref<1024x128xf32, #tpu.memory_space<vmem>>, %arg7: memref<1024x128xf32, #tpu.memory_space<vmem>>) attributes {dimension_semantics = [#tpu.dimension_semantics<arbitrary>], iteration_bounds = array<i64: 10>, scalar_prefetch = 0 : i64, scratch_operands = 0 : i64, tpu.core_type = #tpu.core_type<tc>, window_params = [{transform_indices = @transform_0, window_bounds = array<i64: 2, 1024, 128>}, {transform_indices = @transform_1, window_bounds = array<i64: 1024, 128>}, {transform_indices = @transform_2, window_bounds = array<i64: 2, 1024, 1>}, {pipeline_mode = #tpu.pipeline_mode<synchronous>, transform_indices = @transform_3, window_bounds = array<i64: 1, 128>}, {pipeline_mode = #tpu.pipeline_mode<synchronous>, transform_indices = @transform_4, window_bounds = array<i64: 128, 128>}, {transform_indices = @transform_5, window_bounds = array<i64: 1024, 128>}, {transform_indices = @transform_6, window_bounds = array<i64: 1024, 128>}]} {
    %get3A = arith.constant 0 : index
    %get3A_0 = arith.constant 0 : index
    %get3A_1 = arith.constant 0 : index
    %get3A_2 = vector.load %arg3[%get3A, %get3A_0, %get3A_1] : memref<2x1024x1xf32, #tpu.memory_space<vmem>>, vector<1x1024x1xf32>
    %get3A_3 = vector.shape_cast %get3A_2 : vector<1x1024x1xf32> to vector<1024x1xf32>
    %get3A_4 = arith.constant 1 : index
    %get3A_5 = arith.constant 0 : index
    %get3A_6 = arith.constant 0 : index
    %get3A_7 = vector.load %arg3[%get3A_4, %get3A_5, %get3A_6] : memref<2x1024x1xf32, #tpu.memory_space<vmem>>, vector<1x1024x1xf32>
    %get3A_8 = vector.shape_cast %get3A_7 : vector<1x1024x1xf32> to vector<1024x1xf32>
    %add3A = arith.addf %get3A_3, %get3A_8 : vector<1024x1xf32>
    %add3A_9 = arith.constant 1.000000e+00 : f32
    %add3A_10 = vector.broadcast %add3A_9 : f32 to vector<1024x1xf32>
    %add3A_11 = arith.addf %add3A, %add3A_10 : vector<1024x1xf32>
    %rsqrt3A = math.rsqrt %add3A_11 : vector<1024x1xf32>
    %get3A_12 = arith.constant 0 : index
    %get3A_13 = arith.constant 0 : index
    %get3A_14 = arith.constant 0 : index
    %get3A_15 = vector.load %arg1[%get3A_12, %get3A_13, %get3A_14] : memref<2x1024x128xf32, #tpu.memory_space<vmem>>, vector<1x1024x128xf32>
    %get3A_16 = vector.shape_cast %get3A_15 : vector<1x1024x128xf32> to vector<1024x128xf32>
    %get3A_17 = arith.constant 1 : index
    %get3A_18 = arith.constant 0 : index
    %get3A_19 = arith.constant 0 : index
    %get3A_20 = vector.load %arg1[%get3A_17, %get3A_18, %get3A_19] : memref<2x1024x128xf32, #tpu.memory_space<vmem>>, vector<1x1024x128xf32>
    %get3A_21 = vector.shape_cast %get3A_20 : vector<1x1024x128xf32> to vector<1024x128xf32>
    %add3A_22 = arith.addf %get3A_16, %get3A_21 : vector<1024x128xf32>
    %get3A_23 = arith.constant 0 : index
    %get3A_24 = arith.constant 0 : index
    %get3A_25 = vector.load %arg2[%get3A_23, %get3A_24] : memref<1024x128xf32, #tpu.memory_space<vmem>>, vector<1024x128xf32>
    %add3A_26 = arith.addf %add3A_22, %get3A_25 : vector<1024x128xf32>
    %mul3A = vector.broadcast %rsqrt3A : vector<1024x1xf32> to vector<1024x128xf32>
    %mul3A_27 = arith.mulf %mul3A, %add3A_26 : vector<1024x128xf32>
    %get3A_28 = arith.constant 0 : index
    %get3A_29 = arith.constant 0 : index
    %get3A_30 = vector.load %arg4[%get3A_28, %get3A_29] : memref<1x128xf32, #tpu.memory_space<vmem>>, vector<1x128xf32>
    %add3A_31 = vector.broadcast %get3A_30 : vector<1x128xf32> to vector<1024x128xf32>
    %add3A_32 = arith.addf %mul3A_27, %add3A_31 : vector<1024x128xf32>
    %tanh3A = math.tanh %add3A_32 : vector<1024x128xf32>
    %mul3A_33 = arith.constant 1024 : i32
    %mul3A_34 = arith.muli %arg0, %mul3A_33 : i32
    %iota3A = tpu.iota {dimensions = array<i32: 0>} : vector<1024x1xi32>
    %add3A_35 = vector.broadcast %mul3A_34 : i32 to vector<1024x1xi32>
    %add3A_36 = arith.addi %add3A_35, %iota3A : vector<1024x1xi32>
    %lt3A = arith.constant 10000 : i32
    %lt3A_37 = vector.broadcast %lt3A : i32 to vector<1024x1xi32>
    %lt3A_38 = arith.cmpi slt, %add3A_36, %lt3A_37 : vector<1024x1xi32>
    %jit3A = arith.constant 0.000000e+00 : f32
    %broadcast_in_dim3A = vector.shape_cast %lt3A_38 : vector<1024x1xi1> to vector<1024x1xi1>
    %broadcast_in_dim3A_39 = vector.broadcast %broadcast_in_dim3A : vector<1024x1xi1> to vector<1024x128xi1>
    %broadcast_in_dim3A_40 = vector.broadcast %jit3A : f32 to vector<1024x128xf32>
    %select_n3A = arith.select %broadcast_in_dim3A_39, %tanh3A, %broadcast_in_dim3A_40 : vector<1024x128xi1>, vector<1024x128xf32>
    %swap3A = arith.constant 0 : index
    %swap3A_41 = arith.constant 0 : index
    %swap3A_42 = vector.load %arg6[%swap3A, %swap3A_41] : memref<1024x128xf32, #tpu.memory_space<vmem>>, vector<1024x128xf32>
    tpu.vector_store %arg6[%swap3A, %swap3A_41], %select_n3A {strides = array<i32>} : memref<1024x128xf32, #tpu.memory_space<vmem>>, vector<1024x128xf32>,
    %get3A_43 = arith.constant 0 : index
    %get3A_44 = arith.constant 0 : index
    %get3A_45 = vector.load %arg5[%get3A_43, %get3A_44] : memref<128x128xf32, #tpu.memory_space<vmem>>, vector<128x128xf32>
    %dot_general3A = arith.constant dense<0.000000e+00> : vector<1024x128xf32>
    %dot_general3A_46 = tpu.matmul %select_n3A, %get3A_45, %dot_general3A {dimension_numbers = #tpu.dot_dimension_numbers<[1], [0], [0], [1], [0, 0, 1, 1], [], []>, precision = #tpu.contract_precision<fp32>, transpose_lhs_hint = false} : vector<1024x128xf32>, vector<128x128xf32>, vector<1024x128xf32> -> vector<1024x128xf32>
    %mul3A_47 = vector.broadcast %rsqrt3A : vector<1024x1xf32> to vector<1024x128xf32>
    %mul3A_48 = arith.mulf %mul3A_47, %dot_general3A_46 : vector<1024x128xf32>
    %swap3A_49 = arith.constant 0 : index
    %swap3A_50 = arith.constant 0 : index
    %swap3A_51 = vector.load %arg7[%swap3A_49, %swap3A_50] : memref<1024x128xf32, #tpu.memory_space<vmem>>, vector<1024x128xf32>
    tpu.vector_store %arg7[%swap3A_49, %swap3A_50], %mul3A_48 {strides = array<i32>} : memref<1024x128xf32, #tpu.memory_space<vmem>>, vector<1024x128xf32>,
    return
  }
  func.func @transform_0(%arg0: i32) -> (i32, i32, i32) {
    %c0_i32 = arith.constant 0 : i32
    %c0_i32_0 = arith.constant 0 : i32
    %c0_i32_1 = arith.constant 0 : i32
    return %c0_i32, %arg0, %c0_i32_0 : i32, i32, i32
  }
  func.func @transform_1(%arg0: i32) -> (i32, i32) {
    %c0_i32 = arith.constant 0 : i32
    %c0_i32_0 = arith.constant 0 : i32
    return %arg0, %c0_i32 : i32, i32
  }
  func.func @transform_2(%arg0: i32) -> (i32, i32, i32) {
    %c0_i32 = arith.constant 0 : i32
    %c0_i32_0 = arith.constant 0 : i32
    %c0_i32_1 = arith.constant 0 : i32
    return %c0_i32, %arg0, %c0_i32_0 : i32, i32, i32
  }
  func.func @transform_3(%arg0: i32) -> (i32, i32) {
    %c0_i32 = arith.constant 0 : i32
    %c0_i32_0 = arith.constant 0 : i32
    %c0_i32_1 = arith.constant 0 : i32
    return %c0_i32, %c0_i32_0 : i32, i32
  }
  func.func @transform_4(%arg0: i32) -> (i32, i32) {
    %c0_i32 = arith.constant 0 : i32
    %c0_i32_0 = arith.constant 0 : i32
    %c0_i32_1 = arith.constant 0 : i32
    return %c0_i32, %c0_i32_0 : i32, i32
  }
  func.func @transform_5(%arg0: i32) -> (i32, i32) {
    %c0_i32 = arith.constant 0 : i32
    %c0_i32_0 = arith.constant 0 : i32
    return %arg0, %c0_i32 : i32, i32
  }
  func.func @transform_6(%arg0: i32) -> (i32, i32) {
    %c0_i32 = arith.constant 0 : i32
    %c0_i32_0 = arith.constant 0 : i32
    return %arg0, %c0_i32 : i32, i32
  }
}

module attributes {stable_mosaic.version = 14 : i64} {
  func.func @body(%arg0: i32, %arg1: memref<2x1024x128xf32, #tpu.memory_space<vmem>>, %arg2: memref<1024x128xf32, #tpu.memory_space<vmem>>, %arg3: memref<2x1024x1xf32, #tpu.memory_space<vmem>>, %arg4: memref<1x128xf32, #tpu.memory_space<vmem>>, %arg5: memref<128x1xf32, #tpu.memory_space<vmem>>, %arg6: memref<1024x128xf32, #tpu.memory_space<vmem>>, %arg7: memref<1024x128xf32, #tpu.memory_space<vmem>>) attributes {dimension_semantics = [#tpu.dimension_semantics<arbitrary>], iteration_bounds = array<i64: 10>, scalar_prefetch = 0 : i64, scratch_operands = 0 : i64, tpu.core_type = #tpu.core_type<tc>, window_params = [{transform_indices = @transform_0, window_bounds = array<i64: 2, 1024, 128>}, {transform_indices = @transform_1, window_bounds = array<i64: 1024, 128>}, {transform_indices = @transform_2, window_bounds = array<i64: 2, 1024, 1>}, {pipeline_mode = #tpu.pipeline_mode<synchronous>, transform_indices = @transform_3, window_bounds = array<i64: 1, 128>}, {pipeline_mode = #tpu.pipeline_mode<synchronous>, transform_indices = @transform_4, window_bounds = array<i64: 128, 1>}, {transform_indices = @transform_5, window_bounds = array<i64: 1024, 128>}, {transform_indices = @transform_6, window_bounds = array<i64: 1024, 128>}]} {
    %get3A = arith.constant 0 : index
    %get3A_0 = arith.constant 0 : index
    %get3A_1 = arith.constant 0 : index
    %get3A_2 = vector.load %arg3[%get3A, %get3A_0, %get3A_1] : memref<2x1024x1xf32, #tpu.memory_space<vmem>>, vector<1x1024x1xf32>
    %get3A_3 = vector.shape_cast %get3A_2 : vector<1x1024x1xf32> to vector<1024x1xf32>
    %get3A_4 = arith.constant 1 : index
    %get3A_5 = arith.constant 0 : index
    %get3A_6 = arith.constant 0 : index
    %get3A_7 = vector.load %arg3[%get3A_4, %get3A_5, %get3A_6] : memref<2x1024x1xf32, #tpu.memory_space<vmem>>, vector<1x1024x1xf32>
    %get3A_8 = vector.shape_cast %get3A_7 : vector<1x1024x1xf32> to vector<1024x1xf32>
    %add3A = arith.addf %get3A_3, %get3A_8 : vector<1024x1xf32>
    %add3A_9 = arith.constant 1.000000e+00 : f32
    %add3A_10 = vector.broadcast %add3A_9 : f32 to vector<1024x1xf32>
    %add3A_11 = arith.addf %add3A, %add3A_10 : vector<1024x1xf32>
    %rsqrt3A = math.rsqrt %add3A_11 : vector<1024x1xf32>
    %get3A_12 = arith.constant 0 : index
    %get3A_13 = arith.constant 0 : index
    %get3A_14 = arith.constant 0 : index
    %get3A_15 = vector.load %arg1[%get3A_12, %get3A_13, %get3A_14] : memref<2x1024x128xf32, #tpu.memory_space<vmem>>, vector<1x1024x128xf32>
    %get3A_16 = vector.shape_cast %get3A_15 : vector<1x1024x128xf32> to vector<1024x128xf32>
    %get3A_17 = arith.constant 1 : index
    %get3A_18 = arith.constant 0 : index
    %get3A_19 = arith.constant 0 : index
    %get3A_20 = vector.load %arg1[%get3A_17, %get3A_18, %get3A_19] : memref<2x1024x128xf32, #tpu.memory_space<vmem>>, vector<1x1024x128xf32>
    %get3A_21 = vector.shape_cast %get3A_20 : vector<1x1024x128xf32> to vector<1024x128xf32>
    %add3A_22 = arith.addf %get3A_16, %get3A_21 : vector<1024x128xf32>
    %get3A_23 = arith.constant 0 : index
    %get3A_24 = arith.constant 0 : index
    %get3A_25 = vector.load %arg2[%get3A_23, %get3A_24] : memref<1024x128xf32, #tpu.memory_space<vmem>>, vector<1024x128xf32>
    %add3A_26 = arith.addf %add3A_22, %get3A_25 : vector<1024x128xf32>
    %mul3A = vector.broadcast %rsqrt3A : vector<1024x1xf32> to vector<1024x128xf32>
    %mul3A_27 = arith.mulf %mul3A, %add3A_26 : vector<1024x128xf32>
    %get3A_28 = arith.constant 0 : index
    %get3A_29 = arith.constant 0 : index
    %get3A_30 = vector.load %arg4[%get3A_28, %get3A_29] : memref<1x128xf32, #tpu.memory_space<vmem>>, vector<1x128xf32>
    %add3A_31 = vector.broadcast %get3A_30 : vector<1x128xf32> to vector<1024x128xf32>
    %add3A_32 = arith.addf %mul3A_27, %add3A_31 : vector<1024x128xf32>
    %tanh3A = math.tanh %add3A_32 : vector<1024x128xf32>
    %mul3A_33 = arith.constant 1024 : i32
    %mul3A_34 = arith.muli %arg0, %mul3A_33 : i32
    %iota3A = tpu.iota {dimensions = array<i32: 0>} : vector<1024x1xi32>
    %add3A_35 = vector.broadcast %mul3A_34 : i32 to vector<1024x1xi32>
    %add3A_36 = arith.addi %add3A_35, %iota3A : vector<1024x1xi32>
    %lt3A = arith.constant 10000 : i32
    %lt3A_37 = vector.broadcast %lt3A : i32 to vector<1024x1xi32>
    %lt3A_38 = arith.cmpi slt, %add3A_36, %lt3A_37 : vector<1024x1xi32>
    %jit3A = arith.constant 0.000000e+00 : f32
    %broadcast_in_dim3A = vector.shape_cast %lt3A_38 : vector<1024x1xi1> to vector<1024x1xi1>
    %broadcast_in_dim3A_39 = vector.broadcast %broadcast_in_dim3A : vector<1024x1xi1> to vector<1024x128xi1>
    %broadcast_in_dim3A_40 = vector.broadcast %jit3A : f32 to vector<1024x128xf32>
    %select_n3A = arith.select %broadcast_in_dim3A_39, %tanh3A, %broadcast_in_dim3A_40 : vector<1024x128xi1>, vector<1024x128xf32>
    %swap3A = arith.constant 0 : index
    %swap3A_41 = arith.constant 0 : index
    %swap3A_42 = vector.load %arg6[%swap3A, %swap3A_41] : memref<1024x128xf32, #tpu.memory_space<vmem>>, vector<1024x128xf32>
    tpu.vector_store %arg6[%swap3A, %swap3A_41], %select_n3A {strides = array<i32>} : memref<1024x128xf32, #tpu.memory_space<vmem>>, vector<1024x128xf32>,
    %get3A_43 = arith.constant 0 : index
    %get3A_44 = arith.constant 0 : index
    %get3A_45 = vector.load %arg5[%get3A_43, %get3A_44] : memref<128x1xf32, #tpu.memory_space<vmem>>, vector<128x1xf32>
    %dot_general3A = arith.constant dense<0.000000e+00> : vector<1024x1xf32>
    %dot_general3A_46 = tpu.matmul %select_n3A, %get3A_45, %dot_general3A {dimension_numbers = #tpu.dot_dimension_numbers<[1], [0], [0], [1], [0, 0, 1, 1], [], []>, precision = #tpu.contract_precision<fp32>, transpose_lhs_hint = false} : vector<1024x128xf32>, vector<128x1xf32>, vector<1024x1xf32> -> vector<1024x1xf32>
    %broadcast_in_dim3A_47 = vector.shape_cast %dot_general3A_46 : vector<1024x1xf32> to vector<1024x1xf32>
    %broadcast_in_dim3A_48 = vector.broadcast %broadcast_in_dim3A_47 : vector<1024x1xf32> to vector<1024x128xf32>
    %mul3A_49 = vector.broadcast %rsqrt3A : vector<1024x1xf32> to vector<1024x128xf32>
    %mul3A_50 = arith.mulf %mul3A_49, %broadcast_in_dim3A_48 : vector<1024x128xf32>
    %swap3A_51 = arith.constant 0 : index
    %swap3A_52 = arith.constant 0 : index
    %swap3A_53 = vector.load %arg7[%swap3A_51, %swap3A_52] : memref<1024x128xf32, #tpu.memory_space<vmem>>, vector<1024x128xf32>
    tpu.vector_store %arg7[%swap3A_51, %swap3A_52], %mul3A_50 {strides = array<i32>} : memref<1024x128xf32, #tpu.memory_space<vmem>>, vector<1024x128xf32>,
    return
  }
  func.func @transform_0(%arg0: i32) -> (i32, i32, i32) {
    %c0_i32 = arith.constant 0 : i32
    %c0_i32_0 = arith.constant 0 : i32
    %c0_i32_1 = arith.constant 0 : i32
    return %c0_i32, %arg0, %c0_i32_0 : i32, i32, i32
  }
  func.func @transform_1(%arg0: i32) -> (i32, i32) {
    %c0_i32 = arith.constant 0 : i32
    %c0_i32_0 = arith.constant 0 : i32
    return %arg0, %c0_i32 : i32, i32
  }
  func.func @transform_2(%arg0: i32) -> (i32, i32, i32) {
    %c0_i32 = arith.constant 0 : i32
    %c0_i32_0 = arith.constant 0 : i32
    %c0_i32_1 = arith.constant 0 : i32
    return %c0_i32, %arg0, %c0_i32_0 : i32, i32, i32
  }
  func.func @transform_3(%arg0: i32) -> (i32, i32) {
    %c0_i32 = arith.constant 0 : i32
    %c0_i32_0 = arith.constant 0 : i32
    %c0_i32_1 = arith.constant 0 : i32
    return %c0_i32, %c0_i32_0 : i32, i32
  }
  func.func @transform_4(%arg0: i32) -> (i32, i32) {
    %c0_i32 = arith.constant 0 : i32
    %c0_i32_0 = arith.constant 0 : i32
    %c0_i32_1 = arith.constant 0 : i32
    return %c0_i32, %c0_i32_0 : i32, i32
  }
  func.func @transform_5(%arg0: i32) -> (i32, i32) {
    %c0_i32 = arith.constant 0 : i32
    %c0_i32_0 = arith.constant 0 : i32
    return %arg0, %c0_i32 : i32, i32
  }
  func.func @transform_6(%arg0: i32) -> (i32, i32) {
    %c0_i32 = arith.constant 0 : i32
    %c0_i32_0 = arith.constant 0 : i32
    return %arg0, %c0_i32 : i32, i32
  }
}

module attributes {stable_mosaic.version = 14 : i64} {
  func.func @body(%arg0: i32, %arg1: memref<2x1024x1xf32, #tpu.memory_space<vmem>>, %arg2: memref<1024x1xf32, #tpu.memory_space<vmem>>, %arg3: memref<2x1024x1xf32, #tpu.memory_space<vmem>>, %arg4: memref<1x1xf32, #tpu.memory_space<vmem>>, %arg5: memref<1024x1xi32, #tpu.memory_space<vmem>>, %arg6: memref<1024x128xf32, #tpu.memory_space<vmem>>, %arg7: memref<1024x128xf32, #tpu.memory_space<vmem>>, %arg8: memref<1024x128xf32, #tpu.memory_space<vmem>>, %arg9: memref<128x18xf32, #tpu.memory_space<vmem>>, %arg10: memref<128x18xf32, #tpu.memory_space<vmem>>, %arg11: memref<128x18xf32, #tpu.memory_space<vmem>>, %arg12: memref<1x18xf32, #tpu.memory_space<vmem>>, %arg13: memref<1024x128xf32, #tpu.memory_space<vmem>>) attributes {dimension_semantics = [#tpu.dimension_semantics<arbitrary>], iteration_bounds = array<i64: 10>, scalar_prefetch = 0 : i64, scratch_operands = 0 : i64, tpu.core_type = #tpu.core_type<tc>, window_params = [{transform_indices = @transform_0, window_bounds = array<i64: 2, 1024, 1>}, {transform_indices = @transform_1, window_bounds = array<i64: 1024, 1>}, {transform_indices = @transform_2, window_bounds = array<i64: 2, 1024, 1>}, {pipeline_mode = #tpu.pipeline_mode<synchronous>, transform_indices = @transform_3, window_bounds = array<i64: 1, 1>}, {transform_indices = @transform_4, window_bounds = array<i64: 1024, 1>}, {transform_indices = @transform_5, window_bounds = array<i64: 1024, 128>}, {transform_indices = @transform_6, window_bounds = array<i64: 1024, 128>}, {transform_indices = @transform_7, window_bounds = array<i64: 1024, 128>}, {pipeline_mode = #tpu.pipeline_mode<synchronous>, transform_indices = @transform_8, window_bounds = array<i64: 128, 18>}, {pipeline_mode = #tpu.pipeline_mode<synchronous>, transform_indices = @transform_9, window_bounds = array<i64: 128, 18>}, {pipeline_mode = #tpu.pipeline_mode<synchronous>, transform_indices = @transform_10, window_bounds = array<i64: 128, 18>}, {pipeline_mode = #tpu.pipeline_mode<synchronous>, transform_indices = @transform_11, window_bounds = array<i64: 1, 18>}, {transform_indices = @transform_12, window_bounds = array<i64: 1024, 128>}]} {
    %get3A = arith.constant 0 : index
    %get3A_0 = arith.constant 0 : index
    %get3A_1 = arith.constant 0 : index
    %get3A_2 = vector.load %arg3[%get3A, %get3A_0, %get3A_1] : memref<2x1024x1xf32, #tpu.memory_space<vmem>>, vector<1x1024x1xf32>
    %get3A_3 = vector.shape_cast %get3A_2 : vector<1x1024x1xf32> to vector<1024x1xf32>
    %get3A_4 = arith.constant 1 : index
    %get3A_5 = arith.constant 0 : index
    %get3A_6 = arith.constant 0 : index
    %get3A_7 = vector.load %arg3[%get3A_4, %get3A_5, %get3A_6] : memref<2x1024x1xf32, #tpu.memory_space<vmem>>, vector<1x1024x1xf32>
    %get3A_8 = vector.shape_cast %get3A_7 : vector<1x1024x1xf32> to vector<1024x1xf32>
    %add3A = arith.addf %get3A_3, %get3A_8 : vector<1024x1xf32>
    %add3A_9 = arith.constant 1.000000e+00 : f32
    %add3A_10 = vector.broadcast %add3A_9 : f32 to vector<1024x1xf32>
    %add3A_11 = arith.addf %add3A, %add3A_10 : vector<1024x1xf32>
    %rsqrt3A = math.rsqrt %add3A_11 : vector<1024x1xf32>
    %get3A_12 = arith.constant 0 : index
    %get3A_13 = arith.constant 0 : index
    %get3A_14 = arith.constant 0 : index
    %get3A_15 = vector.load %arg1[%get3A_12, %get3A_13, %get3A_14] : memref<2x1024x1xf32, #tpu.memory_space<vmem>>, vector<1x1024x1xf32>
    %get3A_16 = vector.shape_cast %get3A_15 : vector<1x1024x1xf32> to vector<1024x1xf32>
    %get3A_17 = arith.constant 1 : index
    %get3A_18 = arith.constant 0 : index
    %get3A_19 = arith.constant 0 : index
    %get3A_20 = vector.load %arg1[%get3A_17, %get3A_18, %get3A_19] : memref<2x1024x1xf32, #tpu.memory_space<vmem>>, vector<1x1024x1xf32>
    %get3A_21 = vector.shape_cast %get3A_20 : vector<1x1024x1xf32> to vector<1024x1xf32>
    %add3A_22 = arith.addf %get3A_16, %get3A_21 : vector<1024x1xf32>
    %get3A_23 = arith.constant 0 : index
    %get3A_24 = arith.constant 0 : index
    %get3A_25 = vector.load %arg2[%get3A_23, %get3A_24] : memref<1024x1xf32, #tpu.memory_space<vmem>>, vector<1024x1xf32>
    %add3A_26 = arith.addf %add3A_22, %get3A_25 : vector<1024x1xf32>
    %mul3A = arith.mulf %rsqrt3A, %add3A_26 : vector<1024x1xf32>
    %get3A_27 = arith.constant 0 : index
    %get3A_28 = arith.constant 0 : index
    %get3A_29 = vector.load %arg4[%get3A_27, %get3A_28] : memref<1x1xf32, #tpu.memory_space<vmem>>, vector<1x1xf32>
    %add3A_30 = vector.broadcast %get3A_29 : vector<1x1xf32> to vector<1024x1xf32>
    %add3A_31 = arith.addf %mul3A, %add3A_30 : vector<1024x1xf32>
    %tanh3A = math.tanh %add3A_31 : vector<1024x1xf32>
    %mul3A_32 = arith.constant 1024 : i32
    %mul3A_33 = arith.muli %arg0, %mul3A_32 : i32
    %iota3A = tpu.iota {dimensions = array<i32: 0>} : vector<1024x1xi32>
    %add3A_34 = vector.broadcast %mul3A_33 : i32 to vector<1024x1xi32>
    %add3A_35 = arith.addi %add3A_34, %iota3A : vector<1024x1xi32>
    %lt3A = arith.constant 10000 : i32
    %lt3A_36 = vector.broadcast %lt3A : i32 to vector<1024x1xi32>
    %lt3A_37 = arith.cmpi slt, %add3A_35, %lt3A_36 : vector<1024x1xi32>
    %jit3A = arith.constant 0.000000e+00 : f32
    %broadcast_in_dim3A = vector.broadcast %jit3A : f32 to vector<1024x1xf32>
    %select_n3A = arith.select %lt3A_37, %tanh3A, %broadcast_in_dim3A : vector<1024x1xi1>, vector<1024x1xf32>
    %get3A_38 = arith.constant 0 : index
    %get3A_39 = arith.constant 0 : index
    %get3A_40 = vector.load %arg6[%get3A_38, %get3A_39] : memref<1024x128xf32, #tpu.memory_space<vmem>>, vector<1024x128xf32>
    %get3A_41 = arith.constant 0 : index
    %get3A_42 = arith.constant 0 : index
    %get3A_43 = vector.load %arg9[%get3A_41, %get3A_42] : memref<128x18xf32, #tpu.memory_space<vmem>>, vector<128x18xf32>
    %dot_general3A = arith.constant dense<0.000000e+00> : vector<1024x18xf32>
    %dot_general3A_44 = tpu.matmul %get3A_40, %get3A_43, %dot_general3A {dimension_numbers = #tpu.dot_dimension_numbers<[1], [0], [0], [1], [0, 0, 1, 1], [], []>, precision = #tpu.contract_precision<fp32>, transpose_lhs_hint = false} : vector<1024x128xf32>, vector<128x18xf32>, vector<1024x18xf32> -> vector<1024x18xf32>
    %get3A_45 = arith.constant 0 : index
    %get3A_46 = arith.constant 0 : index
    %get3A_47 = vector.load %arg7[%get3A_45, %get3A_46] : memref<1024x128xf32, #tpu.memory_space<vmem>>, vector<1024x128xf32>
    %get3A_48 = arith.constant 0 : index
    %get3A_49 = arith.constant 0 : index
    %get3A_50 = vector.load %arg10[%get3A_48, %get3A_49] : memref<128x18xf32, #tpu.memory_space<vmem>>, vector<128x18xf32>
    %dot_general3A_51 = arith.constant dense<0.000000e+00> : vector<1024x18xf32>
    %dot_general3A_52 = tpu.matmul %get3A_47, %get3A_50, %dot_general3A_51 {dimension_numbers = #tpu.dot_dimension_numbers<[1], [0], [0], [1], [0, 0, 1, 1], [], []>, precision = #tpu.contract_precision<fp32>, transpose_lhs_hint = false} : vector<1024x128xf32>, vector<128x18xf32>, vector<1024x18xf32> -> vector<1024x18xf32>
    %add3A_53 = arith.addf %dot_general3A_44, %dot_general3A_52 : vector<1024x18xf32>
    %get3A_54 = arith.constant 0 : index
    %get3A_55 = arith.constant 0 : index
    %get3A_56 = vector.load %arg8[%get3A_54, %get3A_55] : memref<1024x128xf32, #tpu.memory_space<vmem>>, vector<1024x128xf32>
    %get3A_57 = arith.constant 0 : index
    %get3A_58 = arith.constant 0 : index
    %get3A_59 = vector.load %arg11[%get3A_57, %get3A_58] : memref<128x18xf32, #tpu.memory_space<vmem>>, vector<128x18xf32>
    %dot_general3A_60 = arith.constant dense<0.000000e+00> : vector<1024x18xf32>
    %dot_general3A_61 = tpu.matmul %get3A_56, %get3A_59, %dot_general3A_60 {dimension_numbers = #tpu.dot_dimension_numbers<[1], [0], [0], [1], [0, 0, 1, 1], [], []>, precision = #tpu.contract_precision<fp32>, transpose_lhs_hint = false} : vector<1024x128xf32>, vector<128x18xf32>, vector<1024x18xf32> -> vector<1024x18xf32>
    %add3A_62 = arith.addf %add3A_53, %dot_general3A_61 : vector<1024x18xf32>
    %get3A_63 = arith.constant 0 : index
    %get3A_64 = arith.constant 0 : index
    %get3A_65 = vector.load %arg12[%get3A_63, %get3A_64] : memref<1x18xf32, #tpu.memory_space<vmem>>, vector<1x18xf32>
    %mul3A_66 = vector.broadcast %select_n3A : vector<1024x1xf32> to vector<1024x18xf32>
    %mul3A_67 = vector.broadcast %get3A_65 : vector<1x18xf32> to vector<1024x18xf32>
    %mul3A_68 = arith.mulf %mul3A_66, %mul3A_67 : vector<1024x18xf32>
    %add3A_69 = arith.addf %add3A_62, %mul3A_68 : vector<1024x18xf32>
    %get3A_70 = arith.constant 0 : index
    %get3A_71 = arith.constant 0 : index
    %get3A_72 = vector.load %arg5[%get3A_70, %get3A_71] : memref<1024x1xi32, #tpu.memory_space<vmem>>, vector<1024x1xi32>
    %bitcast_convert_type3A = tpu.bitcast %get3A_72 : vector<1024x1xi32> -> vector<1024x1xf32>
    %broadcast_in_dim3A_73 = arith.constant 0.000000e+00 : f32
    %broadcast_in_dim3A_74 = vector.broadcast %broadcast_in_dim3A_73 : f32 to vector<1024x108xf32>
    %concatenate3A = tpu.concatenate %add3A_69, %select_n3A, %bitcast_convert_type3A, %broadcast_in_dim3A_74 in 1 : vector<1024x18xf32>, vector<1024x1xf32>, vector<1024x1xf32>, vector<1024x108xf32> -> vector<1024x128xf32>
    %swap3A = arith.constant 0 : index
    %swap3A_75 = arith.constant 0 : index
    %swap3A_76 = vector.load %arg13[%swap3A, %swap3A_75] : memref<1024x128xf32, #tpu.memory_space<vmem>>, vector<1024x128xf32>
    tpu.vector_store %arg13[%swap3A, %swap3A_75], %concatenate3A {strides = array<i32>} : memref<1024x128xf32, #tpu.memory_space<vmem>>, vector<1024x128xf32>,
    return
  }
  func.func @transform_0(%arg0: i32) -> (i32, i32, i32) {
    %c0_i32 = arith.constant 0 : i32
    %c0_i32_0 = arith.constant 0 : i32
    %c0_i32_1 = arith.constant 0 : i32
    return %c0_i32, %arg0, %c0_i32_0 : i32, i32, i32
  }
  func.func @transform_1(%arg0: i32) -> (i32, i32) {
    %c0_i32 = arith.constant 0 : i32
    %c0_i32_0 = arith.constant 0 : i32
    return %arg0, %c0_i32 : i32, i32
  }
  func.func @transform_2(%arg0: i32) -> (i32, i32, i32) {
    %c0_i32 = arith.constant 0 : i32
    %c0_i32_0 = arith.constant 0 : i32
    %c0_i32_1 = arith.constant 0 : i32
    return %c0_i32, %arg0, %c0_i32_0 : i32, i32, i32
  }
  func.func @transform_3(%arg0: i32) -> (i32, i32) {
    %c0_i32 = arith.constant 0 : i32
    %c0_i32_0 = arith.constant 0 : i32
    %c0_i32_1 = arith.constant 0 : i32
    return %c0_i32, %c0_i32_0 : i32, i32
  }
  func.func @transform_4(%arg0: i32) -> (i32, i32) {
    %c0_i32 = arith.constant 0 : i32
    %c0_i32_0 = arith.constant 0 : i32
    return %arg0, %c0_i32 : i32, i32
  }
  func.func @transform_5(%arg0: i32) -> (i32, i32) {
    %c0_i32 = arith.constant 0 : i32
    %c0_i32_0 = arith.constant 0 : i32
    return %arg0, %c0_i32 : i32, i32
  }
  func.func @transform_6(%arg0: i32) -> (i32, i32) {
    %c0_i32 = arith.constant 0 : i32
    %c0_i32_0 = arith.constant 0 : i32
    return %arg0, %c0_i32 : i32, i32
  }
  func.func @transform_7(%arg0: i32) -> (i32, i32) {
    %c0_i32 = arith.constant 0 : i32
    %c0_i32_0 = arith.constant 0 : i32
    return %arg0, %c0_i32 : i32, i32
  }
  func.func @transform_8(%arg0: i32) -> (i32, i32) {
    %c0_i32 = arith.constant 0 : i32
    %c0_i32_0 = arith.constant 0 : i32
    %c0_i32_1 = arith.constant 0 : i32
    return %c0_i32, %c0_i32_0 : i32, i32
  }
  func.func @transform_9(%arg0: i32) -> (i32, i32) {
    %c0_i32 = arith.constant 0 : i32
    %c0_i32_0 = arith.constant 0 : i32
    %c0_i32_1 = arith.constant 0 : i32
    return %c0_i32, %c0_i32_0 : i32, i32
  }
  func.func @transform_10(%arg0: i32) -> (i32, i32) {
    %c0_i32 = arith.constant 0 : i32
    %c0_i32_0 = arith.constant 0 : i32
    %c0_i32_1 = arith.constant 0 : i32
    return %c0_i32, %c0_i32_0 : i32, i32
  }
  func.func @transform_11(%arg0: i32) -> (i32, i32) {
    %c0_i32 = arith.constant 0 : i32
    %c0_i32_0 = arith.constant 0 : i32
    %c0_i32_1 = arith.constant 0 : i32
    return %c0_i32, %c0_i32_0 : i32, i32
  }
  func.func @transform_12(%arg0: i32) -> (i32, i32) {
    %c0_i32 = arith.constant 0 : i32
    %c0_i32_0 = arith.constant 0 : i32
    return %arg0, %c0_i32 : i32, i32
  }
}

module attributes {stable_mosaic.version = 14 : i64} {
  func.func @body(%arg0: i32, %arg1: memref<2x4096xf32, #tpu.memory_space<vmem>>, %arg2: memref<128x2xf32, #tpu.memory_space<vmem>>, %arg3: memref<128x1xi32, #tpu.memory_space<vmem>>, %arg4: memref<128x1xi32, #tpu.memory_space<vmem>>) attributes {dimension_semantics = [#tpu.dimension_semantics<arbitrary>], iteration_bounds = array<i64: 32>, scalar_prefetch = 0 : i64, scratch_operands = 0 : i64, tpu.core_type = #tpu.core_type<tc>, window_params = [{pipeline_mode = #tpu.pipeline_mode<synchronous>, transform_indices = @transform_0, window_bounds = array<i64: 2, 4096>}, {transform_indices = @transform_1, window_bounds = array<i64: 128, 2>}, {transform_indices = @transform_2, window_bounds = array<i64: 128, 1>}, {transform_indices = @transform_3, window_bounds = array<i64: 128, 1>}]} {
    %mul3A = arith.constant 128 : i32
    %mul3A_0 = arith.muli %arg0, %mul3A : i32
    %get3A = arith.constant 0 : index
    %get3A_1 = arith.constant 0 : index
    %get3A_2 = vector.load %arg2[%get3A, %get3A_1] : memref<128x2xf32, #tpu.memory_space<vmem>>, vector<128x1xf32>
    %get3A_3 = arith.constant 0 : index
    %get3A_4 = arith.constant 1 : index
    %get3A_5 = vector.load %arg2[%get3A_3, %get3A_4] : memref<128x2xf32, #tpu.memory_space<vmem>>, vector<128x1xf32>
    %bitcast_convert_type3A = tpu.bitcast %get3A_5 : vector<128x1xf32> -> vector<128x1xi32>
    %get3A_6 = arith.constant 0 : index
    %get3A_7 = arith.constant 0 : index
    %get3A_8 = vector.load %arg1[%get3A_6, %get3A_7] : memref<2x4096xf32, #tpu.memory_space<vmem>>, vector<1x4096xf32>
    %get3A_9 = arith.constant 1 : index
    %get3A_10 = arith.constant 0 : index
    %get3A_11 = vector.load %arg1[%get3A_9, %get3A_10] : memref<2x4096xf32, #tpu.memory_space<vmem>>, vector<1x4096xf32>
    %bitcast_convert_type3A_12 = tpu.bitcast %get3A_11 : vector<1x4096xf32> -> vector<1x4096xi32>
    %iota3A = tpu.iota {dimensions = array<i32: 0>} : vector<128x1xi32>
    %add3A = vector.broadcast %mul3A_0 : i32 to vector<128x1xi32>
    %add3A_13 = arith.addi %add3A, %iota3A : vector<128x1xi32>
    %iota3A_14 = tpu.iota {dimensions = array<i32: 1>} : vector<1x4096xi32>
    %eq3A = vector.broadcast %bitcast_convert_type3A_12 : vector<1x4096xi32> to vector<128x4096xi32>
    %eq3A_15 = vector.broadcast %bitcast_convert_type3A : vector<128x1xi32> to vector<128x4096xi32>
    %eq3A_16 = arith.cmpi eq, %eq3A, %eq3A_15 : vector<128x4096xi32>
    %gt3A = vector.broadcast %get3A_8 : vector<1x4096xf32> to vector<128x4096xf32>
    %gt3A_17 = vector.broadcast %get3A_2 : vector<128x1xf32> to vector<128x4096xf32>
    %gt3A_18 = arith.cmpf ogt, %gt3A, %gt3A_17 : vector<128x4096xf32>
    %eq3A_19 = vector.broadcast %get3A_8 : vector<1x4096xf32> to vector<128x4096xf32>
    %eq3A_20 = vector.broadcast %get3A_2 : vector<128x1xf32> to vector<128x4096xf32>
    %eq3A_21 = arith.cmpf oeq, %eq3A_19, %eq3A_20 : vector<128x4096xf32>
    %lt3A = vector.broadcast %iota3A_14 : vector<1x4096xi32> to vector<128x4096xi32>
    %lt3A_22 = vector.broadcast %add3A_13 : vector<128x1xi32> to vector<128x4096xi32>
    %lt3A_23 = arith.cmpi slt, %lt3A, %lt3A_22 : vector<128x4096xi32>
    %and3A = arith.andi %eq3A_21, %lt3A_23 : vector<128x4096xi1>
    %or3A = arith.ori %gt3A_18, %and3A : vector<128x4096xi1>
    %and3A_24 = arith.andi %eq3A_16, %or3A : vector<128x4096xi1>
    %jit3A = arith.constant 1 : i32
    %jit3A_25 = arith.constant 0 : i32
    %broadcast_in_dim3A = vector.broadcast %jit3A : i32 to vector<128x4096xi32>
    %broadcast_in_dim3A_26 = vector.broadcast %jit3A_25 : i32 to vector<128x4096xi32>
    %select_n3A = arith.select %and3A_24, %broadcast_in_dim3A, %broadcast_in_dim3A_26 : vector<128x4096xi1>, vector<128x4096xi32>
    %reduce_sum3A = arith.constant dense<0> : vector<128xi32>
    %reduce_sum3A_27 = vector.multi_reduction <add>, %select_n3A, %reduce_sum3A [1] : vector<128x4096xi32> to vector<128xi32>
    %reshape3A = vector.shape_cast %reduce_sum3A_27 : vector<128xi32> to vector<128x1xi32>
    %swap3A = arith.constant 0 : index
    %swap3A_28 = arith.constant 0 : index
    %swap3A_29 = vector.load %arg3[%swap3A, %swap3A_28] : memref<128x1xi32, #tpu.memory_space<vmem>>, vector<128x1xi32>
    tpu.vector_store %arg3[%swap3A, %swap3A_28], %reshape3A {strides = array<i32>} : memref<128x1xi32, #tpu.memory_space<vmem>>, vector<128x1xi32>,
    %swap3A_30 = arith.constant 0 : index
    %swap3A_31 = arith.constant 0 : index
    %swap3A_32 = vector.load %arg4[%swap3A_30, %swap3A_31] : memref<128x1xi32, #tpu.memory_space<vmem>>, vector<128x1xi32>
    tpu.vector_store %arg4[%swap3A_30, %swap3A_31], %bitcast_convert_type3A {strides = array<i32>} : memref<128x1xi32, #tpu.memory_space<vmem>>, vector<128x1xi32>,
    return
  }
  func.func @transform_0(%arg0: i32) -> (i32, i32) {
    %c0_i32 = arith.constant 0 : i32
    %c0_i32_0 = arith.constant 0 : i32
    %c0_i32_1 = arith.constant 0 : i32
    return %c0_i32, %c0_i32_0 : i32, i32
  }
  func.func @transform_1(%arg0: i32) -> (i32, i32) {
    %c0_i32 = arith.constant 0 : i32
    %c0_i32_0 = arith.constant 0 : i32
    return %arg0, %c0_i32 : i32, i32
  }
  func.func @transform_2(%arg0: i32) -> (i32, i32) {
    %c0_i32 = arith.constant 0 : i32
    %c0_i32_0 = arith.constant 0 : i32
    return %arg0, %c0_i32 : i32, i32
  }
  func.func @transform_3(%arg0: i32) -> (i32, i32) {
    %c0_i32 = arith.constant 0 : i32
    %c0_i32_0 = arith.constant 0 : i32
    return %arg0, %c0_i32 : i32, i32
  }
}

module attributes {stable_mosaic.version = 14 : i64} {
  func.func @body(%arg0: memref<3328x128xf32, #tpu.memory_space<vmem>>, %arg1: memref<1x128xf32, #tpu.memory_space<vmem>>, %arg2: memref<640x36xf32, #tpu.memory_space<vmem>>, %arg3: memref<1x36xf32, #tpu.memory_space<vmem>>, %arg4: memref<46x36x512xf32, #tpu.memory_space<vmem>>, %arg5: memref<1x512xf32, #tpu.memory_space<vmem>>, %arg6: memref<512x256xf32, #tpu.memory_space<vmem>>, %arg7: memref<1x256xf32, #tpu.memory_space<vmem>>, %arg8: memref<256x1xf32, #tpu.memory_space<vmem>>, %arg9: memref<1x1xf32, #tpu.memory_space<vmem>>, %arg10: memref<32x1xf32, #tpu.memory_space<vmem>>) attributes {dimension_semantics = [], scalar_prefetch = 0 : i64, scratch_operands = 0 : i64, tpu.core_type = #tpu.core_type<tc>} {
    %get3A = arith.constant 0 : index
    %get3A_0 = arith.constant 0 : index
    %get3A_1 = vector.load %arg0[%get3A, %get3A_0] : memref<3328x128xf32, #tpu.memory_space<vmem>>, vector<3200x128xf32>
    %get3A_2 = arith.constant 0 : index
    %get3A_3 = arith.constant 0 : index
    %get3A_4 = vector.load %arg1[%get3A_2, %get3A_3] : memref<1x128xf32, #tpu.memory_space<vmem>>, vector<1x128xf32>
    %add3A = vector.broadcast %get3A_4 : vector<1x128xf32> to vector<3200x128xf32>
    %add3A_5 = arith.addf %get3A_1, %add3A : vector<3200x128xf32>
    %max3A = arith.constant 0.000000e+00 : f32
    %max3A_6 = vector.broadcast %max3A : f32 to vector<3200x128xf32>
    %max3A_7 = arith.maximumf %add3A_5, %max3A_6 : vector<3200x128xf32>
    %reshape3A = vector.shape_cast %max3A_7 : vector<3200x128xf32> to vector<32x50x2x128xf32>
    %reduce_max3A = arith.constant dense<0xFF800000> : vector<32x50x128xf32>
    %reduce_max3A_8 = vector.multi_reduction <maximumf>, %reshape3A, %reduce_max3A [2] : vector<32x50x2x128xf32> to vector<32x50x128xf32>
    %slice3A = vector.extract_strided_slice %reduce_max3A_8 {offsets = [0, 0, 0], sizes = [32, 46, 128], strides = [1, 1, 1]} : vector<32x50x128xf32> to vector<32x46x128xf32>
    %slice3A_9 = vector.extract_strided_slice %reduce_max3A_8 {offsets = [0, 1, 0], sizes = [32, 46, 128], strides = [1, 1, 1]} : vector<32x50x128xf32> to vector<32x46x128xf32>
    %slice3A_10 = vector.extract_strided_slice %reduce_max3A_8 {offsets = [0, 2, 0], sizes = [32, 46, 128], strides = [1, 1, 1]} : vector<32x50x128xf32> to vector<32x46x128xf32>
    %slice3A_11 = vector.extract_strided_slice %reduce_max3A_8 {offsets = [0, 3, 0], sizes = [32, 46, 128], strides = [1, 1, 1]} : vector<32x50x128xf32> to vector<32x46x128xf32>
    %slice3A_12 = vector.extract_strided_slice %reduce_max3A_8 {offsets = [0, 4, 0], sizes = [32, 46, 128], strides = [1, 1, 1]} : vector<32x50x128xf32> to vector<32x46x128xf32>
    %concatenate3A = tpu.concatenate %slice3A, %slice3A_9, %slice3A_10, %slice3A_11, %slice3A_12 in 2 : vector<32x46x128xf32>, vector<32x46x128xf32>, vector<32x46x128xf32>, vector<32x46x128xf32>, vector<32x46x128xf32> -> vector<32x46x640xf32>
    %reshape3A_13 = vector.shape_cast %concatenate3A : vector<32x46x640xf32> to vector<1472x640xf32>
    %get3A_14 = arith.constant 0 : index
    %get3A_15 = arith.constant 0 : index
    %get3A_16 = vector.load %arg2[%get3A_14, %get3A_15] : memref<640x36xf32, #tpu.memory_space<vmem>>, vector<640x36xf32>
    %dot_general3A = arith.constant dense<0.000000e+00> : vector<1472x36xf32>
    %dot_general3A_17 = tpu.matmul %reshape3A_13, %get3A_16, %dot_general3A {dimension_numbers = #tpu.dot_dimension_numbers<[1], [0], [0], [1], [0, 0, 1, 1], [], []>, precision = #tpu.contract_precision<fp32>, transpose_lhs_hint = false} : vector<1472x640xf32>, vector<640x36xf32>, vector<1472x36xf32> -> vector<1472x36xf32>
    %get3A_18 = arith.constant 0 : index
    %get3A_19 = arith.constant 0 : index
    %get3A_20 = vector.load %arg3[%get3A_18, %get3A_19] : memref<1x36xf32, #tpu.memory_space<vmem>>, vector<1x36xf32>
    %add3A_21 = vector.broadcast %get3A_20 : vector<1x36xf32> to vector<1472x36xf32>
    %add3A_22 = arith.addf %dot_general3A_17, %add3A_21 : vector<1472x36xf32>
    %max3A_23 = arith.constant 0.000000e+00 : f32
    %max3A_24 = vector.broadcast %max3A_23 : f32 to vector<1472x36xf32>
    %max3A_25 = arith.maximumf %add3A_22, %max3A_24 : vector<1472x36xf32>
    %reshape3A_26 = vector.shape_cast %max3A_25 : vector<1472x36xf32> to vector<32x46x36xf32>
    %broadcast_in_dim3A = arith.constant 0.000000e+00 : f32
    %broadcast_in_dim3A_27 = vector.broadcast %broadcast_in_dim3A : f32 to vector<32x512xf32>
    %slice3A_28 = vector.extract_strided_slice %reshape3A_26 {offsets = [0, 0, 0], sizes = [32, 1, 36], strides = [1, 1, 1]} : vector<32x46x36xf32> to vector<32x1x36xf32>
    %squeeze3A = vector.shape_cast %slice3A_28 : vector<32x1x36xf32> to vector<32x36xf32>
    %get3A_29 = arith.constant 0 : index
    %get3A_30 = arith.constant 0 : index
    %get3A_31 = arith.constant 0 : index
    %get3A_32 = vector.load %arg4[%get3A_29, %get3A_30, %get3A_31] : memref<46x36x512xf32, #tpu.memory_space<vmem>>, vector<1x36x512xf32>
    %get3A_33 = vector.shape_cast %get3A_32 : vector<1x36x512xf32> to vector<36x512xf32>
    %dot_general3A_34 = arith.constant dense<0.000000e+00> : vector<32x512xf32>
    %dot_general3A_35 = tpu.matmul %squeeze3A, %get3A_33, %dot_general3A_34 {dimension_numbers = #tpu.dot_dimension_numbers<[1], [0], [0], [1], [0, 0, 1, 1], [], []>, precision = #tpu.contract_precision<fp32>, transpose_lhs_hint = false} : vector<32x36xf32>, vector<36x512xf32>, vector<32x512xf32> -> vector<32x512xf32>
    %add3A_36 = arith.addf %broadcast_in_dim3A_27, %dot_general3A_35 : vector<32x512xf32>
    %slice3A_37 = vector.extract_strided_slice %reshape3A_26 {offsets = [0, 1, 0], sizes = [32, 1, 36], strides = [1, 1, 1]} : vector<32x46x36xf32> to vector<32x1x36xf32>
    %squeeze3A_38 = vector.shape_cast %slice3A_37 : vector<32x1x36xf32> to vector<32x36xf32>
    %get3A_39 = arith.constant 1 : index
    %get3A_40 = arith.constant 0 : index
    %get3A_41 = arith.constant 0 : index
    %get3A_42 = vector.load %arg4[%get3A_39, %get3A_40, %get3A_41] : memref<46x36x512xf32, #tpu.memory_space<vmem>>, vector<1x36x512xf32>
    %get3A_43 = vector.shape_cast %get3A_42 : vector<1x36x512xf32> to vector<36x512xf32>
    %dot_general3A_44 = arith.constant dense<0.000000e+00> : vector<32x512xf32>
    %dot_general3A_45 = tpu.matmul %squeeze3A_38, %get3A_43, %dot_general3A_44 {dimension_numbers = #tpu.dot_dimension_numbers<[1], [0], [0], [1], [0, 0, 1, 1], [], []>, precision = #tpu.contract_precision<fp32>, transpose_lhs_hint = false} : vector<32x36xf32>, vector<36x512xf32>, vector<32x512xf32> -> vector<32x512xf32>
    %add3A_46 = arith.addf %add3A_36, %dot_general3A_45 : vector<32x512xf32>
    %slice3A_47 = vector.extract_strided_slice %reshape3A_26 {offsets = [0, 2, 0], sizes = [32, 1, 36], strides = [1, 1, 1]} : vector<32x46x36xf32> to vector<32x1x36xf32>
    %squeeze3A_48 = vector.shape_cast %slice3A_47 : vector<32x1x36xf32> to vector<32x36xf32>
    %get3A_49 = arith.constant 2 : index
    %get3A_50 = arith.constant 0 : index
    %get3A_51 = arith.constant 0 : index
    %get3A_52 = vector.load %arg4[%get3A_49, %get3A_50, %get3A_51] : memref<46x36x512xf32, #tpu.memory_space<vmem>>, vector<1x36x512xf32>
    %get3A_53 = vector.shape_cast %get3A_52 : vector<1x36x512xf32> to vector<36x512xf32>
    %dot_general3A_54 = arith.constant dense<0.000000e+00> : vector<32x512xf32>
    %dot_general3A_55 = tpu.matmul %squeeze3A_48, %get3A_53, %dot_general3A_54 {dimension_numbers = #tpu.dot_dimension_numbers<[1], [0], [0], [1], [0, 0, 1, 1], [], []>, precision = #tpu.contract_precision<fp32>, transpose_lhs_hint = false} : vector<32x36xf32>, vector<36x512xf32>, vector<32x512xf32> -> vector<32x512xf32>
    %add3A_56 = arith.addf %add3A_46, %dot_general3A_55 : vector<32x512xf32>
    %slice3A_57 = vector.extract_strided_slice %reshape3A_26 {offsets = [0, 3, 0], sizes = [32, 1, 36], strides = [1, 1, 1]} : vector<32x46x36xf32> to vector<32x1x36xf32>
    %squeeze3A_58 = vector.shape_cast %slice3A_57 : vector<32x1x36xf32> to vector<32x36xf32>
    %get3A_59 = arith.constant 3 : index
    %get3A_60 = arith.constant 0 : index
    %get3A_61 = arith.constant 0 : index
    %get3A_62 = vector.load %arg4[%get3A_59, %get3A_60, %get3A_61] : memref<46x36x512xf32, #tpu.memory_space<vmem>>, vector<1x36x512xf32>
    %get3A_63 = vector.shape_cast %get3A_62 : vector<1x36x512xf32> to vector<36x512xf32>
    %dot_general3A_64 = arith.constant dense<0.000000e+00> : vector<32x512xf32>
    %dot_general3A_65 = tpu.matmul %squeeze3A_58, %get3A_63, %dot_general3A_64 {dimension_numbers = #tpu.dot_dimension_numbers<[1], [0], [0], [1], [0, 0, 1, 1], [], []>, precision = #tpu.contract_precision<fp32>, transpose_lhs_hint = false} : vector<32x36xf32>, vector<36x512xf32>, vector<32x512xf32> -> vector<32x512xf32>
    %add3A_66 = arith.addf %add3A_56, %dot_general3A_65 : vector<32x512xf32>
    %slice3A_67 = vector.extract_strided_slice %reshape3A_26 {offsets = [0, 4, 0], sizes = [32, 1, 36], strides = [1, 1, 1]} : vector<32x46x36xf32> to vector<32x1x36xf32>
    %squeeze3A_68 = vector.shape_cast %slice3A_67 : vector<32x1x36xf32> to vector<32x36xf32>
    %get3A_69 = arith.constant 4 : index
    %get3A_70 = arith.constant 0 : index
    %get3A_71 = arith.constant 0 : index
    %get3A_72 = vector.load %arg4[%get3A_69, %get3A_70, %get3A_71] : memref<46x36x512xf32, #tpu.memory_space<vmem>>, vector<1x36x512xf32>
    %get3A_73 = vector.shape_cast %get3A_72 : vector<1x36x512xf32> to vector<36x512xf32>
    %dot_general3A_74 = arith.constant dense<0.000000e+00> : vector<32x512xf32>
    %dot_general3A_75 = tpu.matmul %squeeze3A_68, %get3A_73, %dot_general3A_74 {dimension_numbers = #tpu.dot_dimension_numbers<[1], [0], [0], [1], [0, 0, 1, 1], [], []>, precision = #tpu.contract_precision<fp32>, transpose_lhs_hint = false} : vector<32x36xf32>, vector<36x512xf32>, vector<32x512xf32> -> vector<32x512xf32>
    %add3A_76 = arith.addf %add3A_66, %dot_general3A_75 : vector<32x512xf32>
    %slice3A_77 = vector.extract_strided_slice %reshape3A_26 {offsets = [0, 5, 0], sizes = [32, 1, 36], strides = [1, 1, 1]} : vector<32x46x36xf32> to vector<32x1x36xf32>
    %squeeze3A_78 = vector.shape_cast %slice3A_77 : vector<32x1x36xf32> to vector<32x36xf32>
    %get3A_79 = arith.constant 5 : index
    %get3A_80 = arith.constant 0 : index
    %get3A_81 = arith.constant 0 : index
    %get3A_82 = vector.load %arg4[%get3A_79, %get3A_80, %get3A_81] : memref<46x36x512xf32, #tpu.memory_space<vmem>>, vector<1x36x512xf32>
    %get3A_83 = vector.shape_cast %get3A_82 : vector<1x36x512xf32> to vector<36x512xf32>
    %dot_general3A_84 = arith.constant dense<0.000000e+00> : vector<32x512xf32>
    %dot_general3A_85 = tpu.matmul %squeeze3A_78, %get3A_83, %dot_general3A_84 {dimension_numbers = #tpu.dot_dimension_numbers<[1], [0], [0], [1], [0, 0, 1, 1], [], []>, precision = #tpu.contract_precision<fp32>, transpose_lhs_hint = false} : vector<32x36xf32>, vector<36x512xf32>, vector<32x512xf32> -> vector<32x512xf32>
    %add3A_86 = arith.addf %add3A_76, %dot_general3A_85 : vector<32x512xf32>
    %slice3A_87 = vector.extract_strided_slice %reshape3A_26 {offsets = [0, 6, 0], sizes = [32, 1, 36], strides = [1, 1, 1]} : vector<32x46x36xf32> to vector<32x1x36xf32>
    %squeeze3A_88 = vector.shape_cast %slice3A_87 : vector<32x1x36xf32> to vector<32x36xf32>
    %get3A_89 = arith.constant 6 : index
    %get3A_90 = arith.constant 0 : index
    %get3A_91 = arith.constant 0 : index
    %get3A_92 = vector.load %arg4[%get3A_89, %get3A_90, %get3A_91] : memref<46x36x512xf32, #tpu.memory_space<vmem>>, vector<1x36x512xf32>
    %get3A_93 = vector.shape_cast %get3A_92 : vector<1x36x512xf32> to vector<36x512xf32>
    %dot_general3A_94 = arith.constant dense<0.000000e+00> : vector<32x512xf32>
    %dot_general3A_95 = tpu.matmul %squeeze3A_88, %get3A_93, %dot_general3A_94 {dimension_numbers = #tpu.dot_dimension_numbers<[1], [0], [0], [1], [0, 0, 1, 1], [], []>, precision = #tpu.contract_precision<fp32>, transpose_lhs_hint = false} : vector<32x36xf32>, vector<36x512xf32>, vector<32x512xf32> -> vector<32x512xf32>
    %add3A_96 = arith.addf %add3A_86, %dot_general3A_95 : vector<32x512xf32>
    %slice3A_97 = vector.extract_strided_slice %reshape3A_26 {offsets = [0, 7, 0], sizes = [32, 1, 36], strides = [1, 1, 1]} : vector<32x46x36xf32> to vector<32x1x36xf32>
    %squeeze3A_98 = vector.shape_cast %slice3A_97 : vector<32x1x36xf32> to vector<32x36xf32>
    %get3A_99 = arith.constant 7 : index
    %get3A_100 = arith.constant 0 : index
    %get3A_101 = arith.constant 0 : index
    %get3A_102 = vector.load %arg4[%get3A_99, %get3A_100, %get3A_101] : memref<46x36x512xf32, #tpu.memory_space<vmem>>, vector<1x36x512xf32>
    %get3A_103 = vector.shape_cast %get3A_102 : vector<1x36x512xf32> to vector<36x512xf32>
    %dot_general3A_104 = arith.constant dense<0.000000e+00> : vector<32x512xf32>
    %dot_general3A_105 = tpu.matmul %squeeze3A_98, %get3A_103, %dot_general3A_104 {dimension_numbers = #tpu.dot_dimension_numbers<[1], [0], [0], [1], [0, 0, 1, 1], [], []>, precision = #tpu.contract_precision<fp32>, transpose_lhs_hint = false} : vector<32x36xf32>, vector<36x512xf32>, vector<32x512xf32> -> vector<32x512xf32>
    %add3A_106 = arith.addf %add3A_96, %dot_general3A_105 : vector<32x512xf32>
    %slice3A_107 = vector.extract_strided_slice %reshape3A_26 {offsets = [0, 8, 0], sizes = [32, 1, 36], strides = [1, 1, 1]} : vector<32x46x36xf32> to vector<32x1x36xf32>
    %squeeze3A_108 = vector.shape_cast %slice3A_107 : vector<32x1x36xf32> to vector<32x36xf32>
    %get3A_109 = arith.constant 8 : index
    %get3A_110 = arith.constant 0 : index
    %get3A_111 = arith.constant 0 : index
    %get3A_112 = vector.load %arg4[%get3A_109, %get3A_110, %get3A_111] : memref<46x36x512xf32, #tpu.memory_space<vmem>>, vector<1x36x512xf32>
    %get3A_113 = vector.shape_cast %get3A_112 : vector<1x36x512xf32> to vector<36x512xf32>
    %dot_general3A_114 = arith.constant dense<0.000000e+00> : vector<32x512xf32>
    %dot_general3A_115 = tpu.matmul %squeeze3A_108, %get3A_113, %dot_general3A_114 {dimension_numbers = #tpu.dot_dimension_numbers<[1], [0], [0], [1], [0, 0, 1, 1], [], []>, precision = #tpu.contract_precision<fp32>, transpose_lhs_hint = false} : vector<32x36xf32>, vector<36x512xf32>, vector<32x512xf32> -> vector<32x512xf32>
    %add3A_116 = arith.addf %add3A_106, %dot_general3A_115 : vector<32x512xf32>
    %slice3A_117 = vector.extract_strided_slice %reshape3A_26 {offsets = [0, 9, 0], sizes = [32, 1, 36], strides = [1, 1, 1]} : vector<32x46x36xf32> to vector<32x1x36xf32>
    %squeeze3A_118 = vector.shape_cast %slice3A_117 : vector<32x1x36xf32> to vector<32x36xf32>
    %get3A_119 = arith.constant 9 : index
    %get3A_120 = arith.constant 0 : index
    %get3A_121 = arith.constant 0 : index
    %get3A_122 = vector.load %arg4[%get3A_119, %get3A_120, %get3A_121] : memref<46x36x512xf32, #tpu.memory_space<vmem>>, vector<1x36x512xf32>
    %get3A_123 = vector.shape_cast %get3A_122 : vector<1x36x512xf32> to vector<36x512xf32>
    %dot_general3A_124 = arith.constant dense<0.000000e+00> : vector<32x512xf32>
    %dot_general3A_125 = tpu.matmul %squeeze3A_118, %get3A_123, %dot_general3A_124 {dimension_numbers = #tpu.dot_dimension_numbers<[1], [0], [0], [1], [0, 0, 1, 1], [], []>, precision = #tpu.contract_precision<fp32>, transpose_lhs_hint = false} : vector<32x36xf32>, vector<36x512xf32>, vector<32x512xf32> -> vector<32x512xf32>
    %add3A_126 = arith.addf %add3A_116, %dot_general3A_125 : vector<32x512xf32>
    %slice3A_127 = vector.extract_strided_slice %reshape3A_26 {offsets = [0, 10, 0], sizes = [32, 1, 36], strides = [1, 1, 1]} : vector<32x46x36xf32> to vector<32x1x36xf32>
    %squeeze3A_128 = vector.shape_cast %slice3A_127 : vector<32x1x36xf32> to vector<32x36xf32>
    %get3A_129 = arith.constant 10 : index
    %get3A_130 = arith.constant 0 : index
    %get3A_131 = arith.constant 0 : index
    %get3A_132 = vector.load %arg4[%get3A_129, %get3A_130, %get3A_131] : memref<46x36x512xf32, #tpu.memory_space<vmem>>, vector<1x36x512xf32>
    %get3A_133 = vector.shape_cast %get3A_132 : vector<1x36x512xf32> to vector<36x512xf32>
    %dot_general3A_134 = arith.constant dense<0.000000e+00> : vector<32x512xf32>
    %dot_general3A_135 = tpu.matmul %squeeze3A_128, %get3A_133, %dot_general3A_134 {dimension_numbers = #tpu.dot_dimension_numbers<[1], [0], [0], [1], [0, 0, 1, 1], [], []>, precision = #tpu.contract_precision<fp32>, transpose_lhs_hint = false} : vector<32x36xf32>, vector<36x512xf32>, vector<32x512xf32> -> vector<32x512xf32>
    %add3A_136 = arith.addf %add3A_126, %dot_general3A_135 : vector<32x512xf32>
    %slice3A_137 = vector.extract_strided_slice %reshape3A_26 {offsets = [0, 11, 0], sizes = [32, 1, 36], strides = [1, 1, 1]} : vector<32x46x36xf32> to vector<32x1x36xf32>
    %squeeze3A_138 = vector.shape_cast %slice3A_137 : vector<32x1x36xf32> to vector<32x36xf32>
    %get3A_139 = arith.constant 11 : index
    %get3A_140 = arith.constant 0 : index
    %get3A_141 = arith.constant 0 : index
    %get3A_142 = vector.load %arg4[%get3A_139, %get3A_140, %get3A_141] : memref<46x36x512xf32, #tpu.memory_space<vmem>>, vector<1x36x512xf32>
    %get3A_143 = vector.shape_cast %get3A_142 : vector<1x36x512xf32> to vector<36x512xf32>
    %dot_general3A_144 = arith.constant dense<0.000000e+00> : vector<32x512xf32>
    %dot_general3A_145 = tpu.matmul %squeeze3A_138, %get3A_143, %dot_general3A_144 {dimension_numbers = #tpu.dot_dimension_numbers<[1], [0], [0], [1], [0, 0, 1, 1], [], []>, precision = #tpu.contract_precision<fp32>, transpose_lhs_hint = false} : vector<32x36xf32>, vector<36x512xf32>, vector<32x512xf32> -> vector<32x512xf32>
    %add3A_146 = arith.addf %add3A_136, %dot_general3A_145 : vector<32x512xf32>
    %slice3A_147 = vector.extract_strided_slice %reshape3A_26 {offsets = [0, 12, 0], sizes = [32, 1, 36], strides = [1, 1, 1]} : vector<32x46x36xf32> to vector<32x1x36xf32>
    %squeeze3A_148 = vector.shape_cast %slice3A_147 : vector<32x1x36xf32> to vector<32x36xf32>
    %get3A_149 = arith.constant 12 : index
    %get3A_150 = arith.constant 0 : index
    %get3A_151 = arith.constant 0 : index
    %get3A_152 = vector.load %arg4[%get3A_149, %get3A_150, %get3A_151] : memref<46x36x512xf32, #tpu.memory_space<vmem>>, vector<1x36x512xf32>
    %get3A_153 = vector.shape_cast %get3A_152 : vector<1x36x512xf32> to vector<36x512xf32>
    %dot_general3A_154 = arith.constant dense<0.000000e+00> : vector<32x512xf32>
    %dot_general3A_155 = tpu.matmul %squeeze3A_148, %get3A_153, %dot_general3A_154 {dimension_numbers = #tpu.dot_dimension_numbers<[1], [0], [0], [1], [0, 0, 1, 1], [], []>, precision = #tpu.contract_precision<fp32>, transpose_lhs_hint = false} : vector<32x36xf32>, vector<36x512xf32>, vector<32x512xf32> -> vector<32x512xf32>
    %add3A_156 = arith.addf %add3A_146, %dot_general3A_155 : vector<32x512xf32>
    %slice3A_157 = vector.extract_strided_slice %reshape3A_26 {offsets = [0, 13, 0], sizes = [32, 1, 36], strides = [1, 1, 1]} : vector<32x46x36xf32> to vector<32x1x36xf32>
    %squeeze3A_158 = vector.shape_cast %slice3A_157 : vector<32x1x36xf32> to vector<32x36xf32>
    %get3A_159 = arith.constant 13 : index
    %get3A_160 = arith.constant 0 : index
    %get3A_161 = arith.constant 0 : index
    %get3A_162 = vector.load %arg4[%get3A_159, %get3A_160, %get3A_161] : memref<46x36x512xf32, #tpu.memory_space<vmem>>, vector<1x36x512xf32>
    %get3A_163 = vector.shape_cast %get3A_162 : vector<1x36x512xf32> to vector<36x512xf32>
    %dot_general3A_164 = arith.constant dense<0.000000e+00> : vector<32x512xf32>
    %dot_general3A_165 = tpu.matmul %squeeze3A_158, %get3A_163, %dot_general3A_164 {dimension_numbers = #tpu.dot_dimension_numbers<[1], [0], [0], [1], [0, 0, 1, 1], [], []>, precision = #tpu.contract_precision<fp32>, transpose_lhs_hint = false} : vector<32x36xf32>, vector<36x512xf32>, vector<32x512xf32> -> vector<32x512xf32>
    %add3A_166 = arith.addf %add3A_156, %dot_general3A_165 : vector<32x512xf32>
    %slice3A_167 = vector.extract_strided_slice %reshape3A_26 {offsets = [0, 14, 0], sizes = [32, 1, 36], strides = [1, 1, 1]} : vector<32x46x36xf32> to vector<32x1x36xf32>
    %squeeze3A_168 = vector.shape_cast %slice3A_167 : vector<32x1x36xf32> to vector<32x36xf32>
    %get3A_169 = arith.constant 14 : index
    %get3A_170 = arith.constant 0 : index
    %get3A_171 = arith.constant 0 : index
    %get3A_172 = vector.load %arg4[%get3A_169, %get3A_170, %get3A_171] : memref<46x36x512xf32, #tpu.memory_space<vmem>>, vector<1x36x512xf32>
    %get3A_173 = vector.shape_cast %get3A_172 : vector<1x36x512xf32> to vector<36x512xf32>
    %dot_general3A_174 = arith.constant dense<0.000000e+00> : vector<32x512xf32>
    %dot_general3A_175 = tpu.matmul %squeeze3A_168, %get3A_173, %dot_general3A_174 {dimension_numbers = #tpu.dot_dimension_numbers<[1], [0], [0], [1], [0, 0, 1, 1], [], []>, precision = #tpu.contract_precision<fp32>, transpose_lhs_hint = false} : vector<32x36xf32>, vector<36x512xf32>, vector<32x512xf32> -> vector<32x512xf32>
    %add3A_176 = arith.addf %add3A_166, %dot_general3A_175 : vector<32x512xf32>
    %slice3A_177 = vector.extract_strided_slice %reshape3A_26 {offsets = [0, 15, 0], sizes = [32, 1, 36], strides = [1, 1, 1]} : vector<32x46x36xf32> to vector<32x1x36xf32>
    %squeeze3A_178 = vector.shape_cast %slice3A_177 : vector<32x1x36xf32> to vector<32x36xf32>
    %get3A_179 = arith.constant 15 : index
    %get3A_180 = arith.constant 0 : index
    %get3A_181 = arith.constant 0 : index
    %get3A_182 = vector.load %arg4[%get3A_179, %get3A_180, %get3A_181] : memref<46x36x512xf32, #tpu.memory_space<vmem>>, vector<1x36x512xf32>
    %get3A_183 = vector.shape_cast %get3A_182 : vector<1x36x512xf32> to vector<36x512xf32>
    %dot_general3A_184 = arith.constant dense<0.000000e+00> : vector<32x512xf32>
    %dot_general3A_185 = tpu.matmul %squeeze3A_178, %get3A_183, %dot_general3A_184 {dimension_numbers = #tpu.dot_dimension_numbers<[1], [0], [0], [1], [0, 0, 1, 1], [], []>, precision = #tpu.contract_precision<fp32>, transpose_lhs_hint = false} : vector<32x36xf32>, vector<36x512xf32>, vector<32x512xf32> -> vector<32x512xf32>
    %add3A_186 = arith.addf %add3A_176, %dot_general3A_185 : vector<32x512xf32>
    %slice3A_187 = vector.extract_strided_slice %reshape3A_26 {offsets = [0, 16, 0], sizes = [32, 1, 36], strides = [1, 1, 1]} : vector<32x46x36xf32> to vector<32x1x36xf32>
    %squeeze3A_188 = vector.shape_cast %slice3A_187 : vector<32x1x36xf32> to vector<32x36xf32>
    %get3A_189 = arith.constant 16 : index
    %get3A_190 = arith.constant 0 : index
    %get3A_191 = arith.constant 0 : index
    %get3A_192 = vector.load %arg4[%get3A_189, %get3A_190, %get3A_191] : memref<46x36x512xf32, #tpu.memory_space<vmem>>, vector<1x36x512xf32>
    %get3A_193 = vector.shape_cast %get3A_192 : vector<1x36x512xf32> to vector<36x512xf32>
    %dot_general3A_194 = arith.constant dense<0.000000e+00> : vector<32x512xf32>
    %dot_general3A_195 = tpu.matmul %squeeze3A_188, %get3A_193, %dot_general3A_194 {dimension_numbers = #tpu.dot_dimension_numbers<[1], [0], [0], [1], [0, 0, 1, 1], [], []>, precision = #tpu.contract_precision<fp32>, transpose_lhs_hint = false} : vector<32x36xf32>, vector<36x512xf32>, vector<32x512xf32> -> vector<32x512xf32>
    %add3A_196 = arith.addf %add3A_186, %dot_general3A_195 : vector<32x512xf32>
    %slice3A_197 = vector.extract_strided_slice %reshape3A_26 {offsets = [0, 17, 0], sizes = [32, 1, 36], strides = [1, 1, 1]} : vector<32x46x36xf32> to vector<32x1x36xf32>
    %squeeze3A_198 = vector.shape_cast %slice3A_197 : vector<32x1x36xf32> to vector<32x36xf32>
    %get3A_199 = arith.constant 17 : index
    %get3A_200 = arith.constant 0 : index
    %get3A_201 = arith.constant 0 : index
    %get3A_202 = vector.load %arg4[%get3A_199, %get3A_200, %get3A_201] : memref<46x36x512xf32, #tpu.memory_space<vmem>>, vector<1x36x512xf32>
    %get3A_203 = vector.shape_cast %get3A_202 : vector<1x36x512xf32> to vector<36x512xf32>
    %dot_general3A_204 = arith.constant dense<0.000000e+00> : vector<32x512xf32>
    %dot_general3A_205 = tpu.matmul %squeeze3A_198, %get3A_203, %dot_general3A_204 {dimension_numbers = #tpu.dot_dimension_numbers<[1], [0], [0], [1], [0, 0, 1, 1], [], []>, precision = #tpu.contract_precision<fp32>, transpose_lhs_hint = false} : vector<32x36xf32>, vector<36x512xf32>, vector<32x512xf32> -> vector<32x512xf32>
    %add3A_206 = arith.addf %add3A_196, %dot_general3A_205 : vector<32x512xf32>
    %slice3A_207 = vector.extract_strided_slice %reshape3A_26 {offsets = [0, 18, 0], sizes = [32, 1, 36], strides = [1, 1, 1]} : vector<32x46x36xf32> to vector<32x1x36xf32>
    %squeeze3A_208 = vector.shape_cast %slice3A_207 : vector<32x1x36xf32> to vector<32x36xf32>
    %get3A_209 = arith.constant 18 : index
    %get3A_210 = arith.constant 0 : index
    %get3A_211 = arith.constant 0 : index
    %get3A_212 = vector.load %arg4[%get3A_209, %get3A_210, %get3A_211] : memref<46x36x512xf32, #tpu.memory_space<vmem>>, vector<1x36x512xf32>
    %get3A_213 = vector.shape_cast %get3A_212 : vector<1x36x512xf32> to vector<36x512xf32>
    %dot_general3A_214 = arith.constant dense<0.000000e+00> : vector<32x512xf32>
    %dot_general3A_215 = tpu.matmul %squeeze3A_208, %get3A_213, %dot_general3A_214 {dimension_numbers = #tpu.dot_dimension_numbers<[1], [0], [0], [1], [0, 0, 1, 1], [], []>, precision = #tpu.contract_precision<fp32>, transpose_lhs_hint = false} : vector<32x36xf32>, vector<36x512xf32>, vector<32x512xf32> -> vector<32x512xf32>
    %add3A_216 = arith.addf %add3A_206, %dot_general3A_215 : vector<32x512xf32>
    %slice3A_217 = vector.extract_strided_slice %reshape3A_26 {offsets = [0, 19, 0], sizes = [32, 1, 36], strides = [1, 1, 1]} : vector<32x46x36xf32> to vector<32x1x36xf32>
    %squeeze3A_218 = vector.shape_cast %slice3A_217 : vector<32x1x36xf32> to vector<32x36xf32>
    %get3A_219 = arith.constant 19 : index
    %get3A_220 = arith.constant 0 : index
    %get3A_221 = arith.constant 0 : index
    %get3A_222 = vector.load %arg4[%get3A_219, %get3A_220, %get3A_221] : memref<46x36x512xf32, #tpu.memory_space<vmem>>, vector<1x36x512xf32>
    %get3A_223 = vector.shape_cast %get3A_222 : vector<1x36x512xf32> to vector<36x512xf32>
    %dot_general3A_224 = arith.constant dense<0.000000e+00> : vector<32x512xf32>
    %dot_general3A_225 = tpu.matmul %squeeze3A_218, %get3A_223, %dot_general3A_224 {dimension_numbers = #tpu.dot_dimension_numbers<[1], [0], [0], [1], [0, 0, 1, 1], [], []>, precision = #tpu.contract_precision<fp32>, transpose_lhs_hint = false} : vector<32x36xf32>, vector<36x512xf32>, vector<32x512xf32> -> vector<32x512xf32>
    %add3A_226 = arith.addf %add3A_216, %dot_general3A_225 : vector<32x512xf32>
    %slice3A_227 = vector.extract_strided_slice %reshape3A_26 {offsets = [0, 20, 0], sizes = [32, 1, 36], strides = [1, 1, 1]} : vector<32x46x36xf32> to vector<32x1x36xf32>
    %squeeze3A_228 = vector.shape_cast %slice3A_227 : vector<32x1x36xf32> to vector<32x36xf32>
    %get3A_229 = arith.constant 20 : index
    %get3A_230 = arith.constant 0 : index
    %get3A_231 = arith.constant 0 : index
    %get3A_232 = vector.load %arg4[%get3A_229, %get3A_230, %get3A_231] : memref<46x36x512xf32, #tpu.memory_space<vmem>>, vector<1x36x512xf32>
    %get3A_233 = vector.shape_cast %get3A_232 : vector<1x36x512xf32> to vector<36x512xf32>
    %dot_general3A_234 = arith.constant dense<0.000000e+00> : vector<32x512xf32>
    %dot_general3A_235 = tpu.matmul %squeeze3A_228, %get3A_233, %dot_general3A_234 {dimension_numbers = #tpu.dot_dimension_numbers<[1], [0], [0], [1], [0, 0, 1, 1], [], []>, precision = #tpu.contract_precision<fp32>, transpose_lhs_hint = false} : vector<32x36xf32>, vector<36x512xf32>, vector<32x512xf32> -> vector<32x512xf32>
    %add3A_236 = arith.addf %add3A_226, %dot_general3A_235 : vector<32x512xf32>
    %slice3A_237 = vector.extract_strided_slice %reshape3A_26 {offsets = [0, 21, 0], sizes = [32, 1, 36], strides = [1, 1, 1]} : vector<32x46x36xf32> to vector<32x1x36xf32>
    %squeeze3A_238 = vector.shape_cast %slice3A_237 : vector<32x1x36xf32> to vector<32x36xf32>
    %get3A_239 = arith.constant 21 : index
    %get3A_240 = arith.constant 0 : index
    %get3A_241 = arith.constant 0 : index
    %get3A_242 = vector.load %arg4[%get3A_239, %get3A_240, %get3A_241] : memref<46x36x512xf32, #tpu.memory_space<vmem>>, vector<1x36x512xf32>
    %get3A_243 = vector.shape_cast %get3A_242 : vector<1x36x512xf32> to vector<36x512xf32>
    %dot_general3A_244 = arith.constant dense<0.000000e+00> : vector<32x512xf32>
    %dot_general3A_245 = tpu.matmul %squeeze3A_238, %get3A_243, %dot_general3A_244 {dimension_numbers = #tpu.dot_dimension_numbers<[1], [0], [0], [1], [0, 0, 1, 1], [], []>, precision = #tpu.contract_precision<fp32>, transpose_lhs_hint = false} : vector<32x36xf32>, vector<36x512xf32>, vector<32x512xf32> -> vector<32x512xf32>
    %add3A_246 = arith.addf %add3A_236, %dot_general3A_245 : vector<32x512xf32>
    %slice3A_247 = vector.extract_strided_slice %reshape3A_26 {offsets = [0, 22, 0], sizes = [32, 1, 36], strides = [1, 1, 1]} : vector<32x46x36xf32> to vector<32x1x36xf32>
    %squeeze3A_248 = vector.shape_cast %slice3A_247 : vector<32x1x36xf32> to vector<32x36xf32>
    %get3A_249 = arith.constant 22 : index
    %get3A_250 = arith.constant 0 : index
    %get3A_251 = arith.constant 0 : index
    %get3A_252 = vector.load %arg4[%get3A_249, %get3A_250, %get3A_251] : memref<46x36x512xf32, #tpu.memory_space<vmem>>, vector<1x36x512xf32>
    %get3A_253 = vector.shape_cast %get3A_252 : vector<1x36x512xf32> to vector<36x512xf32>
    %dot_general3A_254 = arith.constant dense<0.000000e+00> : vector<32x512xf32>
    %dot_general3A_255 = tpu.matmul %squeeze3A_248, %get3A_253, %dot_general3A_254 {dimension_numbers = #tpu.dot_dimension_numbers<[1], [0], [0], [1], [0, 0, 1, 1], [], []>, precision = #tpu.contract_precision<fp32>, transpose_lhs_hint = false} : vector<32x36xf32>, vector<36x512xf32>, vector<32x512xf32> -> vector<32x512xf32>
    %add3A_256 = arith.addf %add3A_246, %dot_general3A_255 : vector<32x512xf32>
    %slice3A_257 = vector.extract_strided_slice %reshape3A_26 {offsets = [0, 23, 0], sizes = [32, 1, 36], strides = [1, 1, 1]} : vector<32x46x36xf32> to vector<32x1x36xf32>
    %squeeze3A_258 = vector.shape_cast %slice3A_257 : vector<32x1x36xf32> to vector<32x36xf32>
    %get3A_259 = arith.constant 23 : index
    %get3A_260 = arith.constant 0 : index
    %get3A_261 = arith.constant 0 : index
    %get3A_262 = vector.load %arg4[%get3A_259, %get3A_260, %get3A_261] : memref<46x36x512xf32, #tpu.memory_space<vmem>>, vector<1x36x512xf32>
    %get3A_263 = vector.shape_cast %get3A_262 : vector<1x36x512xf32> to vector<36x512xf32>
    %dot_general3A_264 = arith.constant dense<0.000000e+00> : vector<32x512xf32>
    %dot_general3A_265 = tpu.matmul %squeeze3A_258, %get3A_263, %dot_general3A_264 {dimension_numbers = #tpu.dot_dimension_numbers<[1], [0], [0], [1], [0, 0, 1, 1], [], []>, precision = #tpu.contract_precision<fp32>, transpose_lhs_hint = false} : vector<32x36xf32>, vector<36x512xf32>, vector<32x512xf32> -> vector<32x512xf32>
    %add3A_266 = arith.addf %add3A_256, %dot_general3A_265 : vector<32x512xf32>
    %slice3A_267 = vector.extract_strided_slice %reshape3A_26 {offsets = [0, 24, 0], sizes = [32, 1, 36], strides = [1, 1, 1]} : vector<32x46x36xf32> to vector<32x1x36xf32>
    %squeeze3A_268 = vector.shape_cast %slice3A_267 : vector<32x1x36xf32> to vector<32x36xf32>
    %get3A_269 = arith.constant 24 : index
    %get3A_270 = arith.constant 0 : index
    %get3A_271 = arith.constant 0 : index
    %get3A_272 = vector.load %arg4[%get3A_269, %get3A_270, %get3A_271] : memref<46x36x512xf32, #tpu.memory_space<vmem>>, vector<1x36x512xf32>
    %get3A_273 = vector.shape_cast %get3A_272 : vector<1x36x512xf32> to vector<36x512xf32>
    %dot_general3A_274 = arith.constant dense<0.000000e+00> : vector<32x512xf32>
    %dot_general3A_275 = tpu.matmul %squeeze3A_268, %get3A_273, %dot_general3A_274 {dimension_numbers = #tpu.dot_dimension_numbers<[1], [0], [0], [1], [0, 0, 1, 1], [], []>, precision = #tpu.contract_precision<fp32>, transpose_lhs_hint = false} : vector<32x36xf32>, vector<36x512xf32>, vector<32x512xf32> -> vector<32x512xf32>
    %add3A_276 = arith.addf %add3A_266, %dot_general3A_275 : vector<32x512xf32>
    %slice3A_277 = vector.extract_strided_slice %reshape3A_26 {offsets = [0, 25, 0], sizes = [32, 1, 36], strides = [1, 1, 1]} : vector<32x46x36xf32> to vector<32x1x36xf32>
    %squeeze3A_278 = vector.shape_cast %slice3A_277 : vector<32x1x36xf32> to vector<32x36xf32>
    %get3A_279 = arith.constant 25 : index
    %get3A_280 = arith.constant 0 : index
    %get3A_281 = arith.constant 0 : index
    %get3A_282 = vector.load %arg4[%get3A_279, %get3A_280, %get3A_281] : memref<46x36x512xf32, #tpu.memory_space<vmem>>, vector<1x36x512xf32>
    %get3A_283 = vector.shape_cast %get3A_282 : vector<1x36x512xf32> to vector<36x512xf32>
    %dot_general3A_284 = arith.constant dense<0.000000e+00> : vector<32x512xf32>
    %dot_general3A_285 = tpu.matmul %squeeze3A_278, %get3A_283, %dot_general3A_284 {dimension_numbers = #tpu.dot_dimension_numbers<[1], [0], [0], [1], [0, 0, 1, 1], [], []>, precision = #tpu.contract_precision<fp32>, transpose_lhs_hint = false} : vector<32x36xf32>, vector<36x512xf32>, vector<32x512xf32> -> vector<32x512xf32>
    %add3A_286 = arith.addf %add3A_276, %dot_general3A_285 : vector<32x512xf32>
    %slice3A_287 = vector.extract_strided_slice %reshape3A_26 {offsets = [0, 26, 0], sizes = [32, 1, 36], strides = [1, 1, 1]} : vector<32x46x36xf32> to vector<32x1x36xf32>
    %squeeze3A_288 = vector.shape_cast %slice3A_287 : vector<32x1x36xf32> to vector<32x36xf32>
    %get3A_289 = arith.constant 26 : index
    %get3A_290 = arith.constant 0 : index
    %get3A_291 = arith.constant 0 : index
    %get3A_292 = vector.load %arg4[%get3A_289, %get3A_290, %get3A_291] : memref<46x36x512xf32, #tpu.memory_space<vmem>>, vector<1x36x512xf32>
    %get3A_293 = vector.shape_cast %get3A_292 : vector<1x36x512xf32> to vector<36x512xf32>
    %dot_general3A_294 = arith.constant dense<0.000000e+00> : vector<32x512xf32>
    %dot_general3A_295 = tpu.matmul %squeeze3A_288, %get3A_293, %dot_general3A_294 {dimension_numbers = #tpu.dot_dimension_numbers<[1], [0], [0], [1], [0, 0, 1, 1], [], []>, precision = #tpu.contract_precision<fp32>, transpose_lhs_hint = false} : vector<32x36xf32>, vector<36x512xf32>, vector<32x512xf32> -> vector<32x512xf32>
    %add3A_296 = arith.addf %add3A_286, %dot_general3A_295 : vector<32x512xf32>
    %slice3A_297 = vector.extract_strided_slice %reshape3A_26 {offsets = [0, 27, 0], sizes = [32, 1, 36], strides = [1, 1, 1]} : vector<32x46x36xf32> to vector<32x1x36xf32>
    %squeeze3A_298 = vector.shape_cast %slice3A_297 : vector<32x1x36xf32> to vector<32x36xf32>
    %get3A_299 = arith.constant 27 : index
    %get3A_300 = arith.constant 0 : index
    %get3A_301 = arith.constant 0 : index
    %get3A_302 = vector.load %arg4[%get3A_299, %get3A_300, %get3A_301] : memref<46x36x512xf32, #tpu.memory_space<vmem>>, vector<1x36x512xf32>
    %get3A_303 = vector.shape_cast %get3A_302 : vector<1x36x512xf32> to vector<36x512xf32>
    %dot_general3A_304 = arith.constant dense<0.000000e+00> : vector<32x512xf32>
    %dot_general3A_305 = tpu.matmul %squeeze3A_298, %get3A_303, %dot_general3A_304 {dimension_numbers = #tpu.dot_dimension_numbers<[1], [0], [0], [1], [0, 0, 1, 1], [], []>, precision = #tpu.contract_precision<fp32>, transpose_lhs_hint = false} : vector<32x36xf32>, vector<36x512xf32>, vector<32x512xf32> -> vector<32x512xf32>
    %add3A_306 = arith.addf %add3A_296, %dot_general3A_305 : vector<32x512xf32>
    %slice3A_307 = vector.extract_strided_slice %reshape3A_26 {offsets = [0, 28, 0], sizes = [32, 1, 36], strides = [1, 1, 1]} : vector<32x46x36xf32> to vector<32x1x36xf32>
    %squeeze3A_308 = vector.shape_cast %slice3A_307 : vector<32x1x36xf32> to vector<32x36xf32>
    %get3A_309 = arith.constant 28 : index
    %get3A_310 = arith.constant 0 : index
    %get3A_311 = arith.constant 0 : index
    %get3A_312 = vector.load %arg4[%get3A_309, %get3A_310, %get3A_311] : memref<46x36x512xf32, #tpu.memory_space<vmem>>, vector<1x36x512xf32>
    %get3A_313 = vector.shape_cast %get3A_312 : vector<1x36x512xf32> to vector<36x512xf32>
    %dot_general3A_314 = arith.constant dense<0.000000e+00> : vector<32x512xf32>
    %dot_general3A_315 = tpu.matmul %squeeze3A_308, %get3A_313, %dot_general3A_314 {dimension_numbers = #tpu.dot_dimension_numbers<[1], [0], [0], [1], [0, 0, 1, 1], [], []>, precision = #tpu.contract_precision<fp32>, transpose_lhs_hint = false} : vector<32x36xf32>, vector<36x512xf32>, vector<32x512xf32> -> vector<32x512xf32>
    %add3A_316 = arith.addf %add3A_306, %dot_general3A_315 : vector<32x512xf32>
    %slice3A_317 = vector.extract_strided_slice %reshape3A_26 {offsets = [0, 29, 0], sizes = [32, 1, 36], strides = [1, 1, 1]} : vector<32x46x36xf32> to vector<32x1x36xf32>
    %squeeze3A_318 = vector.shape_cast %slice3A_317 : vector<32x1x36xf32> to vector<32x36xf32>
    %get3A_319 = arith.constant 29 : index
    %get3A_320 = arith.constant 0 : index
    %get3A_321 = arith.constant 0 : index
    %get3A_322 = vector.load %arg4[%get3A_319, %get3A_320, %get3A_321] : memref<46x36x512xf32, #tpu.memory_space<vmem>>, vector<1x36x512xf32>
    %get3A_323 = vector.shape_cast %get3A_322 : vector<1x36x512xf32> to vector<36x512xf32>
    %dot_general3A_324 = arith.constant dense<0.000000e+00> : vector<32x512xf32>
    %dot_general3A_325 = tpu.matmul %squeeze3A_318, %get3A_323, %dot_general3A_324 {dimension_numbers = #tpu.dot_dimension_numbers<[1], [0], [0], [1], [0, 0, 1, 1], [], []>, precision = #tpu.contract_precision<fp32>, transpose_lhs_hint = false} : vector<32x36xf32>, vector<36x512xf32>, vector<32x512xf32> -> vector<32x512xf32>
    %add3A_326 = arith.addf %add3A_316, %dot_general3A_325 : vector<32x512xf32>
    %slice3A_327 = vector.extract_strided_slice %reshape3A_26 {offsets = [0, 30, 0], sizes = [32, 1, 36], strides = [1, 1, 1]} : vector<32x46x36xf32> to vector<32x1x36xf32>
    %squeeze3A_328 = vector.shape_cast %slice3A_327 : vector<32x1x36xf32> to vector<32x36xf32>
    %get3A_329 = arith.constant 30 : index
    %get3A_330 = arith.constant 0 : index
    %get3A_331 = arith.constant 0 : index
    %get3A_332 = vector.load %arg4[%get3A_329, %get3A_330, %get3A_331] : memref<46x36x512xf32, #tpu.memory_space<vmem>>, vector<1x36x512xf32>
    %get3A_333 = vector.shape_cast %get3A_332 : vector<1x36x512xf32> to vector<36x512xf32>
    %dot_general3A_334 = arith.constant dense<0.000000e+00> : vector<32x512xf32>
    %dot_general3A_335 = tpu.matmul %squeeze3A_328, %get3A_333, %dot_general3A_334 {dimension_numbers = #tpu.dot_dimension_numbers<[1], [0], [0], [1], [0, 0, 1, 1], [], []>, precision = #tpu.contract_precision<fp32>, transpose_lhs_hint = false} : vector<32x36xf32>, vector<36x512xf32>, vector<32x512xf32> -> vector<32x512xf32>
    %add3A_336 = arith.addf %add3A_326, %dot_general3A_335 : vector<32x512xf32>
    %slice3A_337 = vector.extract_strided_slice %reshape3A_26 {offsets = [0, 31, 0], sizes = [32, 1, 36], strides = [1, 1, 1]} : vector<32x46x36xf32> to vector<32x1x36xf32>
    %squeeze3A_338 = vector.shape_cast %slice3A_337 : vector<32x1x36xf32> to vector<32x36xf32>
    %get3A_339 = arith.constant 31 : index
    %get3A_340 = arith.constant 0 : index
    %get3A_341 = arith.constant 0 : index
    %get3A_342 = vector.load %arg4[%get3A_339, %get3A_340, %get3A_341] : memref<46x36x512xf32, #tpu.memory_space<vmem>>, vector<1x36x512xf32>
    %get3A_343 = vector.shape_cast %get3A_342 : vector<1x36x512xf32> to vector<36x512xf32>
    %dot_general3A_344 = arith.constant dense<0.000000e+00> : vector<32x512xf32>
    %dot_general3A_345 = tpu.matmul %squeeze3A_338, %get3A_343, %dot_general3A_344 {dimension_numbers = #tpu.dot_dimension_numbers<[1], [0], [0], [1], [0, 0, 1, 1], [], []>, precision = #tpu.contract_precision<fp32>, transpose_lhs_hint = false} : vector<32x36xf32>, vector<36x512xf32>, vector<32x512xf32> -> vector<32x512xf32>
    %add3A_346 = arith.addf %add3A_336, %dot_general3A_345 : vector<32x512xf32>
    %slice3A_347 = vector.extract_strided_slice %reshape3A_26 {offsets = [0, 32, 0], sizes = [32, 1, 36], strides = [1, 1, 1]} : vector<32x46x36xf32> to vector<32x1x36xf32>
    %squeeze3A_348 = vector.shape_cast %slice3A_347 : vector<32x1x36xf32> to vector<32x36xf32>
    %get3A_349 = arith.constant 32 : index
    %get3A_350 = arith.constant 0 : index
    %get3A_351 = arith.constant 0 : index
    %get3A_352 = vector.load %arg4[%get3A_349, %get3A_350, %get3A_351] : memref<46x36x512xf32, #tpu.memory_space<vmem>>, vector<1x36x512xf32>
    %get3A_353 = vector.shape_cast %get3A_352 : vector<1x36x512xf32> to vector<36x512xf32>
    %dot_general3A_354 = arith.constant dense<0.000000e+00> : vector<32x512xf32>
    %dot_general3A_355 = tpu.matmul %squeeze3A_348, %get3A_353, %dot_general3A_354 {dimension_numbers = #tpu.dot_dimension_numbers<[1], [0], [0], [1], [0, 0, 1, 1], [], []>, precision = #tpu.contract_precision<fp32>, transpose_lhs_hint = false} : vector<32x36xf32>, vector<36x512xf32>, vector<32x512xf32> -> vector<32x512xf32>
    %add3A_356 = arith.addf %add3A_346, %dot_general3A_355 : vector<32x512xf32>
    %slice3A_357 = vector.extract_strided_slice %reshape3A_26 {offsets = [0, 33, 0], sizes = [32, 1, 36], strides = [1, 1, 1]} : vector<32x46x36xf32> to vector<32x1x36xf32>
    %squeeze3A_358 = vector.shape_cast %slice3A_357 : vector<32x1x36xf32> to vector<32x36xf32>
    %get3A_359 = arith.constant 33 : index
    %get3A_360 = arith.constant 0 : index
    %get3A_361 = arith.constant 0 : index
    %get3A_362 = vector.load %arg4[%get3A_359, %get3A_360, %get3A_361] : memref<46x36x512xf32, #tpu.memory_space<vmem>>, vector<1x36x512xf32>
    %get3A_363 = vector.shape_cast %get3A_362 : vector<1x36x512xf32> to vector<36x512xf32>
    %dot_general3A_364 = arith.constant dense<0.000000e+00> : vector<32x512xf32>
    %dot_general3A_365 = tpu.matmul %squeeze3A_358, %get3A_363, %dot_general3A_364 {dimension_numbers = #tpu.dot_dimension_numbers<[1], [0], [0], [1], [0, 0, 1, 1], [], []>, precision = #tpu.contract_precision<fp32>, transpose_lhs_hint = false} : vector<32x36xf32>, vector<36x512xf32>, vector<32x512xf32> -> vector<32x512xf32>
    %add3A_366 = arith.addf %add3A_356, %dot_general3A_365 : vector<32x512xf32>
    %slice3A_367 = vector.extract_strided_slice %reshape3A_26 {offsets = [0, 34, 0], sizes = [32, 1, 36], strides = [1, 1, 1]} : vector<32x46x36xf32> to vector<32x1x36xf32>
    %squeeze3A_368 = vector.shape_cast %slice3A_367 : vector<32x1x36xf32> to vector<32x36xf32>
    %get3A_369 = arith.constant 34 : index
    %get3A_370 = arith.constant 0 : index
    %get3A_371 = arith.constant 0 : index
    %get3A_372 = vector.load %arg4[%get3A_369, %get3A_370, %get3A_371] : memref<46x36x512xf32, #tpu.memory_space<vmem>>, vector<1x36x512xf32>
    %get3A_373 = vector.shape_cast %get3A_372 : vector<1x36x512xf32> to vector<36x512xf32>
    %dot_general3A_374 = arith.constant dense<0.000000e+00> : vector<32x512xf32>
    %dot_general3A_375 = tpu.matmul %squeeze3A_368, %get3A_373, %dot_general3A_374 {dimension_numbers = #tpu.dot_dimension_numbers<[1], [0], [0], [1], [0, 0, 1, 1], [], []>, precision = #tpu.contract_precision<fp32>, transpose_lhs_hint = false} : vector<32x36xf32>, vector<36x512xf32>, vector<32x512xf32> -> vector<32x512xf32>
    %add3A_376 = arith.addf %add3A_366, %dot_general3A_375 : vector<32x512xf32>
    %slice3A_377 = vector.extract_strided_slice %reshape3A_26 {offsets = [0, 35, 0], sizes = [32, 1, 36], strides = [1, 1, 1]} : vector<32x46x36xf32> to vector<32x1x36xf32>
    %squeeze3A_378 = vector.shape_cast %slice3A_377 : vector<32x1x36xf32> to vector<32x36xf32>
    %get3A_379 = arith.constant 35 : index
    %get3A_380 = arith.constant 0 : index
    %get3A_381 = arith.constant 0 : index
    %get3A_382 = vector.load %arg4[%get3A_379, %get3A_380, %get3A_381] : memref<46x36x512xf32, #tpu.memory_space<vmem>>, vector<1x36x512xf32>
    %get3A_383 = vector.shape_cast %get3A_382 : vector<1x36x512xf32> to vector<36x512xf32>
    %dot_general3A_384 = arith.constant dense<0.000000e+00> : vector<32x512xf32>
    %dot_general3A_385 = tpu.matmul %squeeze3A_378, %get3A_383, %dot_general3A_384 {dimension_numbers = #tpu.dot_dimension_numbers<[1], [0], [0], [1], [0, 0, 1, 1], [], []>, precision = #tpu.contract_precision<fp32>, transpose_lhs_hint = false} : vector<32x36xf32>, vector<36x512xf32>, vector<32x512xf32> -> vector<32x512xf32>
    %add3A_386 = arith.addf %add3A_376, %dot_general3A_385 : vector<32x512xf32>
    %slice3A_387 = vector.extract_strided_slice %reshape3A_26 {offsets = [0, 36, 0], sizes = [32, 1, 36], strides = [1, 1, 1]} : vector<32x46x36xf32> to vector<32x1x36xf32>
    %squeeze3A_388 = vector.shape_cast %slice3A_387 : vector<32x1x36xf32> to vector<32x36xf32>
    %get3A_389 = arith.constant 36 : index
    %get3A_390 = arith.constant 0 : index
    %get3A_391 = arith.constant 0 : index
    %get3A_392 = vector.load %arg4[%get3A_389, %get3A_390, %get3A_391] : memref<46x36x512xf32, #tpu.memory_space<vmem>>, vector<1x36x512xf32>
    %get3A_393 = vector.shape_cast %get3A_392 : vector<1x36x512xf32> to vector<36x512xf32>
    %dot_general3A_394 = arith.constant dense<0.000000e+00> : vector<32x512xf32>
    %dot_general3A_395 = tpu.matmul %squeeze3A_388, %get3A_393, %dot_general3A_394 {dimension_numbers = #tpu.dot_dimension_numbers<[1], [0], [0], [1], [0, 0, 1, 1], [], []>, precision = #tpu.contract_precision<fp32>, transpose_lhs_hint = false} : vector<32x36xf32>, vector<36x512xf32>, vector<32x512xf32> -> vector<32x512xf32>
    %add3A_396 = arith.addf %add3A_386, %dot_general3A_395 : vector<32x512xf32>
    %slice3A_397 = vector.extract_strided_slice %reshape3A_26 {offsets = [0, 37, 0], sizes = [32, 1, 36], strides = [1, 1, 1]} : vector<32x46x36xf32> to vector<32x1x36xf32>
    %squeeze3A_398 = vector.shape_cast %slice3A_397 : vector<32x1x36xf32> to vector<32x36xf32>
    %get3A_399 = arith.constant 37 : index
    %get3A_400 = arith.constant 0 : index
    %get3A_401 = arith.constant 0 : index
    %get3A_402 = vector.load %arg4[%get3A_399, %get3A_400, %get3A_401] : memref<46x36x512xf32, #tpu.memory_space<vmem>>, vector<1x36x512xf32>
    %get3A_403 = vector.shape_cast %get3A_402 : vector<1x36x512xf32> to vector<36x512xf32>
    %dot_general3A_404 = arith.constant dense<0.000000e+00> : vector<32x512xf32>
    %dot_general3A_405 = tpu.matmul %squeeze3A_398, %get3A_403, %dot_general3A_404 {dimension_numbers = #tpu.dot_dimension_numbers<[1], [0], [0], [1], [0, 0, 1, 1], [], []>, precision = #tpu.contract_precision<fp32>, transpose_lhs_hint = false} : vector<32x36xf32>, vector<36x512xf32>, vector<32x512xf32> -> vector<32x512xf32>
    %add3A_406 = arith.addf %add3A_396, %dot_general3A_405 : vector<32x512xf32>
    %slice3A_407 = vector.extract_strided_slice %reshape3A_26 {offsets = [0, 38, 0], sizes = [32, 1, 36], strides = [1, 1, 1]} : vector<32x46x36xf32> to vector<32x1x36xf32>
    %squeeze3A_408 = vector.shape_cast %slice3A_407 : vector<32x1x36xf32> to vector<32x36xf32>
    %get3A_409 = arith.constant 38 : index
    %get3A_410 = arith.constant 0 : index
    %get3A_411 = arith.constant 0 : index
    %get3A_412 = vector.load %arg4[%get3A_409, %get3A_410, %get3A_411] : memref<46x36x512xf32, #tpu.memory_space<vmem>>, vector<1x36x512xf32>
    %get3A_413 = vector.shape_cast %get3A_412 : vector<1x36x512xf32> to vector<36x512xf32>
    %dot_general3A_414 = arith.constant dense<0.000000e+00> : vector<32x512xf32>
    %dot_general3A_415 = tpu.matmul %squeeze3A_408, %get3A_413, %dot_general3A_414 {dimension_numbers = #tpu.dot_dimension_numbers<[1], [0], [0], [1], [0, 0, 1, 1], [], []>, precision = #tpu.contract_precision<fp32>, transpose_lhs_hint = false} : vector<32x36xf32>, vector<36x512xf32>, vector<32x512xf32> -> vector<32x512xf32>
    %add3A_416 = arith.addf %add3A_406, %dot_general3A_415 : vector<32x512xf32>
    %slice3A_417 = vector.extract_strided_slice %reshape3A_26 {offsets = [0, 39, 0], sizes = [32, 1, 36], strides = [1, 1, 1]} : vector<32x46x36xf32> to vector<32x1x36xf32>
    %squeeze3A_418 = vector.shape_cast %slice3A_417 : vector<32x1x36xf32> to vector<32x36xf32>
    %get3A_419 = arith.constant 39 : index
    %get3A_420 = arith.constant 0 : index
    %get3A_421 = arith.constant 0 : index
    %get3A_422 = vector.load %arg4[%get3A_419, %get3A_420, %get3A_421] : memref<46x36x512xf32, #tpu.memory_space<vmem>>, vector<1x36x512xf32>
    %get3A_423 = vector.shape_cast %get3A_422 : vector<1x36x512xf32> to vector<36x512xf32>
    %dot_general3A_424 = arith.constant dense<0.000000e+00> : vector<32x512xf32>
    %dot_general3A_425 = tpu.matmul %squeeze3A_418, %get3A_423, %dot_general3A_424 {dimension_numbers = #tpu.dot_dimension_numbers<[1], [0], [0], [1], [0, 0, 1, 1], [], []>, precision = #tpu.contract_precision<fp32>, transpose_lhs_hint = false} : vector<32x36xf32>, vector<36x512xf32>, vector<32x512xf32> -> vector<32x512xf32>
    %add3A_426 = arith.addf %add3A_416, %dot_general3A_425 : vector<32x512xf32>
    %slice3A_427 = vector.extract_strided_slice %reshape3A_26 {offsets = [0, 40, 0], sizes = [32, 1, 36], strides = [1, 1, 1]} : vector<32x46x36xf32> to vector<32x1x36xf32>
    %squeeze3A_428 = vector.shape_cast %slice3A_427 : vector<32x1x36xf32> to vector<32x36xf32>
    %get3A_429 = arith.constant 40 : index
    %get3A_430 = arith.constant 0 : index
    %get3A_431 = arith.constant 0 : index
    %get3A_432 = vector.load %arg4[%get3A_429, %get3A_430, %get3A_431] : memref<46x36x512xf32, #tpu.memory_space<vmem>>, vector<1x36x512xf32>
    %get3A_433 = vector.shape_cast %get3A_432 : vector<1x36x512xf32> to vector<36x512xf32>
    %dot_general3A_434 = arith.constant dense<0.000000e+00> : vector<32x512xf32>
    %dot_general3A_435 = tpu.matmul %squeeze3A_428, %get3A_433, %dot_general3A_434 {dimension_numbers = #tpu.dot_dimension_numbers<[1], [0], [0], [1], [0, 0, 1, 1], [], []>, precision = #tpu.contract_precision<fp32>, transpose_lhs_hint = false} : vector<32x36xf32>, vector<36x512xf32>, vector<32x512xf32> -> vector<32x512xf32>
    %add3A_436 = arith.addf %add3A_426, %dot_general3A_435 : vector<32x512xf32>
    %slice3A_437 = vector.extract_strided_slice %reshape3A_26 {offsets = [0, 41, 0], sizes = [32, 1, 36], strides = [1, 1, 1]} : vector<32x46x36xf32> to vector<32x1x36xf32>
    %squeeze3A_438 = vector.shape_cast %slice3A_437 : vector<32x1x36xf32> to vector<32x36xf32>
    %get3A_439 = arith.constant 41 : index
    %get3A_440 = arith.constant 0 : index
    %get3A_441 = arith.constant 0 : index
    %get3A_442 = vector.load %arg4[%get3A_439, %get3A_440, %get3A_441] : memref<46x36x512xf32, #tpu.memory_space<vmem>>, vector<1x36x512xf32>
    %get3A_443 = vector.shape_cast %get3A_442 : vector<1x36x512xf32> to vector<36x512xf32>
    %dot_general3A_444 = arith.constant dense<0.000000e+00> : vector<32x512xf32>
    %dot_general3A_445 = tpu.matmul %squeeze3A_438, %get3A_443, %dot_general3A_444 {dimension_numbers = #tpu.dot_dimension_numbers<[1], [0], [0], [1], [0, 0, 1, 1], [], []>, precision = #tpu.contract_precision<fp32>, transpose_lhs_hint = false} : vector<32x36xf32>, vector<36x512xf32>, vector<32x512xf32> -> vector<32x512xf32>
    %add3A_446 = arith.addf %add3A_436, %dot_general3A_445 : vector<32x512xf32>
    %slice3A_447 = vector.extract_strided_slice %reshape3A_26 {offsets = [0, 42, 0], sizes = [32, 1, 36], strides = [1, 1, 1]} : vector<32x46x36xf32> to vector<32x1x36xf32>
    %squeeze3A_448 = vector.shape_cast %slice3A_447 : vector<32x1x36xf32> to vector<32x36xf32>
    %get3A_449 = arith.constant 42 : index
    %get3A_450 = arith.constant 0 : index
    %get3A_451 = arith.constant 0 : index
    %get3A_452 = vector.load %arg4[%get3A_449, %get3A_450, %get3A_451] : memref<46x36x512xf32, #tpu.memory_space<vmem>>, vector<1x36x512xf32>
    %get3A_453 = vector.shape_cast %get3A_452 : vector<1x36x512xf32> to vector<36x512xf32>
    %dot_general3A_454 = arith.constant dense<0.000000e+00> : vector<32x512xf32>
    %dot_general3A_455 = tpu.matmul %squeeze3A_448, %get3A_453, %dot_general3A_454 {dimension_numbers = #tpu.dot_dimension_numbers<[1], [0], [0], [1], [0, 0, 1, 1], [], []>, precision = #tpu.contract_precision<fp32>, transpose_lhs_hint = false} : vector<32x36xf32>, vector<36x512xf32>, vector<32x512xf32> -> vector<32x512xf32>
    %add3A_456 = arith.addf %add3A_446, %dot_general3A_455 : vector<32x512xf32>
    %slice3A_457 = vector.extract_strided_slice %reshape3A_26 {offsets = [0, 43, 0], sizes = [32, 1, 36], strides = [1, 1, 1]} : vector<32x46x36xf32> to vector<32x1x36xf32>
    %squeeze3A_458 = vector.shape_cast %slice3A_457 : vector<32x1x36xf32> to vector<32x36xf32>
    %get3A_459 = arith.constant 43 : index
    %get3A_460 = arith.constant 0 : index
    %get3A_461 = arith.constant 0 : index
    %get3A_462 = vector.load %arg4[%get3A_459, %get3A_460, %get3A_461] : memref<46x36x512xf32, #tpu.memory_space<vmem>>, vector<1x36x512xf32>
    %get3A_463 = vector.shape_cast %get3A_462 : vector<1x36x512xf32> to vector<36x512xf32>
    %dot_general3A_464 = arith.constant dense<0.000000e+00> : vector<32x512xf32>
    %dot_general3A_465 = tpu.matmul %squeeze3A_458, %get3A_463, %dot_general3A_464 {dimension_numbers = #tpu.dot_dimension_numbers<[1], [0], [0], [1], [0, 0, 1, 1], [], []>, precision = #tpu.contract_precision<fp32>, transpose_lhs_hint = false} : vector<32x36xf32>, vector<36x512xf32>, vector<32x512xf32> -> vector<32x512xf32>
    %add3A_466 = arith.addf %add3A_456, %dot_general3A_465 : vector<32x512xf32>
    %slice3A_467 = vector.extract_strided_slice %reshape3A_26 {offsets = [0, 44, 0], sizes = [32, 1, 36], strides = [1, 1, 1]} : vector<32x46x36xf32> to vector<32x1x36xf32>
    %squeeze3A_468 = vector.shape_cast %slice3A_467 : vector<32x1x36xf32> to vector<32x36xf32>
    %get3A_469 = arith.constant 44 : index
    %get3A_470 = arith.constant 0 : index
    %get3A_471 = arith.constant 0 : index
    %get3A_472 = vector.load %arg4[%get3A_469, %get3A_470, %get3A_471] : memref<46x36x512xf32, #tpu.memory_space<vmem>>, vector<1x36x512xf32>
    %get3A_473 = vector.shape_cast %get3A_472 : vector<1x36x512xf32> to vector<36x512xf32>
    %dot_general3A_474 = arith.constant dense<0.000000e+00> : vector<32x512xf32>
    %dot_general3A_475 = tpu.matmul %squeeze3A_468, %get3A_473, %dot_general3A_474 {dimension_numbers = #tpu.dot_dimension_numbers<[1], [0], [0], [1], [0, 0, 1, 1], [], []>, precision = #tpu.contract_precision<fp32>, transpose_lhs_hint = false} : vector<32x36xf32>, vector<36x512xf32>, vector<32x512xf32> -> vector<32x512xf32>
    %add3A_476 = arith.addf %add3A_466, %dot_general3A_475 : vector<32x512xf32>
    %slice3A_477 = vector.extract_strided_slice %reshape3A_26 {offsets = [0, 45, 0], sizes = [32, 1, 36], strides = [1, 1, 1]} : vector<32x46x36xf32> to vector<32x1x36xf32>
    %squeeze3A_478 = vector.shape_cast %slice3A_477 : vector<32x1x36xf32> to vector<32x36xf32>
    %get3A_479 = arith.constant 45 : index
    %get3A_480 = arith.constant 0 : index
    %get3A_481 = arith.constant 0 : index
    %get3A_482 = vector.load %arg4[%get3A_479, %get3A_480, %get3A_481] : memref<46x36x512xf32, #tpu.memory_space<vmem>>, vector<1x36x512xf32>
    %get3A_483 = vector.shape_cast %get3A_482 : vector<1x36x512xf32> to vector<36x512xf32>
    %dot_general3A_484 = arith.constant dense<0.000000e+00> : vector<32x512xf32>
    %dot_general3A_485 = tpu.matmul %squeeze3A_478, %get3A_483, %dot_general3A_484 {dimension_numbers = #tpu.dot_dimension_numbers<[1], [0], [0], [1], [0, 0, 1, 1], [], []>, precision = #tpu.contract_precision<fp32>, transpose_lhs_hint = false} : vector<32x36xf32>, vector<36x512xf32>, vector<32x512xf32> -> vector<32x512xf32>
    %add3A_486 = arith.addf %add3A_476, %dot_general3A_485 : vector<32x512xf32>
    %get3A_487 = arith.constant 0 : index
    %get3A_488 = arith.constant 0 : index
    %get3A_489 = vector.load %arg5[%get3A_487, %get3A_488] : memref<1x512xf32, #tpu.memory_space<vmem>>, vector<1x512xf32>
    %add3A_490 = vector.broadcast %get3A_489 : vector<1x512xf32> to vector<32x512xf32>
    %add3A_491 = arith.addf %add3A_486, %add3A_490 : vector<32x512xf32>
    %max3A_492 = arith.constant 0.000000e+00 : f32
    %max3A_493 = vector.broadcast %max3A_492 : f32 to vector<32x512xf32>
    %max3A_494 = arith.maximumf %add3A_491, %max3A_493 : vector<32x512xf32>
    %get3A_495 = arith.constant 0 : index
    %get3A_496 = arith.constant 0 : index
    %get3A_497 = vector.load %arg6[%get3A_495, %get3A_496] : memref<512x256xf32, #tpu.memory_space<vmem>>, vector<512x256xf32>
    %dot_general3A_498 = arith.constant dense<0.000000e+00> : vector<32x256xf32>
    %dot_general3A_499 = tpu.matmul %max3A_494, %get3A_497, %dot_general3A_498 {dimension_numbers = #tpu.dot_dimension_numbers<[1], [0], [0], [1], [0, 0, 1, 1], [], []>, precision = #tpu.contract_precision<fp32>, transpose_lhs_hint = false} : vector<32x512xf32>, vector<512x256xf32>, vector<32x256xf32> -> vector<32x256xf32>
    %get3A_500 = arith.constant 0 : index
    %get3A_501 = arith.constant 0 : index
    %get3A_502 = vector.load %arg7[%get3A_500, %get3A_501] : memref<1x256xf32, #tpu.memory_space<vmem>>, vector<1x256xf32>
    %add3A_503 = vector.broadcast %get3A_502 : vector<1x256xf32> to vector<32x256xf32>
    %add3A_504 = arith.addf %dot_general3A_499, %add3A_503 : vector<32x256xf32>
    %max3A_505 = arith.constant 0.000000e+00 : f32
    %max3A_506 = vector.broadcast %max3A_505 : f32 to vector<32x256xf32>
    %max3A_507 = arith.maximumf %add3A_504, %max3A_506 : vector<32x256xf32>
    %get3A_508 = arith.constant 0 : index
    %get3A_509 = arith.constant 0 : index
    %get3A_510 = vector.load %arg8[%get3A_508, %get3A_509] : memref<256x1xf32, #tpu.memory_space<vmem>>, vector<256x1xf32>
    %dot_general3A_511 = arith.constant dense<0.000000e+00> : vector<32x1xf32>
    %dot_general3A_512 = tpu.matmul %max3A_507, %get3A_510, %dot_general3A_511 {dimension_numbers = #tpu.dot_dimension_numbers<[1], [0], [0], [1], [0, 0, 1, 1], [], []>, precision = #tpu.contract_precision<fp32>, transpose_lhs_hint = false} : vector<32x256xf32>, vector<256x1xf32>, vector<32x1xf32> -> vector<32x1xf32>
    %get3A_513 = arith.constant 0 : index
    %get3A_514 = arith.constant 0 : index
    %get3A_515 = vector.load %arg9[%get3A_513, %get3A_514] : memref<1x1xf32, #tpu.memory_space<vmem>>, vector<1x1xf32>
    %add3A_516 = vector.broadcast %get3A_515 : vector<1x1xf32> to vector<32x1xf32>
    %add3A_517 = arith.addf %dot_general3A_512, %add3A_516 : vector<32x1xf32>
    %swap3A = arith.constant 0 : index
    %swap3A_518 = arith.constant 0 : index
    %swap3A_519 = vector.load %arg10[%swap3A, %swap3A_518] : memref<32x1xf32, #tpu.memory_space<vmem>>, vector<32x1xf32>
    tpu.vector_store %arg10[%swap3A, %swap3A_518], %add3A_517 {strides = array<i32>} : memref<32x1xf32, #tpu.memory_space<vmem>>, vector<32x1xf32>,
    return
  }
}

</mosaic_0001>

<sc_bundles>
// kernel: kernel.17.cloned.1.call-start
scs
__scs_entry_jumppad:
0x0: {  	(pc) =	sbr.rel $0x88, $3  }
0x1: {  	(tag) =	ssettag $0x0;
	lr =	simm.s32 $0x1  }
0x2: {  	[smem:$0x3F8B] =	sst lr;
	_ =	strace $0xD0000000  }
0x3: {  	_ = 	snop  }
0x4: {  	_ = 	snop  }
0x5: {  	_ = 	snop  }
0x6: {  	_ = 	snop  }
0x7: {  	_ = 	snop  }
__scs_overlays_trampoline_lowered:
0x8: {  	[smem:$0x3F9A] =	sst s0  }
0x9: {  	[smem:$0x3F9B] =	sst s1  }
0xa: {  	[smem:$0x3F9C] =	sst s2  }
0xb: {  	[smem:$0x3F9D] =	sst s3  }
0xc: {  	[smem:$0x3F9E] =	sst s4  }
0xd: {  	[smem:$0x3F9F] =	sst s5  }
0xe: {  	[smem:$0x3FA0] =	sst s6  }
0xf: {  	[smem:$0x3FA1] =	sst s7  }
0x10: {  	[smem:$0x3FA2] =	sst s8  }
0x11: {  	[smem:$0x3FA3] =	sst s9;
	s0 =	simm.s32 @!p0 $0x0  }
0x12: {  	s1 =	sld [smem:$0x3F89];
	s0 =	simm.s32 @p0 $0x1  }
0x13: {  	[smem:$0x3FA4] =	sst s0;
	s0 =	simm.s32 @!p1 $0x0  }
0x14: {  	s2 =	sld [smem:$0x3F88];
	s0 =	simm.s32 @p1 $0x1  }
0x15: {  	[smem:$0x3FA5] =	sst s0;
	s0 =	simm.s32 @!p2 $0x0  }
0x16: {  	s3 =	sld [smem:$0x3FDB];
	s0 =	simm.s32 @p2 $0x1  }
0x17: {  	s4 =	simm.s32 $0x1BF5;
	[smem:$0x3FA7] =	sst s0  }
0x18: {  	s0 =	sld [smem:$0x3F8A];
	_ =	swait.ge [sflag:s4], $0x0  }
0x19: {  	s7 =	sld [smem:$0x3F8B]  }
0x1a: {  	s8 =	sadd.s32 $0xFFFFE003, lr  }
0x1b: {  	s9 =	sadd.s32 $0xFFFFFEF7, lr;
	s5 =	simm.s32 $0xFFFFFFFF;
	p2 =	slt.u32 s8, $0xFFFFF086  }
0x1c: {  	p1 =	slt.u32 s9, $0xF7A;
	s5 =	simm.s32 @!p2 $0x0  }
0x1d: {  	s5 =	simm.s32 @p1 $0x1;
	p0 =	seq.s32 s7, s2  }
0x1e: {  	s7 =	smul.u32 @!p0 $0xF7A, s2;
	p2 =	seq.s32 @!p0 s5, $0x0  }
0x1f: {  	s9 =	smul.u32 $0xF7A, s1;
	s8 =	simm.s32 @!p0 $0x1BF5;
	p2 =	por !p2, p0  }
0x20: {  	[sflag:s8] =	ssyncset.s32 @!p0 $0xFFFFF086;
	s6 =	sadd.s32 @!p0 s3, s7;
	s7 =	simm.s32 @!p0 $0x108  }
0x21: {  	s3 =	sadd.s32 s3, s9;
	s6 =	sadd.s32 @!p0 $0x88, s6;
	s7 =	simm.s32 @p2 $0x1082  }
0x22: {  	[simem:s7], [sflag:s8] =	dma.local @!p0 [hbm:s6], $0xF7A  }
0x23: {  	s9 =	sor.u32 $0xD0000000, s2;
	s6 =	simm.s32 $0x108;
	_ =	swait.ge @!p0 [sflag:s8], $0x0  }
0x24: {  	s3 =	sadd.s32 $0x88, s3;
	s6 =	simm.s32 @!p1 $0x1082;
	[sflag:s4] =	ssyncset.s32 $0xFFFFF086  }
0x25: {  	[simem:s6], [sflag:s4] =	dma.local [hbm:s3], $0xF7A  }
0x26: {  	[smem:$0x3F8B] =	sst s1;
	(tag) =	ssettag s2;
	_ =	strace s9  }
0x27: {  	s1 =	sld [smem:$0x3F9B]  }
0x28: {  	s2 =	sld [smem:$0x3F9C]  }
0x29: {  	s4 =	sld [smem:$0x3F9E]  }
0x2a: {  	p0 =	seq.s32 s5, $0x0;
	s5 =	sld [smem:$0x3F9F]  }
0x2b: {  	s6 =	sld [smem:$0x3FA0]  }
0x2c: {  	s7 =	sld [smem:$0x3FA1]  }
0x2d: {  	s3 =	simm.s32 $0x108;
	s8 =	sld [smem:$0x3FA2]  }
0x2e: {  	s3 =	simm.s32 @!p0 $0x1082;
	s9 =	sld [smem:$0x3FA3]  }
0x2f: {  	lr =	sadd.s32 s0, s3;
	s0 =	sld [smem:$0x3F9A]  }
0x30: {  	s3 =	sld [smem:$0x3F9D]  }
0x31: {  	[smem:$0x3FA6] =	sst s10  }
0x32: {  	s10 =	sld [smem:$0x3FA4];
	_ =	sdelay $0x3  }
0x33: {  	p0 =	seq.s32 s10, $0x1;
	s10 =	sld [smem:$0x3FA6];
	_ =	sdelay $0x3  }
0x34: {  	[smem:$0x3FA6] =	sst s10  }
0x35: {  	s10 =	sld [smem:$0x3FA5];
	_ =	sdelay $0x3  }
0x36: {  	p1 =	seq.s32 s10, $0x1;
	s10 =	sld [smem:$0x3FA6];
	_ =	sdelay $0x3  }
0x37: {  	[smem:$0x3FA6] =	sst s10  }
0x38: {  	s10 =	sld [smem:$0x3FA7]  }
0x39: {  	_ = 	snop;
	(pc) =	sbr.ind lr, $3  }
0x3a: {  	_ = 	snop  }
0x3b: {  	_ = 	snop  }
0x3c: {  	p2 =	seq.s32 s10, $0x1;
	s10 =	sld [smem:$0x3FA6]  }
0x3d: {  	_ =	shalt  }
0x3e: {  	_ =	shalt  }
0x3f: {  	_ =	shalt  }
0x40: {  	_ =	shalt  }
0x41: {  	_ =	shalt  }
0x42: {  	_ =	shalt  }
0x43: {  	_ =	shalt  }
0x44: {  	_ =	shalt  }
0x45: {  	_ =	shalt  }
0x46: {  	_ =	shalt  }
0x47: {  	_ =	shalt  }
0x48: {  	_ =	shalt  }
0x49: {  	_ =	shalt  }
0x4a: {  	_ =	shalt  }
0x4b: {  	_ =	shalt  }
0x4c: {  	_ =	shalt  }
0x4d: {  	_ =	shalt  }
0x4e: {  	_ =	shalt  }
0x4f: {  	_ =	shalt  }
0x50: {  	_ =	shalt  }
0x51: {  	_ =	shalt  }
0x52: {  	_ =	shalt  }
0x53: {  	_ =	shalt  }
0x54: {  	_ =	shalt  }
0x55: {  	_ =	shalt  }
0x56: {  	_ =	shalt  }
0x57: {  	_ =	shalt  }
0x58: {  	_ =	shalt  }
0x59: {  	_ =	shalt  }
0x5a: {  	_ =	shalt  }
0x5b: {  	_ =	shalt  }
0x5c: {  	_ =	shalt  }
0x5d: {  	_ =	shalt  }
0x5e: {  	_ =	shalt  }
0x5f: {  	_ =	shalt  }
0x60: {  	_ =	shalt  }
0x61: {  	_ =	shalt  }
0x62: {  	_ =	shalt  }
0x63: {  	_ =	shalt  }
0x64: {  	_ =	shalt  }
0x65: {  	_ =	shalt  }
0x66: {  	_ =	shalt  }
0x67: {  	_ =	shalt  }
0x68: {  	_ =	shalt  }
0x69: {  	_ =	shalt  }
0x6a: {  	_ =	shalt  }
0x6b: {  	_ =	shalt  }
0x6c: {  	_ =	shalt  }
0x6d: {  	_ =	shalt  }
0x6e: {  	_ =	shalt  }
0x6f: {  	_ =	shalt  }
0x70: {  	_ =	shalt  }
0x71: {  	_ =	shalt  }
0x72: {  	_ =	shalt  }
0x73: {  	_ =	shalt  }
0x74: {  	_ =	shalt  }
0x75: {  	_ =	shalt  }
0x76: {  	_ =	shalt  }
0x77: {  	_ =	shalt  }
0x78: {  	_ =	shalt  }
0x79: {  	_ =	shalt  }
0x7a: {  	_ =	shalt  }
0x7b: {  	_ =	shalt  }
0x7c: {  	_ =	shalt  }
0x7d: {  	_ =	shalt  }
0x7e: {  	_ =	shalt  }
0x7f: {  	_ =	shalt  }
0x80: {  	_ =	shalt  }
0x81: {  	_ =	shalt  }
0x82: {  	_ =	shalt  }
0x83: {  	_ =	shalt  }
0x84: {  	_ =	shalt  }
0x85: {  	_ =	shalt  }
0x86: {  	_ =	shalt  }
0x87: {  	_ =	shalt  }
.Lfunc_end0:
.L_simem_size_0:
called_computation_lowered:
.L_overlay_start_0:
0x88: {  	s2 =	sld [smem:$0x3FD9]  }
0x89: {  	s3 =	sld [smem:$0x3FFE];
	_ =	sdelay $0x1  }
0x8a: {  	s1 =	srdreg.scid  }
0x8b: {  	s0 =	sand.u32 $0x1, s1  }
0x8c: {  	s16 =	sshll.u32 s0, $0xA;
	s2 =	sadd.s32 s3, s2  }
0x8d: {  	s2 =	sadd.s32 s2, s16  }
0x8e: {  	[smem:$0x3FB2] =	sst s2  }
0x8f: {  	_ = 	snop  }
0x90: {  	(tm) =	ssettm $0x1  }
0x91: {  	s17 =	sld [smem:$0x3FFB];
	_ =	sdelay $0x3  }
0x92: {  	_ =	strace s17  }
0x93: {  	s2 =	sld [smem:$0x3FFC];
	_ =	sdelay $0x3  }
0x94: {  	_ =	strace s2  }
0x95: {  	s2 =	sld [smem:$0x3FFD];
	_ =	sdelay $0x3  }
0x96: {  	_ =	strace s2  }
0x97: {  	_ =	strace $0x8FFFFFFF  }
0x98: {  	s18 =	sld [smem:$0x3FDB];
	_ =	sdelay $0x1  }
0x99: {  	s19 =	simm.s32 $_scs_section_size  }
0x9a: {  	s4 =	simm.s32 $_size__tile_overlayer_lowered;
	s5 =	simm.s32 $_tile_overlayer_lowered  }
0x9b: {  	s22 =	simm.s32 $0x1BFF;
	s21 =	sshll.u32 s5, $0x1;
	s2 =	sadd.s32 s19, s18  }
0x9c: {  	s6 =	simm.s32 $0x0;
	s20 =	sshll.u32 s4, $0x1;
	s4 =	sadd.s32 s21, s2  }
0x9d: {  	[timem:s6], [sflag:s22] =	dma.local [hbm:s4], s20  }
0x9e: {  	_ =	swait.ge [sflag:s22], s20  }
0x9f: {  	s3 =	ssub.s32 $0x0, s20;
	[sflag:s22] =	ssyncset.done $0x0  }
0xa0: {  	[sflag:s22] =	ssyncadd.s32 s3;
	_ =	sdelay $0x1  }
0xa1: {  	s23 =	simm.s32 $0x1B8B  }
0xa2: {  	_ =	swait.ge [sflag:s23], $0x1  }
0xa3: {  	[sflag:s23] =	ssyncset.done $0x0  }
0xa4: {  	s25 =	simm.s32 $0x1B8E;
	s24 =	sld [smem:$0x3FFE];
	[sflag:s23] =	ssyncadd.s32 $0xFFFFFFFF  }
0xa5: {  	s26 =	simm.s32 $execute0_lowered;
	[smem:$0x3FD2] =	sst s25  }
0xa6: {  	s4 =	sshll.u32 s26, $0x1;
	_ =	strace $0x80000046;
	[dreg:$0x1] =	wrdreg $0xFFFFFFFF  }
0xa7: {  	s28 =	simm.s32 $_size_execute0_lowered;
	s2 =	sadd.s32 s2, s4;
	[dreg:$0x0] =	wrdreg $0x0  }
0xa8: {  	s4 =	sshll.u32 s28, $0x1;
	[dreg:$0x2] =	wrdreg s2  }
0xa9: {  	[dreg:$0x3] =	wrdreg s4  }
0xaa: {  	[dreg:$0x4] =	wrdreg $0xC0  }
0xab: {  	_ =	task [dreg:s6], $0x5FFFF  }
0xac: {  	[dreg:$0x1] =	wrdreg $0xFFFFFFFF  }
0xad: {  	[dreg:$0x0] =	wrdreg $0x60  }
0xae: {  	[dreg:$0x2] =	wrdreg s24  }
0xaf: {  	[dreg:$0x3] =	wrdreg $0x0  }
0xb0: {  	[dreg:$0x4] =	wrdreg $0x9  }
0xb1: {  	_ =	task.clear_ibuf [dreg:s6], $0x5FFFF;
	_ =	strace $0x90000046  }
0xb2: {  	s29 =	simm.s32 $0x9;
	_ =	strace $0x80000048  }
0xb3: {  	_ =	swait.ge [sflag:s29], $0x1  }
0xb4: {  	[sflag:s29] =	ssyncadd.s32 $0xFFFFFFFF  }
0xb5: {  	_ =	strace $0x90000048  }
0xb6: {  	_ =	sfence  }
0xb7: {  	s30 =	sld [smem:$0x0];
	_ =	sdelay $0x2  }
0xb8: {  	s31 =	sshll.u32 s1, $0xD;
	s1 =	sshrl.u32 s1, $0x2  }
0xb9: {  	s3 =	sand.u32 $0x4000, s31;
	s1 =	sadd.s32 s1, s30  }
0xba: {  	s0 =	sor.u32 s3, s0;
	s1 =	sshll.u32 s1, $0x11  }
0xbb: {  	s0 =	sor.u32 s1, s0  }
0xbc: {  	s0 =	sadd.s32 $0x8F2B, s0  }
0xbd: {  	[sflag:s0] =	ssyncadd.remote.s32 $0x1  }
0xbe: {  	_ =	sfence.sel $0xFFFF  }
0xbf: {  	[dreg:$0x0] =	wrdreg $0xFFFFFFFF;
	(pc) =	sbr.abs _section_cstart, $3  }
0xc0: {  	[dreg:$0x1] =	wrdreg $0xFFFFFFFF  }
0xc1: {  	_ =	task.clear_ibuf [dreg:s6], $0x2FFFF;
	_ =	strace $0x9FFFFFFF  }
0xc2: {  	(tm) =	ssettm $0x7FFFFFFF  }
0xc3: {  	_ =	shalt  }
tec
execute0_lowered:
.L_overlay_start_1:
0x0: {  	(tag) =	ssettag $0x1  }
0x1: {  	s4 =	rddreg [dreg:$0x0]  }
0x2: {  	s0 =	srdreg.scid;
	s2 =	stileid.u32  }
0x3: {  	s1 =	rddreg [dreg:$0x1];
	s3 =	simm.s32 $0x0;
	s8 =	smul.u32 $0x14000, s2  }
0x4: {  	s11 =	simm.s32 $0x80;
	s12 =	simm.s32 $0x14080;
	s29 =	smul.u32 $0x50000, s2  }
0x5: {  	s5 =	sand.u32 $0x1, s0;
	s0 =	rddreg [dreg:$0x2];
	s9 =	smul.u32 $0x4F0, s2  }
0x6: {  	s15 =	simm.s32 $0x0;
	[smem:$0x7FF] =	sst s3;
	s6 =	smul.u32 $0x4F00, s5  }
0x7: {  	s13 =	sshll.u32 s2, $0x6;
	s7 =	smul.u32 $0x140000, s5;
	s5 =	ssub.s32 $0x2, s5  }
0x8: {  	_ =	strace $0x80000047;
	s13 =	sor.u32 $0x1C01, s13;
	s30 =	sshrl.u32 s5, $0x1  }
0x9: {  	s6 =	sadd.s32 s6, s4;
	s7 =	sadd.s32 s8, s7;
	s8 =	sshrl.u32 s29, $0x2  }
0xa: {  	s10 =	ssub.s32 s5, s30;
	s7 =	sshrl.u32 s7, $0x3;
	s31 =	sadd.s32 s9, s6  }
0xb: {  	s6 =	smax.u32 s10, $0x1;
	s9 =	simm.s32 $0x1;
	s10 =	simm.s32 $0x14000  }
0xc: {  	s7 =	sadd.s32 s7, s4;
	s4 =	sadd.s32 s8, s1;
	s8 =	simm.s32 $0x18080  }
0xd: {  	v0 =	vimm.f32 $0.0e+00;
	v1 =	vimm.f32 $1.000000000e+00;
	s5 =	sadd.s32 $0x42C00, s7;
	s7 =	sadd.s32 $0x10E00, s31;
	s14 =	sshrl.u32 s4, $0x3  }
.LBB2_1:
0xe: {  	s16 =	simm.s32 $0x0;
	s17 =	simm.s32 $0x200  }
.LBB2_2:
0xf: {  	p0 =	sne.s32 s17, $0x1E00;
	[tilespmem:s16+$0x180F0] =	vst v0  }
0x10: {  	[tilespmem:s16+$0x18080] =	vst v0  }
0x11: {  	[tilespmem:s16+$0x18090] =	vst v0  }
.Ltmp0:
0x12: {  	[tilespmem:s16+$0x180A0] =	vst v0;
	(pc) =	sbr.rel @p0 .LBB2_2-.Ltmp0, $4  }
0x13: {  	[tilespmem:s16+$0x180B0] =	vst v0  }
0x14: {  	[tilespmem:s16+$0x180C0] =	vst v0  }
0x15: {  	[tilespmem:s16+$0x180D0] =	vst v0  }
0x16: {  	[tilespmem:s16+$0x180E0] =	vst v0;
	s16 =	sshra.s32 s17, $0x2;
	s17 =	sadd.s32 $0x200, s17  }
0x17: {  	[tilespmem:s16+$0x180F0] =	vst v0  }
0x18: {  	[tilespmem:s16+$0x18080] =	vst v0  }
0x19: {  	[tilespmem:s16+$0x18090] =	vst v0  }
0x1a: {  	[tilespmem:s16+$0x180A0] =	vst v0  }
0x1b: {  	[tilespmem:s16+$0x180B0] =	vst v0  }
0x1c: {  	[tilespmem:s16+$0x180C0] =	vst v0  }
0x1d: {  	[tilespmem:s16+$0x180D0] =	vst v0  }
0x1e: {  	[tilespmem:s16+$0x180E0] =	vst v0;
	s16 =	simm.s32 $0x0;
	s17 =	simm.s32 $0x200  }
.LBB2_4:
0x1f: {  	p0 =	sne.s32 s17, $0xFE00;
	[tilespmem:s16+$0x140F0] =	vst v1  }
0x20: {  	[tilespmem:s16+$0x14080] =	vst v1  }
0x21: {  	[tilespmem:s16+$0x14090] =	vst v1  }
.Ltmp1:
0x22: {  	[tilespmem:s16+$0x140A0] =	vst v1;
	(pc) =	sbr.rel @p0 .LBB2_4-.Ltmp1, $4  }
0x23: {  	[tilespmem:s16+$0x140B0] =	vst v1  }
0x24: {  	[tilespmem:s16+$0x140C0] =	vst v1  }
0x25: {  	[tilespmem:s16+$0x140D0] =	vst v1  }
0x26: {  	[tilespmem:s16+$0x140E0] =	vst v1;
	s16 =	sshra.s32 s17, $0x2;
	s17 =	sadd.s32 $0x200, s17  }
0x27: {  	[tilespmem:s16+$0x140F0] =	vst v1  }
0x28: {  	[tilespmem:s16+$0x14080] =	vst v1  }
0x29: {  	[tilespmem:s16+$0x14090] =	vst v1  }
0x2a: {  	[tilespmem:s16+$0x140A0] =	vst v1  }
0x2b: {  	[tilespmem:s16+$0x140B0] =	vst v1  }
0x2c: {  	[tilespmem:s16+$0x140C0] =	vst v1  }
0x2d: {  	[tilespmem:s16+$0x140D0] =	vst v1  }
0x2e: {  	[tilespmem:s16+$0x140E0] =	vst v1;
	s31 =	sadd.s32 $0x0, s4  }
0x2f: {  	[spmem:s31] =	stream.linear.scatter [tilespmem:s8], [sflag:$0x1], $0x800, $0x38;
	[tilespmem:$0x18880] =	vst v63  }
0x30: {  	s16 =	simm.s32 $0x2000;
	_ =	swait.ge [sflag:s9], $0x800  }
.LBB2_6:
0x31: {  	s17 =	sshra.s32 s16, $0x2;
	[sflag:s9] =	ssyncset.done $0x0;
	p0 =	sne.s32 s16, $0x4E000  }
.Ltmp2:
0x32: {  	s17 =	sadd.s32 s17, s4;
	[sflag:s9] =	ssyncadd.s32 $0xFFFFF800;
	(pc) =	sbr.rel @p0 .LBB2_6-.Ltmp2, $3  }
0x33: {  	[spmem:s17] =	stream.linear.scatter [tilespmem:s8], [sflag:$0x1], $0x800, $0x38;
	[tilespmem:$0x18880] =	vst v63  }
0x34: {  	s16 =	sadd.s32 $0x2000, s16;
	_ =	sdelay $0x1  }
0x35: {  	_ =	swait.ge [sflag:s9], $0x800  }
0x36: {  	[sflag:s9] =	ssyncset.done $0x0  }
0x37: {  	[sflag:s9] =	ssyncadd.s32 $0xFFFFF800  }
0x38: {  	s16 =	sadd.s32 $0x0, s7;
	[bflag:$0x0] =	sbarrier.arrive $0xFFFF  }
0x39: {  	[tilespmem:s10], [sflag:$0x1] =	stream.linear.gather [hbm4b:s16+s3], $0x80, $0x38;
	[tilespmem:$0x18880] =	vst v63  }
0x3a: {  	_ =	swait.ge [sflag:s9], $0x80  }
0x3b: {  	[sflag:s9] =	ssyncset.done $0x0  }
0x3c: {  	[sflag:s9] =	ssyncadd.s32 $0xFFFFFF80  }
0x3d: {  	[spmem:s1] =	stream.indirect.scatter.add.f32 [tilespmem:s12], [sflag:$0x1], $0x80, s10, s11, $0xb8;
	[tilespmem:$0x18880] =	vst v63  }
0x3e: {  	_ =	swait.ge [sflag:s9], $0x4000  }
0x3f: {  	s17 =	simm.s32 $0x20;
	s16 =	simm.s32 $0x10;
	[sflag:s9] =	ssyncset.done $0x0  }
.LBB2_8:
0x40: {  	s18 =	sadd.s32 s16, s7  }
0x41: {  	[sflag:s9] =	ssyncadd.s32 $0xFFFFC000;
	s16 =	smov.u32 s17;
	s19 =	sadd.s32 $0x10, s17  }
0x42: {  	[tilespmem:s10], [sflag:$0x1] =	stream.linear.gather [hbm4b:s18+s3], $0x80, $0x38;
	[tilespmem:$0x18880] =	vst v63  }
0x43: {  	p0 =	sne.s32 s17, $0x4E0;
	_ =	swait.ge [sflag:s9], $0x80  }
.Ltmp3:
0x44: {  	[sflag:s9] =	ssyncset.done $0x0;
	(pc) =	sbr.rel @p0 .LBB2_8-.Ltmp3, $4  }
0x45: {  	[sflag:s9] =	ssyncadd.s32 $0xFFFFFF80  }
0x46: {  	[spmem:s1] =	stream.indirect.scatter.add.f32 [tilespmem:s12], [sflag:$0x1], $0x80, s10, s11, $0xb8;
	[tilespmem:$0x18880] =	vst v63  }
0x47: {  	_ =	swait.ge [sflag:s9], $0x4000  }
0x48: {  	s17 =	smov.u32 s19;
	[sflag:s9] =	ssyncset.done $0x0  }
0x49: {  	s16 =	sadd.s32 s16, s7;
	[sflag:s9] =	ssyncadd.s32 $0xFFFFC000  }
0x4a: {  	[tilespmem:s10], [sflag:$0x1] =	stream.linear.gather [hbm4b:s16+s3], $0x80, $0x38;
	[tilespmem:$0x18880] =	vst v63  }
0x4b: {  	_ =	swait.ge [sflag:s9], $0x80  }
0x4c: {  	[sflag:s9] =	ssyncset.done $0x0  }
0x4d: {  	[sflag:s9] =	ssyncadd.s32 $0xFFFFFF80  }
0x4e: {  	[spmem:s1] =	stream.indirect.scatter.add.f32 [tilespmem:s12], [sflag:$0x1], $0x80, s10, s11, $0xb8;
	[tilespmem:$0x18880] =	vst v63  }
0x4f: {  	_ =	swait.ge [sflag:s9], $0x4000  }
0x50: {  	s15 =	sadd.s32 $0x1, s15;
	[sflag:s9] =	ssyncset.done $0x0  }
0x51: {  	p0 =	sne.s32 s15, s6;
	[sflag:s9] =	ssyncadd.s32 $0xFFFFC000  }
.Ltmp4:
0x52: {  	[bflag:$0x0] =	sbarrier.arrive $0xFFFF;
	(pc) =	sbr.rel @p0 .LBB2_1-.Ltmp4, $4  }
0x53: {  	[hbm:s5], [sflag:s13] =	dma.local [spmem:s14], $0x2800  }
0x54: {  	_ =	swait.ge [sflag:s9], $0x2800  }
0x55: {  	[sflag:s9] =	ssyncset.done $0x0  }
0x56: {  	[sflag:s9] =	ssyncadd.s32 $0xFFFFD800  }
0x57: {  	_ =	sfence.sel $0x180000  }
0x58: {  	[bflag:$0x0] =	sbarrier.arrive $0xFFFF  }
0x59: {  	p0 =	sne.s32 s2, $0x0;
	_ =	strace $0x90000047  }
0x5a: {  	s0 =	sadd.s32 @!p0 $0x100000, s0;
	[bflag:$0x2] =	sbarrier.arrive $0xFFFF  }
0x5b: {  	[sflag:s0] =	ssyncadd.tile.s32 @!p0 $0x1;
	_ =	shalt  }
.Lfunc_end2:
_tile_overlayer_lowered:
.L_overlay_start_2:
0x5c: {  	(tag) =	ssettag $0x2  }
0x5d: {  	s0 =	rddreg [dreg:$0x0];
	s2 =	stileid.u32  }
0x5e: {  	s1 =	rddreg [dreg:$0x1];
	p0 =	sne.s32 s2, $0x0  }
0x5f: {  	s3 =	rddreg [dreg:$0x2];
	[bflag:$0x3] =	sbarrier.arrive $0xFFFF;
	s2 =	simm.s32 @!p0 $0x1C01  }
0x60: {  	[timem:s3], [sflag:s2] =	dma.local @!p0 [hbm:s0], s1  }
0x61: {  	s0 =	simm.s32 @!p0 $0x1  }
0x62: {  	_ =	swait.ge @!p0 [sflag:s0], s1  }
0x63: {  	s1 =	ssub.s32 @!p0 $0x0, s1;
	[sflag:s0] =	ssyncset.done @!p0 $0x0  }
0x64: {  	[sflag:s0] =	ssyncadd.s32 @!p0 s1  }
0x65: {  	[bflag:$0x3] =	sbarrier.arrive $0xFFFF  }
0x66: {  	_ =	shalt  }

// kernel: kernel.20.cloned.1.call-start
scs
__scs_entry_jumppad:
0x0: {  	(pc) =	sbr.rel $0x88, $3  }
0x1: {  	(tag) =	ssettag $0x0;
	lr =	simm.s32 $0x1  }
0x2: {  	[smem:$0x3F8B] =	sst lr;
	_ =	strace $0xD0000000  }
0x3: {  	_ = 	snop  }
0x4: {  	_ = 	snop  }
0x5: {  	_ = 	snop  }
0x6: {  	_ = 	snop  }
0x7: {  	_ = 	snop  }
__scs_overlays_trampoline_lowered:
0x8: {  	[smem:$0x3F9A] =	sst s0  }
0x9: {  	[smem:$0x3F9B] =	sst s1  }
0xa: {  	[smem:$0x3F9C] =	sst s2  }
0xb: {  	[smem:$0x3F9D] =	sst s3  }
0xc: {  	[smem:$0x3F9E] =	sst s4  }
0xd: {  	[smem:$0x3F9F] =	sst s5  }
0xe: {  	[smem:$0x3FA0] =	sst s6  }
0xf: {  	[smem:$0x3FA1] =	sst s7  }
0x10: {  	[smem:$0x3FA2] =	sst s8  }
0x11: {  	[smem:$0x3FA3] =	sst s9;
	s0 =	simm.s32 @!p0 $0x0  }
0x12: {  	s1 =	sld [smem:$0x3F89];
	s0 =	simm.s32 @p0 $0x1  }
0x13: {  	[smem:$0x3FA4] =	sst s0;
	s0 =	simm.s32 @!p1 $0x0  }
0x14: {  	s2 =	sld [smem:$0x3F88];
	s0 =	simm.s32 @p1 $0x1  }
0x15: {  	[smem:$0x3FA5] =	sst s0;
	s0 =	simm.s32 @!p2 $0x0  }
0x16: {  	s3 =	sld [smem:$0x3FDB];
	s0 =	simm.s32 @p2 $0x1  }
0x17: {  	s4 =	simm.s32 $0x1BF5;
	[smem:$0x3FA7] =	sst s0  }
0x18: {  	s0 =	sld [smem:$0x3F8A];
	_ =	swait.ge [sflag:s4], $0x0  }
0x19: {  	s7 =	sld [smem:$0x3F8B]  }
0x1a: {  	s8 =	sadd.s32 $0xFFFFE003, lr  }
0x1b: {  	s9 =	sadd.s32 $0xFFFFFEF7, lr;
	s5 =	simm.s32 $0xFFFFFFFF;
	p2 =	slt.u32 s8, $0xFFFFF086  }
0x1c: {  	p1 =	slt.u32 s9, $0xF7A;
	s5 =	simm.s32 @!p2 $0x0  }
0x1d: {  	s5 =	simm.s32 @p1 $0x1;
	p0 =	seq.s32 s7, s2  }
0x1e: {  	s7 =	smul.u32 @!p0 $0xF7A, s2;
	p2 =	seq.s32 @!p0 s5, $0x0  }
0x1f: {  	s9 =	smul.u32 $0xF7A, s1;
	s8 =	simm.s32 @!p0 $0x1BF5;
	p2 =	por !p2, p0  }
0x20: {  	[sflag:s8] =	ssyncset.s32 @!p0 $0xFFFFF086;
	s6 =	sadd.s32 @!p0 s3, s7;
	s7 =	simm.s32 @!p0 $0x108  }
0x21: {  	s3 =	sadd.s32 s3, s9;
	s6 =	sadd.s32 @!p0 $0x88, s6;
	s7 =	simm.s32 @p2 $0x1082  }
0x22: {  	[simem:s7], [sflag:s8] =	dma.local @!p0 [hbm:s6], $0xF7A  }
0x23: {  	s9 =	sor.u32 $0xD0000000, s2;
	s6 =	simm.s32 $0x108;
	_ =	swait.ge @!p0 [sflag:s8], $0x0  }
0x24: {  	s3 =	sadd.s32 $0x88, s3;
	s6 =	simm.s32 @!p1 $0x1082;
	[sflag:s4] =	ssyncset.s32 $0xFFFFF086  }
0x25: {  	[simem:s6], [sflag:s4] =	dma.local [hbm:s3], $0xF7A  }
0x26: {  	[smem:$0x3F8B] =	sst s1;
	(tag) =	ssettag s2;
	_ =	strace s9  }
0x27: {  	s1 =	sld [smem:$0x3F9B]  }
0x28: {  	s2 =	sld [smem:$0x3F9C]  }
0x29: {  	s4 =	sld [smem:$0x3F9E]  }
0x2a: {  	p0 =	seq.s32 s5, $0x0;
	s5 =	sld [smem:$0x3F9F]  }
0x2b: {  	s6 =	sld [smem:$0x3FA0]  }
0x2c: {  	s7 =	sld [smem:$0x3FA1]  }
0x2d: {  	s3 =	simm.s32 $0x108;
	s8 =	sld [smem:$0x3FA2]  }
0x2e: {  	s3 =	simm.s32 @!p0 $0x1082;
	s9 =	sld [smem:$0x3FA3]  }
0x2f: {  	lr =	sadd.s32 s0, s3;
	s0 =	sld [smem:$0x3F9A]  }
0x30: {  	s3 =	sld [smem:$0x3F9D]  }
0x31: {  	[smem:$0x3FA6] =	sst s10  }
0x32: {  	s10 =	sld [smem:$0x3FA4];
	_ =	sdelay $0x3  }
0x33: {  	p0 =	seq.s32 s10, $0x1;
	s10 =	sld [smem:$0x3FA6];
	_ =	sdelay $0x3  }
0x34: {  	[smem:$0x3FA6] =	sst s10  }
0x35: {  	s10 =	sld [smem:$0x3FA5];
	_ =	sdelay $0x3  }
0x36: {  	p1 =	seq.s32 s10, $0x1;
	s10 =	sld [smem:$0x3FA6];
	_ =	sdelay $0x3  }
0x37: {  	[smem:$0x3FA6] =	sst s10  }
0x38: {  	s10 =	sld [smem:$0x3FA7]  }
0x39: {  	_ = 	snop;
	(pc) =	sbr.ind lr, $3  }
0x3a: {  	_ = 	snop  }
0x3b: {  	_ = 	snop  }
0x3c: {  	p2 =	seq.s32 s10, $0x1;
	s10 =	sld [smem:$0x3FA6]  }
0x3d: {  	_ =	shalt  }
0x3e: {  	_ =	shalt  }
0x3f: {  	_ =	shalt  }
0x40: {  	_ =	shalt  }
0x41: {  	_ =	shalt  }
0x42: {  	_ =	shalt  }
0x43: {  	_ =	shalt  }
0x44: {  	_ =	shalt  }
0x45: {  	_ =	shalt  }
0x46: {  	_ =	shalt  }
0x47: {  	_ =	shalt  }
0x48: {  	_ =	shalt  }
0x49: {  	_ =	shalt  }
0x4a: {  	_ =	shalt  }
0x4b: {  	_ =	shalt  }
0x4c: {  	_ =	shalt  }
0x4d: {  	_ =	shalt  }
0x4e: {  	_ =	shalt  }
0x4f: {  	_ =	shalt  }
0x50: {  	_ =	shalt  }
0x51: {  	_ =	shalt  }
0x52: {  	_ =	shalt  }
0x53: {  	_ =	shalt  }
0x54: {  	_ =	shalt  }
0x55: {  	_ =	shalt  }
0x56: {  	_ =	shalt  }
0x57: {  	_ =	shalt  }
0x58: {  	_ =	shalt  }
0x59: {  	_ =	shalt  }
0x5a: {  	_ =	shalt  }
0x5b: {  	_ =	shalt  }
0x5c: {  	_ =	shalt  }
0x5d: {  	_ =	shalt  }
0x5e: {  	_ =	shalt  }
0x5f: {  	_ =	shalt  }
0x60: {  	_ =	shalt  }
0x61: {  	_ =	shalt  }
0x62: {  	_ =	shalt  }
0x63: {  	_ =	shalt  }
0x64: {  	_ =	shalt  }
0x65: {  	_ =	shalt  }
0x66: {  	_ =	shalt  }
0x67: {  	_ =	shalt  }
0x68: {  	_ =	shalt  }
0x69: {  	_ =	shalt  }
0x6a: {  	_ =	shalt  }
0x6b: {  	_ =	shalt  }
0x6c: {  	_ =	shalt  }
0x6d: {  	_ =	shalt  }
0x6e: {  	_ =	shalt  }
0x6f: {  	_ =	shalt  }
0x70: {  	_ =	shalt  }
0x71: {  	_ =	shalt  }
0x72: {  	_ =	shalt  }
0x73: {  	_ =	shalt  }
0x74: {  	_ =	shalt  }
0x75: {  	_ =	shalt  }
0x76: {  	_ =	shalt  }
0x77: {  	_ =	shalt  }
0x78: {  	_ =	shalt  }
0x79: {  	_ =	shalt  }
0x7a: {  	_ =	shalt  }
0x7b: {  	_ =	shalt  }
0x7c: {  	_ =	shalt  }
0x7d: {  	_ =	shalt  }
0x7e: {  	_ =	shalt  }
0x7f: {  	_ =	shalt  }
0x80: {  	_ =	shalt  }
0x81: {  	_ =	shalt  }
0x82: {  	_ =	shalt  }
0x83: {  	_ =	shalt  }
0x84: {  	_ =	shalt  }
0x85: {  	_ =	shalt  }
0x86: {  	_ =	shalt  }
0x87: {  	_ =	shalt  }
.Lfunc_end0:
.L_simem_size_0:
called_computation.1_lowered:
.L_overlay_start_0:
0x88: {  	s2 =	sld [smem:$0x3FD9]  }
0x89: {  	s3 =	sld [smem:$0x3FFE];
	_ =	sdelay $0x1  }
0x8a: {  	s1 =	srdreg.scid  }
0x8b: {  	s0 =	sand.u32 $0x1, s1  }
0x8c: {  	s16 =	sshll.u32 s0, $0xA;
	s2 =	sadd.s32 s3, s2  }
0x8d: {  	s2 =	sadd.s32 s2, s16  }
0x8e: {  	[smem:$0x3FB2] =	sst s2  }
0x8f: {  	_ = 	snop  }
0x90: {  	(tm) =	ssettm $0x1  }
0x91: {  	s17 =	sld [smem:$0x3FFB];
	_ =	sdelay $0x3  }
0x92: {  	_ =	strace s17  }
0x93: {  	s2 =	sld [smem:$0x3FFC];
	_ =	sdelay $0x3  }
0x94: {  	_ =	strace s2  }
0x95: {  	s2 =	sld [smem:$0x3FFD];
	_ =	sdelay $0x3  }
0x96: {  	_ =	strace s2  }
0x97: {  	_ =	strace $0x8FFFFFFF  }
0x98: {  	s18 =	sld [smem:$0x3FDB];
	_ =	sdelay $0x1  }
0x99: {  	s19 =	simm.s32 $_scs_section_size  }
0x9a: {  	s4 =	simm.s32 $_size__tile_overlayer_lowered;
	s5 =	simm.s32 $_tile_overlayer_lowered  }
0x9b: {  	s22 =	simm.s32 $0x1BFF;
	s21 =	sshll.u32 s5, $0x1;
	s2 =	sadd.s32 s19, s18  }
0x9c: {  	s6 =	simm.s32 $0x0;
	s20 =	sshll.u32 s4, $0x1;
	s4 =	sadd.s32 s21, s2  }
0x9d: {  	[timem:s6], [sflag:s22] =	dma.local [hbm:s4], s20  }
0x9e: {  	_ =	swait.ge [sflag:s22], s20  }
0x9f: {  	s3 =	ssub.s32 $0x0, s20;
	[sflag:s22] =	ssyncset.done $0x0  }
0xa0: {  	[sflag:s22] =	ssyncadd.s32 s3;
	_ =	sdelay $0x1  }
0xa1: {  	s23 =	simm.s32 $0x1B8B  }
0xa2: {  	_ =	swait.ge [sflag:s23], $0x1  }
0xa3: {  	[sflag:s23] =	ssyncset.done $0x0  }
0xa4: {  	s25 =	simm.s32 $0x1B8E;
	s24 =	sld [smem:$0x3FFE];
	[sflag:s23] =	ssyncadd.s32 $0xFFFFFFFF  }
0xa5: {  	s26 =	simm.s32 $execute0_lowered;
	[smem:$0x3FD2] =	sst s25  }
0xa6: {  	s4 =	sshll.u32 s26, $0x1;
	_ =	strace $0x80000049;
	[dreg:$0x1] =	wrdreg $0xFFFFFFFF  }
0xa7: {  	s28 =	simm.s32 $_size_execute0_lowered;
	s2 =	sadd.s32 s2, s4;
	[dreg:$0x0] =	wrdreg $0x0  }
0xa8: {  	s4 =	sshll.u32 s28, $0x1;
	[dreg:$0x2] =	wrdreg s2  }
0xa9: {  	[dreg:$0x3] =	wrdreg s4  }
0xaa: {  	[dreg:$0x4] =	wrdreg $0xC0  }
0xab: {  	_ =	task [dreg:s6], $0x5FFFF  }
0xac: {  	[dreg:$0x1] =	wrdreg $0xFFFFFFFF  }
0xad: {  	[dreg:$0x0] =	wrdreg $0x60  }
0xae: {  	[dreg:$0x2] =	wrdreg s24  }
0xaf: {  	[dreg:$0x3] =	wrdreg $0x0  }
0xb0: {  	[dreg:$0x4] =	wrdreg $0x9  }
0xb1: {  	_ =	task.clear_ibuf [dreg:s6], $0x5FFFF;
	_ =	strace $0x90000049  }
0xb2: {  	s29 =	simm.s32 $0x9;
	_ =	strace $0x8000004B  }
0xb3: {  	_ =	swait.ge [sflag:s29], $0x1  }
0xb4: {  	[sflag:s29] =	ssyncadd.s32 $0xFFFFFFFF  }
0xb5: {  	_ =	strace $0x9000004B  }
0xb6: {  	_ =	sfence  }
0xb7: {  	s30 =	sld [smem:$0x0];
	_ =	sdelay $0x2  }
0xb8: {  	s31 =	sshll.u32 s1, $0xD;
	s1 =	sshrl.u32 s1, $0x2  }
0xb9: {  	s3 =	sand.u32 $0x4000, s31;
	s1 =	sadd.s32 s1, s30  }
0xba: {  	s0 =	sor.u32 s3, s0;
	s1 =	sshll.u32 s1, $0x11  }
0xbb: {  	s0 =	sor.u32 s1, s0  }
0xbc: {  	s0 =	sadd.s32 $0x8F2B, s0  }
0xbd: {  	[sflag:s0] =	ssyncadd.remote.s32 $0x1  }
0xbe: {  	_ =	sfence.sel $0xFFFF  }
0xbf: {  	[dreg:$0x0] =	wrdreg $0xFFFFFFFF;
	(pc) =	sbr.abs _section_cstart, $3  }
0xc0: {  	[dreg:$0x1] =	wrdreg $0xFFFFFFFF  }
0xc1: {  	_ =	task.clear_ibuf [dreg:s6], $0x2FFFF;
	_ =	strace $0x9FFFFFFF  }
0xc2: {  	(tm) =	ssettm $0x7FFFFFFF  }
0xc3: {  	_ =	shalt  }
tec
execute0_lowered:
.L_overlay_start_1:
0x0: {  	(tag) =	ssettag $0x1  }
0x1: {  	s5 =	rddreg [dreg:$0x0]  }
0x2: {  	s0 =	srdreg.scid;
	s1 =	rddreg [dreg:$0x1];
	s3 =	simm.s32 $0x0  }
0x3: {  	s2 =	stileid.u32;
	s12 =	simm.s32 $0x14080;
	s13 =	simm.s32 $0x14000  }
0x4: {  	s14 =	simm.s32 $0x80;
	s15 =	simm.s32 $0x14100;
	s9 =	smul.u32 $0x14000, s2  }
0x5: {  	s16 =	simm.s32 $0x1;
	s19 =	simm.s32 $0x0;
	s29 =	smul.u32 $0x50000, s2  }
0x6: {  	s6 =	sand.u32 $0x1, s0;
	s0 =	rddreg [dreg:$0x2];
	s10 =	smul.u32 $0x4F0, s2  }
0x7: {  	[smem:$0x7FF] =	sst s3;
	s4 =	sadd.s32 $0x1AC00, s5;
	s7 =	smul.u32 $0x4F00, s6  }
0x8: {  	s17 =	sshll.u32 s2, $0x6;
	s8 =	smul.u32 $0x140000, s6;
	s6 =	ssub.s32 $0x2, s6  }
0x9: {  	_ =	strace $0x8000004A;
	s17 =	sor.u32 $0x1C02, s17;
	s30 =	sshrl.u32 s6, $0x1  }
0xa: {  	s7 =	sadd.s32 s7, s5;
	s8 =	sadd.s32 s9, s8;
	s9 =	sshrl.u32 s29, $0x2  }
0xb: {  	s11 =	ssub.s32 s6, s30;
	s8 =	sshrl.u32 s8, $0x3;
	s31 =	sadd.s32 s10, s7  }
0xc: {  	s7 =	smax.u32 s11, $0x1;
	s10 =	simm.s32 $0x18100;
	s11 =	simm.s32 $0x2  }
0xd: {  	s8 =	sadd.s32 s8, s5;
	s5 =	sadd.s32 s9, s1;
	s9 =	sadd.s32 $0x10E00, s31  }
0xe: {  	v0 =	vimm.f32 $0.0e+00;
	s6 =	sadd.s32 $0x92C00, s8;
	s8 =	sadd.s32 $0x7000, s31;
	s18 =	sshrl.u32 s5, $0x3  }
.LBB2_1:
0xf: {  	s20 =	simm.s32 $0x0;
	s21 =	simm.s32 $0x200  }
.LBB2_2:
0x10: {  	p0 =	sne.s32 s21, $0x1E00;
	[tilespmem:s20+$0x18170] =	vst v0  }
0x11: {  	[tilespmem:s20+$0x18100] =	vst v0  }
0x12: {  	[tilespmem:s20+$0x18110] =	vst v0  }
.Ltmp0:
0x13: {  	[tilespmem:s20+$0x18120] =	vst v0;
	(pc) =	sbr.rel @p0 .LBB2_2-.Ltmp0, $4  }
0x14: {  	[tilespmem:s20+$0x18130] =	vst v0  }
0x15: {  	[tilespmem:s20+$0x18140] =	vst v0  }
0x16: {  	[tilespmem:s20+$0x18150] =	vst v0  }
0x17: {  	[tilespmem:s20+$0x18160] =	vst v0;
	s20 =	sshra.s32 s21, $0x2;
	s21 =	sadd.s32 $0x200, s21  }
0x18: {  	[tilespmem:s20+$0x18170] =	vst v0  }
0x19: {  	[tilespmem:s20+$0x18100] =	vst v0  }
0x1a: {  	[tilespmem:s20+$0x18110] =	vst v0  }
0x1b: {  	[tilespmem:s20+$0x18120] =	vst v0  }
0x1c: {  	[tilespmem:s20+$0x18130] =	vst v0  }
0x1d: {  	[tilespmem:s20+$0x18140] =	vst v0  }
0x1e: {  	[tilespmem:s20+$0x18150] =	vst v0  }
0x1f: {  	[tilespmem:s20+$0x18160] =	vst v0;
	s31 =	sadd.s32 $0x0, s5  }
0x20: {  	[spmem:s31] =	stream.linear.scatter [tilespmem:s10], [sflag:$0x2], $0x800, $0x38;
	[tilespmem:$0x18900] =	vst v63  }
0x21: {  	s20 =	simm.s32 $0x2000;
	_ =	swait.ge [sflag:s11], $0x800  }
.LBB2_4:
0x22: {  	s21 =	sshra.s32 s20, $0x2;
	[sflag:s11] =	ssyncset.done $0x0;
	p0 =	sne.s32 s20, $0x4E000  }
.Ltmp1:
0x23: {  	s21 =	sadd.s32 s21, s5;
	[sflag:s11] =	ssyncadd.s32 $0xFFFFF800;
	(pc) =	sbr.rel @p0 .LBB2_4-.Ltmp1, $3  }
0x24: {  	[spmem:s21] =	stream.linear.scatter [tilespmem:s10], [sflag:$0x2], $0x800, $0x38;
	[tilespmem:$0x18900] =	vst v63  }
0x25: {  	s20 =	sadd.s32 $0x2000, s20;
	_ =	sdelay $0x1  }
0x26: {  	_ =	swait.ge [sflag:s11], $0x800  }
0x27: {  	[sflag:s11] =	ssyncset.done $0x0  }
0x28: {  	[sflag:s11] =	ssyncadd.s32 $0xFFFFF800  }
0x29: {  	s20 =	sadd.s32 $0x0, s9;
	[bflag:$0x0] =	sbarrier.arrive $0xFFFF  }
0x2a: {  	[tilespmem:s12], [sflag:$0x2] =	stream.linear.gather [hbm4b:s20+s3], $0x80, $0x38;
	[tilespmem:$0x18900] =	vst v63  }
0x2b: {  	_ =	swait.ge [sflag:s11], $0x80  }
0x2c: {  	[sflag:s11] =	ssyncset.done $0x0  }
0x2d: {  	s31 =	sadd.s32 $0x0, s8;
	[sflag:s11] =	ssyncadd.s32 $0xFFFFFF80  }
0x2e: {  	[tilespmem:s13], [sflag:$0x2] =	stream.linear.gather [hbm4b:s31+s3], $0x80, $0x38;
	[tilespmem:$0x18900] =	vst v63  }
0x2f: {  	_ =	swait.ge [sflag:s11], $0x80  }
0x30: {  	[sflag:s11] =	ssyncset.done $0x0  }
0x31: {  	[sflag:s11] =	ssyncadd.s32 $0xFFFFFF80  }
0x32: {  	[tilespmem:s15], [sflag:$0x1] =	stream.indirect.gather [hbm4b:s4+s14], $0x80, s13, s14, $0xb8;
	[tilespmem:$0x18900] =	vst v63  }
0x33: {  	_ =	swait.ge [sflag:s16], $0x4000  }
0x34: {  	[sflag:s16] =	ssyncset.done $0x0  }
0x35: {  	[sflag:s16] =	ssyncadd.s32 $0xFFFFC000  }
0x36: {  	[spmem:s1] =	stream.indirect.scatter.add.f32 [tilespmem:s15], [sflag:$0x2], $0x80, s12, s14, $0xb8;
	[tilespmem:$0x18900] =	vst v63  }
0x37: {  	_ =	swait.ge [sflag:s11], $0x4000  }
0x38: {  	s21 =	simm.s32 $0x20;
	s20 =	simm.s32 $0x10;
	[sflag:s11] =	ssyncset.done $0x0  }
.LBB2_6:
0x39: {  	s22 =	sadd.s32 s20, s9  }
0x3a: {  	[sflag:s11] =	ssyncadd.s32 $0xFFFFC000;
	s23 =	smov.u32 s21;
	s24 =	sadd.s32 $0x10, s21  }
0x3b: {  	[tilespmem:s12], [sflag:$0x2] =	stream.linear.gather [hbm4b:s22+s3], $0x80, $0x38;
	[tilespmem:$0x18900] =	vst v63  }
0x3c: {  	p0 =	sne.s32 s21, $0x4E0;
	_ =	swait.ge [sflag:s11], $0x80  }
0x3d: {  	[sflag:s11] =	ssyncset.done $0x0  }
0x3e: {  	s21 =	sadd.s32 s20, s8;
	s20 =	smov.u32 s23;
	[sflag:s11] =	ssyncadd.s32 $0xFFFFFF80  }
0x3f: {  	[tilespmem:s13], [sflag:$0x2] =	stream.linear.gather [hbm4b:s21+s3], $0x80, $0x38;
	[tilespmem:$0x18900] =	vst v63  }
0x40: {  	_ =	swait.ge [sflag:s11], $0x80  }
0x41: {  	[sflag:s11] =	ssyncset.done $0x0  }
0x42: {  	[sflag:s11] =	ssyncadd.s32 $0xFFFFFF80  }
0x43: {  	[tilespmem:s15], [sflag:$0x1] =	stream.indirect.gather [hbm4b:s4+s14], $0x80, s13, s14, $0xb8;
	[tilespmem:$0x18900] =	vst v63  }
0x44: {  	_ =	swait.ge [sflag:s16], $0x4000  }
.Ltmp2:
0x45: {  	[sflag:s16] =	ssyncset.done $0x0;
	(pc) =	sbr.rel @p0 .LBB2_6-.Ltmp2, $4  }
0x46: {  	[sflag:s16] =	ssyncadd.s32 $0xFFFFC000  }
0x47: {  	[spmem:s1] =	stream.indirect.scatter.add.f32 [tilespmem:s15], [sflag:$0x2], $0x80, s12, s14, $0xb8;
	[tilespmem:$0x18900] =	vst v63  }
0x48: {  	_ =	swait.ge [sflag:s11], $0x4000  }
0x49: {  	s21 =	smov.u32 s24;
	[sflag:s11] =	ssyncset.done $0x0  }
0x4a: {  	s21 =	sadd.s32 s20, s9;
	[sflag:s11] =	ssyncadd.s32 $0xFFFFC000  }
0x4b: {  	[tilespmem:s12], [sflag:$0x2] =	stream.linear.gather [hbm4b:s21+s3], $0x80, $0x38;
	[tilespmem:$0x18900] =	vst v63  }
0x4c: {  	_ =	swait.ge [sflag:s11], $0x80  }
0x4d: {  	[sflag:s11] =	ssyncset.done $0x0  }
0x4e: {  	s31 =	sadd.s32 s20, s8;
	[sflag:s11] =	ssyncadd.s32 $0xFFFFFF80  }
0x4f: {  	[tilespmem:s13], [sflag:$0x2] =	stream.linear.gather [hbm4b:s31+s3], $0x80, $0x38;
	[tilespmem:$0x18900] =	vst v63  }
0x50: {  	_ =	swait.ge [sflag:s11], $0x80  }
0x51: {  	[sflag:s11] =	ssyncset.done $0x0  }
0x52: {  	[sflag:s11] =	ssyncadd.s32 $0xFFFFFF80  }
0x53: {  	[tilespmem:s15], [sflag:$0x1] =	stream.indirect.gather [hbm4b:s4+s14], $0x80, s13, s14, $0xb8;
	[tilespmem:$0x18900] =	vst v63  }
0x54: {  	_ =	swait.ge [sflag:s16], $0x4000  }
0x55: {  	[sflag:s16] =	ssyncset.done $0x0  }
0x56: {  	[sflag:s16] =	ssyncadd.s32 $0xFFFFC000  }
0x57: {  	[spmem:s1] =	stream.indirect.scatter.add.f32 [tilespmem:s15], [sflag:$0x2], $0x80, s12, s14, $0xb8;
	[tilespmem:$0x18900] =	vst v63  }
0x58: {  	_ =	swait.ge [sflag:s11], $0x4000  }
0x59: {  	s19 =	sadd.s32 $0x1, s19;
	[sflag:s11] =	ssyncset.done $0x0  }
0x5a: {  	p0 =	sne.s32 s19, s7;
	[sflag:s11] =	ssyncadd.s32 $0xFFFFC000  }
.Ltmp3:
0x5b: {  	[bflag:$0x0] =	sbarrier.arrive $0xFFFF;
	(pc) =	sbr.rel @p0 .LBB2_1-.Ltmp3, $4  }
0x5c: {  	[hbm:s6], [sflag:s17] =	dma.local [spmem:s18], $0x2800  }
0x5d: {  	_ =	swait.ge [sflag:s11], $0x2800  }
0x5e: {  	[sflag:s11] =	ssyncset.done $0x0  }
0x5f: {  	[sflag:s11] =	ssyncadd.s32 $0xFFFFD800  }
0x60: {  	_ =	sfence.sel $0x180000  }
0x61: {  	[bflag:$0x0] =	sbarrier.arrive $0xFFFF  }
0x62: {  	p0 =	sne.s32 s2, $0x0;
	_ =	strace $0x9000004A  }
0x63: {  	s0 =	sadd.s32 @!p0 $0x100000, s0;
	[bflag:$0x2] =	sbarrier.arrive $0xFFFF  }
0x64: {  	[sflag:s0] =	ssyncadd.tile.s32 @!p0 $0x1;
	_ =	shalt  }
.Lfunc_end2:
_tile_overlayer_lowered:
.L_overlay_start_2:
0x65: {  	(tag) =	ssettag $0x2  }
0x66: {  	s0 =	rddreg [dreg:$0x0];
	s2 =	stileid.u32  }
0x67: {  	s1 =	rddreg [dreg:$0x1];
	p0 =	sne.s32 s2, $0x0  }
0x68: {  	s3 =	rddreg [dreg:$0x2];
	[bflag:$0x3] =	sbarrier.arrive $0xFFFF;
	s2 =	simm.s32 @!p0 $0x1C02  }
0x69: {  	[timem:s3], [sflag:s2] =	dma.local @!p0 [hbm:s0], s1  }
0x6a: {  	s0 =	simm.s32 @!p0 $0x2  }
0x6b: {  	_ =	swait.ge @!p0 [sflag:s0], s1  }
0x6c: {  	s1 =	ssub.s32 @!p0 $0x0, s1;
	[sflag:s0] =	ssyncset.done @!p0 $0x0  }
0x6d: {  	[sflag:s0] =	ssyncadd.s32 @!p0 s1  }
0x6e: {  	[bflag:$0x3] =	sbarrier.arrive $0xFFFF  }
0x6f: {  	_ =	shalt  }

// kernel: kernel.23.cloned.1.call-start
scs
__scs_entry_jumppad:
0x0: {  	(pc) =	sbr.rel $0x88, $3  }
0x1: {  	(tag) =	ssettag $0x0;
	lr =	simm.s32 $0x1  }
0x2: {  	[smem:$0x3F8B] =	sst lr;
	_ =	strace $0xD0000000  }
0x3: {  	_ = 	snop  }
0x4: {  	_ = 	snop  }
0x5: {  	_ = 	snop  }
0x6: {  	_ = 	snop  }
0x7: {  	_ = 	snop  }
__scs_overlays_trampoline_lowered:
0x8: {  	[smem:$0x3F9A] =	sst s0  }
0x9: {  	[smem:$0x3F9B] =	sst s1  }
0xa: {  	[smem:$0x3F9C] =	sst s2  }
0xb: {  	[smem:$0x3F9D] =	sst s3  }
0xc: {  	[smem:$0x3F9E] =	sst s4  }
0xd: {  	[smem:$0x3F9F] =	sst s5  }
0xe: {  	[smem:$0x3FA0] =	sst s6  }
0xf: {  	[smem:$0x3FA1] =	sst s7  }
0x10: {  	[smem:$0x3FA2] =	sst s8  }
0x11: {  	[smem:$0x3FA3] =	sst s9;
	s0 =	simm.s32 @!p0 $0x0  }
0x12: {  	s1 =	sld [smem:$0x3F89];
	s0 =	simm.s32 @p0 $0x1  }
0x13: {  	[smem:$0x3FA4] =	sst s0;
	s0 =	simm.s32 @!p1 $0x0  }
0x14: {  	s2 =	sld [smem:$0x3F88];
	s0 =	simm.s32 @p1 $0x1  }
0x15: {  	[smem:$0x3FA5] =	sst s0;
	s0 =	simm.s32 @!p2 $0x0  }
0x16: {  	s3 =	sld [smem:$0x3FDB];
	s0 =	simm.s32 @p2 $0x1  }
0x17: {  	s4 =	simm.s32 $0x1BF5;
	[smem:$0x3FA7] =	sst s0  }
0x18: {  	s0 =	sld [smem:$0x3F8A];
	_ =	swait.ge [sflag:s4], $0x0  }
0x19: {  	s7 =	sld [smem:$0x3F8B]  }
0x1a: {  	s8 =	sadd.s32 $0xFFFFE003, lr  }
0x1b: {  	s9 =	sadd.s32 $0xFFFFFEF7, lr;
	s5 =	simm.s32 $0xFFFFFFFF;
	p2 =	slt.u32 s8, $0xFFFFF086  }
0x1c: {  	p1 =	slt.u32 s9, $0xF7A;
	s5 =	simm.s32 @!p2 $0x0  }
0x1d: {  	s5 =	simm.s32 @p1 $0x1;
	p0 =	seq.s32 s7, s2  }
0x1e: {  	s7 =	smul.u32 @!p0 $0xF7A, s2;
	p2 =	seq.s32 @!p0 s5, $0x0  }
0x1f: {  	s9 =	smul.u32 $0xF7A, s1;
	s8 =	simm.s32 @!p0 $0x1BF5;
	p2 =	por !p2, p0  }
0x20: {  	[sflag:s8] =	ssyncset.s32 @!p0 $0xFFFFF086;
	s6 =	sadd.s32 @!p0 s3, s7;
	s7 =	simm.s32 @!p0 $0x108  }
0x21: {  	s3 =	sadd.s32 s3, s9;
	s6 =	sadd.s32 @!p0 $0x88, s6;
	s7 =	simm.s32 @p2 $0x1082  }
0x22: {  	[simem:s7], [sflag:s8] =	dma.local @!p0 [hbm:s6], $0xF7A  }
0x23: {  	s9 =	sor.u32 $0xD0000000, s2;
	s6 =	simm.s32 $0x108;
	_ =	swait.ge @!p0 [sflag:s8], $0x0  }
0x24: {  	s3 =	sadd.s32 $0x88, s3;
	s6 =	simm.s32 @!p1 $0x1082;
	[sflag:s4] =	ssyncset.s32 $0xFFFFF086  }
0x25: {  	[simem:s6], [sflag:s4] =	dma.local [hbm:s3], $0xF7A  }
0x26: {  	[smem:$0x3F8B] =	sst s1;
	(tag) =	ssettag s2;
	_ =	strace s9  }
0x27: {  	s1 =	sld [smem:$0x3F9B]  }
0x28: {  	s2 =	sld [smem:$0x3F9C]  }
0x29: {  	s4 =	sld [smem:$0x3F9E]  }
0x2a: {  	p0 =	seq.s32 s5, $0x0;
	s5 =	sld [smem:$0x3F9F]  }
0x2b: {  	s6 =	sld [smem:$0x3FA0]  }
0x2c: {  	s7 =	sld [smem:$0x3FA1]  }
0x2d: {  	s3 =	simm.s32 $0x108;
	s8 =	sld [smem:$0x3FA2]  }
0x2e: {  	s3 =	simm.s32 @!p0 $0x1082;
	s9 =	sld [smem:$0x3FA3]  }
0x2f: {  	lr =	sadd.s32 s0, s3;
	s0 =	sld [smem:$0x3F9A]  }
0x30: {  	s3 =	sld [smem:$0x3F9D]  }
0x31: {  	[smem:$0x3FA6] =	sst s10  }
0x32: {  	s10 =	sld [smem:$0x3FA4];
	_ =	sdelay $0x3  }
0x33: {  	p0 =	seq.s32 s10, $0x1;
	s10 =	sld [smem:$0x3FA6];
	_ =	sdelay $0x3  }
0x34: {  	[smem:$0x3FA6] =	sst s10  }
0x35: {  	s10 =	sld [smem:$0x3FA5];
	_ =	sdelay $0x3  }
0x36: {  	p1 =	seq.s32 s10, $0x1;
	s10 =	sld [smem:$0x3FA6];
	_ =	sdelay $0x3  }
0x37: {  	[smem:$0x3FA6] =	sst s10  }
0x38: {  	s10 =	sld [smem:$0x3FA7]  }
0x39: {  	_ = 	snop;
	(pc) =	sbr.ind lr, $3  }
0x3a: {  	_ = 	snop  }
0x3b: {  	_ = 	snop  }
0x3c: {  	p2 =	seq.s32 s10, $0x1;
	s10 =	sld [smem:$0x3FA6]  }
0x3d: {  	_ =	shalt  }
0x3e: {  	_ =	shalt  }
0x3f: {  	_ =	shalt  }
0x40: {  	_ =	shalt  }
0x41: {  	_ =	shalt  }
0x42: {  	_ =	shalt  }
0x43: {  	_ =	shalt  }
0x44: {  	_ =	shalt  }
0x45: {  	_ =	shalt  }
0x46: {  	_ =	shalt  }
0x47: {  	_ =	shalt  }
0x48: {  	_ =	shalt  }
0x49: {  	_ =	shalt  }
0x4a: {  	_ =	shalt  }
0x4b: {  	_ =	shalt  }
0x4c: {  	_ =	shalt  }
0x4d: {  	_ =	shalt  }
0x4e: {  	_ =	shalt  }
0x4f: {  	_ =	shalt  }
0x50: {  	_ =	shalt  }
0x51: {  	_ =	shalt  }
0x52: {  	_ =	shalt  }
0x53: {  	_ =	shalt  }
0x54: {  	_ =	shalt  }
0x55: {  	_ =	shalt  }
0x56: {  	_ =	shalt  }
0x57: {  	_ =	shalt  }
0x58: {  	_ =	shalt  }
0x59: {  	_ =	shalt  }
0x5a: {  	_ =	shalt  }
0x5b: {  	_ =	shalt  }
0x5c: {  	_ =	shalt  }
0x5d: {  	_ =	shalt  }
0x5e: {  	_ =	shalt  }
0x5f: {  	_ =	shalt  }
0x60: {  	_ =	shalt  }
0x61: {  	_ =	shalt  }
0x62: {  	_ =	shalt  }
0x63: {  	_ =	shalt  }
0x64: {  	_ =	shalt  }
0x65: {  	_ =	shalt  }
0x66: {  	_ =	shalt  }
0x67: {  	_ =	shalt  }
0x68: {  	_ =	shalt  }
0x69: {  	_ =	shalt  }
0x6a: {  	_ =	shalt  }
0x6b: {  	_ =	shalt  }
0x6c: {  	_ =	shalt  }
0x6d: {  	_ =	shalt  }
0x6e: {  	_ =	shalt  }
0x6f: {  	_ =	shalt  }
0x70: {  	_ =	shalt  }
0x71: {  	_ =	shalt  }
0x72: {  	_ =	shalt  }
0x73: {  	_ =	shalt  }
0x74: {  	_ =	shalt  }
0x75: {  	_ =	shalt  }
0x76: {  	_ =	shalt  }
0x77: {  	_ =	shalt  }
0x78: {  	_ =	shalt  }
0x79: {  	_ =	shalt  }
0x7a: {  	_ =	shalt  }
0x7b: {  	_ =	shalt  }
0x7c: {  	_ =	shalt  }
0x7d: {  	_ =	shalt  }
0x7e: {  	_ =	shalt  }
0x7f: {  	_ =	shalt  }
0x80: {  	_ =	shalt  }
0x81: {  	_ =	shalt  }
0x82: {  	_ =	shalt  }
0x83: {  	_ =	shalt  }
0x84: {  	_ =	shalt  }
0x85: {  	_ =	shalt  }
0x86: {  	_ =	shalt  }
0x87: {  	_ =	shalt  }
.Lfunc_end0:
.L_simem_size_0:
called_computation.2_lowered:
.L_overlay_start_0:
0x88: {  	s2 =	sld [smem:$0x3FD9]  }
0x89: {  	s3 =	sld [smem:$0x3FFE];
	_ =	sdelay $0x1  }
0x8a: {  	s1 =	srdreg.scid  }
0x8b: {  	s0 =	sand.u32 $0x1, s1  }
0x8c: {  	s16 =	sshll.u32 s0, $0xA;
	s2 =	sadd.s32 s3, s2  }
0x8d: {  	s2 =	sadd.s32 s2, s16  }
0x8e: {  	[smem:$0x3FB2] =	sst s2  }
0x8f: {  	_ = 	snop  }
0x90: {  	(tm) =	ssettm $0x1  }
0x91: {  	s17 =	sld [smem:$0x3FFB];
	_ =	sdelay $0x3  }
0x92: {  	_ =	strace s17  }
0x93: {  	s2 =	sld [smem:$0x3FFC];
	_ =	sdelay $0x3  }
0x94: {  	_ =	strace s2  }
0x95: {  	s2 =	sld [smem:$0x3FFD];
	_ =	sdelay $0x3  }
0x96: {  	_ =	strace s2  }
0x97: {  	_ =	strace $0x8FFFFFFF  }
0x98: {  	s18 =	sld [smem:$0x3FDB];
	_ =	sdelay $0x1  }
0x99: {  	s19 =	simm.s32 $_scs_section_size  }
0x9a: {  	s4 =	simm.s32 $_size__tile_overlayer_lowered;
	s5 =	simm.s32 $_tile_overlayer_lowered  }
0x9b: {  	s22 =	simm.s32 $0x1BFF;
	s21 =	sshll.u32 s5, $0x1;
	s2 =	sadd.s32 s19, s18  }
0x9c: {  	s6 =	simm.s32 $0x0;
	s20 =	sshll.u32 s4, $0x1;
	s4 =	sadd.s32 s21, s2  }
0x9d: {  	[timem:s6], [sflag:s22] =	dma.local [hbm:s4], s20  }
0x9e: {  	_ =	swait.ge [sflag:s22], s20  }
0x9f: {  	s3 =	ssub.s32 $0x0, s20;
	[sflag:s22] =	ssyncset.done $0x0  }
0xa0: {  	[sflag:s22] =	ssyncadd.s32 s3;
	_ =	sdelay $0x1  }
0xa1: {  	s23 =	simm.s32 $0x1B8B  }
0xa2: {  	_ =	swait.ge [sflag:s23], $0x1  }
0xa3: {  	[sflag:s23] =	ssyncset.done $0x0  }
0xa4: {  	s25 =	simm.s32 $0x1B8E;
	s24 =	sld [smem:$0x3FFE];
	[sflag:s23] =	ssyncadd.s32 $0xFFFFFFFF  }
0xa5: {  	s26 =	simm.s32 $execute0_lowered;
	[smem:$0x3FD2] =	sst s25  }
0xa6: {  	s4 =	sshll.u32 s26, $0x1;
	_ =	strace $0x8000004C;
	[dreg:$0x1] =	wrdreg $0xFFFFFFFF  }
0xa7: {  	s28 =	simm.s32 $_size_execute0_lowered;
	s2 =	sadd.s32 s2, s4;
	[dreg:$0x0] =	wrdreg $0x0  }
0xa8: {  	s4 =	sshll.u32 s28, $0x1;
	[dreg:$0x2] =	wrdreg s2  }
0xa9: {  	[dreg:$0x3] =	wrdreg s4  }
0xaa: {  	[dreg:$0x4] =	wrdreg $0xC0  }
0xab: {  	_ =	task [dreg:s6], $0x5FFFF  }
0xac: {  	[dreg:$0x1] =	wrdreg $0xFFFFFFFF  }
0xad: {  	[dreg:$0x0] =	wrdreg $0x60  }
0xae: {  	[dreg:$0x2] =	wrdreg s24  }
0xaf: {  	[dreg:$0x3] =	wrdreg $0x0  }
0xb0: {  	[dreg:$0x4] =	wrdreg $0x9  }
0xb1: {  	_ =	task.clear_ibuf [dreg:s6], $0x5FFFF;
	_ =	strace $0x9000004C  }
0xb2: {  	s29 =	simm.s32 $0x9;
	_ =	strace $0x8000004E  }
0xb3: {  	_ =	swait.ge [sflag:s29], $0x1  }
0xb4: {  	[sflag:s29] =	ssyncadd.s32 $0xFFFFFFFF  }
0xb5: {  	_ =	strace $0x9000004E  }
0xb6: {  	_ =	sfence  }
0xb7: {  	s30 =	sld [smem:$0x0];
	_ =	sdelay $0x2  }
0xb8: {  	s31 =	sshll.u32 s1, $0xD;
	s1 =	sshrl.u32 s1, $0x2  }
0xb9: {  	s3 =	sand.u32 $0x4000, s31;
	s1 =	sadd.s32 s1, s30  }
0xba: {  	s0 =	sor.u32 s3, s0;
	s1 =	sshll.u32 s1, $0x11  }
0xbb: {  	s0 =	sor.u32 s1, s0  }
0xbc: {  	s0 =	sadd.s32 $0x8F2B, s0  }
0xbd: {  	[sflag:s0] =	ssyncadd.remote.s32 $0x1  }
0xbe: {  	_ =	sfence.sel $0xFFFF  }
0xbf: {  	[dreg:$0x0] =	wrdreg $0xFFFFFFFF;
	(pc) =	sbr.abs _section_cstart, $3  }
0xc0: {  	[dreg:$0x1] =	wrdreg $0xFFFFFFFF  }
0xc1: {  	_ =	task.clear_ibuf [dreg:s6], $0x2FFFF;
	_ =	strace $0x9FFFFFFF  }
0xc2: {  	(tm) =	ssettm $0x7FFFFFFF  }
0xc3: {  	_ =	shalt  }
tec
execute0_lowered:
.L_overlay_start_1:
0x0: {  	(tag) =	ssettag $0x1  }
0x1: {  	s5 =	rddreg [dreg:$0x0]  }
0x2: {  	s0 =	srdreg.scid;
	s1 =	rddreg [dreg:$0x1];
	s3 =	simm.s32 $0x0  }
0x3: {  	s2 =	stileid.u32;
	s12 =	simm.s32 $0x14080;
	s13 =	simm.s32 $0x14000  }
0x4: {  	s14 =	simm.s32 $0x80;
	s15 =	simm.s32 $0x14100;
	s9 =	smul.u32 $0x14000, s2  }
0x5: {  	s16 =	simm.s32 $0x1;
	s19 =	simm.s32 $0x0;
	s29 =	smul.u32 $0x50000, s2  }
0x6: {  	s6 =	sand.u32 $0x1, s0;
	s0 =	rddreg [dreg:$0x2];
	s10 =	smul.u32 $0x4F0, s2  }
0x7: {  	[smem:$0x7FF] =	sst s3;
	s4 =	sadd.s32 $0x1AC00, s5;
	s7 =	smul.u32 $0x4F00, s6  }
0x8: {  	s17 =	sshll.u32 s2, $0x6;
	s8 =	smul.u32 $0x140000, s6;
	s6 =	ssub.s32 $0x2, s6  }
0x9: {  	_ =	strace $0x8000004D;
	s17 =	sor.u32 $0x1C02, s17;
	s30 =	sshrl.u32 s6, $0x1  }
0xa: {  	s7 =	sadd.s32 s7, s5;
	s8 =	sadd.s32 s9, s8;
	s9 =	sshrl.u32 s29, $0x2  }
0xb: {  	s11 =	ssub.s32 s6, s30;
	s8 =	sshrl.u32 s8, $0x3;
	s31 =	sadd.s32 s10, s7  }
0xc: {  	s7 =	smax.u32 s11, $0x1;
	s10 =	simm.s32 $0x18100;
	s11 =	simm.s32 $0x2  }
0xd: {  	s8 =	sadd.s32 s8, s5;
	s5 =	sadd.s32 s9, s1;
	s9 =	sadd.s32 $0x10E00, s31  }
0xe: {  	v0 =	vimm.f32 $0.0e+00;
	s6 =	sadd.s32 $0x92C00, s8;
	s8 =	sadd.s32 $0x7000, s31;
	s18 =	sshrl.u32 s5, $0x3  }
.LBB2_1:
0xf: {  	s20 =	simm.s32 $0x0;
	s21 =	simm.s32 $0x200  }
.LBB2_2:
0x10: {  	p0 =	sne.s32 s21, $0x1E00;
	[tilespmem:s20+$0x18170] =	vst v0  }
0x11: {  	[tilespmem:s20+$0x18100] =	vst v0  }
0x12: {  	[tilespmem:s20+$0x18110] =	vst v0  }
.Ltmp0:
0x13: {  	[tilespmem:s20+$0x18120] =	vst v0;
	(pc) =	sbr.rel @p0 .LBB2_2-.Ltmp0, $4  }
0x14: {  	[tilespmem:s20+$0x18130] =	vst v0  }
0x15: {  	[tilespmem:s20+$0x18140] =	vst v0  }
0x16: {  	[tilespmem:s20+$0x18150] =	vst v0  }
0x17: {  	[tilespmem:s20+$0x18160] =	vst v0;
	s20 =	sshra.s32 s21, $0x2;
	s21 =	sadd.s32 $0x200, s21  }
0x18: {  	[tilespmem:s20+$0x18170] =	vst v0  }
0x19: {  	[tilespmem:s20+$0x18100] =	vst v0  }
0x1a: {  	[tilespmem:s20+$0x18110] =	vst v0  }
0x1b: {  	[tilespmem:s20+$0x18120] =	vst v0  }
0x1c: {  	[tilespmem:s20+$0x18130] =	vst v0  }
0x1d: {  	[tilespmem:s20+$0x18140] =	vst v0  }
0x1e: {  	[tilespmem:s20+$0x18150] =	vst v0  }
0x1f: {  	[tilespmem:s20+$0x18160] =	vst v0;
	s31 =	sadd.s32 $0x0, s5  }
0x20: {  	[spmem:s31] =	stream.linear.scatter [tilespmem:s10], [sflag:$0x2], $0x800, $0x38;
	[tilespmem:$0x18900] =	vst v63  }
0x21: {  	s20 =	simm.s32 $0x2000;
	_ =	swait.ge [sflag:s11], $0x800  }
.LBB2_4:
0x22: {  	s21 =	sshra.s32 s20, $0x2;
	[sflag:s11] =	ssyncset.done $0x0;
	p0 =	sne.s32 s20, $0x4E000  }
.Ltmp1:
0x23: {  	s21 =	sadd.s32 s21, s5;
	[sflag:s11] =	ssyncadd.s32 $0xFFFFF800;
	(pc) =	sbr.rel @p0 .LBB2_4-.Ltmp1, $3  }
0x24: {  	[spmem:s21] =	stream.linear.scatter [tilespmem:s10], [sflag:$0x2], $0x800, $0x38;
	[tilespmem:$0x18900] =	vst v63  }
0x25: {  	s20 =	sadd.s32 $0x2000, s20;
	_ =	sdelay $0x1  }
0x26: {  	_ =	swait.ge [sflag:s11], $0x800  }
0x27: {  	[sflag:s11] =	ssyncset.done $0x0  }
0x28: {  	[sflag:s11] =	ssyncadd.s32 $0xFFFFF800  }
0x29: {  	s20 =	sadd.s32 $0x0, s9;
	[bflag:$0x0] =	sbarrier.arrive $0xFFFF  }
0x2a: {  	[tilespmem:s12], [sflag:$0x2] =	stream.linear.gather [hbm4b:s20+s3], $0x80, $0x38;
	[tilespmem:$0x18900] =	vst v63  }
0x2b: {  	_ =	swait.ge [sflag:s11], $0x80  }
0x2c: {  	[sflag:s11] =	ssyncset.done $0x0  }
0x2d: {  	s31 =	sadd.s32 $0x0, s8;
	[sflag:s11] =	ssyncadd.s32 $0xFFFFFF80  }
0x2e: {  	[tilespmem:s13], [sflag:$0x2] =	stream.linear.gather [hbm4b:s31+s3], $0x80, $0x38;
	[tilespmem:$0x18900] =	vst v63  }
0x2f: {  	_ =	swait.ge [sflag:s11], $0x80  }
0x30: {  	[sflag:s11] =	ssyncset.done $0x0  }
0x31: {  	[sflag:s11] =	ssyncadd.s32 $0xFFFFFF80  }
0x32: {  	[tilespmem:s15], [sflag:$0x1] =	stream.indirect.gather [hbm4b:s4+s14], $0x80, s13, s14, $0xb8;
	[tilespmem:$0x18900] =	vst v63  }
0x33: {  	_ =	swait.ge [sflag:s16], $0x4000  }
0x34: {  	[sflag:s16] =	ssyncset.done $0x0  }
0x35: {  	[sflag:s16] =	ssyncadd.s32 $0xFFFFC000  }
0x36: {  	[spmem:s1] =	stream.indirect.scatter.add.f32 [tilespmem:s15], [sflag:$0x2], $0x80, s12, s14, $0xb8;
	[tilespmem:$0x18900] =	vst v63  }
0x37: {  	_ =	swait.ge [sflag:s11], $0x4000  }
0x38: {  	s21 =	simm.s32 $0x20;
	s20 =	simm.s32 $0x10;
	[sflag:s11] =	ssyncset.done $0x0  }
.LBB2_6:
0x39: {  	s22 =	sadd.s32 s20, s9  }
0x3a: {  	[sflag:s11] =	ssyncadd.s32 $0xFFFFC000;
	s23 =	smov.u32 s21;
	s24 =	sadd.s32 $0x10, s21  }
0x3b: {  	[tilespmem:s12], [sflag:$0x2] =	stream.linear.gather [hbm4b:s22+s3], $0x80, $0x38;
	[tilespmem:$0x18900] =	vst v63  }
0x3c: {  	p0 =	sne.s32 s21, $0x4E0;
	_ =	swait.ge [sflag:s11], $0x80  }
0x3d: {  	[sflag:s11] =	ssyncset.done $0x0  }
0x3e: {  	s21 =	sadd.s32 s20, s8;
	s20 =	smov.u32 s23;
	[sflag:s11] =	ssyncadd.s32 $0xFFFFFF80  }
0x3f: {  	[tilespmem:s13], [sflag:$0x2] =	stream.linear.gather [hbm4b:s21+s3], $0x80, $0x38;
	[tilespmem:$0x18900] =	vst v63  }
0x40: {  	_ =	swait.ge [sflag:s11], $0x80  }
0x41: {  	[sflag:s11] =	ssyncset.done $0x0  }
0x42: {  	[sflag:s11] =	ssyncadd.s32 $0xFFFFFF80  }
0x43: {  	[tilespmem:s15], [sflag:$0x1] =	stream.indirect.gather [hbm4b:s4+s14], $0x80, s13, s14, $0xb8;
	[tilespmem:$0x18900] =	vst v63  }
0x44: {  	_ =	swait.ge [sflag:s16], $0x4000  }
.Ltmp2:
0x45: {  	[sflag:s16] =	ssyncset.done $0x0;
	(pc) =	sbr.rel @p0 .LBB2_6-.Ltmp2, $4  }
0x46: {  	[sflag:s16] =	ssyncadd.s32 $0xFFFFC000  }
0x47: {  	[spmem:s1] =	stream.indirect.scatter.add.f32 [tilespmem:s15], [sflag:$0x2], $0x80, s12, s14, $0xb8;
	[tilespmem:$0x18900] =	vst v63  }
0x48: {  	_ =	swait.ge [sflag:s11], $0x4000  }
0x49: {  	s21 =	smov.u32 s24;
	[sflag:s11] =	ssyncset.done $0x0  }
0x4a: {  	s21 =	sadd.s32 s20, s9;
	[sflag:s11] =	ssyncadd.s32 $0xFFFFC000  }
0x4b: {  	[tilespmem:s12], [sflag:$0x2] =	stream.linear.gather [hbm4b:s21+s3], $0x80, $0x38;
	[tilespmem:$0x18900] =	vst v63  }
0x4c: {  	_ =	swait.ge [sflag:s11], $0x80  }
0x4d: {  	[sflag:s11] =	ssyncset.done $0x0  }
0x4e: {  	s31 =	sadd.s32 s20, s8;
	[sflag:s11] =	ssyncadd.s32 $0xFFFFFF80  }
0x4f: {  	[tilespmem:s13], [sflag:$0x2] =	stream.linear.gather [hbm4b:s31+s3], $0x80, $0x38;
	[tilespmem:$0x18900] =	vst v63  }
0x50: {  	_ =	swait.ge [sflag:s11], $0x80  }
0x51: {  	[sflag:s11] =	ssyncset.done $0x0  }
0x52: {  	[sflag:s11] =	ssyncadd.s32 $0xFFFFFF80  }
0x53: {  	[tilespmem:s15], [sflag:$0x1] =	stream.indirect.gather [hbm4b:s4+s14], $0x80, s13, s14, $0xb8;
	[tilespmem:$0x18900] =	vst v63  }
0x54: {  	_ =	swait.ge [sflag:s16], $0x4000  }
0x55: {  	[sflag:s16] =	ssyncset.done $0x0  }
0x56: {  	[sflag:s16] =	ssyncadd.s32 $0xFFFFC000  }
0x57: {  	[spmem:s1] =	stream.indirect.scatter.add.f32 [tilespmem:s15], [sflag:$0x2], $0x80, s12, s14, $0xb8;
	[tilespmem:$0x18900] =	vst v63  }
0x58: {  	_ =	swait.ge [sflag:s11], $0x4000  }
0x59: {  	s19 =	sadd.s32 $0x1, s19;
	[sflag:s11] =	ssyncset.done $0x0  }
0x5a: {  	p0 =	sne.s32 s19, s7;
	[sflag:s11] =	ssyncadd.s32 $0xFFFFC000  }
.Ltmp3:
0x5b: {  	[bflag:$0x0] =	sbarrier.arrive $0xFFFF;
	(pc) =	sbr.rel @p0 .LBB2_1-.Ltmp3, $4  }
0x5c: {  	[hbm:s6], [sflag:s17] =	dma.local [spmem:s18], $0x2800  }
0x5d: {  	_ =	swait.ge [sflag:s11], $0x2800  }
0x5e: {  	[sflag:s11] =	ssyncset.done $0x0  }
0x5f: {  	[sflag:s11] =	ssyncadd.s32 $0xFFFFD800  }
0x60: {  	_ =	sfence.sel $0x180000  }
0x61: {  	[bflag:$0x0] =	sbarrier.arrive $0xFFFF  }
0x62: {  	p0 =	sne.s32 s2, $0x0;
	_ =	strace $0x9000004D  }
0x63: {  	s0 =	sadd.s32 @!p0 $0x100000, s0;
	[bflag:$0x2] =	sbarrier.arrive $0xFFFF  }
0x64: {  	[sflag:s0] =	ssyncadd.tile.s32 @!p0 $0x1;
	_ =	shalt  }
.Lfunc_end2:
_tile_overlayer_lowered:
.L_overlay_start_2:
0x65: {  	(tag) =	ssettag $0x2  }
0x66: {  	s0 =	rddreg [dreg:$0x0];
	s2 =	stileid.u32  }
0x67: {  	s1 =	rddreg [dreg:$0x1];
	p0 =	sne.s32 s2, $0x0  }
0x68: {  	s3 =	rddreg [dreg:$0x2];
	[bflag:$0x3] =	sbarrier.arrive $0xFFFF;
	s2 =	simm.s32 @!p0 $0x1C02  }
0x69: {  	[timem:s3], [sflag:s2] =	dma.local @!p0 [hbm:s0], s1  }
0x6a: {  	s0 =	simm.s32 @!p0 $0x2  }
0x6b: {  	_ =	swait.ge @!p0 [sflag:s0], s1  }
0x6c: {  	s1 =	ssub.s32 @!p0 $0x0, s1;
	[sflag:s0] =	ssyncset.done @!p0 $0x0  }
0x6d: {  	[sflag:s0] =	ssyncadd.s32 @!p0 s1  }
0x6e: {  	[bflag:$0x3] =	sbarrier.arrive $0xFFFF  }
0x6f: {  	_ =	shalt  }

// kernel: kernel.26.cloned.1.call-start
scs
__scs_entry_jumppad:
0x0: {  	(pc) =	sbr.rel $0x88, $3  }
0x1: {  	(tag) =	ssettag $0x0;
	lr =	simm.s32 $0x1  }
0x2: {  	[smem:$0x3F8B] =	sst lr;
	_ =	strace $0xD0000000  }
0x3: {  	_ = 	snop  }
0x4: {  	_ = 	snop  }
0x5: {  	_ = 	snop  }
0x6: {  	_ = 	snop  }
0x7: {  	_ = 	snop  }
__scs_overlays_trampoline_lowered:
0x8: {  	[smem:$0x3F9A] =	sst s0  }
0x9: {  	[smem:$0x3F9B] =	sst s1  }
0xa: {  	[smem:$0x3F9C] =	sst s2  }
0xb: {  	[smem:$0x3F9D] =	sst s3  }
0xc: {  	[smem:$0x3F9E] =	sst s4  }
0xd: {  	[smem:$0x3F9F] =	sst s5  }
0xe: {  	[smem:$0x3FA0] =	sst s6  }
0xf: {  	[smem:$0x3FA1] =	sst s7  }
0x10: {  	[smem:$0x3FA2] =	sst s8  }
0x11: {  	[smem:$0x3FA3] =	sst s9;
	s0 =	simm.s32 @!p0 $0x0  }
0x12: {  	s1 =	sld [smem:$0x3F89];
	s0 =	simm.s32 @p0 $0x1  }
0x13: {  	[smem:$0x3FA4] =	sst s0;
	s0 =	simm.s32 @!p1 $0x0  }
0x14: {  	s2 =	sld [smem:$0x3F88];
	s0 =	simm.s32 @p1 $0x1  }
0x15: {  	[smem:$0x3FA5] =	sst s0;
	s0 =	simm.s32 @!p2 $0x0  }
0x16: {  	s3 =	sld [smem:$0x3FDB];
	s0 =	simm.s32 @p2 $0x1  }
0x17: {  	s4 =	simm.s32 $0x1BF5;
	[smem:$0x3FA7] =	sst s0  }
0x18: {  	s0 =	sld [smem:$0x3F8A];
	_ =	swait.ge [sflag:s4], $0x0  }
0x19: {  	s7 =	sld [smem:$0x3F8B]  }
0x1a: {  	s8 =	sadd.s32 $0xFFFFE003, lr  }
0x1b: {  	s9 =	sadd.s32 $0xFFFFFEF7, lr;
	s5 =	simm.s32 $0xFFFFFFFF;
	p2 =	slt.u32 s8, $0xFFFFF086  }
0x1c: {  	p1 =	slt.u32 s9, $0xF7A;
	s5 =	simm.s32 @!p2 $0x0  }
0x1d: {  	s5 =	simm.s32 @p1 $0x1;
	p0 =	seq.s32 s7, s2  }
0x1e: {  	s7 =	smul.u32 @!p0 $0xF7A, s2;
	p2 =	seq.s32 @!p0 s5, $0x0  }
0x1f: {  	s9 =	smul.u32 $0xF7A, s1;
	s8 =	simm.s32 @!p0 $0x1BF5;
	p2 =	por !p2, p0  }
0x20: {  	[sflag:s8] =	ssyncset.s32 @!p0 $0xFFFFF086;
	s6 =	sadd.s32 @!p0 s3, s7;
	s7 =	simm.s32 @!p0 $0x108  }
0x21: {  	s3 =	sadd.s32 s3, s9;
	s6 =	sadd.s32 @!p0 $0x88, s6;
	s7 =	simm.s32 @p2 $0x1082  }
0x22: {  	[simem:s7], [sflag:s8] =	dma.local @!p0 [hbm:s6], $0xF7A  }
0x23: {  	s9 =	sor.u32 $0xD0000000, s2;
	s6 =	simm.s32 $0x108;
	_ =	swait.ge @!p0 [sflag:s8], $0x0  }
0x24: {  	s3 =	sadd.s32 $0x88, s3;
	s6 =	simm.s32 @!p1 $0x1082;
	[sflag:s4] =	ssyncset.s32 $0xFFFFF086  }
0x25: {  	[simem:s6], [sflag:s4] =	dma.local [hbm:s3], $0xF7A  }
0x26: {  	[smem:$0x3F8B] =	sst s1;
	(tag) =	ssettag s2;
	_ =	strace s9  }
0x27: {  	s1 =	sld [smem:$0x3F9B]  }
0x28: {  	s2 =	sld [smem:$0x3F9C]  }
0x29: {  	s4 =	sld [smem:$0x3F9E]  }
0x2a: {  	p0 =	seq.s32 s5, $0x0;
	s5 =	sld [smem:$0x3F9F]  }
0x2b: {  	s6 =	sld [smem:$0x3FA0]  }
0x2c: {  	s7 =	sld [smem:$0x3FA1]  }
0x2d: {  	s3 =	simm.s32 $0x108;
	s8 =	sld [smem:$0x3FA2]  }
0x2e: {  	s3 =	simm.s32 @!p0 $0x1082;
	s9 =	sld [smem:$0x3FA3]  }
0x2f: {  	lr =	sadd.s32 s0, s3;
	s0 =	sld [smem:$0x3F9A]  }
0x30: {  	s3 =	sld [smem:$0x3F9D]  }
0x31: {  	[smem:$0x3FA6] =	sst s10  }
0x32: {  	s10 =	sld [smem:$0x3FA4];
	_ =	sdelay $0x3  }
0x33: {  	p0 =	seq.s32 s10, $0x1;
	s10 =	sld [smem:$0x3FA6];
	_ =	sdelay $0x3  }
0x34: {  	[smem:$0x3FA6] =	sst s10  }
0x35: {  	s10 =	sld [smem:$0x3FA5];
	_ =	sdelay $0x3  }
0x36: {  	p1 =	seq.s32 s10, $0x1;
	s10 =	sld [smem:$0x3FA6];
	_ =	sdelay $0x3  }
0x37: {  	[smem:$0x3FA6] =	sst s10  }
0x38: {  	s10 =	sld [smem:$0x3FA7]  }
0x39: {  	_ = 	snop;
	(pc) =	sbr.ind lr, $3  }
0x3a: {  	_ = 	snop  }
0x3b: {  	_ = 	snop  }
0x3c: {  	p2 =	seq.s32 s10, $0x1;
	s10 =	sld [smem:$0x3FA6]  }
0x3d: {  	_ =	shalt  }
0x3e: {  	_ =	shalt  }
0x3f: {  	_ =	shalt  }
0x40: {  	_ =	shalt  }
0x41: {  	_ =	shalt  }
0x42: {  	_ =	shalt  }
0x43: {  	_ =	shalt  }
0x44: {  	_ =	shalt  }
0x45: {  	_ =	shalt  }
0x46: {  	_ =	shalt  }
0x47: {  	_ =	shalt  }
0x48: {  	_ =	shalt  }
0x49: {  	_ =	shalt  }
0x4a: {  	_ =	shalt  }
0x4b: {  	_ =	shalt  }
0x4c: {  	_ =	shalt  }
0x4d: {  	_ =	shalt  }
0x4e: {  	_ =	shalt  }
0x4f: {  	_ =	shalt  }
0x50: {  	_ =	shalt  }
0x51: {  	_ =	shalt  }
0x52: {  	_ =	shalt  }
0x53: {  	_ =	shalt  }
0x54: {  	_ =	shalt  }
0x55: {  	_ =	shalt  }
0x56: {  	_ =	shalt  }
0x57: {  	_ =	shalt  }
0x58: {  	_ =	shalt  }
0x59: {  	_ =	shalt  }
0x5a: {  	_ =	shalt  }
0x5b: {  	_ =	shalt  }
0x5c: {  	_ =	shalt  }
0x5d: {  	_ =	shalt  }
0x5e: {  	_ =	shalt  }
0x5f: {  	_ =	shalt  }
0x60: {  	_ =	shalt  }
0x61: {  	_ =	shalt  }
0x62: {  	_ =	shalt  }
0x63: {  	_ =	shalt  }
0x64: {  	_ =	shalt  }
0x65: {  	_ =	shalt  }
0x66: {  	_ =	shalt  }
0x67: {  	_ =	shalt  }
0x68: {  	_ =	shalt  }
0x69: {  	_ =	shalt  }
0x6a: {  	_ =	shalt  }
0x6b: {  	_ =	shalt  }
0x6c: {  	_ =	shalt  }
0x6d: {  	_ =	shalt  }
0x6e: {  	_ =	shalt  }
0x6f: {  	_ =	shalt  }
0x70: {  	_ =	shalt  }
0x71: {  	_ =	shalt  }
0x72: {  	_ =	shalt  }
0x73: {  	_ =	shalt  }
0x74: {  	_ =	shalt  }
0x75: {  	_ =	shalt  }
0x76: {  	_ =	shalt  }
0x77: {  	_ =	shalt  }
0x78: {  	_ =	shalt  }
0x79: {  	_ =	shalt  }
0x7a: {  	_ =	shalt  }
0x7b: {  	_ =	shalt  }
0x7c: {  	_ =	shalt  }
0x7d: {  	_ =	shalt  }
0x7e: {  	_ =	shalt  }
0x7f: {  	_ =	shalt  }
0x80: {  	_ =	shalt  }
0x81: {  	_ =	shalt  }
0x82: {  	_ =	shalt  }
0x83: {  	_ =	shalt  }
0x84: {  	_ =	shalt  }
0x85: {  	_ =	shalt  }
0x86: {  	_ =	shalt  }
0x87: {  	_ =	shalt  }
.Lfunc_end0:
.L_simem_size_0:
called_computation.3_lowered:
.L_overlay_start_0:
0x88: {  	s2 =	sld [smem:$0x3FD9]  }
0x89: {  	s3 =	sld [smem:$0x3FFE];
	_ =	sdelay $0x1  }
0x8a: {  	s1 =	srdreg.scid  }
0x8b: {  	s0 =	sand.u32 $0x1, s1  }
0x8c: {  	s16 =	sshll.u32 s0, $0xA;
	s2 =	sadd.s32 s3, s2  }
0x8d: {  	s2 =	sadd.s32 s2, s16  }
0x8e: {  	[smem:$0x3FB2] =	sst s2  }
0x8f: {  	_ = 	snop  }
0x90: {  	(tm) =	ssettm $0x1  }
0x91: {  	s17 =	sld [smem:$0x3FFB];
	_ =	sdelay $0x3  }
0x92: {  	_ =	strace s17  }
0x93: {  	s2 =	sld [smem:$0x3FFC];
	_ =	sdelay $0x3  }
0x94: {  	_ =	strace s2  }
0x95: {  	s2 =	sld [smem:$0x3FFD];
	_ =	sdelay $0x3  }
0x96: {  	_ =	strace s2  }
0x97: {  	_ =	strace $0x8FFFFFFF  }
0x98: {  	s18 =	sld [smem:$0x3FDB];
	_ =	sdelay $0x1  }
0x99: {  	s19 =	simm.s32 $_scs_section_size  }
0x9a: {  	s4 =	simm.s32 $_size__tile_overlayer_lowered;
	s5 =	simm.s32 $_tile_overlayer_lowered  }
0x9b: {  	s22 =	simm.s32 $0x1BFF;
	s21 =	sshll.u32 s5, $0x1;
	s2 =	sadd.s32 s19, s18  }
0x9c: {  	s6 =	simm.s32 $0x0;
	s20 =	sshll.u32 s4, $0x1;
	s4 =	sadd.s32 s21, s2  }
0x9d: {  	[timem:s6], [sflag:s22] =	dma.local [hbm:s4], s20  }
0x9e: {  	_ =	swait.ge [sflag:s22], s20  }
0x9f: {  	s3 =	ssub.s32 $0x0, s20;
	[sflag:s22] =	ssyncset.done $0x0  }
0xa0: {  	[sflag:s22] =	ssyncadd.s32 s3;
	_ =	sdelay $0x1  }
0xa1: {  	s23 =	simm.s32 $0x1B8B  }
0xa2: {  	_ =	swait.ge [sflag:s23], $0x1  }
0xa3: {  	[sflag:s23] =	ssyncset.done $0x0  }
0xa4: {  	s25 =	simm.s32 $0x1B8E;
	s24 =	sld [smem:$0x3FFE];
	[sflag:s23] =	ssyncadd.s32 $0xFFFFFFFF  }
0xa5: {  	s26 =	simm.s32 $execute0_lowered;
	[smem:$0x3FD2] =	sst s25  }
0xa6: {  	s4 =	sshll.u32 s26, $0x1;
	_ =	strace $0x8000004F;
	[dreg:$0x1] =	wrdreg $0xFFFFFFFF  }
0xa7: {  	s28 =	simm.s32 $_size_execute0_lowered;
	s2 =	sadd.s32 s2, s4;
	[dreg:$0x0] =	wrdreg $0x0  }
0xa8: {  	s4 =	sshll.u32 s28, $0x1;
	[dreg:$0x2] =	wrdreg s2  }
0xa9: {  	[dreg:$0x3] =	wrdreg s4  }
0xaa: {  	[dreg:$0x4] =	wrdreg $0xC0  }
0xab: {  	_ =	task [dreg:s6], $0x5FFFF  }
0xac: {  	[dreg:$0x1] =	wrdreg $0xFFFFFFFF  }
0xad: {  	[dreg:$0x0] =	wrdreg $0x60  }
0xae: {  	[dreg:$0x2] =	wrdreg s24  }
0xaf: {  	[dreg:$0x3] =	wrdreg $0x0  }
0xb0: {  	[dreg:$0x4] =	wrdreg $0x9  }
0xb1: {  	_ =	task.clear_ibuf [dreg:s6], $0x5FFFF;
	_ =	strace $0x9000004F  }
0xb2: {  	s29 =	simm.s32 $0x9;
	_ =	strace $0x80000051  }
0xb3: {  	_ =	swait.ge [sflag:s29], $0x1  }
0xb4: {  	[sflag:s29] =	ssyncadd.s32 $0xFFFFFFFF  }
0xb5: {  	_ =	strace $0x90000051  }
0xb6: {  	_ =	sfence  }
0xb7: {  	s30 =	sld [smem:$0x0];
	_ =	sdelay $0x2  }
0xb8: {  	s31 =	sshll.u32 s1, $0xD;
	s1 =	sshrl.u32 s1, $0x2  }
0xb9: {  	s3 =	sand.u32 $0x4000, s31;
	s1 =	sadd.s32 s1, s30  }
0xba: {  	s0 =	sor.u32 s3, s0;
	s1 =	sshll.u32 s1, $0x11  }
0xbb: {  	s0 =	sor.u32 s1, s0  }
0xbc: {  	s0 =	sadd.s32 $0x8F2B, s0  }
0xbd: {  	[sflag:s0] =	ssyncadd.remote.s32 $0x1  }
0xbe: {  	_ =	sfence.sel $0xFFFF  }
0xbf: {  	[dreg:$0x0] =	wrdreg $0xFFFFFFFF;
	(pc) =	sbr.abs _section_cstart, $3  }
0xc0: {  	[dreg:$0x1] =	wrdreg $0xFFFFFFFF  }
0xc1: {  	_ =	task.clear_ibuf [dreg:s6], $0x2FFFF;
	_ =	strace $0x9FFFFFFF  }
0xc2: {  	(tm) =	ssettm $0x7FFFFFFF  }
0xc3: {  	_ =	shalt  }
tec
execute0_lowered:
.L_overlay_start_1:
0x0: {  	(tag) =	ssettag $0x1  }
0x1: {  	s5 =	rddreg [dreg:$0x0]  }
0x2: {  	s0 =	srdreg.scid;
	s1 =	rddreg [dreg:$0x1];
	s3 =	simm.s32 $0x0  }
0x3: {  	s2 =	stileid.u32;
	s12 =	simm.s32 $0x14080;
	s13 =	simm.s32 $0x14000  }
0x4: {  	s14 =	simm.s32 $0x80;
	s15 =	simm.s32 $0x14100;
	s9 =	smul.u32 $0x14000, s2  }
0x5: {  	s16 =	simm.s32 $0x1;
	s19 =	simm.s32 $0x0;
	s29 =	smul.u32 $0x50000, s2  }
0x6: {  	s6 =	sand.u32 $0x1, s0;
	s0 =	rddreg [dreg:$0x2];
	s10 =	smul.u32 $0x4F0, s2  }
0x7: {  	[smem:$0x7FF] =	sst s3;
	s4 =	sadd.s32 $0x1AC00, s5;
	s7 =	smul.u32 $0x4F00, s6  }
0x8: {  	s17 =	sshll.u32 s2, $0x6;
	s8 =	smul.u32 $0x140000, s6;
	s6 =	ssub.s32 $0x2, s6  }
0x9: {  	_ =	strace $0x80000050;
	s17 =	sor.u32 $0x1C02, s17;
	s30 =	sshrl.u32 s6, $0x1  }
0xa: {  	s7 =	sadd.s32 s7, s5;
	s8 =	sadd.s32 s9, s8;
	s9 =	sshrl.u32 s29, $0x2  }
0xb: {  	s11 =	ssub.s32 s6, s30;
	s8 =	sshrl.u32 s8, $0x3;
	s31 =	sadd.s32 s10, s7  }
0xc: {  	s7 =	smax.u32 s11, $0x1;
	s10 =	simm.s32 $0x18100;
	s11 =	simm.s32 $0x2  }
0xd: {  	s8 =	sadd.s32 s8, s5;
	s5 =	sadd.s32 s9, s1;
	s9 =	sadd.s32 $0x10E00, s31  }
0xe: {  	v0 =	vimm.f32 $0.0e+00;
	s6 =	sadd.s32 $0xBAC00, s8;
	s8 =	sadd.s32 $0x7000, s31;
	s18 =	sshrl.u32 s5, $0x3  }
.LBB2_1:
0xf: {  	s20 =	simm.s32 $0x0;
	s21 =	simm.s32 $0x200  }
.LBB2_2:
0x10: {  	p0 =	sne.s32 s21, $0x1E00;
	[tilespmem:s20+$0x18170] =	vst v0  }
0x11: {  	[tilespmem:s20+$0x18100] =	vst v0  }
0x12: {  	[tilespmem:s20+$0x18110] =	vst v0  }
.Ltmp0:
0x13: {  	[tilespmem:s20+$0x18120] =	vst v0;
	(pc) =	sbr.rel @p0 .LBB2_2-.Ltmp0, $4  }
0x14: {  	[tilespmem:s20+$0x18130] =	vst v0  }
0x15: {  	[tilespmem:s20+$0x18140] =	vst v0  }
0x16: {  	[tilespmem:s20+$0x18150] =	vst v0  }
0x17: {  	[tilespmem:s20+$0x18160] =	vst v0;
	s20 =	sshra.s32 s21, $0x2;
	s21 =	sadd.s32 $0x200, s21  }
0x18: {  	[tilespmem:s20+$0x18170] =	vst v0  }
0x19: {  	[tilespmem:s20+$0x18100] =	vst v0  }
0x1a: {  	[tilespmem:s20+$0x18110] =	vst v0  }
0x1b: {  	[tilespmem:s20+$0x18120] =	vst v0  }
0x1c: {  	[tilespmem:s20+$0x18130] =	vst v0  }
0x1d: {  	[tilespmem:s20+$0x18140] =	vst v0  }
0x1e: {  	[tilespmem:s20+$0x18150] =	vst v0  }
0x1f: {  	[tilespmem:s20+$0x18160] =	vst v0;
	s31 =	sadd.s32 $0x0, s5  }
0x20: {  	[spmem:s31] =	stream.linear.scatter [tilespmem:s10], [sflag:$0x2], $0x800, $0x38;
	[tilespmem:$0x18900] =	vst v63  }
0x21: {  	s20 =	simm.s32 $0x2000;
	_ =	swait.ge [sflag:s11], $0x800  }
.LBB2_4:
0x22: {  	s21 =	sshra.s32 s20, $0x2;
	[sflag:s11] =	ssyncset.done $0x0;
	p0 =	sne.s32 s20, $0x4E000  }
.Ltmp1:
0x23: {  	s21 =	sadd.s32 s21, s5;
	[sflag:s11] =	ssyncadd.s32 $0xFFFFF800;
	(pc) =	sbr.rel @p0 .LBB2_4-.Ltmp1, $3  }
0x24: {  	[spmem:s21] =	stream.linear.scatter [tilespmem:s10], [sflag:$0x2], $0x800, $0x38;
	[tilespmem:$0x18900] =	vst v63  }
0x25: {  	s20 =	sadd.s32 $0x2000, s20;
	_ =	sdelay $0x1  }
0x26: {  	_ =	swait.ge [sflag:s11], $0x800  }
0x27: {  	[sflag:s11] =	ssyncset.done $0x0  }
0x28: {  	[sflag:s11] =	ssyncadd.s32 $0xFFFFF800  }
0x29: {  	s20 =	sadd.s32 $0x0, s9;
	[bflag:$0x0] =	sbarrier.arrive $0xFFFF  }
0x2a: {  	[tilespmem:s12], [sflag:$0x2] =	stream.linear.gather [hbm4b:s20+s3], $0x80, $0x38;
	[tilespmem:$0x18900] =	vst v63  }
0x2b: {  	_ =	swait.ge [sflag:s11], $0x80  }
0x2c: {  	[sflag:s11] =	ssyncset.done $0x0  }
0x2d: {  	s31 =	sadd.s32 $0x0, s8;
	[sflag:s11] =	ssyncadd.s32 $0xFFFFFF80  }
0x2e: {  	[tilespmem:s13], [sflag:$0x2] =	stream.linear.gather [hbm4b:s31+s3], $0x80, $0x38;
	[tilespmem:$0x18900] =	vst v63  }
0x2f: {  	_ =	swait.ge [sflag:s11], $0x80  }
0x30: {  	[sflag:s11] =	ssyncset.done $0x0  }
0x31: {  	[sflag:s11] =	ssyncadd.s32 $0xFFFFFF80  }
0x32: {  	[tilespmem:s15], [sflag:$0x1] =	stream.indirect.gather [hbm4b:s4+s14], $0x80, s13, s14, $0xb8;
	[tilespmem:$0x18900] =	vst v63  }
0x33: {  	_ =	swait.ge [sflag:s16], $0x4000  }
0x34: {  	[sflag:s16] =	ssyncset.done $0x0  }
0x35: {  	[sflag:s16] =	ssyncadd.s32 $0xFFFFC000  }
0x36: {  	[spmem:s1] =	stream.indirect.scatter.add.f32 [tilespmem:s15], [sflag:$0x2], $0x80, s12, s14, $0xb8;
	[tilespmem:$0x18900] =	vst v63  }
0x37: {  	_ =	swait.ge [sflag:s11], $0x4000  }
0x38: {  	s21 =	simm.s32 $0x20;
	s20 =	simm.s32 $0x10;
	[sflag:s11] =	ssyncset.done $0x0  }
.LBB2_6:
0x39: {  	s22 =	sadd.s32 s20, s9  }
0x3a: {  	[sflag:s11] =	ssyncadd.s32 $0xFFFFC000;
	s23 =	smov.u32 s21;
	s24 =	sadd.s32 $0x10, s21  }
0x3b: {  	[tilespmem:s12], [sflag:$0x2] =	stream.linear.gather [hbm4b:s22+s3], $0x80, $0x38;
	[tilespmem:$0x18900] =	vst v63  }
0x3c: {  	p0 =	sne.s32 s21, $0x4E0;
	_ =	swait.ge [sflag:s11], $0x80  }
0x3d: {  	[sflag:s11] =	ssyncset.done $0x0  }
0x3e: {  	s21 =	sadd.s32 s20, s8;
	s20 =	smov.u32 s23;
	[sflag:s11] =	ssyncadd.s32 $0xFFFFFF80  }
0x3f: {  	[tilespmem:s13], [sflag:$0x2] =	stream.linear.gather [hbm4b:s21+s3], $0x80, $0x38;
	[tilespmem:$0x18900] =	vst v63  }
0x40: {  	_ =	swait.ge [sflag:s11], $0x80  }
0x41: {  	[sflag:s11] =	ssyncset.done $0x0  }
0x42: {  	[sflag:s11] =	ssyncadd.s32 $0xFFFFFF80  }
0x43: {  	[tilespmem:s15], [sflag:$0x1] =	stream.indirect.gather [hbm4b:s4+s14], $0x80, s13, s14, $0xb8;
	[tilespmem:$0x18900] =	vst v63  }
0x44: {  	_ =	swait.ge [sflag:s16], $0x4000  }
.Ltmp2:
0x45: {  	[sflag:s16] =	ssyncset.done $0x0;
	(pc) =	sbr.rel @p0 .LBB2_6-.Ltmp2, $4  }
0x46: {  	[sflag:s16] =	ssyncadd.s32 $0xFFFFC000  }
0x47: {  	[spmem:s1] =	stream.indirect.scatter.add.f32 [tilespmem:s15], [sflag:$0x2], $0x80, s12, s14, $0xb8;
	[tilespmem:$0x18900] =	vst v63  }
0x48: {  	_ =	swait.ge [sflag:s11], $0x4000  }
0x49: {  	s21 =	smov.u32 s24;
	[sflag:s11] =	ssyncset.done $0x0  }
0x4a: {  	s21 =	sadd.s32 s20, s9;
	[sflag:s11] =	ssyncadd.s32 $0xFFFFC000  }
0x4b: {  	[tilespmem:s12], [sflag:$0x2] =	stream.linear.gather [hbm4b:s21+s3], $0x80, $0x38;
	[tilespmem:$0x18900] =	vst v63  }
0x4c: {  	_ =	swait.ge [sflag:s11], $0x80  }
0x4d: {  	[sflag:s11] =	ssyncset.done $0x0  }
0x4e: {  	s31 =	sadd.s32 s20, s8;
	[sflag:s11] =	ssyncadd.s32 $0xFFFFFF80  }
0x4f: {  	[tilespmem:s13], [sflag:$0x2] =	stream.linear.gather [hbm4b:s31+s3], $0x80, $0x38;
	[tilespmem:$0x18900] =	vst v63  }
0x50: {  	_ =	swait.ge [sflag:s11], $0x80  }
0x51: {  	[sflag:s11] =	ssyncset.done $0x0  }
0x52: {  	[sflag:s11] =	ssyncadd.s32 $0xFFFFFF80  }
0x53: {  	[tilespmem:s15], [sflag:$0x1] =	stream.indirect.gather [hbm4b:s4+s14], $0x80, s13, s14, $0xb8;
	[tilespmem:$0x18900] =	vst v63  }
0x54: {  	_ =	swait.ge [sflag:s16], $0x4000  }
0x55: {  	[sflag:s16] =	ssyncset.done $0x0  }
0x56: {  	[sflag:s16] =	ssyncadd.s32 $0xFFFFC000  }
0x57: {  	[spmem:s1] =	stream.indirect.scatter.add.f32 [tilespmem:s15], [sflag:$0x2], $0x80, s12, s14, $0xb8;
	[tilespmem:$0x18900] =	vst v63  }
0x58: {  	_ =	swait.ge [sflag:s11], $0x4000  }
0x59: {  	s19 =	sadd.s32 $0x1, s19;
	[sflag:s11] =	ssyncset.done $0x0  }
0x5a: {  	p0 =	sne.s32 s19, s7;
	[sflag:s11] =	ssyncadd.s32 $0xFFFFC000  }
.Ltmp3:
0x5b: {  	[bflag:$0x0] =	sbarrier.arrive $0xFFFF;
	(pc) =	sbr.rel @p0 .LBB2_1-.Ltmp3, $4  }
0x5c: {  	[hbm:s6], [sflag:s17] =	dma.local [spmem:s18], $0x2800  }
0x5d: {  	_ =	swait.ge [sflag:s11], $0x2800  }
0x5e: {  	[sflag:s11] =	ssyncset.done $0x0  }
0x5f: {  	[sflag:s11] =	ssyncadd.s32 $0xFFFFD800  }
0x60: {  	_ =	sfence.sel $0x180000  }
0x61: {  	[bflag:$0x0] =	sbarrier.arrive $0xFFFF  }
0x62: {  	p0 =	sne.s32 s2, $0x0;
	_ =	strace $0x90000050  }
0x63: {  	s0 =	sadd.s32 @!p0 $0x100000, s0;
	[bflag:$0x2] =	sbarrier.arrive $0xFFFF  }
0x64: {  	[sflag:s0] =	ssyncadd.tile.s32 @!p0 $0x1;
	_ =	shalt  }
.Lfunc_end2:
_tile_overlayer_lowered:
.L_overlay_start_2:
0x65: {  	(tag) =	ssettag $0x2  }
0x66: {  	s0 =	rddreg [dreg:$0x0];
	s2 =	stileid.u32  }
0x67: {  	s1 =	rddreg [dreg:$0x1];
	p0 =	sne.s32 s2, $0x0  }
0x68: {  	s3 =	rddreg [dreg:$0x2];
	[bflag:$0x3] =	sbarrier.arrive $0xFFFF;
	s2 =	simm.s32 @!p0 $0x1C02  }
0x69: {  	[timem:s3], [sflag:s2] =	dma.local @!p0 [hbm:s0], s1  }
0x6a: {  	s0 =	simm.s32 @!p0 $0x2  }
0x6b: {  	_ =	swait.ge @!p0 [sflag:s0], s1  }
0x6c: {  	s1 =	ssub.s32 @!p0 $0x0, s1;
	[sflag:s0] =	ssyncset.done @!p0 $0x0  }
0x6d: {  	[sflag:s0] =	ssyncadd.s32 @!p0 s1  }
0x6e: {  	[bflag:$0x3] =	sbarrier.arrive $0xFFFF  }
0x6f: {  	_ =	shalt  }

// kernel: kernel.29.cloned.1.call-start
scs
__scs_entry_jumppad:
0x0: {  	(pc) =	sbr.rel $0x88, $3  }
0x1: {  	(tag) =	ssettag $0x0;
	lr =	simm.s32 $0x1  }
0x2: {  	[smem:$0x3F8B] =	sst lr;
	_ =	strace $0xD0000000  }
0x3: {  	_ = 	snop  }
0x4: {  	_ = 	snop  }
0x5: {  	_ = 	snop  }
0x6: {  	_ = 	snop  }
0x7: {  	_ = 	snop  }
__scs_overlays_trampoline_lowered:
0x8: {  	[smem:$0x3F9A] =	sst s0  }
0x9: {  	[smem:$0x3F9B] =	sst s1  }
0xa: {  	[smem:$0x3F9C] =	sst s2  }
0xb: {  	[smem:$0x3F9D] =	sst s3  }
0xc: {  	[smem:$0x3F9E] =	sst s4  }
0xd: {  	[smem:$0x3F9F] =	sst s5  }
0xe: {  	[smem:$0x3FA0] =	sst s6  }
0xf: {  	[smem:$0x3FA1] =	sst s7  }
0x10: {  	[smem:$0x3FA2] =	sst s8  }
0x11: {  	[smem:$0x3FA3] =	sst s9;
	s0 =	simm.s32 @!p0 $0x0  }
0x12: {  	s1 =	sld [smem:$0x3F89];
	s0 =	simm.s32 @p0 $0x1  }
0x13: {  	[smem:$0x3FA4] =	sst s0;
	s0 =	simm.s32 @!p1 $0x0  }
0x14: {  	s2 =	sld [smem:$0x3F88];
	s0 =	simm.s32 @p1 $0x1  }
0x15: {  	[smem:$0x3FA5] =	sst s0;
	s0 =	simm.s32 @!p2 $0x0  }
0x16: {  	s3 =	sld [smem:$0x3FDB];
	s0 =	simm.s32 @p2 $0x1  }
0x17: {  	s4 =	simm.s32 $0x1BF5;
	[smem:$0x3FA7] =	sst s0  }
0x18: {  	s0 =	sld [smem:$0x3F8A];
	_ =	swait.ge [sflag:s4], $0x0  }
0x19: {  	s7 =	sld [smem:$0x3F8B]  }
0x1a: {  	s8 =	sadd.s32 $0xFFFFE003, lr  }
0x1b: {  	s9 =	sadd.s32 $0xFFFFFEF7, lr;
	s5 =	simm.s32 $0xFFFFFFFF;
	p2 =	slt.u32 s8, $0xFFFFF086  }
0x1c: {  	p1 =	slt.u32 s9, $0xF7A;
	s5 =	simm.s32 @!p2 $0x0  }
0x1d: {  	s5 =	simm.s32 @p1 $0x1;
	p0 =	seq.s32 s7, s2  }
0x1e: {  	s7 =	smul.u32 @!p0 $0xF7A, s2;
	p2 =	seq.s32 @!p0 s5, $0x0  }
0x1f: {  	s9 =	smul.u32 $0xF7A, s1;
	s8 =	simm.s32 @!p0 $0x1BF5;
	p2 =	por !p2, p0  }
0x20: {  	[sflag:s8] =	ssyncset.s32 @!p0 $0xFFFFF086;
	s6 =	sadd.s32 @!p0 s3, s7;
	s7 =	simm.s32 @!p0 $0x108  }
0x21: {  	s3 =	sadd.s32 s3, s9;
	s6 =	sadd.s32 @!p0 $0x88, s6;
	s7 =	simm.s32 @p2 $0x1082  }
0x22: {  	[simem:s7], [sflag:s8] =	dma.local @!p0 [hbm:s6], $0xF7A  }
0x23: {  	s9 =	sor.u32 $0xD0000000, s2;
	s6 =	simm.s32 $0x108;
	_ =	swait.ge @!p0 [sflag:s8], $0x0  }
0x24: {  	s3 =	sadd.s32 $0x88, s3;
	s6 =	simm.s32 @!p1 $0x1082;
	[sflag:s4] =	ssyncset.s32 $0xFFFFF086  }
0x25: {  	[simem:s6], [sflag:s4] =	dma.local [hbm:s3], $0xF7A  }
0x26: {  	[smem:$0x3F8B] =	sst s1;
	(tag) =	ssettag s2;
	_ =	strace s9  }
0x27: {  	s1 =	sld [smem:$0x3F9B]  }
0x28: {  	s2 =	sld [smem:$0x3F9C]  }
0x29: {  	s4 =	sld [smem:$0x3F9E]  }
0x2a: {  	p0 =	seq.s32 s5, $0x0;
	s5 =	sld [smem:$0x3F9F]  }
0x2b: {  	s6 =	sld [smem:$0x3FA0]  }
0x2c: {  	s7 =	sld [smem:$0x3FA1]  }
0x2d: {  	s3 =	simm.s32 $0x108;
	s8 =	sld [smem:$0x3FA2]  }
0x2e: {  	s3 =	simm.s32 @!p0 $0x1082;
	s9 =	sld [smem:$0x3FA3]  }
0x2f: {  	lr =	sadd.s32 s0, s3;
	s0 =	sld [smem:$0x3F9A]  }
0x30: {  	s3 =	sld [smem:$0x3F9D]  }
0x31: {  	[smem:$0x3FA6] =	sst s10  }
0x32: {  	s10 =	sld [smem:$0x3FA4];
	_ =	sdelay $0x3  }
0x33: {  	p0 =	seq.s32 s10, $0x1;
	s10 =	sld [smem:$0x3FA6];
	_ =	sdelay $0x3  }
0x34: {  	[smem:$0x3FA6] =	sst s10  }
0x35: {  	s10 =	sld [smem:$0x3FA5];
	_ =	sdelay $0x3  }
0x36: {  	p1 =	seq.s32 s10, $0x1;
	s10 =	sld [smem:$0x3FA6];
	_ =	sdelay $0x3  }
0x37: {  	[smem:$0x3FA6] =	sst s10  }
0x38: {  	s10 =	sld [smem:$0x3FA7]  }
0x39: {  	_ = 	snop;
	(pc) =	sbr.ind lr, $3  }
0x3a: {  	_ = 	snop  }
0x3b: {  	_ = 	snop  }
0x3c: {  	p2 =	seq.s32 s10, $0x1;
	s10 =	sld [smem:$0x3FA6]  }
0x3d: {  	_ =	shalt  }
0x3e: {  	_ =	shalt  }
0x3f: {  	_ =	shalt  }
0x40: {  	_ =	shalt  }
0x41: {  	_ =	shalt  }
0x42: {  	_ =	shalt  }
0x43: {  	_ =	shalt  }
0x44: {  	_ =	shalt  }
0x45: {  	_ =	shalt  }
0x46: {  	_ =	shalt  }
0x47: {  	_ =	shalt  }
0x48: {  	_ =	shalt  }
0x49: {  	_ =	shalt  }
0x4a: {  	_ =	shalt  }
0x4b: {  	_ =	shalt  }
0x4c: {  	_ =	shalt  }
0x4d: {  	_ =	shalt  }
0x4e: {  	_ =	shalt  }
0x4f: {  	_ =	shalt  }
0x50: {  	_ =	shalt  }
0x51: {  	_ =	shalt  }
0x52: {  	_ =	shalt  }
0x53: {  	_ =	shalt  }
0x54: {  	_ =	shalt  }
0x55: {  	_ =	shalt  }
0x56: {  	_ =	shalt  }
0x57: {  	_ =	shalt  }
0x58: {  	_ =	shalt  }
0x59: {  	_ =	shalt  }
0x5a: {  	_ =	shalt  }
0x5b: {  	_ =	shalt  }
0x5c: {  	_ =	shalt  }
0x5d: {  	_ =	shalt  }
0x5e: {  	_ =	shalt  }
0x5f: {  	_ =	shalt  }
0x60: {  	_ =	shalt  }
0x61: {  	_ =	shalt  }
0x62: {  	_ =	shalt  }
0x63: {  	_ =	shalt  }
0x64: {  	_ =	shalt  }
0x65: {  	_ =	shalt  }
0x66: {  	_ =	shalt  }
0x67: {  	_ =	shalt  }
0x68: {  	_ =	shalt  }
0x69: {  	_ =	shalt  }
0x6a: {  	_ =	shalt  }
0x6b: {  	_ =	shalt  }
0x6c: {  	_ =	shalt  }
0x6d: {  	_ =	shalt  }
0x6e: {  	_ =	shalt  }
0x6f: {  	_ =	shalt  }
0x70: {  	_ =	shalt  }
0x71: {  	_ =	shalt  }
0x72: {  	_ =	shalt  }
0x73: {  	_ =	shalt  }
0x74: {  	_ =	shalt  }
0x75: {  	_ =	shalt  }
0x76: {  	_ =	shalt  }
0x77: {  	_ =	shalt  }
0x78: {  	_ =	shalt  }
0x79: {  	_ =	shalt  }
0x7a: {  	_ =	shalt  }
0x7b: {  	_ =	shalt  }
0x7c: {  	_ =	shalt  }
0x7d: {  	_ =	shalt  }
0x7e: {  	_ =	shalt  }
0x7f: {  	_ =	shalt  }
0x80: {  	_ =	shalt  }
0x81: {  	_ =	shalt  }
0x82: {  	_ =	shalt  }
0x83: {  	_ =	shalt  }
0x84: {  	_ =	shalt  }
0x85: {  	_ =	shalt  }
0x86: {  	_ =	shalt  }
0x87: {  	_ =	shalt  }
.Lfunc_end0:
.L_simem_size_0:
called_computation.4_lowered:
.L_overlay_start_0:
0x88: {  	s2 =	sld [smem:$0x3FD9]  }
0x89: {  	s3 =	sld [smem:$0x3FFE];
	_ =	sdelay $0x1  }
0x8a: {  	s1 =	srdreg.scid  }
0x8b: {  	s0 =	sand.u32 $0x1, s1  }
0x8c: {  	s16 =	sshll.u32 s0, $0xA;
	s2 =	sadd.s32 s3, s2  }
0x8d: {  	s2 =	sadd.s32 s2, s16  }
0x8e: {  	[smem:$0x3FB2] =	sst s2  }
0x8f: {  	_ = 	snop  }
0x90: {  	(tm) =	ssettm $0x1  }
0x91: {  	s17 =	sld [smem:$0x3FFB];
	_ =	sdelay $0x3  }
0x92: {  	_ =	strace s17  }
0x93: {  	s2 =	sld [smem:$0x3FFC];
	_ =	sdelay $0x3  }
0x94: {  	_ =	strace s2  }
0x95: {  	s2 =	sld [smem:$0x3FFD];
	_ =	sdelay $0x3  }
0x96: {  	_ =	strace s2  }
0x97: {  	_ =	strace $0x8FFFFFFF  }
0x98: {  	s18 =	sld [smem:$0x3FDB];
	_ =	sdelay $0x1  }
0x99: {  	s19 =	simm.s32 $_scs_section_size  }
0x9a: {  	s4 =	simm.s32 $_size__tile_overlayer_lowered;
	s5 =	simm.s32 $_tile_overlayer_lowered  }
0x9b: {  	s22 =	simm.s32 $0x1BFF;
	s21 =	sshll.u32 s5, $0x1;
	s2 =	sadd.s32 s19, s18  }
0x9c: {  	s6 =	simm.s32 $0x0;
	s20 =	sshll.u32 s4, $0x1;
	s4 =	sadd.s32 s21, s2  }
0x9d: {  	[timem:s6], [sflag:s22] =	dma.local [hbm:s4], s20  }
0x9e: {  	_ =	swait.ge [sflag:s22], s20  }
0x9f: {  	s3 =	ssub.s32 $0x0, s20;
	[sflag:s22] =	ssyncset.done $0x0  }
0xa0: {  	[sflag:s22] =	ssyncadd.s32 s3;
	_ =	sdelay $0x1  }
0xa1: {  	s23 =	simm.s32 $0x1B8B  }
0xa2: {  	_ =	swait.ge [sflag:s23], $0x1  }
0xa3: {  	[sflag:s23] =	ssyncset.done $0x0  }
0xa4: {  	s25 =	simm.s32 $0x1B8E;
	s24 =	sld [smem:$0x3FFE];
	[sflag:s23] =	ssyncadd.s32 $0xFFFFFFFF  }
0xa5: {  	s26 =	simm.s32 $execute0_lowered;
	[smem:$0x3FD2] =	sst s25  }
0xa6: {  	s4 =	sshll.u32 s26, $0x1;
	_ =	strace $0x80000052;
	[dreg:$0x1] =	wrdreg $0xFFFFFFFF  }
0xa7: {  	s28 =	simm.s32 $_size_execute0_lowered;
	s2 =	sadd.s32 s2, s4;
	[dreg:$0x0] =	wrdreg $0x0  }
0xa8: {  	s4 =	sshll.u32 s28, $0x1;
	[dreg:$0x2] =	wrdreg s2  }
0xa9: {  	[dreg:$0x3] =	wrdreg s4  }
0xaa: {  	[dreg:$0x4] =	wrdreg $0xC0  }
0xab: {  	_ =	task [dreg:s6], $0x5FFFF  }
0xac: {  	[dreg:$0x1] =	wrdreg $0xFFFFFFFF  }
0xad: {  	[dreg:$0x0] =	wrdreg $0x60  }
0xae: {  	[dreg:$0x2] =	wrdreg s24  }
0xaf: {  	[dreg:$0x3] =	wrdreg $0x0  }
0xb0: {  	[dreg:$0x4] =	wrdreg $0x9  }
0xb1: {  	_ =	task.clear_ibuf [dreg:s6], $0x5FFFF;
	_ =	strace $0x90000052  }
0xb2: {  	s29 =	simm.s32 $0x9;
	_ =	strace $0x80000054  }
0xb3: {  	_ =	swait.ge [sflag:s29], $0x1  }
0xb4: {  	[sflag:s29] =	ssyncadd.s32 $0xFFFFFFFF  }
0xb5: {  	_ =	strace $0x90000054  }
0xb6: {  	_ =	sfence  }
0xb7: {  	s30 =	sld [smem:$0x0];
	_ =	sdelay $0x2  }
0xb8: {  	s31 =	sshll.u32 s1, $0xD;
	s1 =	sshrl.u32 s1, $0x2  }
0xb9: {  	s3 =	sand.u32 $0x4000, s31;
	s1 =	sadd.s32 s1, s30  }
0xba: {  	s0 =	sor.u32 s3, s0;
	s1 =	sshll.u32 s1, $0x11  }
0xbb: {  	s0 =	sor.u32 s1, s0  }
0xbc: {  	s0 =	sadd.s32 $0x8F2B, s0  }
0xbd: {  	[sflag:s0] =	ssyncadd.remote.s32 $0x1  }
0xbe: {  	_ =	sfence.sel $0xFFFF  }
0xbf: {  	[dreg:$0x0] =	wrdreg $0xFFFFFFFF;
	(pc) =	sbr.abs _section_cstart, $3  }
0xc0: {  	[dreg:$0x1] =	wrdreg $0xFFFFFFFF  }
0xc1: {  	_ =	task.clear_ibuf [dreg:s6], $0x2FFFF;
	_ =	strace $0x9FFFFFFF  }
0xc2: {  	(tm) =	ssettm $0x7FFFFFFF  }
0xc3: {  	_ =	shalt  }
tec
execute0_lowered:
.L_overlay_start_1:
0x0: {  	(tag) =	ssettag $0x1  }
0x1: {  	s5 =	rddreg [dreg:$0x0]  }
0x2: {  	s0 =	srdreg.scid;
	s1 =	rddreg [dreg:$0x1];
	s3 =	simm.s32 $0x0  }
0x3: {  	s2 =	stileid.u32;
	s12 =	simm.s32 $0x14080;
	s13 =	simm.s32 $0x14000  }
0x4: {  	s14 =	simm.s32 $0x80;
	s15 =	simm.s32 $0x14100;
	s9 =	smul.u32 $0x14000, s2  }
0x5: {  	s16 =	simm.s32 $0x1;
	s19 =	simm.s32 $0x0;
	s29 =	smul.u32 $0x50000, s2  }
0x6: {  	s6 =	sand.u32 $0x1, s0;
	s0 =	rddreg [dreg:$0x2];
	s10 =	smul.u32 $0x4F0, s2  }
0x7: {  	[smem:$0x7FF] =	sst s3;
	s4 =	sadd.s32 $0x1AC00, s5;
	s7 =	smul.u32 $0x4F00, s6  }
0x8: {  	s17 =	sshll.u32 s2, $0x6;
	s8 =	smul.u32 $0x140000, s6;
	s6 =	ssub.s32 $0x2, s6  }
0x9: {  	_ =	strace $0x80000053;
	s17 =	sor.u32 $0x1C02, s17;
	s30 =	sshrl.u32 s6, $0x1  }
0xa: {  	s7 =	sadd.s32 s7, s5;
	s8 =	sadd.s32 s9, s8;
	s9 =	sshrl.u32 s29, $0x2  }
0xb: {  	s11 =	ssub.s32 s6, s30;
	s8 =	sshrl.u32 s8, $0x3;
	s31 =	sadd.s32 s10, s7  }
0xc: {  	s7 =	smax.u32 s11, $0x1;
	s10 =	simm.s32 $0x18100;
	s11 =	simm.s32 $0x2  }
0xd: {  	s8 =	sadd.s32 s8, s5;
	s5 =	sadd.s32 s9, s1;
	s9 =	sadd.s32 $0x10E00, s31  }
0xe: {  	v0 =	vimm.f32 $0.0e+00;
	s6 =	sadd.s32 $0xE2C00, s8;
	s8 =	sadd.s32 $0x7000, s31;
	s18 =	sshrl.u32 s5, $0x3  }
.LBB2_1:
0xf: {  	s20 =	simm.s32 $0x0;
	s21 =	simm.s32 $0x200  }
.LBB2_2:
0x10: {  	p0 =	sne.s32 s21, $0x1E00;
	[tilespmem:s20+$0x18170] =	vst v0  }
0x11: {  	[tilespmem:s20+$0x18100] =	vst v0  }
0x12: {  	[tilespmem:s20+$0x18110] =	vst v0  }
.Ltmp0:
0x13: {  	[tilespmem:s20+$0x18120] =	vst v0;
	(pc) =	sbr.rel @p0 .LBB2_2-.Ltmp0, $4  }
0x14: {  	[tilespmem:s20+$0x18130] =	vst v0  }
0x15: {  	[tilespmem:s20+$0x18140] =	vst v0  }
0x16: {  	[tilespmem:s20+$0x18150] =	vst v0  }
0x17: {  	[tilespmem:s20+$0x18160] =	vst v0;
	s20 =	sshra.s32 s21, $0x2;
	s21 =	sadd.s32 $0x200, s21  }
0x18: {  	[tilespmem:s20+$0x18170] =	vst v0  }
0x19: {  	[tilespmem:s20+$0x18100] =	vst v0  }
0x1a: {  	[tilespmem:s20+$0x18110] =	vst v0  }
0x1b: {  	[tilespmem:s20+$0x18120] =	vst v0  }
0x1c: {  	[tilespmem:s20+$0x18130] =	vst v0  }
0x1d: {  	[tilespmem:s20+$0x18140] =	vst v0  }
0x1e: {  	[tilespmem:s20+$0x18150] =	vst v0  }
0x1f: {  	[tilespmem:s20+$0x18160] =	vst v0;
	s31 =	sadd.s32 $0x0, s5  }
0x20: {  	[spmem:s31] =	stream.linear.scatter [tilespmem:s10], [sflag:$0x2], $0x800, $0x38;
	[tilespmem:$0x18900] =	vst v63  }
0x21: {  	s20 =	simm.s32 $0x2000;
	_ =	swait.ge [sflag:s11], $0x800  }
.LBB2_4:
0x22: {  	s21 =	sshra.s32 s20, $0x2;
	[sflag:s11] =	ssyncset.done $0x0;
	p0 =	sne.s32 s20, $0x4E000  }
.Ltmp1:
0x23: {  	s21 =	sadd.s32 s21, s5;
	[sflag:s11] =	ssyncadd.s32 $0xFFFFF800;
	(pc) =	sbr.rel @p0 .LBB2_4-.Ltmp1, $3  }
0x24: {  	[spmem:s21] =	stream.linear.scatter [tilespmem:s10], [sflag:$0x2], $0x800, $0x38;
	[tilespmem:$0x18900] =	vst v63  }
0x25: {  	s20 =	sadd.s32 $0x2000, s20;
	_ =	sdelay $0x1  }
0x26: {  	_ =	swait.ge [sflag:s11], $0x800  }
0x27: {  	[sflag:s11] =	ssyncset.done $0x0  }
0x28: {  	[sflag:s11] =	ssyncadd.s32 $0xFFFFF800  }
0x29: {  	s20 =	sadd.s32 $0x0, s9;
	[bflag:$0x0] =	sbarrier.arrive $0xFFFF  }
0x2a: {  	[tilespmem:s12], [sflag:$0x2] =	stream.linear.gather [hbm4b:s20+s3], $0x80, $0x38;
	[tilespmem:$0x18900] =	vst v63  }
0x2b: {  	_ =	swait.ge [sflag:s11], $0x80  }
0x2c: {  	[sflag:s11] =	ssyncset.done $0x0  }
0x2d: {  	s31 =	sadd.s32 $0x0, s8;
	[sflag:s11] =	ssyncadd.s32 $0xFFFFFF80  }
0x2e: {  	[tilespmem:s13], [sflag:$0x2] =	stream.linear.gather [hbm4b:s31+s3], $0x80, $0x38;
	[tilespmem:$0x18900] =	vst v63  }
0x2f: {  	_ =	swait.ge [sflag:s11], $0x80  }
0x30: {  	[sflag:s11] =	ssyncset.done $0x0  }
0x31: {  	[sflag:s11] =	ssyncadd.s32 $0xFFFFFF80  }
0x32: {  	[tilespmem:s15], [sflag:$0x1] =	stream.indirect.gather [hbm4b:s4+s14], $0x80, s13, s14, $0xb8;
	[tilespmem:$0x18900] =	vst v63  }
0x33: {  	_ =	swait.ge [sflag:s16], $0x4000  }
0x34: {  	[sflag:s16] =	ssyncset.done $0x0  }
0x35: {  	[sflag:s16] =	ssyncadd.s32 $0xFFFFC000  }
0x36: {  	[spmem:s1] =	stream.indirect.scatter.add.f32 [tilespmem:s15], [sflag:$0x2], $0x80, s12, s14, $0xb8;
	[tilespmem:$0x18900] =	vst v63  }
0x37: {  	_ =	swait.ge [sflag:s11], $0x4000  }
0x38: {  	s21 =	simm.s32 $0x20;
	s20 =	simm.s32 $0x10;
	[sflag:s11] =	ssyncset.done $0x0  }
.LBB2_6:
0x39: {  	s22 =	sadd.s32 s20, s9  }
0x3a: {  	[sflag:s11] =	ssyncadd.s32 $0xFFFFC000;
	s23 =	smov.u32 s21;
	s24 =	sadd.s32 $0x10, s21  }
0x3b: {  	[tilespmem:s12], [sflag:$0x2] =	stream.linear.gather [hbm4b:s22+s3], $0x80, $0x38;
	[tilespmem:$0x18900] =	vst v63  }
0x3c: {  	p0 =	sne.s32 s21, $0x4E0;
	_ =	swait.ge [sflag:s11], $0x80  }
0x3d: {  	[sflag:s11] =	ssyncset.done $0x0  }
0x3e: {  	s21 =	sadd.s32 s20, s8;
	s20 =	smov.u32 s23;
	[sflag:s11] =	ssyncadd.s32 $0xFFFFFF80  }
0x3f: {  	[tilespmem:s13], [sflag:$0x2] =	stream.linear.gather [hbm4b:s21+s3], $0x80, $0x38;
	[tilespmem:$0x18900] =	vst v63  }
0x40: {  	_ =	swait.ge [sflag:s11], $0x80  }
0x41: {  	[sflag:s11] =	ssyncset.done $0x0  }
0x42: {  	[sflag:s11] =	ssyncadd.s32 $0xFFFFFF80  }
0x43: {  	[tilespmem:s15], [sflag:$0x1] =	stream.indirect.gather [hbm4b:s4+s14], $0x80, s13, s14, $0xb8;
	[tilespmem:$0x18900] =	vst v63  }
0x44: {  	_ =	swait.ge [sflag:s16], $0x4000  }
.Ltmp2:
0x45: {  	[sflag:s16] =	ssyncset.done $0x0;
	(pc) =	sbr.rel @p0 .LBB2_6-.Ltmp2, $4  }
0x46: {  	[sflag:s16] =	ssyncadd.s32 $0xFFFFC000  }
0x47: {  	[spmem:s1] =	stream.indirect.scatter.add.f32 [tilespmem:s15], [sflag:$0x2], $0x80, s12, s14, $0xb8;
	[tilespmem:$0x18900] =	vst v63  }
0x48: {  	_ =	swait.ge [sflag:s11], $0x4000  }
0x49: {  	s21 =	smov.u32 s24;
	[sflag:s11] =	ssyncset.done $0x0  }
0x4a: {  	s21 =	sadd.s32 s20, s9;
	[sflag:s11] =	ssyncadd.s32 $0xFFFFC000  }
0x4b: {  	[tilespmem:s12], [sflag:$0x2] =	stream.linear.gather [hbm4b:s21+s3], $0x80, $0x38;
	[tilespmem:$0x18900] =	vst v63  }
0x4c: {  	_ =	swait.ge [sflag:s11], $0x80  }
0x4d: {  	[sflag:s11] =	ssyncset.done $0x0  }
0x4e: {  	s31 =	sadd.s32 s20, s8;
	[sflag:s11] =	ssyncadd.s32 $0xFFFFFF80  }
0x4f: {  	[tilespmem:s13], [sflag:$0x2] =	stream.linear.gather [hbm4b:s31+s3], $0x80, $0x38;
	[tilespmem:$0x18900] =	vst v63  }
0x50: {  	_ =	swait.ge [sflag:s11], $0x80  }
0x51: {  	[sflag:s11] =	ssyncset.done $0x0  }
0x52: {  	[sflag:s11] =	ssyncadd.s32 $0xFFFFFF80  }
0x53: {  	[tilespmem:s15], [sflag:$0x1] =	stream.indirect.gather [hbm4b:s4+s14], $0x80, s13, s14, $0xb8;
	[tilespmem:$0x18900] =	vst v63  }
0x54: {  	_ =	swait.ge [sflag:s16], $0x4000  }
0x55: {  	[sflag:s16] =	ssyncset.done $0x0  }
0x56: {  	[sflag:s16] =	ssyncadd.s32 $0xFFFFC000  }
0x57: {  	[spmem:s1] =	stream.indirect.scatter.add.f32 [tilespmem:s15], [sflag:$0x2], $0x80, s12, s14, $0xb8;
	[tilespmem:$0x18900] =	vst v63  }
0x58: {  	_ =	swait.ge [sflag:s11], $0x4000  }
0x59: {  	s19 =	sadd.s32 $0x1, s19;
	[sflag:s11] =	ssyncset.done $0x0  }
0x5a: {  	p0 =	sne.s32 s19, s7;
	[sflag:s11] =	ssyncadd.s32 $0xFFFFC000  }
.Ltmp3:
0x5b: {  	[bflag:$0x0] =	sbarrier.arrive $0xFFFF;
	(pc) =	sbr.rel @p0 .LBB2_1-.Ltmp3, $4  }
0x5c: {  	[hbm:s6], [sflag:s17] =	dma.local [spmem:s18], $0x2800  }
0x5d: {  	_ =	swait.ge [sflag:s11], $0x2800  }
0x5e: {  	[sflag:s11] =	ssyncset.done $0x0  }
0x5f: {  	[sflag:s11] =	ssyncadd.s32 $0xFFFFD800  }
0x60: {  	_ =	sfence.sel $0x180000  }
0x61: {  	[bflag:$0x0] =	sbarrier.arrive $0xFFFF  }
0x62: {  	p0 =	sne.s32 s2, $0x0;
	_ =	strace $0x90000053  }
0x63: {  	s0 =	sadd.s32 @!p0 $0x100000, s0;
	[bflag:$0x2] =	sbarrier.arrive $0xFFFF  }
0x64: {  	[sflag:s0] =	ssyncadd.tile.s32 @!p0 $0x1;
	_ =	shalt  }
.Lfunc_end2:
_tile_overlayer_lowered:
.L_overlay_start_2:
0x65: {  	(tag) =	ssettag $0x2  }
0x66: {  	s0 =	rddreg [dreg:$0x0];
	s2 =	stileid.u32  }
0x67: {  	s1 =	rddreg [dreg:$0x1];
	p0 =	sne.s32 s2, $0x0  }
0x68: {  	s3 =	rddreg [dreg:$0x2];
	[bflag:$0x3] =	sbarrier.arrive $0xFFFF;
	s2 =	simm.s32 @!p0 $0x1C02  }
0x69: {  	[timem:s3], [sflag:s2] =	dma.local @!p0 [hbm:s0], s1  }
0x6a: {  	s0 =	simm.s32 @!p0 $0x2  }
0x6b: {  	_ =	swait.ge @!p0 [sflag:s0], s1  }
0x6c: {  	s1 =	ssub.s32 @!p0 $0x0, s1;
	[sflag:s0] =	ssyncset.done @!p0 $0x0  }
0x6d: {  	[sflag:s0] =	ssyncadd.s32 @!p0 s1  }
0x6e: {  	[bflag:$0x3] =	sbarrier.arrive $0xFFFF  }
0x6f: {  	_ =	shalt  }

// kernel: kernel.32.cloned.1.call-start
scs
__scs_entry_jumppad:
0x0: {  	(pc) =	sbr.rel $0x88, $3  }
0x1: {  	(tag) =	ssettag $0x0;
	lr =	simm.s32 $0x1  }
0x2: {  	[smem:$0x3F8B] =	sst lr;
	_ =	strace $0xD0000000  }
0x3: {  	_ = 	snop  }
0x4: {  	_ = 	snop  }
0x5: {  	_ = 	snop  }
0x6: {  	_ = 	snop  }
0x7: {  	_ = 	snop  }
__scs_overlays_trampoline_lowered:
0x8: {  	[smem:$0x3F9A] =	sst s0  }
0x9: {  	[smem:$0x3F9B] =	sst s1  }
0xa: {  	[smem:$0x3F9C] =	sst s2  }
0xb: {  	[smem:$0x3F9D] =	sst s3  }
0xc: {  	[smem:$0x3F9E] =	sst s4  }
0xd: {  	[smem:$0x3F9F] =	sst s5  }
0xe: {  	[smem:$0x3FA0] =	sst s6  }
0xf: {  	[smem:$0x3FA1] =	sst s7  }
0x10: {  	[smem:$0x3FA2] =	sst s8  }
0x11: {  	[smem:$0x3FA3] =	sst s9;
	s0 =	simm.s32 @!p0 $0x0  }
0x12: {  	s1 =	sld [smem:$0x3F89];
	s0 =	simm.s32 @p0 $0x1  }
0x13: {  	[smem:$0x3FA4] =	sst s0;
	s0 =	simm.s32 @!p1 $0x0  }
0x14: {  	s2 =	sld [smem:$0x3F88];
	s0 =	simm.s32 @p1 $0x1  }
0x15: {  	[smem:$0x3FA5] =	sst s0;
	s0 =	simm.s32 @!p2 $0x0  }
0x16: {  	s3 =	sld [smem:$0x3FDB];
	s0 =	simm.s32 @p2 $0x1  }
0x17: {  	s4 =	simm.s32 $0x1BF5;
	[smem:$0x3FA7] =	sst s0  }
0x18: {  	s0 =	sld [smem:$0x3F8A];
	_ =	swait.ge [sflag:s4], $0x0  }
0x19: {  	s7 =	sld [smem:$0x3F8B]  }
0x1a: {  	s8 =	sadd.s32 $0xFFFFE003, lr  }
0x1b: {  	s9 =	sadd.s32 $0xFFFFFEF7, lr;
	s5 =	simm.s32 $0xFFFFFFFF;
	p2 =	slt.u32 s8, $0xFFFFF086  }
0x1c: {  	p1 =	slt.u32 s9, $0xF7A;
	s5 =	simm.s32 @!p2 $0x0  }
0x1d: {  	s5 =	simm.s32 @p1 $0x1;
	p0 =	seq.s32 s7, s2  }
0x1e: {  	s7 =	smul.u32 @!p0 $0xF7A, s2;
	p2 =	seq.s32 @!p0 s5, $0x0  }
0x1f: {  	s9 =	smul.u32 $0xF7A, s1;
	s8 =	simm.s32 @!p0 $0x1BF5;
	p2 =	por !p2, p0  }
0x20: {  	[sflag:s8] =	ssyncset.s32 @!p0 $0xFFFFF086;
	s6 =	sadd.s32 @!p0 s3, s7;
	s7 =	simm.s32 @!p0 $0x108  }
0x21: {  	s3 =	sadd.s32 s3, s9;
	s6 =	sadd.s32 @!p0 $0x88, s6;
	s7 =	simm.s32 @p2 $0x1082  }
0x22: {  	[simem:s7], [sflag:s8] =	dma.local @!p0 [hbm:s6], $0xF7A  }
0x23: {  	s9 =	sor.u32 $0xD0000000, s2;
	s6 =	simm.s32 $0x108;
	_ =	swait.ge @!p0 [sflag:s8], $0x0  }
0x24: {  	s3 =	sadd.s32 $0x88, s3;
	s6 =	simm.s32 @!p1 $0x1082;
	[sflag:s4] =	ssyncset.s32 $0xFFFFF086  }
0x25: {  	[simem:s6], [sflag:s4] =	dma.local [hbm:s3], $0xF7A  }
0x26: {  	[smem:$0x3F8B] =	sst s1;
	(tag) =	ssettag s2;
	_ =	strace s9  }
0x27: {  	s1 =	sld [smem:$0x3F9B]  }
0x28: {  	s2 =	sld [smem:$0x3F9C]  }
0x29: {  	s4 =	sld [smem:$0x3F9E]  }
0x2a: {  	p0 =	seq.s32 s5, $0x0;
	s5 =	sld [smem:$0x3F9F]  }
0x2b: {  	s6 =	sld [smem:$0x3FA0]  }
0x2c: {  	s7 =	sld [smem:$0x3FA1]  }
0x2d: {  	s3 =	simm.s32 $0x108;
	s8 =	sld [smem:$0x3FA2]  }
0x2e: {  	s3 =	simm.s32 @!p0 $0x1082;
	s9 =	sld [smem:$0x3FA3]  }
0x2f: {  	lr =	sadd.s32 s0, s3;
	s0 =	sld [smem:$0x3F9A]  }
0x30: {  	s3 =	sld [smem:$0x3F9D]  }
0x31: {  	[smem:$0x3FA6] =	sst s10  }
0x32: {  	s10 =	sld [smem:$0x3FA4];
	_ =	sdelay $0x3  }
0x33: {  	p0 =	seq.s32 s10, $0x1;
	s10 =	sld [smem:$0x3FA6];
	_ =	sdelay $0x3  }
0x34: {  	[smem:$0x3FA6] =	sst s10  }
0x35: {  	s10 =	sld [smem:$0x3FA5];
	_ =	sdelay $0x3  }
0x36: {  	p1 =	seq.s32 s10, $0x1;
	s10 =	sld [smem:$0x3FA6];
	_ =	sdelay $0x3  }
0x37: {  	[smem:$0x3FA6] =	sst s10  }
0x38: {  	s10 =	sld [smem:$0x3FA7]  }
0x39: {  	_ = 	snop;
	(pc) =	sbr.ind lr, $3  }
0x3a: {  	_ = 	snop  }
0x3b: {  	_ = 	snop  }
0x3c: {  	p2 =	seq.s32 s10, $0x1;
	s10 =	sld [smem:$0x3FA6]  }
0x3d: {  	_ =	shalt  }
0x3e: {  	_ =	shalt  }
0x3f: {  	_ =	shalt  }
0x40: {  	_ =	shalt  }
0x41: {  	_ =	shalt  }
0x42: {  	_ =	shalt  }
0x43: {  	_ =	shalt  }
0x44: {  	_ =	shalt  }
0x45: {  	_ =	shalt  }
0x46: {  	_ =	shalt  }
0x47: {  	_ =	shalt  }
0x48: {  	_ =	shalt  }
0x49: {  	_ =	shalt  }
0x4a: {  	_ =	shalt  }
0x4b: {  	_ =	shalt  }
0x4c: {  	_ =	shalt  }
0x4d: {  	_ =	shalt  }
0x4e: {  	_ =	shalt  }
0x4f: {  	_ =	shalt  }
0x50: {  	_ =	shalt  }
0x51: {  	_ =	shalt  }
0x52: {  	_ =	shalt  }
0x53: {  	_ =	shalt  }
0x54: {  	_ =	shalt  }
0x55: {  	_ =	shalt  }
0x56: {  	_ =	shalt  }
0x57: {  	_ =	shalt  }
0x58: {  	_ =	shalt  }
0x59: {  	_ =	shalt  }
0x5a: {  	_ =	shalt  }
0x5b: {  	_ =	shalt  }
0x5c: {  	_ =	shalt  }
0x5d: {  	_ =	shalt  }
0x5e: {  	_ =	shalt  }
0x5f: {  	_ =	shalt  }
0x60: {  	_ =	shalt  }
0x61: {  	_ =	shalt  }
0x62: {  	_ =	shalt  }
0x63: {  	_ =	shalt  }
0x64: {  	_ =	shalt  }
0x65: {  	_ =	shalt  }
0x66: {  	_ =	shalt  }
0x67: {  	_ =	shalt  }
0x68: {  	_ =	shalt  }
0x69: {  	_ =	shalt  }
0x6a: {  	_ =	shalt  }
0x6b: {  	_ =	shalt  }
0x6c: {  	_ =	shalt  }
0x6d: {  	_ =	shalt  }
0x6e: {  	_ =	shalt  }
0x6f: {  	_ =	shalt  }
0x70: {  	_ =	shalt  }
0x71: {  	_ =	shalt  }
0x72: {  	_ =	shalt  }
0x73: {  	_ =	shalt  }
0x74: {  	_ =	shalt  }
0x75: {  	_ =	shalt  }
0x76: {  	_ =	shalt  }
0x77: {  	_ =	shalt  }
0x78: {  	_ =	shalt  }
0x79: {  	_ =	shalt  }
0x7a: {  	_ =	shalt  }
0x7b: {  	_ =	shalt  }
0x7c: {  	_ =	shalt  }
0x7d: {  	_ =	shalt  }
0x7e: {  	_ =	shalt  }
0x7f: {  	_ =	shalt  }
0x80: {  	_ =	shalt  }
0x81: {  	_ =	shalt  }
0x82: {  	_ =	shalt  }
0x83: {  	_ =	shalt  }
0x84: {  	_ =	shalt  }
0x85: {  	_ =	shalt  }
0x86: {  	_ =	shalt  }
0x87: {  	_ =	shalt  }
.Lfunc_end0:
.L_simem_size_0:
called_computation.5_lowered:
.L_overlay_start_0:
0x88: {  	s2 =	sld [smem:$0x3FD9]  }
0x89: {  	s3 =	sld [smem:$0x3FFE];
	_ =	sdelay $0x1  }
0x8a: {  	s1 =	srdreg.scid  }
0x8b: {  	s0 =	sand.u32 $0x1, s1  }
0x8c: {  	s16 =	sshll.u32 s0, $0xA;
	s2 =	sadd.s32 s3, s2  }
0x8d: {  	s2 =	sadd.s32 s2, s16  }
0x8e: {  	[smem:$0x3FB2] =	sst s2  }
0x8f: {  	_ = 	snop  }
0x90: {  	(tm) =	ssettm $0x1  }
0x91: {  	s17 =	sld [smem:$0x3FFB];
	_ =	sdelay $0x3  }
0x92: {  	_ =	strace s17  }
0x93: {  	s2 =	sld [smem:$0x3FFC];
	_ =	sdelay $0x3  }
0x94: {  	_ =	strace s2  }
0x95: {  	s2 =	sld [smem:$0x3FFD];
	_ =	sdelay $0x3  }
0x96: {  	_ =	strace s2  }
0x97: {  	_ =	strace $0x8FFFFFFF  }
0x98: {  	s18 =	sld [smem:$0x3FDB];
	_ =	sdelay $0x1  }
0x99: {  	s19 =	simm.s32 $_scs_section_size  }
0x9a: {  	s4 =	simm.s32 $_size__tile_overlayer_lowered;
	s5 =	simm.s32 $_tile_overlayer_lowered  }
0x9b: {  	s22 =	simm.s32 $0x1BFF;
	s21 =	sshll.u32 s5, $0x1;
	s2 =	sadd.s32 s19, s18  }
0x9c: {  	s6 =	simm.s32 $0x0;
	s20 =	sshll.u32 s4, $0x1;
	s4 =	sadd.s32 s21, s2  }
0x9d: {  	[timem:s6], [sflag:s22] =	dma.local [hbm:s4], s20  }
0x9e: {  	_ =	swait.ge [sflag:s22], s20  }
0x9f: {  	s3 =	ssub.s32 $0x0, s20;
	[sflag:s22] =	ssyncset.done $0x0  }
0xa0: {  	[sflag:s22] =	ssyncadd.s32 s3;
	_ =	sdelay $0x1  }
0xa1: {  	s23 =	simm.s32 $0x1B8B  }
0xa2: {  	_ =	swait.ge [sflag:s23], $0x1  }
0xa3: {  	[sflag:s23] =	ssyncset.done $0x0  }
0xa4: {  	s25 =	simm.s32 $0x1B8E;
	s24 =	sld [smem:$0x3FFE];
	[sflag:s23] =	ssyncadd.s32 $0xFFFFFFFF  }
0xa5: {  	s26 =	simm.s32 $execute0_lowered;
	[smem:$0x3FD2] =	sst s25  }
0xa6: {  	s4 =	sshll.u32 s26, $0x1;
	_ =	strace $0x80000055;
	[dreg:$0x1] =	wrdreg $0xFFFFFFFF  }
0xa7: {  	s28 =	simm.s32 $_size_execute0_lowered;
	s2 =	sadd.s32 s2, s4;
	[dreg:$0x0] =	wrdreg $0x0  }
0xa8: {  	s4 =	sshll.u32 s28, $0x1;
	[dreg:$0x2] =	wrdreg s2  }
0xa9: {  	[dreg:$0x3] =	wrdreg s4  }
0xaa: {  	[dreg:$0x4] =	wrdreg $0xC0  }
0xab: {  	_ =	task [dreg:s6], $0x5FFFF  }
0xac: {  	[dreg:$0x1] =	wrdreg $0xFFFFFFFF  }
0xad: {  	[dreg:$0x0] =	wrdreg $0x60  }
0xae: {  	[dreg:$0x2] =	wrdreg s24  }
0xaf: {  	[dreg:$0x3] =	wrdreg $0x9  }
0xb0: {  	_ =	task.clear_ibuf [dreg:s6], $0x4FFFF;
	_ =	strace $0x90000055  }
0xb1: {  	s29 =	simm.s32 $0x9;
	_ =	strace $0x80000057  }
0xb2: {  	_ =	swait.ge [sflag:s29], $0x1  }
0xb3: {  	[sflag:s29] =	ssyncadd.s32 $0xFFFFFFFF  }
0xb4: {  	_ =	strace $0x90000057  }
0xb5: {  	_ =	sfence  }
0xb6: {  	s30 =	sld [smem:$0x0];
	_ =	sdelay $0x2  }
0xb7: {  	s31 =	sshll.u32 s1, $0xD;
	s1 =	sshrl.u32 s1, $0x2  }
0xb8: {  	s3 =	sand.u32 $0x4000, s31;
	s1 =	sadd.s32 s1, s30  }
0xb9: {  	s0 =	sor.u32 s3, s0;
	s1 =	sshll.u32 s1, $0x11  }
0xba: {  	s0 =	sor.u32 s1, s0  }
0xbb: {  	s0 =	sadd.s32 $0x8F2B, s0  }
0xbc: {  	[sflag:s0] =	ssyncadd.remote.s32 $0x1  }
0xbd: {  	_ =	sfence.sel $0xFFFF  }
0xbe: {  	[dreg:$0x0] =	wrdreg $0xFFFFFFFF;
	(pc) =	sbr.abs _section_cstart, $3  }
0xbf: {  	[dreg:$0x1] =	wrdreg $0xFFFFFFFF  }
0xc0: {  	_ =	task.clear_ibuf [dreg:s6], $0x2FFFF;
	_ =	strace $0x9FFFFFFF  }
0xc1: {  	(tm) =	ssettm $0x7FFFFFFF  }
tec
execute0_lowered:
.L_overlay_start_1:
0x0: {  	(tag) =	ssettag $0x1  }
0x1: {  	s1 =	srdreg.scid  }
0x2: {  	s0 =	stileid.u32;
	s6 =	sand.u32 $0x1, s1  }
0x3: {  	s8 =	rddreg [dreg:$0x0];
	s2 =	sshll.u32 s0, $0x7;
	s1 =	sshll.u32 s6, $0xB  }
0x4: {  	s7 =	simm.s32 $0x1;
	s5 =	sadd.s32 $0x7000, s8;
	s9 =	sor.u32 s2, s1  }
0x5: {  	s1 =	rddreg [dreg:$0x1];
	s2 =	simm.s32 $0x0;
	s3 =	sshrl.u32 s9, $0x3  }
0x6: {  	s10 =	ssub.s32 $0x2, s6;
	[smem:$0x7FF] =	sst s2;
	s3 =	sadd.s32 s3, s8  }
0x7: {  	_ =	strace $0x80000056;
	s4 =	sadd.s32 $0x132C00, s3;
	s3 =	simm.s32 $0x2  }
0x8: {  	[tilespmem:s2], [sflag:$0x2] =	stream.linear.gather [hbm4b:s4+s2], $0x80, $0x38;
	[tilespmem:$0x4080] =	vst v63  }
0x9: {  	s6 =	simm.s32 $0x80;
	s11 =	sshrl.u32 s10, $0x1;
	_ =	swait.ge [sflag:s3], $0x80  }
0xa: {  	s9 =	sshll.u32 s9, $0x4;
	s31 =	ssub.s32 s10, s11;
	[sflag:s3] =	ssyncset.done $0x0  }
0xb: {  	s8 =	sadd.s32 s9, s8;
	s9 =	smax.u32 s31, $0x1;
	[sflag:s3] =	ssyncadd.s32 $0xFFFFFF80  }
0xc: {  	[tilespmem:s6], [sflag:$0x1] =	stream.indirect.gather [hbm4b:s5+s6], $0x80, s2, s6, $0xb8;
	[tilespmem:$0x4080] =	vst v63  }
0xd: {  	p0 =	sne.s32 s9, $0x1;
	_ =	swait.ge [sflag:s7], $0x4000  }
.Ltmp0:
0xe: {  	[sflag:s7] =	ssyncset.done $0x0;
	(pc) =	sbr.rel @!p0 .LBB2_2-.Ltmp0, $4  }
0xf: {  	s8 =	sadd.s32 $0x2F000, s8;
	[sflag:s7] =	ssyncadd.s32 $0xFFFFC000  }
0x10: {  	[hbm4b:s8+s2] =	stream.linear.scatter [tilespmem:s6], [sflag:$0x2], $0x4000, $0x38;
	[tilespmem:$0x4080] =	vst v63  }
0x11: {  	_ =	swait.ge [sflag:s3], $0x4000  }
0x12: {  	s9 =	sadd.s32 $0xFFFFFFFF, s9;
	[sflag:s3] =	ssyncset.done $0x0  }
.LBB2_1:
0x13: {  	p0 =	sne.s32 s9, $0x1;
	s9 =	sadd.s32 $0xFFFFFFFF, s9;
	[sflag:s3] =	ssyncadd.s32 $0xFFFFC000  }
0x14: {  	[tilespmem:s2], [sflag:$0x2] =	stream.linear.gather [hbm4b:s4+s2], $0x80, $0x38;
	[tilespmem:$0x4080] =	vst v63  }
0x15: {  	_ =	swait.ge [sflag:s3], $0x80  }
0x16: {  	[sflag:s3] =	ssyncset.done $0x0  }
0x17: {  	[sflag:s3] =	ssyncadd.s32 $0xFFFFFF80  }
0x18: {  	[tilespmem:s6], [sflag:$0x1] =	stream.indirect.gather [hbm4b:s5+s6], $0x80, s2, s6, $0xb8;
	[tilespmem:$0x4080] =	vst v63  }
0x19: {  	_ =	swait.ge [sflag:s7], $0x4000  }
.Ltmp1:
0x1a: {  	[sflag:s7] =	ssyncset.done $0x0;
	(pc) =	sbr.rel @p0 .LBB2_1-.Ltmp1, $4  }
0x1b: {  	[sflag:s7] =	ssyncadd.s32 $0xFFFFC000  }
0x1c: {  	[hbm4b:s8+s2] =	stream.linear.scatter [tilespmem:s6], [sflag:$0x2], $0x4000, $0x38;
	[tilespmem:$0x4080] =	vst v63  }
0x1d: {  	_ =	swait.ge [sflag:s3], $0x4000  }
0x1e: {  	[sflag:s3] =	ssyncset.done $0x0  }
.LBB2_2:
0x1f: {  	[sflag:s3] =	ssyncadd.s32 $0xFFFFC000  }
0x20: {  	_ =	sfence.sel $0x180000  }
0x21: {  	[bflag:$0x0] =	sbarrier.arrive $0xFFFF  }
0x22: {  	p0 =	sne.s32 s0, $0x0;
	_ =	strace $0x90000056  }
0x23: {  	s0 =	sadd.s32 @!p0 $0x100000, s1;
	[bflag:$0x2] =	sbarrier.arrive $0xFFFF  }
0x24: {  	[sflag:s0] =	ssyncadd.tile.s32 @!p0 $0x1;
	_ =	shalt  }
.Lfunc_end2:
_tile_overlayer_lowered:
.L_overlay_start_2:
0x25: {  	(tag) =	ssettag $0x2  }
0x26: {  	s0 =	rddreg [dreg:$0x0];
	s2 =	stileid.u32  }
0x27: {  	s1 =	rddreg [dreg:$0x1];
	p0 =	sne.s32 s2, $0x0  }
0x28: {  	s3 =	rddreg [dreg:$0x2];
	[bflag:$0x3] =	sbarrier.arrive $0xFFFF;
	s2 =	simm.s32 @!p0 $0x1C02  }
0x29: {  	[timem:s3], [sflag:s2] =	dma.local @!p0 [hbm:s0], s1  }
0x2a: {  	s0 =	simm.s32 @!p0 $0x2  }
0x2b: {  	_ =	swait.ge @!p0 [sflag:s0], s1  }
0x2c: {  	s1 =	ssub.s32 @!p0 $0x0, s1;
	[sflag:s0] =	ssyncset.done @!p0 $0x0  }
0x2d: {  	[sflag:s0] =	ssyncadd.s32 @!p0 s1  }
0x2e: {  	[bflag:$0x3] =	sbarrier.arrive $0xFFFF  }
0x2f: {  	_ =	shalt  }

// kernel: kernel.35.cloned.1.call-start
scs
__scs_entry_jumppad:
0x0: {  	(pc) =	sbr.rel $0x88, $3  }
0x1: {  	(tag) =	ssettag $0x0;
	lr =	simm.s32 $0x1  }
0x2: {  	[smem:$0x3F8B] =	sst lr;
	_ =	strace $0xD0000000  }
0x3: {  	_ = 	snop  }
0x4: {  	_ = 	snop  }
0x5: {  	_ = 	snop  }
0x6: {  	_ = 	snop  }
0x7: {  	_ = 	snop  }
__scs_overlays_trampoline_lowered:
0x8: {  	[smem:$0x3F9A] =	sst s0  }
0x9: {  	[smem:$0x3F9B] =	sst s1  }
0xa: {  	[smem:$0x3F9C] =	sst s2  }
0xb: {  	[smem:$0x3F9D] =	sst s3  }
0xc: {  	[smem:$0x3F9E] =	sst s4  }
0xd: {  	[smem:$0x3F9F] =	sst s5  }
0xe: {  	[smem:$0x3FA0] =	sst s6  }
0xf: {  	[smem:$0x3FA1] =	sst s7  }
0x10: {  	[smem:$0x3FA2] =	sst s8  }
0x11: {  	[smem:$0x3FA3] =	sst s9;
	s0 =	simm.s32 @!p0 $0x0  }
0x12: {  	s1 =	sld [smem:$0x3F89];
	s0 =	simm.s32 @p0 $0x1  }
0x13: {  	[smem:$0x3FA4] =	sst s0;
	s0 =	simm.s32 @!p1 $0x0  }
0x14: {  	s2 =	sld [smem:$0x3F88];
	s0 =	simm.s32 @p1 $0x1  }
0x15: {  	[smem:$0x3FA5] =	sst s0;
	s0 =	simm.s32 @!p2 $0x0  }
0x16: {  	s3 =	sld [smem:$0x3FDB];
	s0 =	simm.s32 @p2 $0x1  }
0x17: {  	s4 =	simm.s32 $0x1BF5;
	[smem:$0x3FA7] =	sst s0  }
0x18: {  	s0 =	sld [smem:$0x3F8A];
	_ =	swait.ge [sflag:s4], $0x0  }
0x19: {  	s7 =	sld [smem:$0x3F8B]  }
0x1a: {  	s8 =	sadd.s32 $0xFFFFE003, lr  }
0x1b: {  	s9 =	sadd.s32 $0xFFFFFEF7, lr;
	s5 =	simm.s32 $0xFFFFFFFF;
	p2 =	slt.u32 s8, $0xFFFFF086  }
0x1c: {  	p1 =	slt.u32 s9, $0xF7A;
	s5 =	simm.s32 @!p2 $0x0  }
0x1d: {  	s5 =	simm.s32 @p1 $0x1;
	p0 =	seq.s32 s7, s2  }
0x1e: {  	s7 =	smul.u32 @!p0 $0xF7A, s2;
	p2 =	seq.s32 @!p0 s5, $0x0  }
0x1f: {  	s9 =	smul.u32 $0xF7A, s1;
	s8 =	simm.s32 @!p0 $0x1BF5;
	p2 =	por !p2, p0  }
0x20: {  	[sflag:s8] =	ssyncset.s32 @!p0 $0xFFFFF086;
	s6 =	sadd.s32 @!p0 s3, s7;
	s7 =	simm.s32 @!p0 $0x108  }
0x21: {  	s3 =	sadd.s32 s3, s9;
	s6 =	sadd.s32 @!p0 $0x88, s6;
	s7 =	simm.s32 @p2 $0x1082  }
0x22: {  	[simem:s7], [sflag:s8] =	dma.local @!p0 [hbm:s6], $0xF7A  }
0x23: {  	s9 =	sor.u32 $0xD0000000, s2;
	s6 =	simm.s32 $0x108;
	_ =	swait.ge @!p0 [sflag:s8], $0x0  }
0x24: {  	s3 =	sadd.s32 $0x88, s3;
	s6 =	simm.s32 @!p1 $0x1082;
	[sflag:s4] =	ssyncset.s32 $0xFFFFF086  }
0x25: {  	[simem:s6], [sflag:s4] =	dma.local [hbm:s3], $0xF7A  }
0x26: {  	[smem:$0x3F8B] =	sst s1;
	(tag) =	ssettag s2;
	_ =	strace s9  }
0x27: {  	s1 =	sld [smem:$0x3F9B]  }
0x28: {  	s2 =	sld [smem:$0x3F9C]  }
0x29: {  	s4 =	sld [smem:$0x3F9E]  }
0x2a: {  	p0 =	seq.s32 s5, $0x0;
	s5 =	sld [smem:$0x3F9F]  }
0x2b: {  	s6 =	sld [smem:$0x3FA0]  }
0x2c: {  	s7 =	sld [smem:$0x3FA1]  }
0x2d: {  	s3 =	simm.s32 $0x108;
	s8 =	sld [smem:$0x3FA2]  }
0x2e: {  	s3 =	simm.s32 @!p0 $0x1082;
	s9 =	sld [smem:$0x3FA3]  }
0x2f: {  	lr =	sadd.s32 s0, s3;
	s0 =	sld [smem:$0x3F9A]  }
0x30: {  	s3 =	sld [smem:$0x3F9D]  }
0x31: {  	[smem:$0x3FA6] =	sst s10  }
0x32: {  	s10 =	sld [smem:$0x3FA4];
	_ =	sdelay $0x3  }
0x33: {  	p0 =	seq.s32 s10, $0x1;
	s10 =	sld [smem:$0x3FA6];
	_ =	sdelay $0x3  }
0x34: {  	[smem:$0x3FA6] =	sst s10  }
0x35: {  	s10 =	sld [smem:$0x3FA5];
	_ =	sdelay $0x3  }
0x36: {  	p1 =	seq.s32 s10, $0x1;
	s10 =	sld [smem:$0x3FA6];
	_ =	sdelay $0x3  }
0x37: {  	[smem:$0x3FA6] =	sst s10  }
0x38: {  	s10 =	sld [smem:$0x3FA7]  }
0x39: {  	_ = 	snop;
	(pc) =	sbr.ind lr, $3  }
0x3a: {  	_ = 	snop  }
0x3b: {  	_ = 	snop  }
0x3c: {  	p2 =	seq.s32 s10, $0x1;
	s10 =	sld [smem:$0x3FA6]  }
0x3d: {  	_ =	shalt  }
0x3e: {  	_ =	shalt  }
0x3f: {  	_ =	shalt  }
0x40: {  	_ =	shalt  }
0x41: {  	_ =	shalt  }
0x42: {  	_ =	shalt  }
0x43: {  	_ =	shalt  }
0x44: {  	_ =	shalt  }
0x45: {  	_ =	shalt  }
0x46: {  	_ =	shalt  }
0x47: {  	_ =	shalt  }
0x48: {  	_ =	shalt  }
0x49: {  	_ =	shalt  }
0x4a: {  	_ =	shalt  }
0x4b: {  	_ =	shalt  }
0x4c: {  	_ =	shalt  }
0x4d: {  	_ =	shalt  }
0x4e: {  	_ =	shalt  }
0x4f: {  	_ =	shalt  }
0x50: {  	_ =	shalt  }
0x51: {  	_ =	shalt  }
0x52: {  	_ =	shalt  }
0x53: {  	_ =	shalt  }
0x54: {  	_ =	shalt  }
0x55: {  	_ =	shalt  }
0x56: {  	_ =	shalt  }
0x57: {  	_ =	shalt  }
0x58: {  	_ =	shalt  }
0x59: {  	_ =	shalt  }
0x5a: {  	_ =	shalt  }
0x5b: {  	_ =	shalt  }
0x5c: {  	_ =	shalt  }
0x5d: {  	_ =	shalt  }
0x5e: {  	_ =	shalt  }
0x5f: {  	_ =	shalt  }
0x60: {  	_ =	shalt  }
0x61: {  	_ =	shalt  }
0x62: {  	_ =	shalt  }
0x63: {  	_ =	shalt  }
0x64: {  	_ =	shalt  }
0x65: {  	_ =	shalt  }
0x66: {  	_ =	shalt  }
0x67: {  	_ =	shalt  }
0x68: {  	_ =	shalt  }
0x69: {  	_ =	shalt  }
0x6a: {  	_ =	shalt  }
0x6b: {  	_ =	shalt  }
0x6c: {  	_ =	shalt  }
0x6d: {  	_ =	shalt  }
0x6e: {  	_ =	shalt  }
0x6f: {  	_ =	shalt  }
0x70: {  	_ =	shalt  }
0x71: {  	_ =	shalt  }
0x72: {  	_ =	shalt  }
0x73: {  	_ =	shalt  }
0x74: {  	_ =	shalt  }
0x75: {  	_ =	shalt  }
0x76: {  	_ =	shalt  }
0x77: {  	_ =	shalt  }
0x78: {  	_ =	shalt  }
0x79: {  	_ =	shalt  }
0x7a: {  	_ =	shalt  }
0x7b: {  	_ =	shalt  }
0x7c: {  	_ =	shalt  }
0x7d: {  	_ =	shalt  }
0x7e: {  	_ =	shalt  }
0x7f: {  	_ =	shalt  }
0x80: {  	_ =	shalt  }
0x81: {  	_ =	shalt  }
0x82: {  	_ =	shalt  }
0x83: {  	_ =	shalt  }
0x84: {  	_ =	shalt  }
0x85: {  	_ =	shalt  }
0x86: {  	_ =	shalt  }
0x87: {  	_ =	shalt  }
.Lfunc_end0:
.L_simem_size_0:
called_computation.6_lowered:
.L_overlay_start_0:
0x88: {  	s2 =	sld [smem:$0x3FD9]  }
0x89: {  	s3 =	sld [smem:$0x3FFE];
	_ =	sdelay $0x1  }
0x8a: {  	s1 =	srdreg.scid  }
0x8b: {  	s0 =	sand.u32 $0x1, s1  }
0x8c: {  	s16 =	sshll.u32 s0, $0xA;
	s2 =	sadd.s32 s3, s2  }
0x8d: {  	s2 =	sadd.s32 s2, s16  }
0x8e: {  	[smem:$0x3FB2] =	sst s2  }
0x8f: {  	_ = 	snop  }
0x90: {  	(tm) =	ssettm $0x1  }
0x91: {  	s17 =	sld [smem:$0x3FFB];
	_ =	sdelay $0x3  }
0x92: {  	_ =	strace s17  }
0x93: {  	s2 =	sld [smem:$0x3FFC];
	_ =	sdelay $0x3  }
0x94: {  	_ =	strace s2  }
0x95: {  	s2 =	sld [smem:$0x3FFD];
	_ =	sdelay $0x3  }
0x96: {  	_ =	strace s2  }
0x97: {  	_ =	strace $0x8FFFFFFF  }
0x98: {  	s18 =	sld [smem:$0x3FDB];
	_ =	sdelay $0x1  }
0x99: {  	s19 =	simm.s32 $_scs_section_size  }
0x9a: {  	s4 =	simm.s32 $_size__tile_overlayer_lowered;
	s5 =	simm.s32 $_tile_overlayer_lowered  }
0x9b: {  	s22 =	simm.s32 $0x1BFF;
	s21 =	sshll.u32 s5, $0x1;
	s2 =	sadd.s32 s19, s18  }
0x9c: {  	s6 =	simm.s32 $0x0;
	s20 =	sshll.u32 s4, $0x1;
	s4 =	sadd.s32 s21, s2  }
0x9d: {  	[timem:s6], [sflag:s22] =	dma.local [hbm:s4], s20  }
0x9e: {  	_ =	swait.ge [sflag:s22], s20  }
0x9f: {  	s3 =	ssub.s32 $0x0, s20;
	[sflag:s22] =	ssyncset.done $0x0  }
0xa0: {  	[sflag:s22] =	ssyncadd.s32 s3;
	_ =	sdelay $0x1  }
0xa1: {  	s23 =	simm.s32 $0x1B8B  }
0xa2: {  	_ =	swait.ge [sflag:s23], $0x1  }
0xa3: {  	[sflag:s23] =	ssyncset.done $0x0  }
0xa4: {  	s25 =	simm.s32 $0x1B8E;
	s24 =	sld [smem:$0x3FFE];
	[sflag:s23] =	ssyncadd.s32 $0xFFFFFFFF  }
0xa5: {  	s26 =	simm.s32 $execute0_lowered;
	[smem:$0x3FD2] =	sst s25  }
0xa6: {  	s4 =	sshll.u32 s26, $0x1;
	_ =	strace $0x80000058;
	[dreg:$0x1] =	wrdreg $0xFFFFFFFF  }
0xa7: {  	s28 =	simm.s32 $_size_execute0_lowered;
	s2 =	sadd.s32 s2, s4;
	[dreg:$0x0] =	wrdreg $0x0  }
0xa8: {  	s4 =	sshll.u32 s28, $0x1;
	[dreg:$0x2] =	wrdreg s2  }
0xa9: {  	[dreg:$0x3] =	wrdreg s4  }
0xaa: {  	[dreg:$0x4] =	wrdreg $0xC0  }
0xab: {  	_ =	task [dreg:s6], $0x5FFFF  }
0xac: {  	[dreg:$0x1] =	wrdreg $0xFFFFFFFF  }
0xad: {  	[dreg:$0x0] =	wrdreg $0x60  }
0xae: {  	[dreg:$0x2] =	wrdreg s24  }
0xaf: {  	[dreg:$0x3] =	wrdreg $0x9  }
0xb0: {  	_ =	task.clear_ibuf [dreg:s6], $0x4FFFF;
	_ =	strace $0x90000058  }
0xb1: {  	s29 =	simm.s32 $0x9;
	_ =	strace $0x8000005A  }
0xb2: {  	_ =	swait.ge [sflag:s29], $0x1  }
0xb3: {  	[sflag:s29] =	ssyncadd.s32 $0xFFFFFFFF  }
0xb4: {  	_ =	strace $0x9000005A  }
0xb5: {  	_ =	sfence  }
0xb6: {  	s30 =	sld [smem:$0x0];
	_ =	sdelay $0x2  }
0xb7: {  	s31 =	sshll.u32 s1, $0xD;
	s1 =	sshrl.u32 s1, $0x2  }
0xb8: {  	s3 =	sand.u32 $0x4000, s31;
	s1 =	sadd.s32 s1, s30  }
0xb9: {  	s0 =	sor.u32 s3, s0;
	s1 =	sshll.u32 s1, $0x11  }
0xba: {  	s0 =	sor.u32 s1, s0  }
0xbb: {  	s0 =	sadd.s32 $0x8F2B, s0  }
0xbc: {  	[sflag:s0] =	ssyncadd.remote.s32 $0x1  }
0xbd: {  	_ =	sfence.sel $0xFFFF  }
0xbe: {  	[dreg:$0x0] =	wrdreg $0xFFFFFFFF;
	(pc) =	sbr.abs _section_cstart, $3  }
0xbf: {  	[dreg:$0x1] =	wrdreg $0xFFFFFFFF  }
0xc0: {  	_ =	task.clear_ibuf [dreg:s6], $0x2FFFF;
	_ =	strace $0x9FFFFFFF  }
0xc1: {  	(tm) =	ssettm $0x7FFFFFFF  }
tec
execute0_lowered:
.L_overlay_start_1:
0x0: {  	(tag) =	ssettag $0x1  }
0x1: {  	s0 =	srdreg.scid  }
0x2: {  	s2 =	sand.u32 $0x1, s0;
	s0 =	stileid.u32  }
0x3: {  	s3 =	sor.u32 s0, s2  }
0x4: {  	p0 =	sne.s32 s3, $0x0  }
.Ltmp0:
0x5: {  	_ = 	snop;
	(pc) =	sbr.rel @p0 .LBB2_7-.Ltmp0, $3  }
0x6: {  	_ =	sdelay $0x1  }
0x7: {  	s5 =	rddreg [dreg:$0x0]  }
0x8: {  	s1 =	rddreg [dreg:$0x1];
	_ =	strace $0x80000059  }
0x9: {  	s6 =	ssub.s32 $0x2, s2  }
0xa: {  	s2 =	sadd.s32 $0x2F000, s5;
	s3 =	sadd.s32 $0x2F200, s5;
	s4 =	sadd.s32 $0x132C00, s5  }
0xb: {  	s5 =	sadd.s32 $0x2F400, s5;
	s8 =	simm.s32 $0x1;
	s9 =	simm.s32 $0x1000  }
0xc: {  	s10 =	simm.s32 $0x2000;
	s11 =	simm.s32 $0x3000;
	s7 =	sshrl.u32 s6, $0x1  }
0xd: {  	v0 =	vimm.s32 $0x2710;
	s12 =	simm.s32 $0x0;
	s6 =	ssub.s32 s6, s7;
	s7 =	simm.s32 $0x0  }
.LBB2_2:
0xe: {  	[tilespmem:s7], [sflag:$0x1] =	stream.linear.gather [hbm4b:s2+s7], $0x1000, $0x38;
	[tilespmem:$0x3D00] =	vst v63  }
0xf: {  	_ =	swait.ge [sflag:s8], $0x1000  }
0x10: {  	[sflag:s8] =	ssyncset.done $0x0  }
0x11: {  	[sflag:s8] =	ssyncadd.s32 $0xFFFFF000  }
0x12: {  	[tilespmem:s9], [sflag:$0x1] =	stream.linear.gather [hbm4b:s3+s7], $0x1000, $0x38;
	[tilespmem:$0x3D00] =	vst v63  }
0x13: {  	_ =	swait.ge [sflag:s8], $0x1000  }
0x14: {  	[sflag:s8] =	ssyncset.done $0x0  }
0x15: {  	[sflag:s8] =	ssyncadd.s32 $0xFFFFF000  }
0x16: {  	[tilespmem:s10], [sflag:$0x1] =	stream.linear.gather [hbm4b:s4+s7], $0x1000, $0x38;
	[tilespmem:$0x3D00] =	vst v63  }
0x17: {  	_ =	swait.ge [sflag:s8], $0x1000  }
0x18: {  	[sflag:s8] =	ssyncset.done $0x0  }
0x19: {  	s13 =	simm.s32 $0x0;
	[sflag:s8] =	ssyncadd.s32 $0xFFFFF000  }
.LBB2_3:
0x1a: {  	p0 =	sne.s32 s13, $0x33C0  }
.Ltmp1:
0x1b: {  	_ = 	snop;
	(pc) =	sbr.rel @p0 .LBB2_3-.Ltmp1, $3  }
0x1c: {  	_ =	sdelay $0x1  }
0x1d: {  	s14 =	sshra.s32 s13, $0x2  }
0x1e: {  	s13 =	sadd.s32 $0x40, s13;
	[tilespmem:s14+$0x3000] =	vst v0  }
0x1f: {  	s14 =	simm.s32 $0x0;
	s13 =	simm.s32 $0x40  }
.LBB2_5:
0x20: {  	p0 =	sne.s32 s13, $0x3FC0;
	v1 =	vld [tilespmem:s14+$0x1000]  }
0x21: {  	v2 =	vld [tilespmem:s14+$0x0];
	_ =	sdelay $0x3  }
0x22: {  	v3 =	vmul.u32 $0x64, v1  }
0x23: {  	vm0 =	vlt.s32 v1, $0x20;
	vm1 =	vlt.s32 v2, $0x64  }
0x24: {  	v1 =	vld [tilespmem:s14+$0x2000];
	vm0 =	vmand vm1, vm0;
	v2 =	vadd.s32 v2, v3  }
0x25: {  	v2 =	vnsel vm0, $0xCFF, v2  }
.Ltmp2:
0x26: {  	(pc) =	sbr.rel @p0 .LBB2_5-.Ltmp2, $3  }
0x27: {  	_ =	sdelay $0x1  }
0x28: {  	v1 =	vnsel vm0, $0x2710, v1  }
0x29: {  	s14 =	sshra.s32 s13, $0x2;
	s13 =	sadd.s32 $0x40, s13;
	[tilespmem:v2+s11+$0x0] =	vst.idx.msk $0xffff, v1  }
0x2a: {  	v1 =	vld [tilespmem:s14+$0x1000]  }
0x2b: {  	v2 =	vld [tilespmem:s14+$0x0];
	_ =	sdelay $0x3  }
0x2c: {  	v3 =	vmul.u32 $0x64, v1  }
0x2d: {  	vm0 =	vlt.s32 v1, $0x20;
	vm1 =	vlt.s32 v2, $0x64  }
0x2e: {  	v1 =	vld [tilespmem:s14+$0x2000];
	vm0 =	vmand vm1, vm0;
	v2 =	vadd.s32 v2, v3  }
0x2f: {  	v2 =	vnsel vm0, $0xCFF, v2;
	_ =	sdelay $0x2  }
0x30: {  	s12 =	sadd.s32 $0x1, s12  }
0x31: {  	p0 =	sne.s32 s12, s6;
	v1 =	vnsel vm0, $0x2710, v1  }
.Ltmp3:
0x32: {  	[tilespmem:v2+s11+$0x0] =	vst.idx.msk $0xffff, v1;
	(pc) =	sbr.rel @p0 .LBB2_2-.Ltmp3, $4  }
0x33: {  	[hbm4b:s5+s7] =	stream.linear.scatter [tilespmem:s11], [sflag:$0x1], $0xD00, $0x38;
	[tilespmem:$0x3D00] =	vst v63  }
0x34: {  	_ =	swait.ge [sflag:s8], $0xD00  }
0x35: {  	[sflag:s8] =	ssyncset.done $0x0  }
0x36: {  	[sflag:s8] =	ssyncadd.s32 $0xFFFFF300  }
.LBB2_7:
0x37: {  	_ =	sfence.sel $0x180000  }
0x38: {  	[bflag:$0x0] =	sbarrier.arrive $0xFFFF  }
0x39: {  	p0 =	sne.s32 s0, $0x0;
	_ =	strace $0x90000059  }
0x3a: {  	s0 =	sadd.s32 @!p0 $0x100000, s1;
	[bflag:$0x2] =	sbarrier.arrive $0xFFFF  }
0x3b: {  	[sflag:s0] =	ssyncadd.tile.s32 @!p0 $0x1;
	_ =	shalt  }
.Lfunc_end2:
_tile_overlayer_lowered:
.L_overlay_start_2:
0x3c: {  	(tag) =	ssettag $0x2  }
0x3d: {  	s0 =	rddreg [dreg:$0x0];
	s2 =	stileid.u32  }
0x3e: {  	s1 =	rddreg [dreg:$0x1];
	p0 =	sne.s32 s2, $0x0  }
0x3f: {  	s3 =	rddreg [dreg:$0x2];
	[bflag:$0x3] =	sbarrier.arrive $0xFFFF;
	s2 =	simm.s32 @!p0 $0x1C01  }
0x40: {  	[timem:s3], [sflag:s2] =	dma.local @!p0 [hbm:s0], s1  }
0x41: {  	s0 =	simm.s32 @!p0 $0x1  }
0x42: {  	_ =	swait.ge @!p0 [sflag:s0], s1  }
0x43: {  	s1 =	ssub.s32 @!p0 $0x0, s1;
	[sflag:s0] =	ssyncset.done @!p0 $0x0  }
0x44: {  	[sflag:s0] =	ssyncadd.s32 @!p0 s1  }
0x45: {  	[bflag:$0x3] =	sbarrier.arrive $0xFFFF  }
0x46: {  	_ =	shalt  }

// kernel: kernel.38.cloned.1.call-start
scs
__scs_entry_jumppad:
0x0: {  	(pc) =	sbr.rel $0x88, $3  }
0x1: {  	(tag) =	ssettag $0x0;
	lr =	simm.s32 $0x1  }
0x2: {  	[smem:$0x3F8B] =	sst lr;
	_ =	strace $0xD0000000  }
0x3: {  	_ = 	snop  }
0x4: {  	_ = 	snop  }
0x5: {  	_ = 	snop  }
0x6: {  	_ = 	snop  }
0x7: {  	_ = 	snop  }
__scs_overlays_trampoline_lowered:
0x8: {  	[smem:$0x3F9A] =	sst s0  }
0x9: {  	[smem:$0x3F9B] =	sst s1  }
0xa: {  	[smem:$0x3F9C] =	sst s2  }
0xb: {  	[smem:$0x3F9D] =	sst s3  }
0xc: {  	[smem:$0x3F9E] =	sst s4  }
0xd: {  	[smem:$0x3F9F] =	sst s5  }
0xe: {  	[smem:$0x3FA0] =	sst s6  }
0xf: {  	[smem:$0x3FA1] =	sst s7  }
0x10: {  	[smem:$0x3FA2] =	sst s8  }
0x11: {  	[smem:$0x3FA3] =	sst s9;
	s0 =	simm.s32 @!p0 $0x0  }
0x12: {  	s1 =	sld [smem:$0x3F89];
	s0 =	simm.s32 @p0 $0x1  }
0x13: {  	[smem:$0x3FA4] =	sst s0;
	s0 =	simm.s32 @!p1 $0x0  }
0x14: {  	s2 =	sld [smem:$0x3F88];
	s0 =	simm.s32 @p1 $0x1  }
0x15: {  	[smem:$0x3FA5] =	sst s0;
	s0 =	simm.s32 @!p2 $0x0  }
0x16: {  	s3 =	sld [smem:$0x3FDB];
	s0 =	simm.s32 @p2 $0x1  }
0x17: {  	s4 =	simm.s32 $0x1BF5;
	[smem:$0x3FA7] =	sst s0  }
0x18: {  	s0 =	sld [smem:$0x3F8A];
	_ =	swait.ge [sflag:s4], $0x0  }
0x19: {  	s7 =	sld [smem:$0x3F8B]  }
0x1a: {  	s8 =	sadd.s32 $0xFFFFE003, lr  }
0x1b: {  	s9 =	sadd.s32 $0xFFFFFEF7, lr;
	s5 =	simm.s32 $0xFFFFFFFF;
	p2 =	slt.u32 s8, $0xFFFFF086  }
0x1c: {  	p1 =	slt.u32 s9, $0xF7A;
	s5 =	simm.s32 @!p2 $0x0  }
0x1d: {  	s5 =	simm.s32 @p1 $0x1;
	p0 =	seq.s32 s7, s2  }
0x1e: {  	s7 =	smul.u32 @!p0 $0xF7A, s2;
	p2 =	seq.s32 @!p0 s5, $0x0  }
0x1f: {  	s9 =	smul.u32 $0xF7A, s1;
	s8 =	simm.s32 @!p0 $0x1BF5;
	p2 =	por !p2, p0  }
0x20: {  	[sflag:s8] =	ssyncset.s32 @!p0 $0xFFFFF086;
	s6 =	sadd.s32 @!p0 s3, s7;
	s7 =	simm.s32 @!p0 $0x108  }
0x21: {  	s3 =	sadd.s32 s3, s9;
	s6 =	sadd.s32 @!p0 $0x88, s6;
	s7 =	simm.s32 @p2 $0x1082  }
0x22: {  	[simem:s7], [sflag:s8] =	dma.local @!p0 [hbm:s6], $0xF7A  }
0x23: {  	s9 =	sor.u32 $0xD0000000, s2;
	s6 =	simm.s32 $0x108;
	_ =	swait.ge @!p0 [sflag:s8], $0x0  }
0x24: {  	s3 =	sadd.s32 $0x88, s3;
	s6 =	simm.s32 @!p1 $0x1082;
	[sflag:s4] =	ssyncset.s32 $0xFFFFF086  }
0x25: {  	[simem:s6], [sflag:s4] =	dma.local [hbm:s3], $0xF7A  }
0x26: {  	[smem:$0x3F8B] =	sst s1;
	(tag) =	ssettag s2;
	_ =	strace s9  }
0x27: {  	s1 =	sld [smem:$0x3F9B]  }
0x28: {  	s2 =	sld [smem:$0x3F9C]  }
0x29: {  	s4 =	sld [smem:$0x3F9E]  }
0x2a: {  	p0 =	seq.s32 s5, $0x0;
	s5 =	sld [smem:$0x3F9F]  }
0x2b: {  	s6 =	sld [smem:$0x3FA0]  }
0x2c: {  	s7 =	sld [smem:$0x3FA1]  }
0x2d: {  	s3 =	simm.s32 $0x108;
	s8 =	sld [smem:$0x3FA2]  }
0x2e: {  	s3 =	simm.s32 @!p0 $0x1082;
	s9 =	sld [smem:$0x3FA3]  }
0x2f: {  	lr =	sadd.s32 s0, s3;
	s0 =	sld [smem:$0x3F9A]  }
0x30: {  	s3 =	sld [smem:$0x3F9D]  }
0x31: {  	[smem:$0x3FA6] =	sst s10  }
0x32: {  	s10 =	sld [smem:$0x3FA4];
	_ =	sdelay $0x3  }
0x33: {  	p0 =	seq.s32 s10, $0x1;
	s10 =	sld [smem:$0x3FA6];
	_ =	sdelay $0x3  }
0x34: {  	[smem:$0x3FA6] =	sst s10  }
0x35: {  	s10 =	sld [smem:$0x3FA5];
	_ =	sdelay $0x3  }
0x36: {  	p1 =	seq.s32 s10, $0x1;
	s10 =	sld [smem:$0x3FA6];
	_ =	sdelay $0x3  }
0x37: {  	[smem:$0x3FA6] =	sst s10  }
0x38: {  	s10 =	sld [smem:$0x3FA7]  }
0x39: {  	_ = 	snop;
	(pc) =	sbr.ind lr, $3  }
0x3a: {  	_ = 	snop  }
0x3b: {  	_ = 	snop  }
0x3c: {  	p2 =	seq.s32 s10, $0x1;
	s10 =	sld [smem:$0x3FA6]  }
0x3d: {  	_ =	shalt  }
0x3e: {  	_ =	shalt  }
0x3f: {  	_ =	shalt  }
0x40: {  	_ =	shalt  }
0x41: {  	_ =	shalt  }
0x42: {  	_ =	shalt  }
0x43: {  	_ =	shalt  }
0x44: {  	_ =	shalt  }
0x45: {  	_ =	shalt  }
0x46: {  	_ =	shalt  }
0x47: {  	_ =	shalt  }
0x48: {  	_ =	shalt  }
0x49: {  	_ =	shalt  }
0x4a: {  	_ =	shalt  }
0x4b: {  	_ =	shalt  }
0x4c: {  	_ =	shalt  }
0x4d: {  	_ =	shalt  }
0x4e: {  	_ =	shalt  }
0x4f: {  	_ =	shalt  }
0x50: {  	_ =	shalt  }
0x51: {  	_ =	shalt  }
0x52: {  	_ =	shalt  }
0x53: {  	_ =	shalt  }
0x54: {  	_ =	shalt  }
0x55: {  	_ =	shalt  }
0x56: {  	_ =	shalt  }
0x57: {  	_ =	shalt  }
0x58: {  	_ =	shalt  }
0x59: {  	_ =	shalt  }
0x5a: {  	_ =	shalt  }
0x5b: {  	_ =	shalt  }
0x5c: {  	_ =	shalt  }
0x5d: {  	_ =	shalt  }
0x5e: {  	_ =	shalt  }
0x5f: {  	_ =	shalt  }
0x60: {  	_ =	shalt  }
0x61: {  	_ =	shalt  }
0x62: {  	_ =	shalt  }
0x63: {  	_ =	shalt  }
0x64: {  	_ =	shalt  }
0x65: {  	_ =	shalt  }
0x66: {  	_ =	shalt  }
0x67: {  	_ =	shalt  }
0x68: {  	_ =	shalt  }
0x69: {  	_ =	shalt  }
0x6a: {  	_ =	shalt  }
0x6b: {  	_ =	shalt  }
0x6c: {  	_ =	shalt  }
0x6d: {  	_ =	shalt  }
0x6e: {  	_ =	shalt  }
0x6f: {  	_ =	shalt  }
0x70: {  	_ =	shalt  }
0x71: {  	_ =	shalt  }
0x72: {  	_ =	shalt  }
0x73: {  	_ =	shalt  }
0x74: {  	_ =	shalt  }
0x75: {  	_ =	shalt  }
0x76: {  	_ =	shalt  }
0x77: {  	_ =	shalt  }
0x78: {  	_ =	shalt  }
0x79: {  	_ =	shalt  }
0x7a: {  	_ =	shalt  }
0x7b: {  	_ =	shalt  }
0x7c: {  	_ =	shalt  }
0x7d: {  	_ =	shalt  }
0x7e: {  	_ =	shalt  }
0x7f: {  	_ =	shalt  }
0x80: {  	_ =	shalt  }
0x81: {  	_ =	shalt  }
0x82: {  	_ =	shalt  }
0x83: {  	_ =	shalt  }
0x84: {  	_ =	shalt  }
0x85: {  	_ =	shalt  }
0x86: {  	_ =	shalt  }
0x87: {  	_ =	shalt  }
.Lfunc_end0:
.L_simem_size_0:
called_computation.7_lowered:
.L_overlay_start_0:
0x88: {  	s2 =	sld [smem:$0x3FD9]  }
0x89: {  	s3 =	sld [smem:$0x3FFE];
	_ =	sdelay $0x1  }
0x8a: {  	s1 =	srdreg.scid  }
0x8b: {  	s0 =	sand.u32 $0x1, s1  }
0x8c: {  	s16 =	sshll.u32 s0, $0xA;
	s2 =	sadd.s32 s3, s2  }
0x8d: {  	s2 =	sadd.s32 s2, s16  }
0x8e: {  	[smem:$0x3FB2] =	sst s2  }
0x8f: {  	_ = 	snop  }
0x90: {  	(tm) =	ssettm $0x1  }
0x91: {  	s17 =	sld [smem:$0x3FFB];
	_ =	sdelay $0x3  }
0x92: {  	_ =	strace s17  }
0x93: {  	s2 =	sld [smem:$0x3FFC];
	_ =	sdelay $0x3  }
0x94: {  	_ =	strace s2  }
0x95: {  	s2 =	sld [smem:$0x3FFD];
	_ =	sdelay $0x3  }
0x96: {  	_ =	strace s2  }
0x97: {  	_ =	strace $0x8FFFFFFF  }
0x98: {  	s18 =	sld [smem:$0x3FDB];
	_ =	sdelay $0x1  }
0x99: {  	s19 =	simm.s32 $_scs_section_size  }
0x9a: {  	s4 =	simm.s32 $_size__tile_overlayer_lowered;
	s5 =	simm.s32 $_tile_overlayer_lowered  }
0x9b: {  	s22 =	simm.s32 $0x1BFF;
	s21 =	sshll.u32 s5, $0x1;
	s2 =	sadd.s32 s19, s18  }
0x9c: {  	s6 =	simm.s32 $0x0;
	s20 =	sshll.u32 s4, $0x1;
	s4 =	sadd.s32 s21, s2  }
0x9d: {  	[timem:s6], [sflag:s22] =	dma.local [hbm:s4], s20  }
0x9e: {  	_ =	swait.ge [sflag:s22], s20  }
0x9f: {  	s3 =	ssub.s32 $0x0, s20;
	[sflag:s22] =	ssyncset.done $0x0  }
0xa0: {  	[sflag:s22] =	ssyncadd.s32 s3;
	_ =	sdelay $0x1  }
0xa1: {  	s23 =	simm.s32 $0x1B8B  }
0xa2: {  	_ =	swait.ge [sflag:s23], $0x1  }
0xa3: {  	[sflag:s23] =	ssyncset.done $0x0  }
0xa4: {  	s25 =	simm.s32 $0x1B8E;
	s24 =	sld [smem:$0x3FFE];
	[sflag:s23] =	ssyncadd.s32 $0xFFFFFFFF  }
0xa5: {  	s26 =	simm.s32 $execute0_lowered;
	[smem:$0x3FD2] =	sst s25  }
0xa6: {  	s4 =	sshll.u32 s26, $0x1;
	_ =	strace $0x8000005B;
	[dreg:$0x1] =	wrdreg $0xFFFFFFFF  }
0xa7: {  	s28 =	simm.s32 $_size_execute0_lowered;
	s2 =	sadd.s32 s2, s4;
	[dreg:$0x0] =	wrdreg $0x0  }
0xa8: {  	s4 =	sshll.u32 s28, $0x1;
	[dreg:$0x2] =	wrdreg s2  }
0xa9: {  	[dreg:$0x3] =	wrdreg s4  }
0xaa: {  	[dreg:$0x4] =	wrdreg $0xC0  }
0xab: {  	_ =	task [dreg:s6], $0x5FFFF  }
0xac: {  	[dreg:$0x1] =	wrdreg $0xFFFFFFFF  }
0xad: {  	[dreg:$0x0] =	wrdreg $0x60  }
0xae: {  	[dreg:$0x2] =	wrdreg s24  }
0xaf: {  	[dreg:$0x3] =	wrdreg $0x9  }
0xb0: {  	_ =	task.clear_ibuf [dreg:s6], $0x4FFFF;
	_ =	strace $0x9000005B  }
0xb1: {  	s29 =	simm.s32 $0x9;
	_ =	strace $0x8000005D  }
0xb2: {  	_ =	swait.ge [sflag:s29], $0x1  }
0xb3: {  	[sflag:s29] =	ssyncadd.s32 $0xFFFFFFFF  }
0xb4: {  	_ =	strace $0x9000005D  }
0xb5: {  	_ =	sfence  }
0xb6: {  	s30 =	sld [smem:$0x0];
	_ =	sdelay $0x2  }
0xb7: {  	s31 =	sshll.u32 s1, $0xD;
	s1 =	sshrl.u32 s1, $0x2  }
0xb8: {  	s3 =	sand.u32 $0x4000, s31;
	s1 =	sadd.s32 s1, s30  }
0xb9: {  	s0 =	sor.u32 s3, s0;
	s1 =	sshll.u32 s1, $0x11  }
0xba: {  	s0 =	sor.u32 s1, s0  }
0xbb: {  	s0 =	sadd.s32 $0x8F2B, s0  }
0xbc: {  	[sflag:s0] =	ssyncadd.remote.s32 $0x1  }
0xbd: {  	_ =	sfence.sel $0xFFFF  }
0xbe: {  	[dreg:$0x0] =	wrdreg $0xFFFFFFFF;
	(pc) =	sbr.abs _section_cstart, $3  }
0xbf: {  	[dreg:$0x1] =	wrdreg $0xFFFFFFFF  }
0xc0: {  	_ =	task.clear_ibuf [dreg:s6], $0x2FFFF;
	_ =	strace $0x9FFFFFFF  }
0xc1: {  	(tm) =	ssettm $0x7FFFFFFF  }
tec
execute0_lowered:
.L_overlay_start_1:
0x0: {  	(tag) =	ssettag $0x1  }
0x1: {  	s0 =	srdreg.scid  }
0x2: {  	s6 =	sand.u32 $0x1, s0  }
0x3: {  	s0 =	stileid.u32;
	s1 =	sshll.u32 s6, $0x4  }
0x4: {  	s9 =	rddreg [dreg:$0x0];
	s7 =	sor.u32 s0, s1  }
0x5: {  	s2 =	simm.s32 $0x0;
	s8 =	simm.s32 $0x1;
	s3 =	smul.u32 $0xD, s7  }
0x6: {  	[smem:$0x7FF] =	sst s2;
	s5 =	sadd.s32 $0x7000, s9;
	s11 =	ssub.s32 $0x2, s6  }
0x7: {  	s6 =	simm.s32 $0x68;
	s1 =	rddreg [dreg:$0x1];
	s3 =	sadd.s32 s3, s9  }
0x8: {  	_ =	strace $0x8000005C;
	s4 =	sadd.s32 $0x2F400, s3;
	s3 =	simm.s32 $0x2  }
0x9: {  	[tilespmem:s2], [sflag:$0x2] =	stream.linear.gather [hbm4b:s4+s2], $0x68, $0x38;
	[tilespmem:$0x3480] =	vst v63  }
0xa: {  	s12 =	sshrl.u32 s11, $0x1;
	s10 =	smul.u32 $0x680, s7;
	_ =	swait.ge [sflag:s3], $0x68  }
0xb: {  	s7 =	simm.s32 $0x80;
	s31 =	ssub.s32 s11, s12;
	[sflag:s3] =	ssyncset.done $0x0  }
0xc: {  	s9 =	sadd.s32 s10, s9;
	s10 =	smax.u32 s31, $0x1;
	[sflag:s3] =	ssyncadd.s32 $0xFFFFFF98  }
0xd: {  	[tilespmem:s7], [sflag:$0x1] =	stream.indirect.gather [hbm4b:s5+s6], $0x80, s2, s6, $0xb8;
	[tilespmem:$0x3480] =	vst v63  }
0xe: {  	p0 =	sne.s32 s10, $0x1;
	_ =	swait.ge [sflag:s8], $0x3400  }
.Ltmp0:
0xf: {  	[sflag:s8] =	ssyncset.done $0x0;
	(pc) =	sbr.rel @!p0 .LBB2_2-.Ltmp0, $4  }
0x10: {  	s9 =	sadd.s32 $0x2F600, s9;
	[sflag:s8] =	ssyncadd.s32 $0xFFFFCC00  }
0x11: {  	[hbm4b:s9+s2] =	stream.linear.scatter [tilespmem:s7], [sflag:$0x2], $0x3400, $0x38;
	[tilespmem:$0x3480] =	vst v63  }
0x12: {  	_ =	swait.ge [sflag:s3], $0x3400  }
0x13: {  	s10 =	sadd.s32 $0xFFFFFFFF, s10;
	[sflag:s3] =	ssyncset.done $0x0  }
.LBB2_1:
0x14: {  	p0 =	sne.s32 s10, $0x1;
	s10 =	sadd.s32 $0xFFFFFFFF, s10;
	[sflag:s3] =	ssyncadd.s32 $0xFFFFCC00  }
0x15: {  	[tilespmem:s2], [sflag:$0x2] =	stream.linear.gather [hbm4b:s4+s2], $0x68, $0x38;
	[tilespmem:$0x3480] =	vst v63  }
0x16: {  	_ =	swait.ge [sflag:s3], $0x68  }
0x17: {  	[sflag:s3] =	ssyncset.done $0x0  }
0x18: {  	[sflag:s3] =	ssyncadd.s32 $0xFFFFFF98  }
0x19: {  	[tilespmem:s7], [sflag:$0x1] =	stream.indirect.gather [hbm4b:s5+s6], $0x80, s2, s6, $0xb8;
	[tilespmem:$0x3480] =	vst v63  }
0x1a: {  	_ =	swait.ge [sflag:s8], $0x3400  }
.Ltmp1:
0x1b: {  	[sflag:s8] =	ssyncset.done $0x0;
	(pc) =	sbr.rel @p0 .LBB2_1-.Ltmp1, $4  }
0x1c: {  	[sflag:s8] =	ssyncadd.s32 $0xFFFFCC00  }
0x1d: {  	[hbm4b:s9+s2] =	stream.linear.scatter [tilespmem:s7], [sflag:$0x2], $0x3400, $0x38;
	[tilespmem:$0x3480] =	vst v63  }
0x1e: {  	_ =	swait.ge [sflag:s3], $0x3400  }
0x1f: {  	[sflag:s3] =	ssyncset.done $0x0  }
.LBB2_2:
0x20: {  	[sflag:s3] =	ssyncadd.s32 $0xFFFFCC00  }
0x21: {  	_ =	sfence.sel $0x180000  }
0x22: {  	[bflag:$0x0] =	sbarrier.arrive $0xFFFF  }
0x23: {  	p0 =	sne.s32 s0, $0x0;
	_ =	strace $0x9000005C  }
0x24: {  	s0 =	sadd.s32 @!p0 $0x100000, s1;
	[bflag:$0x2] =	sbarrier.arrive $0xFFFF  }
0x25: {  	[sflag:s0] =	ssyncadd.tile.s32 @!p0 $0x1;
	_ =	shalt  }
.Lfunc_end2:
_tile_overlayer_lowered:
.L_overlay_start_2:
0x26: {  	(tag) =	ssettag $0x2  }
0x27: {  	s0 =	rddreg [dreg:$0x0];
	s2 =	stileid.u32  }
0x28: {  	s1 =	rddreg [dreg:$0x1];
	p0 =	sne.s32 s2, $0x0  }
0x29: {  	s3 =	rddreg [dreg:$0x2];
	[bflag:$0x3] =	sbarrier.arrive $0xFFFF;
	s2 =	simm.s32 @!p0 $0x1C02  }
0x2a: {  	[timem:s3], [sflag:s2] =	dma.local @!p0 [hbm:s0], s1  }
0x2b: {  	s0 =	simm.s32 @!p0 $0x2  }
0x2c: {  	_ =	swait.ge @!p0 [sflag:s0], s1  }
0x2d: {  	s1 =	ssub.s32 @!p0 $0x0, s1;
	[sflag:s0] =	ssyncset.done @!p0 $0x0  }
0x2e: {  	[sflag:s0] =	ssyncadd.s32 @!p0 s1  }
0x2f: {  	[bflag:$0x3] =	sbarrier.arrive $0xFFFF  }
0x30: {  	_ =	shalt  }

</sc_bundles>
